<compile_context>
chip_gen: v7x
topology: tpu7x:2x2x1
jax: 0.10.2.dev20260603
libtpu: 0.0.44.dev20260713+nightly
codegen_flags: <defaults>
</compile_context>

<pallas_src>
import functools

import jax
import jax.numpy as jnp
from jax import lax
from jax.experimental import pallas as pl
from jax.experimental.pallas import tpu as pltpu
from jax.experimental.pallas import tpu_sc as plsc

N = 10000
NP = 10240
E = 320000
EP = 327680
NT = 32
SHARD = NP // 16
EPT = EP // NT
NG = EPT // 128

IN_DIM = 128
HID_DIM = 256
LAT_DIM = 64

BLK = 2000
GRID = N // BLK

_PREC = lax.Precision.DEFAULT



def _spmm2d(C, ring, chunk, tc_tiling=True):
    mesh = plsc.VectorSubcoreMesh(core_axis_name="c", subcore_axis_name="s")
    nphase = NG // chunk

    @functools.partial(
        pl.kernel,
        out_type=jax.ShapeDtypeStruct((2, NP, C), jnp.float32),
        mesh=mesh,
        compiler_params=pltpu.CompilerParams(use_tc_tiling_on_sc=tc_tiling),
        scratch_types=[
            pltpu.VMEM((chunk, 128), jnp.int32),
            pltpu.VMEM((chunk, 128), jnp.int32),
            [pltpu.VMEM((128, C), jnp.float32)] * ring,
            pltpu.VMEM_SHARED((NP, C), jnp.float32),
            [pltpu.SemaphoreType.DMA] * ring,
            [pltpu.SemaphoreType.DMA] * ring,
        ],
    )
    def spmm(u_hbm, sd_hbm, out_hbm,
             src_ch, dst_ch, rows, acc, gsem, ssem):
        c = lax.axis_index("c")
        s = lax.axis_index("s")
        wid = c * 16 + s
        zero = jnp.zeros((16,), jnp.float32)

        @pl.loop(0, 128)
        def _(i):
            for j in range(C // 16):
                rows[0][i, pl.ds(j * 16, 16)] = zero

        base = s * SHARD
        for i in range(SHARD // 128):
            pltpu.sync_copy(rows[0].at[pl.ds(0, 128)],
                            acc.at[pl.ds(base + i * 128, 128)])
        plsc.subcore_barrier()

        def fire_gather(r, g):
            return pltpu.async_copy(u_hbm.at[src_ch.at[g]], rows[r], gsem[r])

        def fire_scatter(r, g):
            return pltpu.async_copy(rows[r], acc.at[dst_ch.at[g]], ssem[r],
                                    add=True)

        @pl.loop(0, nphase)
        def _(p):
            grow = wid * NG + p * chunk
            pltpu.sync_copy(sd_hbm.at[0, pl.ds(grow, chunk)], src_ch)
            pltpu.sync_copy(sd_hbm.at[3, pl.ds(grow, chunk)], dst_ch)

            for r in range(ring):
                fire_gather(r, r)

            @pl.loop(0, chunk // ring)
            def _(t):
                g0 = t * ring
                for r in range(ring):
                    pltpu.make_async_copy(u_hbm.at[src_ch.at[g0 + r]],
                                          rows[r], gsem[r]).wait()
                    fire_scatter(r, g0 + r)
                for r in range(ring):
                    pltpu.make_async_copy(rows[r], acc.at[dst_ch.at[g0 + r]],
                                          ssem[r]).wait()

                    @pl.when(g0 + ring + r < chunk)
                    def _():
                        fire_gather(r, g0 + ring + r)

        plsc.subcore_barrier()
        pltpu.sync_copy(acc.at[pl.ds(base, SHARD)],
                        out_hbm.at[c, pl.ds(base, SHARD)])

    return spmm


NGC = EP // 16 // 128


def _spmm_cs(ring=8, chunk=80):
    mesh = plsc.VectorSubcoreMesh(core_axis_name="c", subcore_axis_name="s")

    @functools.partial(
        pl.kernel,
        out_type=jax.ShapeDtypeStruct((2, NP, 64), jnp.float32),
        mesh=mesh,
        compiler_params=pltpu.CompilerParams(use_tc_tiling_on_sc=False),
        scratch_types=[
            pltpu.VMEM((chunk, 128), jnp.int32),
            pltpu.VMEM((chunk, 128), jnp.int32),
            [pltpu.VMEM((128, 64), jnp.float32)] * ring,
            pltpu.VMEM_SHARED((NP, 64), jnp.float32),
            [pltpu.SemaphoreType.DMA] * ring,
            [pltpu.SemaphoreType.DMA] * ring,
            pltpu.SemaphoreType.DMA,
        ],
    )
    def spmm(u_hbm, sd_hbm, out_hbm,
             src_all, dst_all, rows, acc, gsem, ssem, isem):
        c = lax.axis_index("c")
        s = lax.axis_index("s")
        icp1 = pltpu.async_copy(sd_hbm.at[1 + c, pl.ds(s * NGC, chunk)],
                                src_all, isem)
        icp2 = pltpu.async_copy(sd_hbm.at[3, pl.ds(s * NGC, chunk)], dst_all,
                                isem)

        zero = jnp.zeros((16,), jnp.float32)

        @pl.loop(0, 128)
        def _(i):
            for j in range(4):
                rows[0][i, pl.ds(j * 16, 16)] = zero

        base = s * SHARD
        for i in range(SHARD // 128):
            pltpu.sync_copy(rows[0].at[pl.ds(0, 128)],
                            acc.at[pl.ds(base + i * 128, 128)])
        plsc.subcore_barrier()
        icp1.wait()
        icp2.wait()

        uh = u_hbm

        def fire_gather(r, g):
            return pltpu.async_copy(uh.at[src_all.at[g]], rows[r], gsem[r])

        def fire_scatter(r, g):
            return pltpu.async_copy(rows[r], acc.at[dst_all.at[g]], ssem[r],
                                    add=True)

        @pl.loop(0, NGC // chunk)
        def _(p):
            @pl.when(p > 0)
            def _():
                icp1b = pltpu.async_copy(
                    sd_hbm.at[1 + c, pl.ds(s * NGC + p * chunk, chunk)],
                    src_all, isem)
                icp2b = pltpu.async_copy(
                    sd_hbm.at[3, pl.ds(s * NGC + p * chunk, chunk)],
                    dst_all, isem)
                icp1b.wait()
                icp2b.wait()

            for r in range(ring):
                fire_gather(r, r)

            @pl.loop(0, chunk // ring)
            def _(t):
                g0 = t * ring
                for r in range(ring):
                    pltpu.make_async_copy(uh.at[src_all.at[g0 + r]],
                                          rows[r], gsem[r]).wait()
                    fire_scatter(r, g0 + r)
                for r in range(ring):
                    pltpu.make_async_copy(rows[r], acc.at[dst_all.at[g0 + r]],
                                          ssem[r]).wait()

                    @pl.when(g0 + ring + r < chunk)
                    def _():
                        fire_gather(r, g0 + ring + r)

        plsc.subcore_barrier()
        pltpu.sync_copy(acc.at[pl.ds(base, SHARD)],
                        out_hbm.at[c, pl.ds(base, SHARD)])

    return spmm


def _degree():
    mesh = plsc.VectorSubcoreMesh(core_axis_name="c", subcore_axis_name="s")
    B = 8

    @functools.partial(
        pl.kernel,
        out_type=jax.ShapeDtypeStruct((2, NP), jnp.float32),
        mesh=mesh,
        compiler_params=pltpu.CompilerParams(use_tc_tiling_on_sc=False),
        scratch_types=[
            pltpu.VMEM((NG, 128), jnp.int32),
            pltpu.VMEM((128,), jnp.float32),
            pltpu.VMEM_SHARED((NP,), jnp.float32),
            pltpu.SemaphoreType.DMA,
            pltpu.SemaphoreType.DMA,
        ],
    )
    def deg(sd_hbm, out_hbm, dst_all, ones_v, acc, ssem, isem):
        c = lax.axis_index("c")
        s = lax.axis_index("s")
        wid = c * 16 + s

        icp = pltpu.async_copy(sd_hbm.at[3, pl.ds(wid * NG, NG)], dst_all,
                               isem)

        one = jnp.full((16,), 1.0, jnp.float32)
        zero = jnp.zeros((16,), jnp.float32)

        base = s * SHARD
        @pl.loop(0, 8)
        def _(i):
            ones_v[pl.ds(i * 16, 16)] = zero

        for i in range(SHARD // 128):
            pltpu.sync_copy(ones_v.at[pl.ds(0, 128)],
                            acc.at[pl.ds(base + i * 128, 128)])

        @pl.loop(0, 8)
        def _(i):
            ones_v[pl.ds(i * 16, 16)] = one

        plsc.subcore_barrier()
        icp.wait()

        @pl.loop(0, NG // B)
        def _(t):
            g0 = t * B
            cps = [
                pltpu.async_copy(ones_v, acc.at[dst_all.at[g0 + r]], ssem,
                                 add=True)
                for r in range(B)
            ]
            for cp in cps:
                cp.wait()

        plsc.subcore_barrier()
        pltpu.sync_copy(acc.at[pl.ds(base, SHARD)],
                        out_hbm.at[c, pl.ds(base, SHARD)])

    return deg



def _tc_pre(dega_ref, degb_ref, x_ref, dinv_ref, u1_ref):
    deg = dega_ref[...] + degb_ref[...] + 1.0
    dv = 1.0 / jnp.sqrt(deg)
    dinv_ref[...] = dv
    u1_ref[...] = x_ref[...] * dv


def _tc_mm1(s_ref, u_ref, dinv_ref, wa_ref, ba_ref, wb_ref, out_ref):
    dv = dinv_ref[...]
    p = dv * (jnp.concatenate([s_ref[0], s_ref[1]], axis=1) + u_ref[...])
    h = jnp.maximum(
        jnp.dot(p, wa_ref[...], precision=_PREC,
                preferred_element_type=jnp.float32) + ba_ref[...], 0.0)
    out_ref[...] = dv * jnp.dot(h, wb_ref[...], precision=_PREC,
                                preferred_element_type=jnp.float32)


def _tc_mm3(s_ref, u_ref, dinv_ref, wa_ref, ba_ref, wb_ref, out_ref):
    dv = dinv_ref[...]
    p = dv * (s_ref[0] + s_ref[1] + u_ref[...])
    h = jnp.maximum(
        jnp.dot(p, wa_ref[...], precision=_PREC,
                preferred_element_type=jnp.float32) + ba_ref[...], 0.0)
    out_ref[...] = dv * jnp.dot(h, wb_ref[...], precision=_PREC,
                                preferred_element_type=jnp.float32)


def _tc_ew(s_ref, u_ref, dinv_ref, b_ref, out_ref):
    dv = dinv_ref[...]
    z = dv * (s_ref[0] + s_ref[1] + u_ref[...]) + b_ref[...]
    out_ref[...] = dv * z


def _tc_final(s_ref, u_ref, dinv_ref, b_ref, out_ref):
    dv = dinv_ref[...]
    out_ref[...] = dv * (jnp.concatenate([s_ref[0], s_ref[1]], axis=1)
                         + u_ref[...]) + b_ref[...]


def _rspec(c):
    return pl.BlockSpec((BLK, c), lambda i: (i, 0))


def _sspec(c):
    return pl.BlockSpec((2, BLK, c), lambda i: (0, i, 0))


def _fspec(shape):
    nd = len(shape)
    return pl.BlockSpec(shape, lambda i: (0,) * nd)


def _uspec():
    return pl.BlockSpec((2, BLK, 64), lambda i: (0, i, 0))


def _call_pre(dega, degb, xp):
    return pl.pallas_call(
        _tc_pre,
        grid=(GRID,),
        in_specs=[_rspec(1), _rspec(1), _rspec(IN_DIM)],
        out_specs=[_rspec(1), _rspec(IN_DIM)],
        out_shape=[
            jax.ShapeDtypeStruct((N, 1), jnp.float32),
            jax.ShapeDtypeStruct((N, IN_DIM), jnp.float32),
        ],
    )(dega, degb, xp)


def _call_mm1(s, u, dinv, wa, ba, wb):
    return pl.pallas_call(
        _tc_mm1,
        grid=(GRID,),
        in_specs=[_uspec(), _rspec(IN_DIM), _rspec(1),
                  _fspec((IN_DIM, HID_DIM)), _fspec((1, HID_DIM)),
                  _fspec((HID_DIM, LAT_DIM))],
        out_specs=_rspec(LAT_DIM),
        out_shape=jax.ShapeDtypeStruct((N, LAT_DIM), jnp.float32),
    )(s, u, dinv, wa, ba, wb)


def _call_mm3(s, u, dinv, wa, ba, wb):
    return pl.pallas_call(
        _tc_mm3,
        grid=(GRID,),
        in_specs=[_sspec(LAT_DIM), _rspec(LAT_DIM), _rspec(1),
                  _fspec((LAT_DIM, HID_DIM)), _fspec((1, HID_DIM)),
                  _fspec((HID_DIM, IN_DIM))],
        out_specs=_rspec(IN_DIM),
        out_shape=jax.ShapeDtypeStruct((N, IN_DIM), jnp.float32),
    )(s, u, dinv, wa, ba, wb)


def _call_ew(s, u, dinv, b, c):
    return pl.pallas_call(
        _tc_ew,
        grid=(GRID,),
        in_specs=[_sspec(c), _rspec(c), _rspec(1), _fspec((1, c))],
        out_specs=_rspec(c),
        out_shape=jax.ShapeDtypeStruct((N, c), jnp.float32),
    )(s, u, dinv, b)


def _call_final(s, u, dinv, b):
    return pl.pallas_call(
        _tc_final,
        grid=(GRID,),
        in_specs=[_uspec(), _rspec(IN_DIM), _rspec(1),
                  _fspec((1, IN_DIM))],
        out_specs=_rspec(IN_DIM),
        out_shape=jax.ShapeDtypeStruct((N, IN_DIM), jnp.float32),
    )(s, u, dinv, b)



def kernel(x, edge_index, W1, b1, W2, b2, W3, b3, W4, b4):
    npad = EP - E
    pidx = lax.iota(jnp.int32, npad)
    pads = jnp.stack([pidx % N, N + pidx % (NP - N)])
    ei = jnp.concatenate([edge_index.astype(jnp.int32), pads], axis=1)
    sfull, dfull = ei[0], ei[1]
    sd = jnp.stack([sfull, 2 * sfull, 2 * sfull + 1,
                    dfull]).reshape(4, EP // 128, 128)

    spmm128 = _spmm_cs(ring=8, chunk=80)
    spmm64 = _spmm2d(64, ring=8, chunk=80, tc_tiling=False)

    deg2 = _degree()(sd)
    dinv, u1 = _call_pre(deg2[0].reshape(NP, 1)[:N], deg2[1].reshape(NP, 1)[:N],
                         x)

    s1 = spmm128(u1.reshape(2 * N, 64), sd)
    u2 = _call_mm1(s1, u1, dinv, W1, b1.reshape(1, -1), W2)

    s2 = spmm64(u2, sd)
    u3 = _call_ew(s2, u2, dinv, b2.reshape(1, -1), LAT_DIM)

    s3 = spmm64(u3, sd)
    u4 = _call_mm3(s3, u3, dinv, W3, b3.reshape(1, -1), W4)

    s4 = spmm128(u4.reshape(2 * N, 64), sd)
    return _call_final(s4, u4, dinv, b4.reshape(1, -1))

# --- scband reference (transcript-rebuilt; emitter-appended) ---
"""Pipeline reference for scband-graph-auto-encoder-180388627137 (READ-ONLY COPY).

The authoritative reference and input builder live on the scoring server;
editing this copy changes nothing except your own understanding.
"""

import jax, jax.numpy as jnp
import numpy as np

N_NODES = 10000
N_EDGES = 320000
IN_DIM = 128
HID_DIM = 256
LAT_DIM = 64


def glorot(key, shape):
    fan_in, fan_out = shape
    lim = jnp.sqrt(6.0 / (fan_in + fan_out))
    return jax.random.uniform(key, shape, minval=-lim, maxval=lim, dtype=jnp.float32)


def setup_inputs(seed: int = 0) -> dict:
    key = jax.random.key(seed)
    ks = jax.random.split(key, 10)
    x = jax.random.normal(ks[0], (N_NODES, IN_DIM), dtype=jnp.float32)
    edge_index = jax.random.randint(ks[1], (2, N_EDGES), 0, N_NODES, dtype=jnp.int64)
    W1 = glorot(ks[2], (IN_DIM, HID_DIM)); b1 = jnp.zeros((HID_DIM,), jnp.float32)
    W2 = glorot(ks[3], (HID_DIM, LAT_DIM)); b2 = jnp.zeros((LAT_DIM,), jnp.float32)
    W3 = glorot(ks[4], (LAT_DIM, HID_DIM)); b3 = jnp.zeros((HID_DIM,), jnp.float32)
    W4 = glorot(ks[5], (HID_DIM, IN_DIM)); b4 = jnp.zeros((IN_DIM,), jnp.float32)
    return {"x": x, "edge_index": edge_index, "W1": W1, "b1": b1, "W2": W2, "b2": b2, "W3": W3, "b3": b3, "W4": W4, "b4": b4}


def gcn_conv(x, src, dst, W, b):
    # PyG GCNConv with add_self_loops=True, normalize=True (symmetric norm)
    n = x.shape[0]
    loop = jnp.arange(n, dtype=src.dtype)
    s = jnp.concatenate([src, loop])
    d = jnp.concatenate([dst, loop])
    deg = jnp.zeros((n,), jnp.float32).at[d].add(1.0)
    dinv = jnp.where(deg > 0, 1.0 / jnp.sqrt(deg), 0.0)
    norm = dinv[s] * dinv[d]
    h = x @ W
    msg = h[s] * norm[:, None]
    out = jnp.zeros((n, W.shape[1]), jnp.float32).at[d].add(msg)
    return out + b


def reference(x, edge_index, W1, b1, W2, b2, W3, b3, W4, b4):
    src, dst = edge_index[0], edge_index[1]
    # encode (dropout is identity in eval)
    h = gcn_conv(x, src, dst, W1, b1)
    h = jax.nn.relu(h)
    z = gcn_conv(h, src, dst, W2, b2)
    # decode
    h = gcn_conv(z, src, dst, W3, b3)
    h = jax.nn.relu(h)
    x_recon = gcn_conv(h, src, dst, W4, b4)
    return x_recon

if __name__ == "__main__":
    import jax
    _d = setup_inputs()
    print(jax.jit(kernel)(*tuple(_d.values())))

</pallas_src>

<mosaic_0001>
#map = affine_map<(d0, d1) -> (0, 0, 0)>
#map1 = affine_map<(d0, d1) -> (0, 0)>
module attributes {stable_mosaic.version = 14 : i64} {
  func.func @deg(%arg0: i32, %arg1: i32, %arg2: memref<4x2560x128xi32, #tpu.memory_space<hbm>>, %arg3: memref<2x10240xf32, #tpu.memory_space<hbm>>, %arg4: memref<80x128xi32, #tpu.memory_space<vmem>>, %arg5: memref<128xf32, #tpu.memory_space<vmem>>, %arg6: memref<10240xf32, #tpu.memory_space<vmem_shared>>, %arg7: memref<!tpu.dma_semaphore, #tpu.memory_space<semaphore_mem>>, %arg8: memref<!tpu.dma_semaphore, #tpu.memory_space<semaphore_mem>>) attributes {dimension_semantics = [#tpu.dimension_semantics<core_parallel>, #tpu.dimension_semantics<subcore_parallel>], iteration_bounds = array<i64: 2, 16>, scalar_prefetch = 0 : i64, scratch_operands = 5 : i64, tpu.core_type = #tpu.core_type<sc_vector_subcore>, window_params = [{transform_indices = #map}, {transform_indices = #map1}]} {
    %mul3A = arith.constant 16 : i32
    %mul3A_0 = arith.muli %arg0, %mul3A : i32
    %add3A = arith.addi %mul3A_0, %arg1 : i32
    %mul3A_1 = arith.constant 80 : i32
    %mul3A_2 = arith.muli %add3A, %mul3A_1 : i32
    %dma_start3A = arith.constant 3 : i32
    %dma_start3A_3 = arith.constant 0 : i32
    %dma_start3A_4 = tpu.memref_slice %arg2[%dma_start3A, %mul3A_2, %dma_start3A_3] : memref<4x2560x128xi32, #tpu.memory_space<hbm>> -> memref<1x80x128xi32, #tpu.memory_space<hbm>>
    %dma_start3A_5 = tpu.memref_squeeze %dma_start3A_4 : memref<1x80x128xi32, #tpu.memory_space<hbm>> -> memref<80x128xi32, #tpu.memory_space<hbm>>
    %dma_start3A_6 = arith.constant 0 : i32
    %dma_start3A_7 = tpu.memref_slice %arg2[%dma_start3A, %mul3A_2, %dma_start3A_6] : memref<4x2560x128xi32, #tpu.memory_space<hbm>> -> memref<1x80x128xi32, #tpu.memory_space<hbm>>
    %dma_start3A_8 = tpu.memref_squeeze %dma_start3A_7 : memref<1x80x128xi32, #tpu.memory_space<hbm>> -> memref<80x128xi32, #tpu.memory_space<hbm>>
    tpu.enqueue_dma source(%dma_start3A_8 : memref<80x128xi32, #tpu.memory_space<hbm>>) target(%arg4 : memref<80x128xi32, #tpu.memory_space<vmem>>) target_semaphore(%arg8 : memref<!tpu.dma_semaphore, #tpu.memory_space<semaphore_mem>>)
    %broadcast_in_dim3A = arith.constant 1.000000e+00 : f32
    %broadcast_in_dim3A_9 = vector.broadcast %broadcast_in_dim3A : f32 to vector<16xf32>
    %broadcast_in_dim3A_10 = arith.constant 0.000000e+00 : f32
    %broadcast_in_dim3A_11 = vector.broadcast %broadcast_in_dim3A_10 : f32 to vector<16xf32>
    %mul3A_12 = arith.constant 640 : i32
    %mul3A_13 = arith.muli %arg1, %mul3A_12 : i32
    %scan3A = arith.constant 0 : i32
    %scan3A_14 = arith.constant 8 : i32
    %scan3A_15 = arith.addi %scan3A, %scan3A_14 : i32
    %scan3A_16 = arith.constant 1 : i32
    scf.for %scan3A_45 = %scan3A to %scan3A_15 step %scan3A_16  : i32 {
      %mul3A_46 = arith.constant 1 : i32
      %mul3A_47 = arith.muli %scan3A_45, %mul3A_46 : i32
      %add3A_48 = arith.constant 0 : i32
      %add3A_49 = arith.addi %add3A_48, %mul3A_47 : i32
      %mul3A_50 = arith.constant 16 : i32
      %mul3A_51 = arith.muli %add3A_49, %mul3A_50 : i32
      %swap3A = arith.index_cast %mul3A_51 : i32 to index
      %swap3A_52 = tpu.vector_load %arg5[%swap3A] {strides = array<i32>} : memref<128xf32, #tpu.memory_space<vmem>>, vector<16xf32>,
      %swap3A_53 = vector.shape_cast %swap3A_52 : vector<16xf32> to vector<16xf32>
      %swap3A_54 = vector.shape_cast %broadcast_in_dim3A_11 : vector<16xf32> to vector<16xf32>
      tpu.vector_store %arg5[%swap3A], %swap3A_54 {strides = array<i32>} : memref<128xf32, #tpu.memory_space<vmem>>, vector<16xf32>,
    }
    %scan3A_17 = arith.constant 8 : i32
    %add3A_18 = arith.constant 0 : i32
    %add3A_19 = arith.addi %mul3A_13, %add3A_18 : i32
    "tpu.region"() ({
      %run_scoped3A = tpu.sem_alloc : memref<!tpu.dma_semaphore, #tpu.memory_space<semaphore_mem>>
      %dma_start3A_45 = arith.constant 0 : i32
      %dma_start3A_46 = tpu.memref_slice %arg5[%dma_start3A_45] : memref<128xf32, #tpu.memory_space<vmem>> -> memref<128xf32, #tpu.memory_space<vmem>>
      %dma_start3A_47 = tpu.memref_slice %arg6[%add3A_19] : memref<10240xf32, #tpu.memory_space<vmem_shared>> -> memref<128xf32, #tpu.memory_space<vmem_shared>>
      %dma_start3A_48 = tpu.memref_slice %arg6[%add3A_19] : memref<10240xf32, #tpu.memory_space<vmem_shared>> -> memref<128xf32, #tpu.memory_space<vmem_shared>>
      %dma_start3A_49 = arith.constant 0 : i32
      %dma_start3A_50 = tpu.memref_slice %arg5[%dma_start3A_49] : memref<128xf32, #tpu.memory_space<vmem>> -> memref<128xf32, #tpu.memory_space<vmem>>
      tpu.enqueue_dma source(%dma_start3A_50 : memref<128xf32, #tpu.memory_space<vmem>>) target(%dma_start3A_48 : memref<128xf32, #tpu.memory_space<vmem_shared>>) target_semaphore(%run_scoped3A : memref<!tpu.dma_semaphore, #tpu.memory_space<semaphore_mem>>)
      %dma_wait3A_51 = arith.constant 0 : i32
      %dma_wait3A_52 = tpu.memref_slice %arg5[%dma_wait3A_51] : memref<128xf32, #tpu.memory_space<vmem>> -> memref<128xf32, #tpu.memory_space<vmem>>
      %dma_wait3A_53 = tpu.memref_slice %arg6[%add3A_19] : memref<10240xf32, #tpu.memory_space<vmem_shared>> -> memref<128xf32, #tpu.memory_space<vmem_shared>>
      %dma_wait3A_54 = tpu.memref_slice %arg6[%add3A_19] : memref<10240xf32, #tpu.memory_space<vmem_shared>> -> memref<128xf32, #tpu.memory_space<vmem_shared>>
      %dma_wait3A_55 = arith.constant 0 : i32
      %dma_wait3A_56 = tpu.memref_slice %arg5[%dma_wait3A_55] : memref<128xf32, #tpu.memory_space<vmem>> -> memref<128xf32, #tpu.memory_space<vmem>>
      tpu.wait_dma2 semaphore(%run_scoped3A : memref<!tpu.dma_semaphore, #tpu.memory_space<semaphore_mem>>) src(%dma_wait3A_56 : memref<128xf32, #tpu.memory_space<vmem>>) dst(%dma_wait3A_54 : memref<128xf32, #tpu.memory_space<vmem_shared>>)
      tpu.yield
    }) : () -> ()
    %add3A_20 = arith.constant 128 : i32
    %add3A_21 = arith.addi %mul3A_13, %add3A_20 : i32
    "tpu.region"() ({
      %run_scoped3A = tpu.sem_alloc : memref<!tpu.dma_semaphore, #tpu.memory_space<semaphore_mem>>
      %dma_start3A_45 = arith.constant 0 : i32
      %dma_start3A_46 = tpu.memref_slice %arg5[%dma_start3A_45] : memref<128xf32, #tpu.memory_space<vmem>> -> memref<128xf32, #tpu.memory_space<vmem>>
      %dma_start3A_47 = tpu.memref_slice %arg6[%add3A_21] : memref<10240xf32, #tpu.memory_space<vmem_shared>> -> memref<128xf32, #tpu.memory_space<vmem_shared>>
      %dma_start3A_48 = tpu.memref_slice %arg6[%add3A_21] : memref<10240xf32, #tpu.memory_space<vmem_shared>> -> memref<128xf32, #tpu.memory_space<vmem_shared>>
      %dma_start3A_49 = arith.constant 0 : i32
      %dma_start3A_50 = tpu.memref_slice %arg5[%dma_start3A_49] : memref<128xf32, #tpu.memory_space<vmem>> -> memref<128xf32, #tpu.memory_space<vmem>>
      tpu.enqueue_dma source(%dma_start3A_50 : memref<128xf32, #tpu.memory_space<vmem>>) target(%dma_start3A_48 : memref<128xf32, #tpu.memory_space<vmem_shared>>) target_semaphore(%run_scoped3A : memref<!tpu.dma_semaphore, #tpu.memory_space<semaphore_mem>>)
      %dma_wait3A_51 = arith.constant 0 : i32
      %dma_wait3A_52 = tpu.memref_slice %arg5[%dma_wait3A_51] : memref<128xf32, #tpu.memory_space<vmem>> -> memref<128xf32, #tpu.memory_space<vmem>>
      %dma_wait3A_53 = tpu.memref_slice %arg6[%add3A_21] : memref<10240xf32, #tpu.memory_space<vmem_shared>> -> memref<128xf32, #tpu.memory_space<vmem_shared>>
      %dma_wait3A_54 = tpu.memref_slice %arg6[%add3A_21] : memref<10240xf32, #tpu.memory_space<vmem_shared>> -> memref<128xf32, #tpu.memory_space<vmem_shared>>
      %dma_wait3A_55 = arith.constant 0 : i32
      %dma_wait3A_56 = tpu.memref_slice %arg5[%dma_wait3A_55] : memref<128xf32, #tpu.memory_space<vmem>> -> memref<128xf32, #tpu.memory_space<vmem>>
      tpu.wait_dma2 semaphore(%run_scoped3A : memref<!tpu.dma_semaphore, #tpu.memory_space<semaphore_mem>>) src(%dma_wait3A_56 : memref<128xf32, #tpu.memory_space<vmem>>) dst(%dma_wait3A_54 : memref<128xf32, #tpu.memory_space<vmem_shared>>)
      tpu.yield
    }) : () -> ()
    %add3A_22 = arith.constant 256 : i32
    %add3A_23 = arith.addi %mul3A_13, %add3A_22 : i32
    "tpu.region"() ({
      %run_scoped3A = tpu.sem_alloc : memref<!tpu.dma_semaphore, #tpu.memory_space<semaphore_mem>>
      %dma_start3A_45 = arith.constant 0 : i32
      %dma_start3A_46 = tpu.memref_slice %arg5[%dma_start3A_45] : memref<128xf32, #tpu.memory_space<vmem>> -> memref<128xf32, #tpu.memory_space<vmem>>
      %dma_start3A_47 = tpu.memref_slice %arg6[%add3A_23] : memref<10240xf32, #tpu.memory_space<vmem_shared>> -> memref<128xf32, #tpu.memory_space<vmem_shared>>
      %dma_start3A_48 = tpu.memref_slice %arg6[%add3A_23] : memref<10240xf32, #tpu.memory_space<vmem_shared>> -> memref<128xf32, #tpu.memory_space<vmem_shared>>
      %dma_start3A_49 = arith.constant 0 : i32
      %dma_start3A_50 = tpu.memref_slice %arg5[%dma_start3A_49] : memref<128xf32, #tpu.memory_space<vmem>> -> memref<128xf32, #tpu.memory_space<vmem>>
      tpu.enqueue_dma source(%dma_start3A_50 : memref<128xf32, #tpu.memory_space<vmem>>) target(%dma_start3A_48 : memref<128xf32, #tpu.memory_space<vmem_shared>>) target_semaphore(%run_scoped3A : memref<!tpu.dma_semaphore, #tpu.memory_space<semaphore_mem>>)
      %dma_wait3A_51 = arith.constant 0 : i32
      %dma_wait3A_52 = tpu.memref_slice %arg5[%dma_wait3A_51] : memref<128xf32, #tpu.memory_space<vmem>> -> memref<128xf32, #tpu.memory_space<vmem>>
      %dma_wait3A_53 = tpu.memref_slice %arg6[%add3A_23] : memref<10240xf32, #tpu.memory_space<vmem_shared>> -> memref<128xf32, #tpu.memory_space<vmem_shared>>
      %dma_wait3A_54 = tpu.memref_slice %arg6[%add3A_23] : memref<10240xf32, #tpu.memory_space<vmem_shared>> -> memref<128xf32, #tpu.memory_space<vmem_shared>>
      %dma_wait3A_55 = arith.constant 0 : i32
      %dma_wait3A_56 = tpu.memref_slice %arg5[%dma_wait3A_55] : memref<128xf32, #tpu.memory_space<vmem>> -> memref<128xf32, #tpu.memory_space<vmem>>
      tpu.wait_dma2 semaphore(%run_scoped3A : memref<!tpu.dma_semaphore, #tpu.memory_space<semaphore_mem>>) src(%dma_wait3A_56 : memref<128xf32, #tpu.memory_space<vmem>>) dst(%dma_wait3A_54 : memref<128xf32, #tpu.memory_space<vmem_shared>>)
      tpu.yield
    }) : () -> ()
    %add3A_24 = arith.constant 384 : i32
    %add3A_25 = arith.addi %mul3A_13, %add3A_24 : i32
    "tpu.region"() ({
      %run_scoped3A = tpu.sem_alloc : memref<!tpu.dma_semaphore, #tpu.memory_space<semaphore_mem>>
      %dma_start3A_45 = arith.constant 0 : i32
      %dma_start3A_46 = tpu.memref_slice %arg5[%dma_start3A_45] : memref<128xf32, #tpu.memory_space<vmem>> -> memref<128xf32, #tpu.memory_space<vmem>>
      %dma_start3A_47 = tpu.memref_slice %arg6[%add3A_25] : memref<10240xf32, #tpu.memory_space<vmem_shared>> -> memref<128xf32, #tpu.memory_space<vmem_shared>>
      %dma_start3A_48 = tpu.memref_slice %arg6[%add3A_25] : memref<10240xf32, #tpu.memory_space<vmem_shared>> -> memref<128xf32, #tpu.memory_space<vmem_shared>>
      %dma_start3A_49 = arith.constant 0 : i32
      %dma_start3A_50 = tpu.memref_slice %arg5[%dma_start3A_49] : memref<128xf32, #tpu.memory_space<vmem>> -> memref<128xf32, #tpu.memory_space<vmem>>
      tpu.enqueue_dma source(%dma_start3A_50 : memref<128xf32, #tpu.memory_space<vmem>>) target(%dma_start3A_48 : memref<128xf32, #tpu.memory_space<vmem_shared>>) target_semaphore(%run_scoped3A : memref<!tpu.dma_semaphore, #tpu.memory_space<semaphore_mem>>)
      %dma_wait3A_51 = arith.constant 0 : i32
      %dma_wait3A_52 = tpu.memref_slice %arg5[%dma_wait3A_51] : memref<128xf32, #tpu.memory_space<vmem>> -> memref<128xf32, #tpu.memory_space<vmem>>
      %dma_wait3A_53 = tpu.memref_slice %arg6[%add3A_25] : memref<10240xf32, #tpu.memory_space<vmem_shared>> -> memref<128xf32, #tpu.memory_space<vmem_shared>>
      %dma_wait3A_54 = tpu.memref_slice %arg6[%add3A_25] : memref<10240xf32, #tpu.memory_space<vmem_shared>> -> memref<128xf32, #tpu.memory_space<vmem_shared>>
      %dma_wait3A_55 = arith.constant 0 : i32
      %dma_wait3A_56 = tpu.memref_slice %arg5[%dma_wait3A_55] : memref<128xf32, #tpu.memory_space<vmem>> -> memref<128xf32, #tpu.memory_space<vmem>>
      tpu.wait_dma2 semaphore(%run_scoped3A : memref<!tpu.dma_semaphore, #tpu.memory_space<semaphore_mem>>) src(%dma_wait3A_56 : memref<128xf32, #tpu.memory_space<vmem>>) dst(%dma_wait3A_54 : memref<128xf32, #tpu.memory_space<vmem_shared>>)
      tpu.yield
    }) : () -> ()
    %add3A_26 = arith.constant 512 : i32
    %add3A_27 = arith.addi %mul3A_13, %add3A_26 : i32
    "tpu.region"() ({
      %run_scoped3A = tpu.sem_alloc : memref<!tpu.dma_semaphore, #tpu.memory_space<semaphore_mem>>
      %dma_start3A_45 = arith.constant 0 : i32
      %dma_start3A_46 = tpu.memref_slice %arg5[%dma_start3A_45] : memref<128xf32, #tpu.memory_space<vmem>> -> memref<128xf32, #tpu.memory_space<vmem>>
      %dma_start3A_47 = tpu.memref_slice %arg6[%add3A_27] : memref<10240xf32, #tpu.memory_space<vmem_shared>> -> memref<128xf32, #tpu.memory_space<vmem_shared>>
      %dma_start3A_48 = tpu.memref_slice %arg6[%add3A_27] : memref<10240xf32, #tpu.memory_space<vmem_shared>> -> memref<128xf32, #tpu.memory_space<vmem_shared>>
      %dma_start3A_49 = arith.constant 0 : i32
      %dma_start3A_50 = tpu.memref_slice %arg5[%dma_start3A_49] : memref<128xf32, #tpu.memory_space<vmem>> -> memref<128xf32, #tpu.memory_space<vmem>>
      tpu.enqueue_dma source(%dma_start3A_50 : memref<128xf32, #tpu.memory_space<vmem>>) target(%dma_start3A_48 : memref<128xf32, #tpu.memory_space<vmem_shared>>) target_semaphore(%run_scoped3A : memref<!tpu.dma_semaphore, #tpu.memory_space<semaphore_mem>>)
      %dma_wait3A_51 = arith.constant 0 : i32
      %dma_wait3A_52 = tpu.memref_slice %arg5[%dma_wait3A_51] : memref<128xf32, #tpu.memory_space<vmem>> -> memref<128xf32, #tpu.memory_space<vmem>>
      %dma_wait3A_53 = tpu.memref_slice %arg6[%add3A_27] : memref<10240xf32, #tpu.memory_space<vmem_shared>> -> memref<128xf32, #tpu.memory_space<vmem_shared>>
      %dma_wait3A_54 = tpu.memref_slice %arg6[%add3A_27] : memref<10240xf32, #tpu.memory_space<vmem_shared>> -> memref<128xf32, #tpu.memory_space<vmem_shared>>
      %dma_wait3A_55 = arith.constant 0 : i32
      %dma_wait3A_56 = tpu.memref_slice %arg5[%dma_wait3A_55] : memref<128xf32, #tpu.memory_space<vmem>> -> memref<128xf32, #tpu.memory_space<vmem>>
      tpu.wait_dma2 semaphore(%run_scoped3A : memref<!tpu.dma_semaphore, #tpu.memory_space<semaphore_mem>>) src(%dma_wait3A_56 : memref<128xf32, #tpu.memory_space<vmem>>) dst(%dma_wait3A_54 : memref<128xf32, #tpu.memory_space<vmem_shared>>)
      tpu.yield
    }) : () -> ()
    %scan3A_28 = arith.constant 0 : i32
    %scan3A_29 = arith.constant 8 : i32
    %scan3A_30 = arith.addi %scan3A_28, %scan3A_29 : i32
    %scan3A_31 = arith.constant 1 : i32
    scf.for %scan3A_45 = %scan3A_28 to %scan3A_30 step %scan3A_31  : i32 {
      %mul3A_46 = arith.constant 1 : i32
      %mul3A_47 = arith.muli %scan3A_45, %mul3A_46 : i32
      %add3A_48 = arith.constant 0 : i32
      %add3A_49 = arith.addi %add3A_48, %mul3A_47 : i32
      %mul3A_50 = arith.constant 16 : i32
      %mul3A_51 = arith.muli %add3A_49, %mul3A_50 : i32
      %swap3A = arith.index_cast %mul3A_51 : i32 to index
      %swap3A_52 = tpu.vector_load %arg5[%swap3A] {strides = array<i32>} : memref<128xf32, #tpu.memory_space<vmem>>, vector<16xf32>,
      %swap3A_53 = vector.shape_cast %swap3A_52 : vector<16xf32> to vector<16xf32>
      %swap3A_54 = vector.shape_cast %broadcast_in_dim3A_9 : vector<16xf32> to vector<16xf32>
      tpu.vector_store %arg5[%swap3A], %swap3A_54 {strides = array<i32>} : memref<128xf32, #tpu.memory_space<vmem>>, vector<16xf32>,
    }
    %scan3A_32 = arith.constant 8 : i32
    %barrier3A = arith.constant 0 : index
    tpu.barrier barrier_id(%barrier3A)
    %dma_wait3A = arith.constant 3 : i32
    %dma_wait3A_33 = arith.constant 0 : i32
    %dma_wait3A_34 = tpu.memref_slice %arg2[%dma_wait3A, %mul3A_2, %dma_wait3A_33] : memref<4x2560x128xi32, #tpu.memory_space<hbm>> -> memref<1x80x128xi32, #tpu.memory_space<hbm>>
    %dma_wait3A_35 = tpu.memref_squeeze %dma_wait3A_34 : memref<1x80x128xi32, #tpu.memory_space<hbm>> -> memref<80x128xi32, #tpu.memory_space<hbm>>
    %dma_wait3A_36 = arith.constant 0 : i32
    %dma_wait3A_37 = tpu.memref_slice %arg2[%dma_wait3A, %mul3A_2, %dma_wait3A_36] : memref<4x2560x128xi32, #tpu.memory_space<hbm>> -> memref<1x80x128xi32, #tpu.memory_space<hbm>>
    %dma_wait3A_38 = tpu.memref_squeeze %dma_wait3A_37 : memref<1x80x128xi32, #tpu.memory_space<hbm>> -> memref<80x128xi32, #tpu.memory_space<hbm>>
    tpu.wait_dma2 semaphore(%arg8 : memref<!tpu.dma_semaphore, #tpu.memory_space<semaphore_mem>>) src(%dma_wait3A_38 : memref<80x128xi32, #tpu.memory_space<hbm>>) dst(%arg4 : memref<80x128xi32, #tpu.memory_space<vmem>>)
    %scan3A_39 = arith.constant 0 : i32
    %scan3A_40 = arith.constant 10 : i32
    %scan3A_41 = arith.addi %scan3A_39, %scan3A_40 : i32
    %scan3A_42 = arith.constant 1 : i32
    scf.for %scan3A_45 = %scan3A_39 to %scan3A_41 step %scan3A_42  : i32 {
      %mul3A_46 = arith.constant 1 : i32
      %mul3A_47 = arith.muli %scan3A_45, %mul3A_46 : i32
      %add3A_48 = arith.constant 0 : i32
      %add3A_49 = arith.addi %add3A_48, %mul3A_47 : i32
      %mul3A_50 = arith.constant 8 : i32
      %mul3A_51 = arith.muli %add3A_49, %mul3A_50 : i32
      %add3A_52 = arith.constant 0 : i32
      %add3A_53 = arith.addi %mul3A_51, %add3A_52 : i32
      %dma_start3A_54 = arith.constant 0 : i32
      %dma_start3A_55 = tpu.memref_slice %arg4[%add3A_53, %dma_start3A_54] : memref<80x128xi32, #tpu.memory_space<vmem>> -> memref<1x128xi32, #tpu.memory_space<vmem>>
      %dma_start3A_56 = tpu.memref_squeeze %dma_start3A_55 : memref<1x128xi32, #tpu.memory_space<vmem>> -> memref<128xi32, #tpu.memory_space<vmem>>
      %dma_start3A_57 = arith.constant 0 : i32
      %dma_start3A_58 = tpu.memref_slice %arg6[%dma_start3A_57] : memref<10240xf32, #tpu.memory_space<vmem_shared>> -> memref<10240xf32, #tpu.memory_space<vmem_shared>>
      tpu.enqueue_indirect_dma source(%arg5 : memref<128xf32, #tpu.memory_space<vmem>>) target(%dma_start3A_58 : memref<10240xf32, #tpu.memory_space<vmem_shared>>) offsets(%dma_start3A_56 : memref<128xi32, #tpu.memory_space<vmem>>) semaphore(%arg7 : memref<!tpu.dma_semaphore, #tpu.memory_space<semaphore_mem>>) {add = true}
      %add3A_59 = arith.constant 1 : i32
      %add3A_60 = arith.addi %mul3A_51, %add3A_59 : i32
      %dma_start3A_61 = arith.constant 0 : i32
      %dma_start3A_62 = tpu.memref_slice %arg4[%add3A_60, %dma_start3A_61] : memref<80x128xi32, #tpu.memory_space<vmem>> -> memref<1x128xi32, #tpu.memory_space<vmem>>
      %dma_start3A_63 = tpu.memref_squeeze %dma_start3A_62 : memref<1x128xi32, #tpu.memory_space<vmem>> -> memref<128xi32, #tpu.memory_space<vmem>>
      %dma_start3A_64 = arith.constant 0 : i32
      %dma_start3A_65 = tpu.memref_slice %arg6[%dma_start3A_64] : memref<10240xf32, #tpu.memory_space<vmem_shared>> -> memref<10240xf32, #tpu.memory_space<vmem_shared>>
      tpu.enqueue_indirect_dma source(%arg5 : memref<128xf32, #tpu.memory_space<vmem>>) target(%dma_start3A_65 : memref<10240xf32, #tpu.memory_space<vmem_shared>>) offsets(%dma_start3A_63 : memref<128xi32, #tpu.memory_space<vmem>>) semaphore(%arg7 : memref<!tpu.dma_semaphore, #tpu.memory_space<semaphore_mem>>) {add = true}
      %add3A_66 = arith.constant 2 : i32
      %add3A_67 = arith.addi %mul3A_51, %add3A_66 : i32
      %dma_start3A_68 = arith.constant 0 : i32
      %dma_start3A_69 = tpu.memref_slice %arg4[%add3A_67, %dma_start3A_68] : memref<80x128xi32, #tpu.memory_space<vmem>> -> memref<1x128xi32, #tpu.memory_space<vmem>>
      %dma_start3A_70 = tpu.memref_squeeze %dma_start3A_69 : memref<1x128xi32, #tpu.memory_space<vmem>> -> memref<128xi32, #tpu.memory_space<vmem>>
      %dma_start3A_71 = arith.constant 0 : i32
      %dma_start3A_72 = tpu.memref_slice %arg6[%dma_start3A_71] : memref<10240xf32, #tpu.memory_space<vmem_shared>> -> memref<10240xf32, #tpu.memory_space<vmem_shared>>
      tpu.enqueue_indirect_dma source(%arg5 : memref<128xf32, #tpu.memory_space<vmem>>) target(%dma_start3A_72 : memref<10240xf32, #tpu.memory_space<vmem_shared>>) offsets(%dma_start3A_70 : memref<128xi32, #tpu.memory_space<vmem>>) semaphore(%arg7 : memref<!tpu.dma_semaphore, #tpu.memory_space<semaphore_mem>>) {add = true}
      %add3A_73 = arith.constant 3 : i32
      %add3A_74 = arith.addi %mul3A_51, %add3A_73 : i32
      %dma_start3A_75 = arith.constant 0 : i32
      %dma_start3A_76 = tpu.memref_slice %arg4[%add3A_74, %dma_start3A_75] : memref<80x128xi32, #tpu.memory_space<vmem>> -> memref<1x128xi32, #tpu.memory_space<vmem>>
      %dma_start3A_77 = tpu.memref_squeeze %dma_start3A_76 : memref<1x128xi32, #tpu.memory_space<vmem>> -> memref<128xi32, #tpu.memory_space<vmem>>
      %dma_start3A_78 = arith.constant 0 : i32
      %dma_start3A_79 = tpu.memref_slice %arg6[%dma_start3A_78] : memref<10240xf32, #tpu.memory_space<vmem_shared>> -> memref<10240xf32, #tpu.memory_space<vmem_shared>>
      tpu.enqueue_indirect_dma source(%arg5 : memref<128xf32, #tpu.memory_space<vmem>>) target(%dma_start3A_79 : memref<10240xf32, #tpu.memory_space<vmem_shared>>) offsets(%dma_start3A_77 : memref<128xi32, #tpu.memory_space<vmem>>) semaphore(%arg7 : memref<!tpu.dma_semaphore, #tpu.memory_space<semaphore_mem>>) {add = true}
      %add3A_80 = arith.constant 4 : i32
      %add3A_81 = arith.addi %mul3A_51, %add3A_80 : i32
      %dma_start3A_82 = arith.constant 0 : i32
      %dma_start3A_83 = tpu.memref_slice %arg4[%add3A_81, %dma_start3A_82] : memref<80x128xi32, #tpu.memory_space<vmem>> -> memref<1x128xi32, #tpu.memory_space<vmem>>
      %dma_start3A_84 = tpu.memref_squeeze %dma_start3A_83 : memref<1x128xi32, #tpu.memory_space<vmem>> -> memref<128xi32, #tpu.memory_space<vmem>>
      %dma_start3A_85 = arith.constant 0 : i32
      %dma_start3A_86 = tpu.memref_slice %arg6[%dma_start3A_85] : memref<10240xf32, #tpu.memory_space<vmem_shared>> -> memref<10240xf32, #tpu.memory_space<vmem_shared>>
      tpu.enqueue_indirect_dma source(%arg5 : memref<128xf32, #tpu.memory_space<vmem>>) target(%dma_start3A_86 : memref<10240xf32, #tpu.memory_space<vmem_shared>>) offsets(%dma_start3A_84 : memref<128xi32, #tpu.memory_space<vmem>>) semaphore(%arg7 : memref<!tpu.dma_semaphore, #tpu.memory_space<semaphore_mem>>) {add = true}
      %add3A_87 = arith.constant 5 : i32
      %add3A_88 = arith.addi %mul3A_51, %add3A_87 : i32
      %dma_start3A_89 = arith.constant 0 : i32
      %dma_start3A_90 = tpu.memref_slice %arg4[%add3A_88, %dma_start3A_89] : memref<80x128xi32, #tpu.memory_space<vmem>> -> memref<1x128xi32, #tpu.memory_space<vmem>>
      %dma_start3A_91 = tpu.memref_squeeze %dma_start3A_90 : memref<1x128xi32, #tpu.memory_space<vmem>> -> memref<128xi32, #tpu.memory_space<vmem>>
      %dma_start3A_92 = arith.constant 0 : i32
      %dma_start3A_93 = tpu.memref_slice %arg6[%dma_start3A_92] : memref<10240xf32, #tpu.memory_space<vmem_shared>> -> memref<10240xf32, #tpu.memory_space<vmem_shared>>
      tpu.enqueue_indirect_dma source(%arg5 : memref<128xf32, #tpu.memory_space<vmem>>) target(%dma_start3A_93 : memref<10240xf32, #tpu.memory_space<vmem_shared>>) offsets(%dma_start3A_91 : memref<128xi32, #tpu.memory_space<vmem>>) semaphore(%arg7 : memref<!tpu.dma_semaphore, #tpu.memory_space<semaphore_mem>>) {add = true}
      %add3A_94 = arith.constant 6 : i32
      %add3A_95 = arith.addi %mul3A_51, %add3A_94 : i32
      %dma_start3A_96 = arith.constant 0 : i32
      %dma_start3A_97 = tpu.memref_slice %arg4[%add3A_95, %dma_start3A_96] : memref<80x128xi32, #tpu.memory_space<vmem>> -> memref<1x128xi32, #tpu.memory_space<vmem>>
      %dma_start3A_98 = tpu.memref_squeeze %dma_start3A_97 : memref<1x128xi32, #tpu.memory_space<vmem>> -> memref<128xi32, #tpu.memory_space<vmem>>
      %dma_start3A_99 = arith.constant 0 : i32
      %dma_start3A_100 = tpu.memref_slice %arg6[%dma_start3A_99] : memref<10240xf32, #tpu.memory_space<vmem_shared>> -> memref<10240xf32, #tpu.memory_space<vmem_shared>>
      tpu.enqueue_indirect_dma source(%arg5 : memref<128xf32, #tpu.memory_space<vmem>>) target(%dma_start3A_100 : memref<10240xf32, #tpu.memory_space<vmem_shared>>) offsets(%dma_start3A_98 : memref<128xi32, #tpu.memory_space<vmem>>) semaphore(%arg7 : memref<!tpu.dma_semaphore, #tpu.memory_space<semaphore_mem>>) {add = true}
      %add3A_101 = arith.constant 7 : i32
      %add3A_102 = arith.addi %mul3A_51, %add3A_101 : i32
      %dma_start3A_103 = arith.constant 0 : i32
      %dma_start3A_104 = tpu.memref_slice %arg4[%add3A_102, %dma_start3A_103] : memref<80x128xi32, #tpu.memory_space<vmem>> -> memref<1x128xi32, #tpu.memory_space<vmem>>
      %dma_start3A_105 = tpu.memref_squeeze %dma_start3A_104 : memref<1x128xi32, #tpu.memory_space<vmem>> -> memref<128xi32, #tpu.memory_space<vmem>>
      %dma_start3A_106 = arith.constant 0 : i32
      %dma_start3A_107 = tpu.memref_slice %arg6[%dma_start3A_106] : memref<10240xf32, #tpu.memory_space<vmem_shared>> -> memref<10240xf32, #tpu.memory_space<vmem_shared>>
      tpu.enqueue_indirect_dma source(%arg5 : memref<128xf32, #tpu.memory_space<vmem>>) target(%dma_start3A_107 : memref<10240xf32, #tpu.memory_space<vmem_shared>>) offsets(%dma_start3A_105 : memref<128xi32, #tpu.memory_space<vmem>>) semaphore(%arg7 : memref<!tpu.dma_semaphore, #tpu.memory_space<semaphore_mem>>) {add = true}
      %dma_wait3A_108 = arith.constant 0 : i32
      %dma_wait3A_109 = tpu.memref_slice %arg4[%add3A_53, %dma_wait3A_108] : memref<80x128xi32, #tpu.memory_space<vmem>> -> memref<1x128xi32, #tpu.memory_space<vmem>>
      %dma_wait3A_110 = tpu.memref_squeeze %dma_wait3A_109 : memref<1x128xi32, #tpu.memory_space<vmem>> -> memref<128xi32, #tpu.memory_space<vmem>>
      %dma_wait3A_111 = arith.constant 0 : i32
      %dma_wait3A_112 = tpu.memref_slice %arg6[%dma_wait3A_111] : memref<10240xf32, #tpu.memory_space<vmem_shared>> -> memref<10240xf32, #tpu.memory_space<vmem_shared>>
      tpu.wait_indirect_dma semaphore(%arg7 : memref<!tpu.dma_semaphore, #tpu.memory_space<semaphore_mem>>) src(%arg5 : memref<128xf32, #tpu.memory_space<vmem>>) dst(%dma_wait3A_112 : memref<10240xf32, #tpu.memory_space<vmem_shared>>)
      %dma_wait3A_113 = arith.constant 0 : i32
      %dma_wait3A_114 = tpu.memref_slice %arg4[%add3A_60, %dma_wait3A_113] : memref<80x128xi32, #tpu.memory_space<vmem>> -> memref<1x128xi32, #tpu.memory_space<vmem>>
      %dma_wait3A_115 = tpu.memref_squeeze %dma_wait3A_114 : memref<1x128xi32, #tpu.memory_space<vmem>> -> memref<128xi32, #tpu.memory_space<vmem>>
      %dma_wait3A_116 = arith.constant 0 : i32
      %dma_wait3A_117 = tpu.memref_slice %arg6[%dma_wait3A_116] : memref<10240xf32, #tpu.memory_space<vmem_shared>> -> memref<10240xf32, #tpu.memory_space<vmem_shared>>
      tpu.wait_indirect_dma semaphore(%arg7 : memref<!tpu.dma_semaphore, #tpu.memory_space<semaphore_mem>>) src(%arg5 : memref<128xf32, #tpu.memory_space<vmem>>) dst(%dma_wait3A_117 : memref<10240xf32, #tpu.memory_space<vmem_shared>>)
      %dma_wait3A_118 = arith.constant 0 : i32
      %dma_wait3A_119 = tpu.memref_slice %arg4[%add3A_67, %dma_wait3A_118] : memref<80x128xi32, #tpu.memory_space<vmem>> -> memref<1x128xi32, #tpu.memory_space<vmem>>
      %dma_wait3A_120 = tpu.memref_squeeze %dma_wait3A_119 : memref<1x128xi32, #tpu.memory_space<vmem>> -> memref<128xi32, #tpu.memory_space<vmem>>
      %dma_wait3A_121 = arith.constant 0 : i32
      %dma_wait3A_122 = tpu.memref_slice %arg6[%dma_wait3A_121] : memref<10240xf32, #tpu.memory_space<vmem_shared>> -> memref<10240xf32, #tpu.memory_space<vmem_shared>>
      tpu.wait_indirect_dma semaphore(%arg7 : memref<!tpu.dma_semaphore, #tpu.memory_space<semaphore_mem>>) src(%arg5 : memref<128xf32, #tpu.memory_space<vmem>>) dst(%dma_wait3A_122 : memref<10240xf32, #tpu.memory_space<vmem_shared>>)
      %dma_wait3A_123 = arith.constant 0 : i32
      %dma_wait3A_124 = tpu.memref_slice %arg4[%add3A_74, %dma_wait3A_123] : memref<80x128xi32, #tpu.memory_space<vmem>> -> memref<1x128xi32, #tpu.memory_space<vmem>>
      %dma_wait3A_125 = tpu.memref_squeeze %dma_wait3A_124 : memref<1x128xi32, #tpu.memory_space<vmem>> -> memref<128xi32, #tpu.memory_space<vmem>>
      %dma_wait3A_126 = arith.constant 0 : i32
      %dma_wait3A_127 = tpu.memref_slice %arg6[%dma_wait3A_126] : memref<10240xf32, #tpu.memory_space<vmem_shared>> -> memref<10240xf32, #tpu.memory_space<vmem_shared>>
      tpu.wait_indirect_dma semaphore(%arg7 : memref<!tpu.dma_semaphore, #tpu.memory_space<semaphore_mem>>) src(%arg5 : memref<128xf32, #tpu.memory_space<vmem>>) dst(%dma_wait3A_127 : memref<10240xf32, #tpu.memory_space<vmem_shared>>)
      %dma_wait3A_128 = arith.constant 0 : i32
      %dma_wait3A_129 = tpu.memref_slice %arg4[%add3A_81, %dma_wait3A_128] : memref<80x128xi32, #tpu.memory_space<vmem>> -> memref<1x128xi32, #tpu.memory_space<vmem>>
      %dma_wait3A_130 = tpu.memref_squeeze %dma_wait3A_129 : memref<1x128xi32, #tpu.memory_space<vmem>> -> memref<128xi32, #tpu.memory_space<vmem>>
      %dma_wait3A_131 = arith.constant 0 : i32
      %dma_wait3A_132 = tpu.memref_slice %arg6[%dma_wait3A_131] : memref<10240xf32, #tpu.memory_space<vmem_shared>> -> memref<10240xf32, #tpu.memory_space<vmem_shared>>
      tpu.wait_indirect_dma semaphore(%arg7 : memref<!tpu.dma_semaphore, #tpu.memory_space<semaphore_mem>>) src(%arg5 : memref<128xf32, #tpu.memory_space<vmem>>) dst(%dma_wait3A_132 : memref<10240xf32, #tpu.memory_space<vmem_shared>>)
      %dma_wait3A_133 = arith.constant 0 : i32
      %dma_wait3A_134 = tpu.memref_slice %arg4[%add3A_88, %dma_wait3A_133] : memref<80x128xi32, #tpu.memory_space<vmem>> -> memref<1x128xi32, #tpu.memory_space<vmem>>
      %dma_wait3A_135 = tpu.memref_squeeze %dma_wait3A_134 : memref<1x128xi32, #tpu.memory_space<vmem>> -> memref<128xi32, #tpu.memory_space<vmem>>
      %dma_wait3A_136 = arith.constant 0 : i32
      %dma_wait3A_137 = tpu.memref_slice %arg6[%dma_wait3A_136] : memref<10240xf32, #tpu.memory_space<vmem_shared>> -> memref<10240xf32, #tpu.memory_space<vmem_shared>>
      tpu.wait_indirect_dma semaphore(%arg7 : memref<!tpu.dma_semaphore, #tpu.memory_space<semaphore_mem>>) src(%arg5 : memref<128xf32, #tpu.memory_space<vmem>>) dst(%dma_wait3A_137 : memref<10240xf32, #tpu.memory_space<vmem_shared>>)
      %dma_wait3A_138 = arith.constant 0 : i32
      %dma_wait3A_139 = tpu.memref_slice %arg4[%add3A_95, %dma_wait3A_138] : memref<80x128xi32, #tpu.memory_space<vmem>> -> memref<1x128xi32, #tpu.memory_space<vmem>>
      %dma_wait3A_140 = tpu.memref_squeeze %dma_wait3A_139 : memref<1x128xi32, #tpu.memory_space<vmem>> -> memref<128xi32, #tpu.memory_space<vmem>>
      %dma_wait3A_141 = arith.constant 0 : i32
      %dma_wait3A_142 = tpu.memref_slice %arg6[%dma_wait3A_141] : memref<10240xf32, #tpu.memory_space<vmem_shared>> -> memref<10240xf32, #tpu.memory_space<vmem_shared>>
      tpu.wait_indirect_dma semaphore(%arg7 : memref<!tpu.dma_semaphore, #tpu.memory_space<semaphore_mem>>) src(%arg5 : memref<128xf32, #tpu.memory_space<vmem>>) dst(%dma_wait3A_142 : memref<10240xf32, #tpu.memory_space<vmem_shared>>)
      %dma_wait3A_143 = arith.constant 0 : i32
      %dma_wait3A_144 = tpu.memref_slice %arg4[%add3A_102, %dma_wait3A_143] : memref<80x128xi32, #tpu.memory_space<vmem>> -> memref<1x128xi32, #tpu.memory_space<vmem>>
      %dma_wait3A_145 = tpu.memref_squeeze %dma_wait3A_144 : memref<1x128xi32, #tpu.memory_space<vmem>> -> memref<128xi32, #tpu.memory_space<vmem>>
      %dma_wait3A_146 = arith.constant 0 : i32
      %dma_wait3A_147 = tpu.memref_slice %arg6[%dma_wait3A_146] : memref<10240xf32, #tpu.memory_space<vmem_shared>> -> memref<10240xf32, #tpu.memory_space<vmem_shared>>
      tpu.wait_indirect_dma semaphore(%arg7 : memref<!tpu.dma_semaphore, #tpu.memory_space<semaphore_mem>>) src(%arg5 : memref<128xf32, #tpu.memory_space<vmem>>) dst(%dma_wait3A_147 : memref<10240xf32, #tpu.memory_space<vmem_shared>>)
    }
    %scan3A_43 = arith.constant 10 : i32
    %barrier3A_44 = arith.constant 0 : index
    tpu.barrier barrier_id(%barrier3A_44)
    "tpu.region"() ({
      %run_scoped3A = tpu.sem_alloc : memref<!tpu.dma_semaphore, #tpu.memory_space<semaphore_mem>>
      %dma_start3A_45 = tpu.memref_slice %arg3[%arg0, %mul3A_13] : memref<2x10240xf32, #tpu.memory_space<hbm>> -> memref<1x640xf32, #tpu.memory_space<hbm>>
      %dma_start3A_46 = tpu.memref_squeeze %dma_start3A_45 : memref<1x640xf32, #tpu.memory_space<hbm>> -> memref<640xf32, #tpu.memory_space<hbm>>
      %dma_start3A_47 = tpu.memref_slice %arg6[%mul3A_13] : memref<10240xf32, #tpu.memory_space<vmem_shared>> -> memref<640xf32, #tpu.memory_space<vmem_shared>>
      tpu.enqueue_dma source(%dma_start3A_47 : memref<640xf32, #tpu.memory_space<vmem_shared>>) target(%dma_start3A_46 : memref<640xf32, #tpu.memory_space<hbm>>) target_semaphore(%run_scoped3A : memref<!tpu.dma_semaphore, #tpu.memory_space<semaphore_mem>>)
      %dma_wait3A_48 = tpu.memref_slice %arg3[%arg0, %mul3A_13] : memref<2x10240xf32, #tpu.memory_space<hbm>> -> memref<1x640xf32, #tpu.memory_space<hbm>>
      %dma_wait3A_49 = tpu.memref_squeeze %dma_wait3A_48 : memref<1x640xf32, #tpu.memory_space<hbm>> -> memref<640xf32, #tpu.memory_space<hbm>>
      %dma_wait3A_50 = tpu.memref_slice %arg6[%mul3A_13] : memref<10240xf32, #tpu.memory_space<vmem_shared>> -> memref<640xf32, #tpu.memory_space<vmem_shared>>
      tpu.wait_dma2 semaphore(%run_scoped3A : memref<!tpu.dma_semaphore, #tpu.memory_space<semaphore_mem>>) src(%dma_wait3A_50 : memref<640xf32, #tpu.memory_space<vmem_shared>>) dst(%dma_wait3A_49 : memref<640xf32, #tpu.memory_space<hbm>>)
      tpu.yield
    }) : () -> ()
    return
  }
}

#map = affine_map<(d0, d1) -> (0, 0)>
#map1 = affine_map<(d0, d1) -> (0, 0, 0)>
module attributes {stable_mosaic.version = 14 : i64} {
  func.func @spmm(%arg0: i32, %arg1: i32, %arg2: memref<20000x64xf32, #tpu.memory_space<hbm>>, %arg3: memref<4x2560x128xi32, #tpu.memory_space<hbm>>, %arg4: memref<2x10240x64xf32, #tpu.memory_space<hbm>>, %arg5: memref<80x128xi32, #tpu.memory_space<vmem>>, %arg6: memref<80x128xi32, #tpu.memory_space<vmem>>, %arg7: memref<128x64xf32, #tpu.memory_space<vmem>>, %arg8: memref<128x64xf32, #tpu.memory_space<vmem>>, %arg9: memref<128x64xf32, #tpu.memory_space<vmem>>, %arg10: memref<128x64xf32, #tpu.memory_space<vmem>>, %arg11: memref<128x64xf32, #tpu.memory_space<vmem>>, %arg12: memref<128x64xf32, #tpu.memory_space<vmem>>, %arg13: memref<128x64xf32, #tpu.memory_space<vmem>>, %arg14: memref<128x64xf32, #tpu.memory_space<vmem>>, %arg15: memref<10240x64xf32, #tpu.memory_space<vmem_shared>>, %arg16: memref<!tpu.dma_semaphore, #tpu.memory_space<semaphore_mem>>, %arg17: memref<!tpu.dma_semaphore, #tpu.memory_space<semaphore_mem>>, %arg18: memref<!tpu.dma_semaphore, #tpu.memory_space<semaphore_mem>>, %arg19: memref<!tpu.dma_semaphore, #tpu.memory_space<semaphore_mem>>, %arg20: memref<!tpu.dma_semaphore, #tpu.memory_space<semaphore_mem>>, %arg21: memref<!tpu.dma_semaphore, #tpu.memory_space<semaphore_mem>>, %arg22: memref<!tpu.dma_semaphore, #tpu.memory_space<semaphore_mem>>, %arg23: memref<!tpu.dma_semaphore, #tpu.memory_space<semaphore_mem>>, %arg24: memref<!tpu.dma_semaphore, #tpu.memory_space<semaphore_mem>>, %arg25: memref<!tpu.dma_semaphore, #tpu.memory_space<semaphore_mem>>, %arg26: memref<!tpu.dma_semaphore, #tpu.memory_space<semaphore_mem>>, %arg27: memref<!tpu.dma_semaphore, #tpu.memory_space<semaphore_mem>>, %arg28: memref<!tpu.dma_semaphore, #tpu.memory_space<semaphore_mem>>, %arg29: memref<!tpu.dma_semaphore, #tpu.memory_space<semaphore_mem>>, %arg30: memref<!tpu.dma_semaphore, #tpu.memory_space<semaphore_mem>>, %arg31: memref<!tpu.dma_semaphore, #tpu.memory_space<semaphore_mem>>, %arg32: memref<!tpu.dma_semaphore, #tpu.memory_space<semaphore_mem>>) attributes {dimension_semantics = [#tpu.dimension_semantics<core_parallel>, #tpu.dimension_semantics<subcore_parallel>], iteration_bounds = array<i64: 2, 16>, scalar_prefetch = 0 : i64, scratch_operands = 28 : i64, tpu.core_type = #tpu.core_type<sc_vector_subcore>, window_params = [{transform_indices = #map}, {transform_indices = #map1}, {transform_indices = #map1}]} {
    %add3A = arith.constant 1 : i32
    %add3A_0 = arith.addi %add3A, %arg0 : i32
    %mul3A = arith.constant 160 : i32
    %mul3A_1 = arith.muli %arg1, %mul3A : i32
    %dma_start3A = arith.constant 0 : i32
    %dma_start3A_2 = tpu.memref_slice %arg3[%add3A_0, %mul3A_1, %dma_start3A] : memref<4x2560x128xi32, #tpu.memory_space<hbm>> -> memref<1x80x128xi32, #tpu.memory_space<hbm>>
    %dma_start3A_3 = tpu.memref_squeeze %dma_start3A_2 : memref<1x80x128xi32, #tpu.memory_space<hbm>> -> memref<80x128xi32, #tpu.memory_space<hbm>>
    %dma_start3A_4 = arith.constant 0 : i32
    %dma_start3A_5 = tpu.memref_slice %arg3[%add3A_0, %mul3A_1, %dma_start3A_4] : memref<4x2560x128xi32, #tpu.memory_space<hbm>> -> memref<1x80x128xi32, #tpu.memory_space<hbm>>
    %dma_start3A_6 = tpu.memref_squeeze %dma_start3A_5 : memref<1x80x128xi32, #tpu.memory_space<hbm>> -> memref<80x128xi32, #tpu.memory_space<hbm>>
    tpu.enqueue_dma source(%dma_start3A_6 : memref<80x128xi32, #tpu.memory_space<hbm>>) target(%arg5 : memref<80x128xi32, #tpu.memory_space<vmem>>) target_semaphore(%arg32 : memref<!tpu.dma_semaphore, #tpu.memory_space<semaphore_mem>>)
    %mul3A_7 = arith.constant 160 : i32
    %mul3A_8 = arith.muli %arg1, %mul3A_7 : i32
    %dma_start3A_9 = arith.constant 3 : i32
    %dma_start3A_10 = arith.constant 0 : i32
    %dma_start3A_11 = tpu.memref_slice %arg3[%dma_start3A_9, %mul3A_8, %dma_start3A_10] : memref<4x2560x128xi32, #tpu.memory_space<hbm>> -> memref<1x80x128xi32, #tpu.memory_space<hbm>>
    %dma_start3A_12 = tpu.memref_squeeze %dma_start3A_11 : memref<1x80x128xi32, #tpu.memory_space<hbm>> -> memref<80x128xi32, #tpu.memory_space<hbm>>
    %dma_start3A_13 = arith.constant 0 : i32
    %dma_start3A_14 = tpu.memref_slice %arg3[%dma_start3A_9, %mul3A_8, %dma_start3A_13] : memref<4x2560x128xi32, #tpu.memory_space<hbm>> -> memref<1x80x128xi32, #tpu.memory_space<hbm>>
    %dma_start3A_15 = tpu.memref_squeeze %dma_start3A_14 : memref<1x80x128xi32, #tpu.memory_space<hbm>> -> memref<80x128xi32, #tpu.memory_space<hbm>>
    tpu.enqueue_dma source(%dma_start3A_15 : memref<80x128xi32, #tpu.memory_space<hbm>>) target(%arg6 : memref<80x128xi32, #tpu.memory_space<vmem>>) target_semaphore(%arg32 : memref<!tpu.dma_semaphore, #tpu.memory_space<semaphore_mem>>)
    %broadcast_in_dim3A = arith.constant 0.000000e+00 : f32
    %broadcast_in_dim3A_16 = vector.broadcast %broadcast_in_dim3A : f32 to vector<16xf32>
    %scan3A = arith.constant 0 : i32
    %scan3A_17 = arith.constant 128 : i32
    %scan3A_18 = arith.addi %scan3A, %scan3A_17 : i32
    %scan3A_19 = arith.constant 1 : i32
    scf.for %scan3A_51 = %scan3A to %scan3A_18 step %scan3A_19  : i32 {
      %mul3A_52 = arith.constant 1 : i32
      %mul3A_53 = arith.muli %scan3A_51, %mul3A_52 : i32
      %add3A_54 = arith.constant 0 : i32
      %add3A_55 = arith.addi %add3A_54, %mul3A_53 : i32
      %swap3A = arith.index_cast %add3A_55 : i32 to index
      %swap3A_56 = arith.constant 0 : index
      %swap3A_57 = tpu.vector_load %arg7[%swap3A, %swap3A_56] {strides = array<i32>} : memref<128x64xf32, #tpu.memory_space<vmem>>, vector<1x16xf32>,
      %swap3A_58 = vector.shape_cast %swap3A_57 : vector<1x16xf32> to vector<16xf32>
      %swap3A_59 = vector.shape_cast %broadcast_in_dim3A_16 : vector<16xf32> to vector<1x16xf32>
      tpu.vector_store %arg7[%swap3A, %swap3A_56], %swap3A_59 {strides = array<i32>} : memref<128x64xf32, #tpu.memory_space<vmem>>, vector<1x16xf32>,
      %swap3A_60 = arith.index_cast %add3A_55 : i32 to index
      %swap3A_61 = arith.constant 16 : index
      %swap3A_62 = tpu.vector_load %arg7[%swap3A_60, %swap3A_61] {strides = array<i32>} : memref<128x64xf32, #tpu.memory_space<vmem>>, vector<1x16xf32>,
      %swap3A_63 = vector.shape_cast %swap3A_62 : vector<1x16xf32> to vector<16xf32>
      %swap3A_64 = vector.shape_cast %broadcast_in_dim3A_16 : vector<16xf32> to vector<1x16xf32>
      tpu.vector_store %arg7[%swap3A_60, %swap3A_61], %swap3A_64 {strides = array<i32>} : memref<128x64xf32, #tpu.memory_space<vmem>>, vector<1x16xf32>,
      %swap3A_65 = arith.index_cast %add3A_55 : i32 to index
      %swap3A_66 = arith.constant 32 : index
      %swap3A_67 = tpu.vector_load %arg7[%swap3A_65, %swap3A_66] {strides = array<i32>} : memref<128x64xf32, #tpu.memory_space<vmem>>, vector<1x16xf32>,
      %swap3A_68 = vector.shape_cast %swap3A_67 : vector<1x16xf32> to vector<16xf32>
      %swap3A_69 = vector.shape_cast %broadcast_in_dim3A_16 : vector<16xf32> to vector<1x16xf32>
      tpu.vector_store %arg7[%swap3A_65, %swap3A_66], %swap3A_69 {strides = array<i32>} : memref<128x64xf32, #tpu.memory_space<vmem>>, vector<1x16xf32>,
      %swap3A_70 = arith.index_cast %add3A_55 : i32 to index
      %swap3A_71 = arith.constant 48 : index
      %swap3A_72 = tpu.vector_load %arg7[%swap3A_70, %swap3A_71] {strides = array<i32>} : memref<128x64xf32, #tpu.memory_space<vmem>>, vector<1x16xf32>,
      %swap3A_73 = vector.shape_cast %swap3A_72 : vector<1x16xf32> to vector<16xf32>
      %swap3A_74 = vector.shape_cast %broadcast_in_dim3A_16 : vector<16xf32> to vector<1x16xf32>
      tpu.vector_store %arg7[%swap3A_70, %swap3A_71], %swap3A_74 {strides = array<i32>} : memref<128x64xf32, #tpu.memory_space<vmem>>, vector<1x16xf32>,
    }
    %scan3A_20 = arith.constant 128 : i32
    %mul3A_21 = arith.constant 640 : i32
    %mul3A_22 = arith.muli %arg1, %mul3A_21 : i32
    %add3A_23 = arith.constant 0 : i32
    %add3A_24 = arith.addi %mul3A_22, %add3A_23 : i32
    "tpu.region"() ({
      %run_scoped3A = tpu.sem_alloc : memref<!tpu.dma_semaphore, #tpu.memory_space<semaphore_mem>>
      %dma_start3A_51 = arith.constant 0 : i32
      %dma_start3A_52 = arith.constant 0 : i32
      %dma_start3A_53 = tpu.memref_slice %arg7[%dma_start3A_51, %dma_start3A_52] : memref<128x64xf32, #tpu.memory_space<vmem>> -> memref<128x64xf32, #tpu.memory_space<vmem>>
      %dma_start3A_54 = arith.constant 0 : i32
      %dma_start3A_55 = tpu.memref_slice %arg15[%add3A_24, %dma_start3A_54] : memref<10240x64xf32, #tpu.memory_space<vmem_shared>> -> memref<128x64xf32, #tpu.memory_space<vmem_shared>>
      %dma_start3A_56 = arith.constant 0 : i32
      %dma_start3A_57 = tpu.memref_slice %arg15[%add3A_24, %dma_start3A_56] : memref<10240x64xf32, #tpu.memory_space<vmem_shared>> -> memref<128x64xf32, #tpu.memory_space<vmem_shared>>
      %dma_start3A_58 = arith.constant 0 : i32
      %dma_start3A_59 = arith.constant 0 : i32
      %dma_start3A_60 = tpu.memref_slice %arg7[%dma_start3A_58, %dma_start3A_59] : memref<128x64xf32, #tpu.memory_space<vmem>> -> memref<128x64xf32, #tpu.memory_space<vmem>>
      tpu.enqueue_dma source(%dma_start3A_60 : memref<128x64xf32, #tpu.memory_space<vmem>>) target(%dma_start3A_57 : memref<128x64xf32, #tpu.memory_space<vmem_shared>>) target_semaphore(%run_scoped3A : memref<!tpu.dma_semaphore, #tpu.memory_space<semaphore_mem>>)
      %dma_wait3A_61 = arith.constant 0 : i32
      %dma_wait3A_62 = arith.constant 0 : i32
      %dma_wait3A_63 = tpu.memref_slice %arg7[%dma_wait3A_61, %dma_wait3A_62] : memref<128x64xf32, #tpu.memory_space<vmem>> -> memref<128x64xf32, #tpu.memory_space<vmem>>
      %dma_wait3A_64 = arith.constant 0 : i32
      %dma_wait3A_65 = tpu.memref_slice %arg15[%add3A_24, %dma_wait3A_64] : memref<10240x64xf32, #tpu.memory_space<vmem_shared>> -> memref<128x64xf32, #tpu.memory_space<vmem_shared>>
      %dma_wait3A_66 = arith.constant 0 : i32
      %dma_wait3A_67 = tpu.memref_slice %arg15[%add3A_24, %dma_wait3A_66] : memref<10240x64xf32, #tpu.memory_space<vmem_shared>> -> memref<128x64xf32, #tpu.memory_space<vmem_shared>>
      %dma_wait3A_68 = arith.constant 0 : i32
      %dma_wait3A_69 = arith.constant 0 : i32
      %dma_wait3A_70 = tpu.memref_slice %arg7[%dma_wait3A_68, %dma_wait3A_69] : memref<128x64xf32, #tpu.memory_space<vmem>> -> memref<128x64xf32, #tpu.memory_space<vmem>>
      tpu.wait_dma2 semaphore(%run_scoped3A : memref<!tpu.dma_semaphore, #tpu.memory_space<semaphore_mem>>) src(%dma_wait3A_70 : memref<128x64xf32, #tpu.memory_space<vmem>>) dst(%dma_wait3A_67 : memref<128x64xf32, #tpu.memory_space<vmem_shared>>)
      tpu.yield
    }) : () -> ()
    %add3A_25 = arith.constant 128 : i32
    %add3A_26 = arith.addi %mul3A_22, %add3A_25 : i32
    "tpu.region"() ({
      %run_scoped3A = tpu.sem_alloc : memref<!tpu.dma_semaphore, #tpu.memory_space<semaphore_mem>>
      %dma_start3A_51 = arith.constant 0 : i32
      %dma_start3A_52 = arith.constant 0 : i32
      %dma_start3A_53 = tpu.memref_slice %arg7[%dma_start3A_51, %dma_start3A_52] : memref<128x64xf32, #tpu.memory_space<vmem>> -> memref<128x64xf32, #tpu.memory_space<vmem>>
      %dma_start3A_54 = arith.constant 0 : i32
      %dma_start3A_55 = tpu.memref_slice %arg15[%add3A_26, %dma_start3A_54] : memref<10240x64xf32, #tpu.memory_space<vmem_shared>> -> memref<128x64xf32, #tpu.memory_space<vmem_shared>>
      %dma_start3A_56 = arith.constant 0 : i32
      %dma_start3A_57 = tpu.memref_slice %arg15[%add3A_26, %dma_start3A_56] : memref<10240x64xf32, #tpu.memory_space<vmem_shared>> -> memref<128x64xf32, #tpu.memory_space<vmem_shared>>
      %dma_start3A_58 = arith.constant 0 : i32
      %dma_start3A_59 = arith.constant 0 : i32
      %dma_start3A_60 = tpu.memref_slice %arg7[%dma_start3A_58, %dma_start3A_59] : memref<128x64xf32, #tpu.memory_space<vmem>> -> memref<128x64xf32, #tpu.memory_space<vmem>>
      tpu.enqueue_dma source(%dma_start3A_60 : memref<128x64xf32, #tpu.memory_space<vmem>>) target(%dma_start3A_57 : memref<128x64xf32, #tpu.memory_space<vmem_shared>>) target_semaphore(%run_scoped3A : memref<!tpu.dma_semaphore, #tpu.memory_space<semaphore_mem>>)
      %dma_wait3A_61 = arith.constant 0 : i32
      %dma_wait3A_62 = arith.constant 0 : i32
      %dma_wait3A_63 = tpu.memref_slice %arg7[%dma_wait3A_61, %dma_wait3A_62] : memref<128x64xf32, #tpu.memory_space<vmem>> -> memref<128x64xf32, #tpu.memory_space<vmem>>
      %dma_wait3A_64 = arith.constant 0 : i32
      %dma_wait3A_65 = tpu.memref_slice %arg15[%add3A_26, %dma_wait3A_64] : memref<10240x64xf32, #tpu.memory_space<vmem_shared>> -> memref<128x64xf32, #tpu.memory_space<vmem_shared>>
      %dma_wait3A_66 = arith.constant 0 : i32
      %dma_wait3A_67 = tpu.memref_slice %arg15[%add3A_26, %dma_wait3A_66] : memref<10240x64xf32, #tpu.memory_space<vmem_shared>> -> memref<128x64xf32, #tpu.memory_space<vmem_shared>>
      %dma_wait3A_68 = arith.constant 0 : i32
      %dma_wait3A_69 = arith.constant 0 : i32
      %dma_wait3A_70 = tpu.memref_slice %arg7[%dma_wait3A_68, %dma_wait3A_69] : memref<128x64xf32, #tpu.memory_space<vmem>> -> memref<128x64xf32, #tpu.memory_space<vmem>>
      tpu.wait_dma2 semaphore(%run_scoped3A : memref<!tpu.dma_semaphore, #tpu.memory_space<semaphore_mem>>) src(%dma_wait3A_70 : memref<128x64xf32, #tpu.memory_space<vmem>>) dst(%dma_wait3A_67 : memref<128x64xf32, #tpu.memory_space<vmem_shared>>)
      tpu.yield
    }) : () -> ()
    %add3A_27 = arith.constant 256 : i32
    %add3A_28 = arith.addi %mul3A_22, %add3A_27 : i32
    "tpu.region"() ({
      %run_scoped3A = tpu.sem_alloc : memref<!tpu.dma_semaphore, #tpu.memory_space<semaphore_mem>>
      %dma_start3A_51 = arith.constant 0 : i32
      %dma_start3A_52 = arith.constant 0 : i32
      %dma_start3A_53 = tpu.memref_slice %arg7[%dma_start3A_51, %dma_start3A_52] : memref<128x64xf32, #tpu.memory_space<vmem>> -> memref<128x64xf32, #tpu.memory_space<vmem>>
      %dma_start3A_54 = arith.constant 0 : i32
      %dma_start3A_55 = tpu.memref_slice %arg15[%add3A_28, %dma_start3A_54] : memref<10240x64xf32, #tpu.memory_space<vmem_shared>> -> memref<128x64xf32, #tpu.memory_space<vmem_shared>>
      %dma_start3A_56 = arith.constant 0 : i32
      %dma_start3A_57 = tpu.memref_slice %arg15[%add3A_28, %dma_start3A_56] : memref<10240x64xf32, #tpu.memory_space<vmem_shared>> -> memref<128x64xf32, #tpu.memory_space<vmem_shared>>
      %dma_start3A_58 = arith.constant 0 : i32
      %dma_start3A_59 = arith.constant 0 : i32
      %dma_start3A_60 = tpu.memref_slice %arg7[%dma_start3A_58, %dma_start3A_59] : memref<128x64xf32, #tpu.memory_space<vmem>> -> memref<128x64xf32, #tpu.memory_space<vmem>>
      tpu.enqueue_dma source(%dma_start3A_60 : memref<128x64xf32, #tpu.memory_space<vmem>>) target(%dma_start3A_57 : memref<128x64xf32, #tpu.memory_space<vmem_shared>>) target_semaphore(%run_scoped3A : memref<!tpu.dma_semaphore, #tpu.memory_space<semaphore_mem>>)
      %dma_wait3A_61 = arith.constant 0 : i32
      %dma_wait3A_62 = arith.constant 0 : i32
      %dma_wait3A_63 = tpu.memref_slice %arg7[%dma_wait3A_61, %dma_wait3A_62] : memref<128x64xf32, #tpu.memory_space<vmem>> -> memref<128x64xf32, #tpu.memory_space<vmem>>
      %dma_wait3A_64 = arith.constant 0 : i32
      %dma_wait3A_65 = tpu.memref_slice %arg15[%add3A_28, %dma_wait3A_64] : memref<10240x64xf32, #tpu.memory_space<vmem_shared>> -> memref<128x64xf32, #tpu.memory_space<vmem_shared>>
      %dma_wait3A_66 = arith.constant 0 : i32
      %dma_wait3A_67 = tpu.memref_slice %arg15[%add3A_28, %dma_wait3A_66] : memref<10240x64xf32, #tpu.memory_space<vmem_shared>> -> memref<128x64xf32, #tpu.memory_space<vmem_shared>>
      %dma_wait3A_68 = arith.constant 0 : i32
      %dma_wait3A_69 = arith.constant 0 : i32
      %dma_wait3A_70 = tpu.memref_slice %arg7[%dma_wait3A_68, %dma_wait3A_69] : memref<128x64xf32, #tpu.memory_space<vmem>> -> memref<128x64xf32, #tpu.memory_space<vmem>>
      tpu.wait_dma2 semaphore(%run_scoped3A : memref<!tpu.dma_semaphore, #tpu.memory_space<semaphore_mem>>) src(%dma_wait3A_70 : memref<128x64xf32, #tpu.memory_space<vmem>>) dst(%dma_wait3A_67 : memref<128x64xf32, #tpu.memory_space<vmem_shared>>)
      tpu.yield
    }) : () -> ()
    %add3A_29 = arith.constant 384 : i32
    %add3A_30 = arith.addi %mul3A_22, %add3A_29 : i32
    "tpu.region"() ({
      %run_scoped3A = tpu.sem_alloc : memref<!tpu.dma_semaphore, #tpu.memory_space<semaphore_mem>>
      %dma_start3A_51 = arith.constant 0 : i32
      %dma_start3A_52 = arith.constant 0 : i32
      %dma_start3A_53 = tpu.memref_slice %arg7[%dma_start3A_51, %dma_start3A_52] : memref<128x64xf32, #tpu.memory_space<vmem>> -> memref<128x64xf32, #tpu.memory_space<vmem>>
      %dma_start3A_54 = arith.constant 0 : i32
      %dma_start3A_55 = tpu.memref_slice %arg15[%add3A_30, %dma_start3A_54] : memref<10240x64xf32, #tpu.memory_space<vmem_shared>> -> memref<128x64xf32, #tpu.memory_space<vmem_shared>>
      %dma_start3A_56 = arith.constant 0 : i32
      %dma_start3A_57 = tpu.memref_slice %arg15[%add3A_30, %dma_start3A_56] : memref<10240x64xf32, #tpu.memory_space<vmem_shared>> -> memref<128x64xf32, #tpu.memory_space<vmem_shared>>
      %dma_start3A_58 = arith.constant 0 : i32
      %dma_start3A_59 = arith.constant 0 : i32
      %dma_start3A_60 = tpu.memref_slice %arg7[%dma_start3A_58, %dma_start3A_59] : memref<128x64xf32, #tpu.memory_space<vmem>> -> memref<128x64xf32, #tpu.memory_space<vmem>>
      tpu.enqueue_dma source(%dma_start3A_60 : memref<128x64xf32, #tpu.memory_space<vmem>>) target(%dma_start3A_57 : memref<128x64xf32, #tpu.memory_space<vmem_shared>>) target_semaphore(%run_scoped3A : memref<!tpu.dma_semaphore, #tpu.memory_space<semaphore_mem>>)
      %dma_wait3A_61 = arith.constant 0 : i32
      %dma_wait3A_62 = arith.constant 0 : i32
      %dma_wait3A_63 = tpu.memref_slice %arg7[%dma_wait3A_61, %dma_wait3A_62] : memref<128x64xf32, #tpu.memory_space<vmem>> -> memref<128x64xf32, #tpu.memory_space<vmem>>
      %dma_wait3A_64 = arith.constant 0 : i32
      %dma_wait3A_65 = tpu.memref_slice %arg15[%add3A_30, %dma_wait3A_64] : memref<10240x64xf32, #tpu.memory_space<vmem_shared>> -> memref<128x64xf32, #tpu.memory_space<vmem_shared>>
      %dma_wait3A_66 = arith.constant 0 : i32
      %dma_wait3A_67 = tpu.memref_slice %arg15[%add3A_30, %dma_wait3A_66] : memref<10240x64xf32, #tpu.memory_space<vmem_shared>> -> memref<128x64xf32, #tpu.memory_space<vmem_shared>>
      %dma_wait3A_68 = arith.constant 0 : i32
      %dma_wait3A_69 = arith.constant 0 : i32
      %dma_wait3A_70 = tpu.memref_slice %arg7[%dma_wait3A_68, %dma_wait3A_69] : memref<128x64xf32, #tpu.memory_space<vmem>> -> memref<128x64xf32, #tpu.memory_space<vmem>>
      tpu.wait_dma2 semaphore(%run_scoped3A : memref<!tpu.dma_semaphore, #tpu.memory_space<semaphore_mem>>) src(%dma_wait3A_70 : memref<128x64xf32, #tpu.memory_space<vmem>>) dst(%dma_wait3A_67 : memref<128x64xf32, #tpu.memory_space<vmem_shared>>)
      tpu.yield
    }) : () -> ()
    %add3A_31 = arith.constant 512 : i32
    %add3A_32 = arith.addi %mul3A_22, %add3A_31 : i32
    "tpu.region"() ({
      %run_scoped3A = tpu.sem_alloc : memref<!tpu.dma_semaphore, #tpu.memory_space<semaphore_mem>>
      %dma_start3A_51 = arith.constant 0 : i32
      %dma_start3A_52 = arith.constant 0 : i32
      %dma_start3A_53 = tpu.memref_slice %arg7[%dma_start3A_51, %dma_start3A_52] : memref<128x64xf32, #tpu.memory_space<vmem>> -> memref<128x64xf32, #tpu.memory_space<vmem>>
      %dma_start3A_54 = arith.constant 0 : i32
      %dma_start3A_55 = tpu.memref_slice %arg15[%add3A_32, %dma_start3A_54] : memref<10240x64xf32, #tpu.memory_space<vmem_shared>> -> memref<128x64xf32, #tpu.memory_space<vmem_shared>>
      %dma_start3A_56 = arith.constant 0 : i32
      %dma_start3A_57 = tpu.memref_slice %arg15[%add3A_32, %dma_start3A_56] : memref<10240x64xf32, #tpu.memory_space<vmem_shared>> -> memref<128x64xf32, #tpu.memory_space<vmem_shared>>
      %dma_start3A_58 = arith.constant 0 : i32
      %dma_start3A_59 = arith.constant 0 : i32
      %dma_start3A_60 = tpu.memref_slice %arg7[%dma_start3A_58, %dma_start3A_59] : memref<128x64xf32, #tpu.memory_space<vmem>> -> memref<128x64xf32, #tpu.memory_space<vmem>>
      tpu.enqueue_dma source(%dma_start3A_60 : memref<128x64xf32, #tpu.memory_space<vmem>>) target(%dma_start3A_57 : memref<128x64xf32, #tpu.memory_space<vmem_shared>>) target_semaphore(%run_scoped3A : memref<!tpu.dma_semaphore, #tpu.memory_space<semaphore_mem>>)
      %dma_wait3A_61 = arith.constant 0 : i32
      %dma_wait3A_62 = arith.constant 0 : i32
      %dma_wait3A_63 = tpu.memref_slice %arg7[%dma_wait3A_61, %dma_wait3A_62] : memref<128x64xf32, #tpu.memory_space<vmem>> -> memref<128x64xf32, #tpu.memory_space<vmem>>
      %dma_wait3A_64 = arith.constant 0 : i32
      %dma_wait3A_65 = tpu.memref_slice %arg15[%add3A_32, %dma_wait3A_64] : memref<10240x64xf32, #tpu.memory_space<vmem_shared>> -> memref<128x64xf32, #tpu.memory_space<vmem_shared>>
      %dma_wait3A_66 = arith.constant 0 : i32
      %dma_wait3A_67 = tpu.memref_slice %arg15[%add3A_32, %dma_wait3A_66] : memref<10240x64xf32, #tpu.memory_space<vmem_shared>> -> memref<128x64xf32, #tpu.memory_space<vmem_shared>>
      %dma_wait3A_68 = arith.constant 0 : i32
      %dma_wait3A_69 = arith.constant 0 : i32
      %dma_wait3A_70 = tpu.memref_slice %arg7[%dma_wait3A_68, %dma_wait3A_69] : memref<128x64xf32, #tpu.memory_space<vmem>> -> memref<128x64xf32, #tpu.memory_space<vmem>>
      tpu.wait_dma2 semaphore(%run_scoped3A : memref<!tpu.dma_semaphore, #tpu.memory_space<semaphore_mem>>) src(%dma_wait3A_70 : memref<128x64xf32, #tpu.memory_space<vmem>>) dst(%dma_wait3A_67 : memref<128x64xf32, #tpu.memory_space<vmem_shared>>)
      tpu.yield
    }) : () -> ()
    %barrier3A = arith.constant 0 : index
    tpu.barrier barrier_id(%barrier3A)
    %dma_wait3A = arith.constant 0 : i32
    %dma_wait3A_33 = tpu.memref_slice %arg3[%add3A_0, %mul3A_1, %dma_wait3A] : memref<4x2560x128xi32, #tpu.memory_space<hbm>> -> memref<1x80x128xi32, #tpu.memory_space<hbm>>
    %dma_wait3A_34 = tpu.memref_squeeze %dma_wait3A_33 : memref<1x80x128xi32, #tpu.memory_space<hbm>> -> memref<80x128xi32, #tpu.memory_space<hbm>>
    %dma_wait3A_35 = arith.constant 0 : i32
    %dma_wait3A_36 = tpu.memref_slice %arg3[%add3A_0, %mul3A_1, %dma_wait3A_35] : memref<4x2560x128xi32, #tpu.memory_space<hbm>> -> memref<1x80x128xi32, #tpu.memory_space<hbm>>
    %dma_wait3A_37 = tpu.memref_squeeze %dma_wait3A_36 : memref<1x80x128xi32, #tpu.memory_space<hbm>> -> memref<80x128xi32, #tpu.memory_space<hbm>>
    tpu.wait_dma2 semaphore(%arg32 : memref<!tpu.dma_semaphore, #tpu.memory_space<semaphore_mem>>) src(%dma_wait3A_37 : memref<80x128xi32, #tpu.memory_space<hbm>>) dst(%arg5 : memref<80x128xi32, #tpu.memory_space<vmem>>)
    %dma_wait3A_38 = arith.constant 3 : i32
    %dma_wait3A_39 = arith.constant 0 : i32
    %dma_wait3A_40 = tpu.memref_slice %arg3[%dma_wait3A_38, %mul3A_8, %dma_wait3A_39] : memref<4x2560x128xi32, #tpu.memory_space<hbm>> -> memref<1x80x128xi32, #tpu.memory_space<hbm>>
    %dma_wait3A_41 = tpu.memref_squeeze %dma_wait3A_40 : memref<1x80x128xi32, #tpu.memory_space<hbm>> -> memref<80x128xi32, #tpu.memory_space<hbm>>
    %dma_wait3A_42 = arith.constant 0 : i32
    %dma_wait3A_43 = tpu.memref_slice %arg3[%dma_wait3A_38, %mul3A_8, %dma_wait3A_42] : memref<4x2560x128xi32, #tpu.memory_space<hbm>> -> memref<1x80x128xi32, #tpu.memory_space<hbm>>
    %dma_wait3A_44 = tpu.memref_squeeze %dma_wait3A_43 : memref<1x80x128xi32, #tpu.memory_space<hbm>> -> memref<80x128xi32, #tpu.memory_space<hbm>>
    tpu.wait_dma2 semaphore(%arg32 : memref<!tpu.dma_semaphore, #tpu.memory_space<semaphore_mem>>) src(%dma_wait3A_44 : memref<80x128xi32, #tpu.memory_space<hbm>>) dst(%arg6 : memref<80x128xi32, #tpu.memory_space<vmem>>)
    %scan3A_45 = arith.constant 0 : i32
    %scan3A_46 = arith.constant 2 : i32
    %scan3A_47 = arith.addi %scan3A_45, %scan3A_46 : i32
    %scan3A_48 = arith.constant 1 : i32
    scf.for %scan3A_51 = %scan3A_45 to %scan3A_47 step %scan3A_48  : i32 {
      %mul3A_52 = arith.constant 1 : i32
      %mul3A_53 = arith.muli %scan3A_51, %mul3A_52 : i32
      %add3A_54 = arith.constant 0 : i32
      %add3A_55 = arith.addi %add3A_54, %mul3A_53 : i32
      %gt3A = arith.constant 0 : i32
      %gt3A_56 = arith.cmpi sgt, %add3A_55, %gt3A : i32
      %convert_element_type3A = arith.extui %gt3A_56 : i1 to i32
      %cond3A = arith.constant 0 : i32
      %cond3A_57 = arith.cmpi ne, %convert_element_type3A, %cond3A : i32
      scf.if %cond3A_57 {
        %add3A_119 = arith.constant 1 : i32
        %add3A_120 = arith.addi %add3A_119, %arg0 : i32
        %mul3A_121 = arith.constant 160 : i32
        %mul3A_122 = arith.muli %arg1, %mul3A_121 : i32
        %mul3A_123 = arith.constant 80 : i32
        %mul3A_124 = arith.muli %add3A_55, %mul3A_123 : i32
        %add3A_125 = arith.addi %mul3A_122, %mul3A_124 : i32
        %dma_start3A_126 = arith.constant 0 : i32
        %dma_start3A_127 = tpu.memref_slice %arg3[%add3A_120, %add3A_125, %dma_start3A_126] : memref<4x2560x128xi32, #tpu.memory_space<hbm>> -> memref<1x80x128xi32, #tpu.memory_space<hbm>>
        %dma_start3A_128 = tpu.memref_squeeze %dma_start3A_127 : memref<1x80x128xi32, #tpu.memory_space<hbm>> -> memref<80x128xi32, #tpu.memory_space<hbm>>
        %dma_start3A_129 = arith.constant 0 : i32
        %dma_start3A_130 = tpu.memref_slice %arg3[%add3A_120, %add3A_125, %dma_start3A_129] : memref<4x2560x128xi32, #tpu.memory_space<hbm>> -> memref<1x80x128xi32, #tpu.memory_space<hbm>>
        %dma_start3A_131 = tpu.memref_squeeze %dma_start3A_130 : memref<1x80x128xi32, #tpu.memory_space<hbm>> -> memref<80x128xi32, #tpu.memory_space<hbm>>
        tpu.enqueue_dma source(%dma_start3A_131 : memref<80x128xi32, #tpu.memory_space<hbm>>) target(%arg5 : memref<80x128xi32, #tpu.memory_space<vmem>>) target_semaphore(%arg32 : memref<!tpu.dma_semaphore, #tpu.memory_space<semaphore_mem>>)
        %mul3A_132 = arith.constant 160 : i32
        %mul3A_133 = arith.muli %arg1, %mul3A_132 : i32
        %mul3A_134 = arith.constant 80 : i32
        %mul3A_135 = arith.muli %add3A_55, %mul3A_134 : i32
        %add3A_136 = arith.addi %mul3A_133, %mul3A_135 : i32
        %dma_start3A_137 = arith.constant 3 : i32
        %dma_start3A_138 = arith.constant 0 : i32
        %dma_start3A_139 = tpu.memref_slice %arg3[%dma_start3A_137, %add3A_136, %dma_start3A_138] : memref<4x2560x128xi32, #tpu.memory_space<hbm>> -> memref<1x80x128xi32, #tpu.memory_space<hbm>>
        %dma_start3A_140 = tpu.memref_squeeze %dma_start3A_139 : memref<1x80x128xi32, #tpu.memory_space<hbm>> -> memref<80x128xi32, #tpu.memory_space<hbm>>
        %dma_start3A_141 = arith.constant 0 : i32
        %dma_start3A_142 = tpu.memref_slice %arg3[%dma_start3A_137, %add3A_136, %dma_start3A_141] : memref<4x2560x128xi32, #tpu.memory_space<hbm>> -> memref<1x80x128xi32, #tpu.memory_space<hbm>>
        %dma_start3A_143 = tpu.memref_squeeze %dma_start3A_142 : memref<1x80x128xi32, #tpu.memory_space<hbm>> -> memref<80x128xi32, #tpu.memory_space<hbm>>
        tpu.enqueue_dma source(%dma_start3A_143 : memref<80x128xi32, #tpu.memory_space<hbm>>) target(%arg6 : memref<80x128xi32, #tpu.memory_space<vmem>>) target_semaphore(%arg32 : memref<!tpu.dma_semaphore, #tpu.memory_space<semaphore_mem>>)
        %dma_wait3A_144 = arith.constant 0 : i32
        %dma_wait3A_145 = tpu.memref_slice %arg3[%add3A_120, %add3A_125, %dma_wait3A_144] : memref<4x2560x128xi32, #tpu.memory_space<hbm>> -> memref<1x80x128xi32, #tpu.memory_space<hbm>>
        %dma_wait3A_146 = tpu.memref_squeeze %dma_wait3A_145 : memref<1x80x128xi32, #tpu.memory_space<hbm>> -> memref<80x128xi32, #tpu.memory_space<hbm>>
        %dma_wait3A_147 = arith.constant 0 : i32
        %dma_wait3A_148 = tpu.memref_slice %arg3[%add3A_120, %add3A_125, %dma_wait3A_147] : memref<4x2560x128xi32, #tpu.memory_space<hbm>> -> memref<1x80x128xi32, #tpu.memory_space<hbm>>
        %dma_wait3A_149 = tpu.memref_squeeze %dma_wait3A_148 : memref<1x80x128xi32, #tpu.memory_space<hbm>> -> memref<80x128xi32, #tpu.memory_space<hbm>>
        tpu.wait_dma2 semaphore(%arg32 : memref<!tpu.dma_semaphore, #tpu.memory_space<semaphore_mem>>) src(%dma_wait3A_149 : memref<80x128xi32, #tpu.memory_space<hbm>>) dst(%arg5 : memref<80x128xi32, #tpu.memory_space<vmem>>)
        %dma_wait3A_150 = arith.constant 3 : i32
        %dma_wait3A_151 = arith.constant 0 : i32
        %dma_wait3A_152 = tpu.memref_slice %arg3[%dma_wait3A_150, %add3A_136, %dma_wait3A_151] : memref<4x2560x128xi32, #tpu.memory_space<hbm>> -> memref<1x80x128xi32, #tpu.memory_space<hbm>>
        %dma_wait3A_153 = tpu.memref_squeeze %dma_wait3A_152 : memref<1x80x128xi32, #tpu.memory_space<hbm>> -> memref<80x128xi32, #tpu.memory_space<hbm>>
        %dma_wait3A_154 = arith.constant 0 : i32
        %dma_wait3A_155 = tpu.memref_slice %arg3[%dma_wait3A_150, %add3A_136, %dma_wait3A_154] : memref<4x2560x128xi32, #tpu.memory_space<hbm>> -> memref<1x80x128xi32, #tpu.memory_space<hbm>>
        %dma_wait3A_156 = tpu.memref_squeeze %dma_wait3A_155 : memref<1x80x128xi32, #tpu.memory_space<hbm>> -> memref<80x128xi32, #tpu.memory_space<hbm>>
        tpu.wait_dma2 semaphore(%arg32 : memref<!tpu.dma_semaphore, #tpu.memory_space<semaphore_mem>>) src(%dma_wait3A_156 : memref<80x128xi32, #tpu.memory_space<hbm>>) dst(%arg6 : memref<80x128xi32, #tpu.memory_space<vmem>>)
      } else {
      }
      %dma_start3A_58 = arith.constant 0 : i32
      %dma_start3A_59 = arith.constant 0 : i32
      %dma_start3A_60 = tpu.memref_slice %arg5[%dma_start3A_58, %dma_start3A_59] : memref<80x128xi32, #tpu.memory_space<vmem>> -> memref<1x128xi32, #tpu.memory_space<vmem>>
      %dma_start3A_61 = tpu.memref_squeeze %dma_start3A_60 : memref<1x128xi32, #tpu.memory_space<vmem>> -> memref<128xi32, #tpu.memory_space<vmem>>
      %dma_start3A_62 = arith.constant 0 : i32
      %dma_start3A_63 = arith.constant 0 : i32
      %dma_start3A_64 = tpu.memref_slice %arg2[%dma_start3A_62, %dma_start3A_63] : memref<20000x64xf32, #tpu.memory_space<hbm>> -> memref<20000x64xf32, #tpu.memory_space<hbm>>
      tpu.enqueue_indirect_dma source(%dma_start3A_64 : memref<20000x64xf32, #tpu.memory_space<hbm>>) target(%arg7 : memref<128x64xf32, #tpu.memory_space<vmem>>) offsets(%dma_start3A_61 : memref<128xi32, #tpu.memory_space<vmem>>) semaphore(%arg16 : memref<!tpu.dma_semaphore, #tpu.memory_space<semaphore_mem>>)
      %dma_start3A_65 = arith.constant 1 : i32
      %dma_start3A_66 = arith.constant 0 : i32
      %dma_start3A_67 = tpu.memref_slice %arg5[%dma_start3A_65, %dma_start3A_66] : memref<80x128xi32, #tpu.memory_space<vmem>> -> memref<1x128xi32, #tpu.memory_space<vmem>>
      %dma_start3A_68 = tpu.memref_squeeze %dma_start3A_67 : memref<1x128xi32, #tpu.memory_space<vmem>> -> memref<128xi32, #tpu.memory_space<vmem>>
      %dma_start3A_69 = arith.constant 0 : i32
      %dma_start3A_70 = arith.constant 0 : i32
      %dma_start3A_71 = tpu.memref_slice %arg2[%dma_start3A_69, %dma_start3A_70] : memref<20000x64xf32, #tpu.memory_space<hbm>> -> memref<20000x64xf32, #tpu.memory_space<hbm>>
      tpu.enqueue_indirect_dma source(%dma_start3A_71 : memref<20000x64xf32, #tpu.memory_space<hbm>>) target(%arg8 : memref<128x64xf32, #tpu.memory_space<vmem>>) offsets(%dma_start3A_68 : memref<128xi32, #tpu.memory_space<vmem>>) semaphore(%arg17 : memref<!tpu.dma_semaphore, #tpu.memory_space<semaphore_mem>>)
      %dma_start3A_72 = arith.constant 2 : i32
      %dma_start3A_73 = arith.constant 0 : i32
      %dma_start3A_74 = tpu.memref_slice %arg5[%dma_start3A_72, %dma_start3A_73] : memref<80x128xi32, #tpu.memory_space<vmem>> -> memref<1x128xi32, #tpu.memory_space<vmem>>
      %dma_start3A_75 = tpu.memref_squeeze %dma_start3A_74 : memref<1x128xi32, #tpu.memory_space<vmem>> -> memref<128xi32, #tpu.memory_space<vmem>>
      %dma_start3A_76 = arith.constant 0 : i32
      %dma_start3A_77 = arith.constant 0 : i32
      %dma_start3A_78 = tpu.memref_slice %arg2[%dma_start3A_76, %dma_start3A_77] : memref<20000x64xf32, #tpu.memory_space<hbm>> -> memref<20000x64xf32, #tpu.memory_space<hbm>>
      tpu.enqueue_indirect_dma source(%dma_start3A_78 : memref<20000x64xf32, #tpu.memory_space<hbm>>) target(%arg9 : memref<128x64xf32, #tpu.memory_space<vmem>>) offsets(%dma_start3A_75 : memref<128xi32, #tpu.memory_space<vmem>>) semaphore(%arg18 : memref<!tpu.dma_semaphore, #tpu.memory_space<semaphore_mem>>)
      %dma_start3A_79 = arith.constant 3 : i32
      %dma_start3A_80 = arith.constant 0 : i32
      %dma_start3A_81 = tpu.memref_slice %arg5[%dma_start3A_79, %dma_start3A_80] : memref<80x128xi32, #tpu.memory_space<vmem>> -> memref<1x128xi32, #tpu.memory_space<vmem>>
      %dma_start3A_82 = tpu.memref_squeeze %dma_start3A_81 : memref<1x128xi32, #tpu.memory_space<vmem>> -> memref<128xi32, #tpu.memory_space<vmem>>
      %dma_start3A_83 = arith.constant 0 : i32
      %dma_start3A_84 = arith.constant 0 : i32
      %dma_start3A_85 = tpu.memref_slice %arg2[%dma_start3A_83, %dma_start3A_84] : memref<20000x64xf32, #tpu.memory_space<hbm>> -> memref<20000x64xf32, #tpu.memory_space<hbm>>
      tpu.enqueue_indirect_dma source(%dma_start3A_85 : memref<20000x64xf32, #tpu.memory_space<hbm>>) target(%arg10 : memref<128x64xf32, #tpu.memory_space<vmem>>) offsets(%dma_start3A_82 : memref<128xi32, #tpu.memory_space<vmem>>) semaphore(%arg19 : memref<!tpu.dma_semaphore, #tpu.memory_space<semaphore_mem>>)
      %dma_start3A_86 = arith.constant 4 : i32
      %dma_start3A_87 = arith.constant 0 : i32
      %dma_start3A_88 = tpu.memref_slice %arg5[%dma_start3A_86, %dma_start3A_87] : memref<80x128xi32, #tpu.memory_space<vmem>> -> memref<1x128xi32, #tpu.memory_space<vmem>>
      %dma_start3A_89 = tpu.memref_squeeze %dma_start3A_88 : memref<1x128xi32, #tpu.memory_space<vmem>> -> memref<128xi32, #tpu.memory_space<vmem>>
      %dma_start3A_90 = arith.constant 0 : i32
      %dma_start3A_91 = arith.constant 0 : i32
      %dma_start3A_92 = tpu.memref_slice %arg2[%dma_start3A_90, %dma_start3A_91] : memref<20000x64xf32, #tpu.memory_space<hbm>> -> memref<20000x64xf32, #tpu.memory_space<hbm>>
      tpu.enqueue_indirect_dma source(%dma_start3A_92 : memref<20000x64xf32, #tpu.memory_space<hbm>>) target(%arg11 : memref<128x64xf32, #tpu.memory_space<vmem>>) offsets(%dma_start3A_89 : memref<128xi32, #tpu.memory_space<vmem>>) semaphore(%arg20 : memref<!tpu.dma_semaphore, #tpu.memory_space<semaphore_mem>>)
      %dma_start3A_93 = arith.constant 5 : i32
      %dma_start3A_94 = arith.constant 0 : i32
      %dma_start3A_95 = tpu.memref_slice %arg5[%dma_start3A_93, %dma_start3A_94] : memref<80x128xi32, #tpu.memory_space<vmem>> -> memref<1x128xi32, #tpu.memory_space<vmem>>
      %dma_start3A_96 = tpu.memref_squeeze %dma_start3A_95 : memref<1x128xi32, #tpu.memory_space<vmem>> -> memref<128xi32, #tpu.memory_space<vmem>>
      %dma_start3A_97 = arith.constant 0 : i32
      %dma_start3A_98 = arith.constant 0 : i32
      %dma_start3A_99 = tpu.memref_slice %arg2[%dma_start3A_97, %dma_start3A_98] : memref<20000x64xf32, #tpu.memory_space<hbm>> -> memref<20000x64xf32, #tpu.memory_space<hbm>>
      tpu.enqueue_indirect_dma source(%dma_start3A_99 : memref<20000x64xf32, #tpu.memory_space<hbm>>) target(%arg12 : memref<128x64xf32, #tpu.memory_space<vmem>>) offsets(%dma_start3A_96 : memref<128xi32, #tpu.memory_space<vmem>>) semaphore(%arg21 : memref<!tpu.dma_semaphore, #tpu.memory_space<semaphore_mem>>)
      %dma_start3A_100 = arith.constant 6 : i32
      %dma_start3A_101 = arith.constant 0 : i32
      %dma_start3A_102 = tpu.memref_slice %arg5[%dma_start3A_100, %dma_start3A_101] : memref<80x128xi32, #tpu.memory_space<vmem>> -> memref<1x128xi32, #tpu.memory_space<vmem>>
      %dma_start3A_103 = tpu.memref_squeeze %dma_start3A_102 : memref<1x128xi32, #tpu.memory_space<vmem>> -> memref<128xi32, #tpu.memory_space<vmem>>
      %dma_start3A_104 = arith.constant 0 : i32
      %dma_start3A_105 = arith.constant 0 : i32
      %dma_start3A_106 = tpu.memref_slice %arg2[%dma_start3A_104, %dma_start3A_105] : memref<20000x64xf32, #tpu.memory_space<hbm>> -> memref<20000x64xf32, #tpu.memory_space<hbm>>
      tpu.enqueue_indirect_dma source(%dma_start3A_106 : memref<20000x64xf32, #tpu.memory_space<hbm>>) target(%arg13 : memref<128x64xf32, #tpu.memory_space<vmem>>) offsets(%dma_start3A_103 : memref<128xi32, #tpu.memory_space<vmem>>) semaphore(%arg22 : memref<!tpu.dma_semaphore, #tpu.memory_space<semaphore_mem>>)
      %dma_start3A_107 = arith.constant 7 : i32
      %dma_start3A_108 = arith.constant 0 : i32
      %dma_start3A_109 = tpu.memref_slice %arg5[%dma_start3A_107, %dma_start3A_108] : memref<80x128xi32, #tpu.memory_space<vmem>> -> memref<1x128xi32, #tpu.memory_space<vmem>>
      %dma_start3A_110 = tpu.memref_squeeze %dma_start3A_109 : memref<1x128xi32, #tpu.memory_space<vmem>> -> memref<128xi32, #tpu.memory_space<vmem>>
      %dma_start3A_111 = arith.constant 0 : i32
      %dma_start3A_112 = arith.constant 0 : i32
      %dma_start3A_113 = tpu.memref_slice %arg2[%dma_start3A_111, %dma_start3A_112] : memref<20000x64xf32, #tpu.memory_space<hbm>> -> memref<20000x64xf32, #tpu.memory_space<hbm>>
      tpu.enqueue_indirect_dma source(%dma_start3A_113 : memref<20000x64xf32, #tpu.memory_space<hbm>>) target(%arg14 : memref<128x64xf32, #tpu.memory_space<vmem>>) offsets(%dma_start3A_110 : memref<128xi32, #tpu.memory_space<vmem>>) semaphore(%arg23 : memref<!tpu.dma_semaphore, #tpu.memory_space<semaphore_mem>>)
      %scan3A_114 = arith.constant 0 : i32
      %scan3A_115 = arith.constant 10 : i32
      %scan3A_116 = arith.addi %scan3A_114, %scan3A_115 : i32
      %scan3A_117 = arith.constant 1 : i32
      scf.for %scan3A_119 = %scan3A_114 to %scan3A_116 step %scan3A_117  : i32 {
        %mul3A_120 = arith.constant 1 : i32
        %mul3A_121 = arith.muli %scan3A_119, %mul3A_120 : i32
        %add3A_122 = arith.constant 0 : i32
        %add3A_123 = arith.addi %add3A_122, %mul3A_121 : i32
        %mul3A_124 = arith.constant 8 : i32
        %mul3A_125 = arith.muli %add3A_123, %mul3A_124 : i32
        %add3A_126 = arith.constant 0 : i32
        %add3A_127 = arith.addi %mul3A_125, %add3A_126 : i32
        %dma_wait3A_128 = arith.constant 0 : i32
        %dma_wait3A_129 = tpu.memref_slice %arg5[%add3A_127, %dma_wait3A_128] : memref<80x128xi32, #tpu.memory_space<vmem>> -> memref<1x128xi32, #tpu.memory_space<vmem>>
        %dma_wait3A_130 = tpu.memref_squeeze %dma_wait3A_129 : memref<1x128xi32, #tpu.memory_space<vmem>> -> memref<128xi32, #tpu.memory_space<vmem>>
        %dma_wait3A_131 = arith.constant 0 : i32
        %dma_wait3A_132 = arith.constant 0 : i32
        %dma_wait3A_133 = tpu.memref_slice %arg2[%dma_wait3A_131, %dma_wait3A_132] : memref<20000x64xf32, #tpu.memory_space<hbm>> -> memref<20000x64xf32, #tpu.memory_space<hbm>>
        tpu.wait_indirect_dma semaphore(%arg16 : memref<!tpu.dma_semaphore, #tpu.memory_space<semaphore_mem>>) src(%dma_wait3A_133 : memref<20000x64xf32, #tpu.memory_space<hbm>>) dst(%arg7 : memref<128x64xf32, #tpu.memory_space<vmem>>)
        %add3A_134 = arith.constant 0 : i32
        %add3A_135 = arith.addi %mul3A_125, %add3A_134 : i32
        %dma_start3A_136 = arith.constant 0 : i32
        %dma_start3A_137 = tpu.memref_slice %arg6[%add3A_135, %dma_start3A_136] : memref<80x128xi32, #tpu.memory_space<vmem>> -> memref<1x128xi32, #tpu.memory_space<vmem>>
        %dma_start3A_138 = tpu.memref_squeeze %dma_start3A_137 : memref<1x128xi32, #tpu.memory_space<vmem>> -> memref<128xi32, #tpu.memory_space<vmem>>
        %dma_start3A_139 = arith.constant 0 : i32
        %dma_start3A_140 = arith.constant 0 : i32
        %dma_start3A_141 = tpu.memref_slice %arg15[%dma_start3A_139, %dma_start3A_140] : memref<10240x64xf32, #tpu.memory_space<vmem_shared>> -> memref<10240x64xf32, #tpu.memory_space<vmem_shared>>
        tpu.enqueue_indirect_dma source(%arg7 : memref<128x64xf32, #tpu.memory_space<vmem>>) target(%dma_start3A_141 : memref<10240x64xf32, #tpu.memory_space<vmem_shared>>) offsets(%dma_start3A_138 : memref<128xi32, #tpu.memory_space<vmem>>) semaphore(%arg24 : memref<!tpu.dma_semaphore, #tpu.memory_space<semaphore_mem>>) {add = true}
        %add3A_142 = arith.constant 1 : i32
        %add3A_143 = arith.addi %mul3A_125, %add3A_142 : i32
        %dma_wait3A_144 = arith.constant 0 : i32
        %dma_wait3A_145 = tpu.memref_slice %arg5[%add3A_143, %dma_wait3A_144] : memref<80x128xi32, #tpu.memory_space<vmem>> -> memref<1x128xi32, #tpu.memory_space<vmem>>
        %dma_wait3A_146 = tpu.memref_squeeze %dma_wait3A_145 : memref<1x128xi32, #tpu.memory_space<vmem>> -> memref<128xi32, #tpu.memory_space<vmem>>
        %dma_wait3A_147 = arith.constant 0 : i32
        %dma_wait3A_148 = arith.constant 0 : i32
        %dma_wait3A_149 = tpu.memref_slice %arg2[%dma_wait3A_147, %dma_wait3A_148] : memref<20000x64xf32, #tpu.memory_space<hbm>> -> memref<20000x64xf32, #tpu.memory_space<hbm>>
        tpu.wait_indirect_dma semaphore(%arg17 : memref<!tpu.dma_semaphore, #tpu.memory_space<semaphore_mem>>) src(%dma_wait3A_149 : memref<20000x64xf32, #tpu.memory_space<hbm>>) dst(%arg8 : memref<128x64xf32, #tpu.memory_space<vmem>>)
        %add3A_150 = arith.constant 1 : i32
        %add3A_151 = arith.addi %mul3A_125, %add3A_150 : i32
        %dma_start3A_152 = arith.constant 0 : i32
        %dma_start3A_153 = tpu.memref_slice %arg6[%add3A_151, %dma_start3A_152] : memref<80x128xi32, #tpu.memory_space<vmem>> -> memref<1x128xi32, #tpu.memory_space<vmem>>
        %dma_start3A_154 = tpu.memref_squeeze %dma_start3A_153 : memref<1x128xi32, #tpu.memory_space<vmem>> -> memref<128xi32, #tpu.memory_space<vmem>>
        %dma_start3A_155 = arith.constant 0 : i32
        %dma_start3A_156 = arith.constant 0 : i32
        %dma_start3A_157 = tpu.memref_slice %arg15[%dma_start3A_155, %dma_start3A_156] : memref<10240x64xf32, #tpu.memory_space<vmem_shared>> -> memref<10240x64xf32, #tpu.memory_space<vmem_shared>>
        tpu.enqueue_indirect_dma source(%arg8 : memref<128x64xf32, #tpu.memory_space<vmem>>) target(%dma_start3A_157 : memref<10240x64xf32, #tpu.memory_space<vmem_shared>>) offsets(%dma_start3A_154 : memref<128xi32, #tpu.memory_space<vmem>>) semaphore(%arg25 : memref<!tpu.dma_semaphore, #tpu.memory_space<semaphore_mem>>) {add = true}
        %add3A_158 = arith.constant 2 : i32
        %add3A_159 = arith.addi %mul3A_125, %add3A_158 : i32
        %dma_wait3A_160 = arith.constant 0 : i32
        %dma_wait3A_161 = tpu.memref_slice %arg5[%add3A_159, %dma_wait3A_160] : memref<80x128xi32, #tpu.memory_space<vmem>> -> memref<1x128xi32, #tpu.memory_space<vmem>>
        %dma_wait3A_162 = tpu.memref_squeeze %dma_wait3A_161 : memref<1x128xi32, #tpu.memory_space<vmem>> -> memref<128xi32, #tpu.memory_space<vmem>>
        %dma_wait3A_163 = arith.constant 0 : i32
        %dma_wait3A_164 = arith.constant 0 : i32
        %dma_wait3A_165 = tpu.memref_slice %arg2[%dma_wait3A_163, %dma_wait3A_164] : memref<20000x64xf32, #tpu.memory_space<hbm>> -> memref<20000x64xf32, #tpu.memory_space<hbm>>
        tpu.wait_indirect_dma semaphore(%arg18 : memref<!tpu.dma_semaphore, #tpu.memory_space<semaphore_mem>>) src(%dma_wait3A_165 : memref<20000x64xf32, #tpu.memory_space<hbm>>) dst(%arg9 : memref<128x64xf32, #tpu.memory_space<vmem>>)
        %add3A_166 = arith.constant 2 : i32
        %add3A_167 = arith.addi %mul3A_125, %add3A_166 : i32
        %dma_start3A_168 = arith.constant 0 : i32
        %dma_start3A_169 = tpu.memref_slice %arg6[%add3A_167, %dma_start3A_168] : memref<80x128xi32, #tpu.memory_space<vmem>> -> memref<1x128xi32, #tpu.memory_space<vmem>>
        %dma_start3A_170 = tpu.memref_squeeze %dma_start3A_169 : memref<1x128xi32, #tpu.memory_space<vmem>> -> memref<128xi32, #tpu.memory_space<vmem>>
        %dma_start3A_171 = arith.constant 0 : i32
        %dma_start3A_172 = arith.constant 0 : i32
        %dma_start3A_173 = tpu.memref_slice %arg15[%dma_start3A_171, %dma_start3A_172] : memref<10240x64xf32, #tpu.memory_space<vmem_shared>> -> memref<10240x64xf32, #tpu.memory_space<vmem_shared>>
        tpu.enqueue_indirect_dma source(%arg9 : memref<128x64xf32, #tpu.memory_space<vmem>>) target(%dma_start3A_173 : memref<10240x64xf32, #tpu.memory_space<vmem_shared>>) offsets(%dma_start3A_170 : memref<128xi32, #tpu.memory_space<vmem>>) semaphore(%arg26 : memref<!tpu.dma_semaphore, #tpu.memory_space<semaphore_mem>>) {add = true}
        %add3A_174 = arith.constant 3 : i32
        %add3A_175 = arith.addi %mul3A_125, %add3A_174 : i32
        %dma_wait3A_176 = arith.constant 0 : i32
        %dma_wait3A_177 = tpu.memref_slice %arg5[%add3A_175, %dma_wait3A_176] : memref<80x128xi32, #tpu.memory_space<vmem>> -> memref<1x128xi32, #tpu.memory_space<vmem>>
        %dma_wait3A_178 = tpu.memref_squeeze %dma_wait3A_177 : memref<1x128xi32, #tpu.memory_space<vmem>> -> memref<128xi32, #tpu.memory_space<vmem>>
        %dma_wait3A_179 = arith.constant 0 : i32
        %dma_wait3A_180 = arith.constant 0 : i32
        %dma_wait3A_181 = tpu.memref_slice %arg2[%dma_wait3A_179, %dma_wait3A_180] : memref<20000x64xf32, #tpu.memory_space<hbm>> -> memref<20000x64xf32, #tpu.memory_space<hbm>>
        tpu.wait_indirect_dma semaphore(%arg19 : memref<!tpu.dma_semaphore, #tpu.memory_space<semaphore_mem>>) src(%dma_wait3A_181 : memref<20000x64xf32, #tpu.memory_space<hbm>>) dst(%arg10 : memref<128x64xf32, #tpu.memory_space<vmem>>)
        %add3A_182 = arith.constant 3 : i32
        %add3A_183 = arith.addi %mul3A_125, %add3A_182 : i32
        %dma_start3A_184 = arith.constant 0 : i32
        %dma_start3A_185 = tpu.memref_slice %arg6[%add3A_183, %dma_start3A_184] : memref<80x128xi32, #tpu.memory_space<vmem>> -> memref<1x128xi32, #tpu.memory_space<vmem>>
        %dma_start3A_186 = tpu.memref_squeeze %dma_start3A_185 : memref<1x128xi32, #tpu.memory_space<vmem>> -> memref<128xi32, #tpu.memory_space<vmem>>
        %dma_start3A_187 = arith.constant 0 : i32
        %dma_start3A_188 = arith.constant 0 : i32
        %dma_start3A_189 = tpu.memref_slice %arg15[%dma_start3A_187, %dma_start3A_188] : memref<10240x64xf32, #tpu.memory_space<vmem_shared>> -> memref<10240x64xf32, #tpu.memory_space<vmem_shared>>
        tpu.enqueue_indirect_dma source(%arg10 : memref<128x64xf32, #tpu.memory_space<vmem>>) target(%dma_start3A_189 : memref<10240x64xf32, #tpu.memory_space<vmem_shared>>) offsets(%dma_start3A_186 : memref<128xi32, #tpu.memory_space<vmem>>) semaphore(%arg27 : memref<!tpu.dma_semaphore, #tpu.memory_space<semaphore_mem>>) {add = true}
        %add3A_190 = arith.constant 4 : i32
        %add3A_191 = arith.addi %mul3A_125, %add3A_190 : i32
        %dma_wait3A_192 = arith.constant 0 : i32
        %dma_wait3A_193 = tpu.memref_slice %arg5[%add3A_191, %dma_wait3A_192] : memref<80x128xi32, #tpu.memory_space<vmem>> -> memref<1x128xi32, #tpu.memory_space<vmem>>
        %dma_wait3A_194 = tpu.memref_squeeze %dma_wait3A_193 : memref<1x128xi32, #tpu.memory_space<vmem>> -> memref<128xi32, #tpu.memory_space<vmem>>
        %dma_wait3A_195 = arith.constant 0 : i32
        %dma_wait3A_196 = arith.constant 0 : i32
        %dma_wait3A_197 = tpu.memref_slice %arg2[%dma_wait3A_195, %dma_wait3A_196] : memref<20000x64xf32, #tpu.memory_space<hbm>> -> memref<20000x64xf32, #tpu.memory_space<hbm>>
        tpu.wait_indirect_dma semaphore(%arg20 : memref<!tpu.dma_semaphore, #tpu.memory_space<semaphore_mem>>) src(%dma_wait3A_197 : memref<20000x64xf32, #tpu.memory_space<hbm>>) dst(%arg11 : memref<128x64xf32, #tpu.memory_space<vmem>>)
        %add3A_198 = arith.constant 4 : i32
        %add3A_199 = arith.addi %mul3A_125, %add3A_198 : i32
        %dma_start3A_200 = arith.constant 0 : i32
        %dma_start3A_201 = tpu.memref_slice %arg6[%add3A_199, %dma_start3A_200] : memref<80x128xi32, #tpu.memory_space<vmem>> -> memref<1x128xi32, #tpu.memory_space<vmem>>
        %dma_start3A_202 = tpu.memref_squeeze %dma_start3A_201 : memref<1x128xi32, #tpu.memory_space<vmem>> -> memref<128xi32, #tpu.memory_space<vmem>>
        %dma_start3A_203 = arith.constant 0 : i32
        %dma_start3A_204 = arith.constant 0 : i32
        %dma_start3A_205 = tpu.memref_slice %arg15[%dma_start3A_203, %dma_start3A_204] : memref<10240x64xf32, #tpu.memory_space<vmem_shared>> -> memref<10240x64xf32, #tpu.memory_space<vmem_shared>>
        tpu.enqueue_indirect_dma source(%arg11 : memref<128x64xf32, #tpu.memory_space<vmem>>) target(%dma_start3A_205 : memref<10240x64xf32, #tpu.memory_space<vmem_shared>>) offsets(%dma_start3A_202 : memref<128xi32, #tpu.memory_space<vmem>>) semaphore(%arg28 : memref<!tpu.dma_semaphore, #tpu.memory_space<semaphore_mem>>) {add = true}
        %add3A_206 = arith.constant 5 : i32
        %add3A_207 = arith.addi %mul3A_125, %add3A_206 : i32
        %dma_wait3A_208 = arith.constant 0 : i32
        %dma_wait3A_209 = tpu.memref_slice %arg5[%add3A_207, %dma_wait3A_208] : memref<80x128xi32, #tpu.memory_space<vmem>> -> memref<1x128xi32, #tpu.memory_space<vmem>>
        %dma_wait3A_210 = tpu.memref_squeeze %dma_wait3A_209 : memref<1x128xi32, #tpu.memory_space<vmem>> -> memref<128xi32, #tpu.memory_space<vmem>>
        %dma_wait3A_211 = arith.constant 0 : i32
        %dma_wait3A_212 = arith.constant 0 : i32
        %dma_wait3A_213 = tpu.memref_slice %arg2[%dma_wait3A_211, %dma_wait3A_212] : memref<20000x64xf32, #tpu.memory_space<hbm>> -> memref<20000x64xf32, #tpu.memory_space<hbm>>
        tpu.wait_indirect_dma semaphore(%arg21 : memref<!tpu.dma_semaphore, #tpu.memory_space<semaphore_mem>>) src(%dma_wait3A_213 : memref<20000x64xf32, #tpu.memory_space<hbm>>) dst(%arg12 : memref<128x64xf32, #tpu.memory_space<vmem>>)
        %add3A_214 = arith.constant 5 : i32
        %add3A_215 = arith.addi %mul3A_125, %add3A_214 : i32
        %dma_start3A_216 = arith.constant 0 : i32
        %dma_start3A_217 = tpu.memref_slice %arg6[%add3A_215, %dma_start3A_216] : memref<80x128xi32, #tpu.memory_space<vmem>> -> memref<1x128xi32, #tpu.memory_space<vmem>>
        %dma_start3A_218 = tpu.memref_squeeze %dma_start3A_217 : memref<1x128xi32, #tpu.memory_space<vmem>> -> memref<128xi32, #tpu.memory_space<vmem>>
        %dma_start3A_219 = arith.constant 0 : i32
        %dma_start3A_220 = arith.constant 0 : i32
        %dma_start3A_221 = tpu.memref_slice %arg15[%dma_start3A_219, %dma_start3A_220] : memref<10240x64xf32, #tpu.memory_space<vmem_shared>> -> memref<10240x64xf32, #tpu.memory_space<vmem_shared>>
        tpu.enqueue_indirect_dma source(%arg12 : memref<128x64xf32, #tpu.memory_space<vmem>>) target(%dma_start3A_221 : memref<10240x64xf32, #tpu.memory_space<vmem_shared>>) offsets(%dma_start3A_218 : memref<128xi32, #tpu.memory_space<vmem>>) semaphore(%arg29 : memref<!tpu.dma_semaphore, #tpu.memory_space<semaphore_mem>>) {add = true}
        %add3A_222 = arith.constant 6 : i32
        %add3A_223 = arith.addi %mul3A_125, %add3A_222 : i32
        %dma_wait3A_224 = arith.constant 0 : i32
        %dma_wait3A_225 = tpu.memref_slice %arg5[%add3A_223, %dma_wait3A_224] : memref<80x128xi32, #tpu.memory_space<vmem>> -> memref<1x128xi32, #tpu.memory_space<vmem>>
        %dma_wait3A_226 = tpu.memref_squeeze %dma_wait3A_225 : memref<1x128xi32, #tpu.memory_space<vmem>> -> memref<128xi32, #tpu.memory_space<vmem>>
        %dma_wait3A_227 = arith.constant 0 : i32
        %dma_wait3A_228 = arith.constant 0 : i32
        %dma_wait3A_229 = tpu.memref_slice %arg2[%dma_wait3A_227, %dma_wait3A_228] : memref<20000x64xf32, #tpu.memory_space<hbm>> -> memref<20000x64xf32, #tpu.memory_space<hbm>>
        tpu.wait_indirect_dma semaphore(%arg22 : memref<!tpu.dma_semaphore, #tpu.memory_space<semaphore_mem>>) src(%dma_wait3A_229 : memref<20000x64xf32, #tpu.memory_space<hbm>>) dst(%arg13 : memref<128x64xf32, #tpu.memory_space<vmem>>)
        %add3A_230 = arith.constant 6 : i32
        %add3A_231 = arith.addi %mul3A_125, %add3A_230 : i32
        %dma_start3A_232 = arith.constant 0 : i32
        %dma_start3A_233 = tpu.memref_slice %arg6[%add3A_231, %dma_start3A_232] : memref<80x128xi32, #tpu.memory_space<vmem>> -> memref<1x128xi32, #tpu.memory_space<vmem>>
        %dma_start3A_234 = tpu.memref_squeeze %dma_start3A_233 : memref<1x128xi32, #tpu.memory_space<vmem>> -> memref<128xi32, #tpu.memory_space<vmem>>
        %dma_start3A_235 = arith.constant 0 : i32
        %dma_start3A_236 = arith.constant 0 : i32
        %dma_start3A_237 = tpu.memref_slice %arg15[%dma_start3A_235, %dma_start3A_236] : memref<10240x64xf32, #tpu.memory_space<vmem_shared>> -> memref<10240x64xf32, #tpu.memory_space<vmem_shared>>
        tpu.enqueue_indirect_dma source(%arg13 : memref<128x64xf32, #tpu.memory_space<vmem>>) target(%dma_start3A_237 : memref<10240x64xf32, #tpu.memory_space<vmem_shared>>) offsets(%dma_start3A_234 : memref<128xi32, #tpu.memory_space<vmem>>) semaphore(%arg30 : memref<!tpu.dma_semaphore, #tpu.memory_space<semaphore_mem>>) {add = true}
        %add3A_238 = arith.constant 7 : i32
        %add3A_239 = arith.addi %mul3A_125, %add3A_238 : i32
        %dma_wait3A_240 = arith.constant 0 : i32
        %dma_wait3A_241 = tpu.memref_slice %arg5[%add3A_239, %dma_wait3A_240] : memref<80x128xi32, #tpu.memory_space<vmem>> -> memref<1x128xi32, #tpu.memory_space<vmem>>
        %dma_wait3A_242 = tpu.memref_squeeze %dma_wait3A_241 : memref<1x128xi32, #tpu.memory_space<vmem>> -> memref<128xi32, #tpu.memory_space<vmem>>
        %dma_wait3A_243 = arith.constant 0 : i32
        %dma_wait3A_244 = arith.constant 0 : i32
        %dma_wait3A_245 = tpu.memref_slice %arg2[%dma_wait3A_243, %dma_wait3A_244] : memref<20000x64xf32, #tpu.memory_space<hbm>> -> memref<20000x64xf32, #tpu.memory_space<hbm>>
        tpu.wait_indirect_dma semaphore(%arg23 : memref<!tpu.dma_semaphore, #tpu.memory_space<semaphore_mem>>) src(%dma_wait3A_245 : memref<20000x64xf32, #tpu.memory_space<hbm>>) dst(%arg14 : memref<128x64xf32, #tpu.memory_space<vmem>>)
        %add3A_246 = arith.constant 7 : i32
        %add3A_247 = arith.addi %mul3A_125, %add3A_246 : i32
        %dma_start3A_248 = arith.constant 0 : i32
        %dma_start3A_249 = tpu.memref_slice %arg6[%add3A_247, %dma_start3A_248] : memref<80x128xi32, #tpu.memory_space<vmem>> -> memref<1x128xi32, #tpu.memory_space<vmem>>
        %dma_start3A_250 = tpu.memref_squeeze %dma_start3A_249 : memref<1x128xi32, #tpu.memory_space<vmem>> -> memref<128xi32, #tpu.memory_space<vmem>>
        %dma_start3A_251 = arith.constant 0 : i32
        %dma_start3A_252 = arith.constant 0 : i32
        %dma_start3A_253 = tpu.memref_slice %arg15[%dma_start3A_251, %dma_start3A_252] : memref<10240x64xf32, #tpu.memory_space<vmem_shared>> -> memref<10240x64xf32, #tpu.memory_space<vmem_shared>>
        tpu.enqueue_indirect_dma source(%arg14 : memref<128x64xf32, #tpu.memory_space<vmem>>) target(%dma_start3A_253 : memref<10240x64xf32, #tpu.memory_space<vmem_shared>>) offsets(%dma_start3A_250 : memref<128xi32, #tpu.memory_space<vmem>>) semaphore(%arg31 : memref<!tpu.dma_semaphore, #tpu.memory_space<semaphore_mem>>) {add = true}
        %add3A_254 = arith.constant 0 : i32
        %add3A_255 = arith.addi %mul3A_125, %add3A_254 : i32
        %dma_wait3A_256 = arith.constant 0 : i32
        %dma_wait3A_257 = tpu.memref_slice %arg6[%add3A_255, %dma_wait3A_256] : memref<80x128xi32, #tpu.memory_space<vmem>> -> memref<1x128xi32, #tpu.memory_space<vmem>>
        %dma_wait3A_258 = tpu.memref_squeeze %dma_wait3A_257 : memref<1x128xi32, #tpu.memory_space<vmem>> -> memref<128xi32, #tpu.memory_space<vmem>>
        %dma_wait3A_259 = arith.constant 0 : i32
        %dma_wait3A_260 = arith.constant 0 : i32
        %dma_wait3A_261 = tpu.memref_slice %arg15[%dma_wait3A_259, %dma_wait3A_260] : memref<10240x64xf32, #tpu.memory_space<vmem_shared>> -> memref<10240x64xf32, #tpu.memory_space<vmem_shared>>
        tpu.wait_indirect_dma semaphore(%arg24 : memref<!tpu.dma_semaphore, #tpu.memory_space<semaphore_mem>>) src(%arg7 : memref<128x64xf32, #tpu.memory_space<vmem>>) dst(%dma_wait3A_261 : memref<10240x64xf32, #tpu.memory_space<vmem_shared>>)
        %add3A_262 = arith.constant 8 : i32
        %add3A_263 = arith.addi %mul3A_125, %add3A_262 : i32
        %add3A_264 = arith.constant 0 : i32
        %add3A_265 = arith.addi %add3A_263, %add3A_264 : i32
        %lt3A = arith.constant 80 : i32
        %lt3A_266 = arith.cmpi slt, %add3A_265, %lt3A : i32
        %convert_element_type3A_267 = arith.extui %lt3A_266 : i1 to i32
        %cond3A_268 = arith.constant 0 : i32
        %cond3A_269 = arith.cmpi ne, %convert_element_type3A_267, %cond3A_268 : i32
        scf.if %cond3A_269 {
          %add3A_389 = arith.constant 8 : i32
          %add3A_390 = arith.addi %mul3A_125, %add3A_389 : i32
          %add3A_391 = arith.constant 0 : i32
          %add3A_392 = arith.addi %add3A_390, %add3A_391 : i32
          %dma_start3A_393 = arith.constant 0 : i32
          %dma_start3A_394 = tpu.memref_slice %arg5[%add3A_392, %dma_start3A_393] : memref<80x128xi32, #tpu.memory_space<vmem>> -> memref<1x128xi32, #tpu.memory_space<vmem>>
          %dma_start3A_395 = tpu.memref_squeeze %dma_start3A_394 : memref<1x128xi32, #tpu.memory_space<vmem>> -> memref<128xi32, #tpu.memory_space<vmem>>
          %dma_start3A_396 = arith.constant 0 : i32
          %dma_start3A_397 = arith.constant 0 : i32
          %dma_start3A_398 = tpu.memref_slice %arg2[%dma_start3A_396, %dma_start3A_397] : memref<20000x64xf32, #tpu.memory_space<hbm>> -> memref<20000x64xf32, #tpu.memory_space<hbm>>
          tpu.enqueue_indirect_dma source(%dma_start3A_398 : memref<20000x64xf32, #tpu.memory_space<hbm>>) target(%arg7 : memref<128x64xf32, #tpu.memory_space<vmem>>) offsets(%dma_start3A_395 : memref<128xi32, #tpu.memory_space<vmem>>) semaphore(%arg16 : memref<!tpu.dma_semaphore, #tpu.memory_space<semaphore_mem>>)
        } else {
        }
        %add3A_270 = arith.constant 1 : i32
        %add3A_271 = arith.addi %mul3A_125, %add3A_270 : i32
        %dma_wait3A_272 = arith.constant 0 : i32
        %dma_wait3A_273 = tpu.memref_slice %arg6[%add3A_271, %dma_wait3A_272] : memref<80x128xi32, #tpu.memory_space<vmem>> -> memref<1x128xi32, #tpu.memory_space<vmem>>
        %dma_wait3A_274 = tpu.memref_squeeze %dma_wait3A_273 : memref<1x128xi32, #tpu.memory_space<vmem>> -> memref<128xi32, #tpu.memory_space<vmem>>
        %dma_wait3A_275 = arith.constant 0 : i32
        %dma_wait3A_276 = arith.constant 0 : i32
        %dma_wait3A_277 = tpu.memref_slice %arg15[%dma_wait3A_275, %dma_wait3A_276] : memref<10240x64xf32, #tpu.memory_space<vmem_shared>> -> memref<10240x64xf32, #tpu.memory_space<vmem_shared>>
        tpu.wait_indirect_dma semaphore(%arg25 : memref<!tpu.dma_semaphore, #tpu.memory_space<semaphore_mem>>) src(%arg8 : memref<128x64xf32, #tpu.memory_space<vmem>>) dst(%dma_wait3A_277 : memref<10240x64xf32, #tpu.memory_space<vmem_shared>>)
        %add3A_278 = arith.constant 8 : i32
        %add3A_279 = arith.addi %mul3A_125, %add3A_278 : i32
        %add3A_280 = arith.constant 1 : i32
        %add3A_281 = arith.addi %add3A_279, %add3A_280 : i32
        %lt3A_282 = arith.constant 80 : i32
        %lt3A_283 = arith.cmpi slt, %add3A_281, %lt3A_282 : i32
        %convert_element_type3A_284 = arith.extui %lt3A_283 : i1 to i32
        %cond3A_285 = arith.constant 0 : i32
        %cond3A_286 = arith.cmpi ne, %convert_element_type3A_284, %cond3A_285 : i32
        scf.if %cond3A_286 {
          %add3A_389 = arith.constant 8 : i32
          %add3A_390 = arith.addi %mul3A_125, %add3A_389 : i32
          %add3A_391 = arith.constant 1 : i32
          %add3A_392 = arith.addi %add3A_390, %add3A_391 : i32
          %dma_start3A_393 = arith.constant 0 : i32
          %dma_start3A_394 = tpu.memref_slice %arg5[%add3A_392, %dma_start3A_393] : memref<80x128xi32, #tpu.memory_space<vmem>> -> memref<1x128xi32, #tpu.memory_space<vmem>>
          %dma_start3A_395 = tpu.memref_squeeze %dma_start3A_394 : memref<1x128xi32, #tpu.memory_space<vmem>> -> memref<128xi32, #tpu.memory_space<vmem>>
          %dma_start3A_396 = arith.constant 0 : i32
          %dma_start3A_397 = arith.constant 0 : i32
          %dma_start3A_398 = tpu.memref_slice %arg2[%dma_start3A_396, %dma_start3A_397] : memref<20000x64xf32, #tpu.memory_space<hbm>> -> memref<20000x64xf32, #tpu.memory_space<hbm>>
          tpu.enqueue_indirect_dma source(%dma_start3A_398 : memref<20000x64xf32, #tpu.memory_space<hbm>>) target(%arg8 : memref<128x64xf32, #tpu.memory_space<vmem>>) offsets(%dma_start3A_395 : memref<128xi32, #tpu.memory_space<vmem>>) semaphore(%arg17 : memref<!tpu.dma_semaphore, #tpu.memory_space<semaphore_mem>>)
        } else {
        }
        %add3A_287 = arith.constant 2 : i32
        %add3A_288 = arith.addi %mul3A_125, %add3A_287 : i32
        %dma_wait3A_289 = arith.constant 0 : i32
        %dma_wait3A_290 = tpu.memref_slice %arg6[%add3A_288, %dma_wait3A_289] : memref<80x128xi32, #tpu.memory_space<vmem>> -> memref<1x128xi32, #tpu.memory_space<vmem>>
        %dma_wait3A_291 = tpu.memref_squeeze %dma_wait3A_290 : memref<1x128xi32, #tpu.memory_space<vmem>> -> memref<128xi32, #tpu.memory_space<vmem>>
        %dma_wait3A_292 = arith.constant 0 : i32
        %dma_wait3A_293 = arith.constant 0 : i32
        %dma_wait3A_294 = tpu.memref_slice %arg15[%dma_wait3A_292, %dma_wait3A_293] : memref<10240x64xf32, #tpu.memory_space<vmem_shared>> -> memref<10240x64xf32, #tpu.memory_space<vmem_shared>>
        tpu.wait_indirect_dma semaphore(%arg26 : memref<!tpu.dma_semaphore, #tpu.memory_space<semaphore_mem>>) src(%arg9 : memref<128x64xf32, #tpu.memory_space<vmem>>) dst(%dma_wait3A_294 : memref<10240x64xf32, #tpu.memory_space<vmem_shared>>)
        %add3A_295 = arith.constant 8 : i32
        %add3A_296 = arith.addi %mul3A_125, %add3A_295 : i32
        %add3A_297 = arith.constant 2 : i32
        %add3A_298 = arith.addi %add3A_296, %add3A_297 : i32
        %lt3A_299 = arith.constant 80 : i32
        %lt3A_300 = arith.cmpi slt, %add3A_298, %lt3A_299 : i32
        %convert_element_type3A_301 = arith.extui %lt3A_300 : i1 to i32
        %cond3A_302 = arith.constant 0 : i32
        %cond3A_303 = arith.cmpi ne, %convert_element_type3A_301, %cond3A_302 : i32
        scf.if %cond3A_303 {
          %add3A_389 = arith.constant 8 : i32
          %add3A_390 = arith.addi %mul3A_125, %add3A_389 : i32
          %add3A_391 = arith.constant 2 : i32
          %add3A_392 = arith.addi %add3A_390, %add3A_391 : i32
          %dma_start3A_393 = arith.constant 0 : i32
          %dma_start3A_394 = tpu.memref_slice %arg5[%add3A_392, %dma_start3A_393] : memref<80x128xi32, #tpu.memory_space<vmem>> -> memref<1x128xi32, #tpu.memory_space<vmem>>
          %dma_start3A_395 = tpu.memref_squeeze %dma_start3A_394 : memref<1x128xi32, #tpu.memory_space<vmem>> -> memref<128xi32, #tpu.memory_space<vmem>>
          %dma_start3A_396 = arith.constant 0 : i32
          %dma_start3A_397 = arith.constant 0 : i32
          %dma_start3A_398 = tpu.memref_slice %arg2[%dma_start3A_396, %dma_start3A_397] : memref<20000x64xf32, #tpu.memory_space<hbm>> -> memref<20000x64xf32, #tpu.memory_space<hbm>>
          tpu.enqueue_indirect_dma source(%dma_start3A_398 : memref<20000x64xf32, #tpu.memory_space<hbm>>) target(%arg9 : memref<128x64xf32, #tpu.memory_space<vmem>>) offsets(%dma_start3A_395 : memref<128xi32, #tpu.memory_space<vmem>>) semaphore(%arg18 : memref<!tpu.dma_semaphore, #tpu.memory_space<semaphore_mem>>)
        } else {
        }
        %add3A_304 = arith.constant 3 : i32
        %add3A_305 = arith.addi %mul3A_125, %add3A_304 : i32
        %dma_wait3A_306 = arith.constant 0 : i32
        %dma_wait3A_307 = tpu.memref_slice %arg6[%add3A_305, %dma_wait3A_306] : memref<80x128xi32, #tpu.memory_space<vmem>> -> memref<1x128xi32, #tpu.memory_space<vmem>>
        %dma_wait3A_308 = tpu.memref_squeeze %dma_wait3A_307 : memref<1x128xi32, #tpu.memory_space<vmem>> -> memref<128xi32, #tpu.memory_space<vmem>>
        %dma_wait3A_309 = arith.constant 0 : i32
        %dma_wait3A_310 = arith.constant 0 : i32
        %dma_wait3A_311 = tpu.memref_slice %arg15[%dma_wait3A_309, %dma_wait3A_310] : memref<10240x64xf32, #tpu.memory_space<vmem_shared>> -> memref<10240x64xf32, #tpu.memory_space<vmem_shared>>
        tpu.wait_indirect_dma semaphore(%arg27 : memref<!tpu.dma_semaphore, #tpu.memory_space<semaphore_mem>>) src(%arg10 : memref<128x64xf32, #tpu.memory_space<vmem>>) dst(%dma_wait3A_311 : memref<10240x64xf32, #tpu.memory_space<vmem_shared>>)
        %add3A_312 = arith.constant 8 : i32
        %add3A_313 = arith.addi %mul3A_125, %add3A_312 : i32
        %add3A_314 = arith.constant 3 : i32
        %add3A_315 = arith.addi %add3A_313, %add3A_314 : i32
        %lt3A_316 = arith.constant 80 : i32
        %lt3A_317 = arith.cmpi slt, %add3A_315, %lt3A_316 : i32
        %convert_element_type3A_318 = arith.extui %lt3A_317 : i1 to i32
        %cond3A_319 = arith.constant 0 : i32
        %cond3A_320 = arith.cmpi ne, %convert_element_type3A_318, %cond3A_319 : i32
        scf.if %cond3A_320 {
          %add3A_389 = arith.constant 8 : i32
          %add3A_390 = arith.addi %mul3A_125, %add3A_389 : i32
          %add3A_391 = arith.constant 3 : i32
          %add3A_392 = arith.addi %add3A_390, %add3A_391 : i32
          %dma_start3A_393 = arith.constant 0 : i32
          %dma_start3A_394 = tpu.memref_slice %arg5[%add3A_392, %dma_start3A_393] : memref<80x128xi32, #tpu.memory_space<vmem>> -> memref<1x128xi32, #tpu.memory_space<vmem>>
          %dma_start3A_395 = tpu.memref_squeeze %dma_start3A_394 : memref<1x128xi32, #tpu.memory_space<vmem>> -> memref<128xi32, #tpu.memory_space<vmem>>
          %dma_start3A_396 = arith.constant 0 : i32
          %dma_start3A_397 = arith.constant 0 : i32
          %dma_start3A_398 = tpu.memref_slice %arg2[%dma_start3A_396, %dma_start3A_397] : memref<20000x64xf32, #tpu.memory_space<hbm>> -> memref<20000x64xf32, #tpu.memory_space<hbm>>
          tpu.enqueue_indirect_dma source(%dma_start3A_398 : memref<20000x64xf32, #tpu.memory_space<hbm>>) target(%arg10 : memref<128x64xf32, #tpu.memory_space<vmem>>) offsets(%dma_start3A_395 : memref<128xi32, #tpu.memory_space<vmem>>) semaphore(%arg19 : memref<!tpu.dma_semaphore, #tpu.memory_space<semaphore_mem>>)
        } else {
        }
        %add3A_321 = arith.constant 4 : i32
        %add3A_322 = arith.addi %mul3A_125, %add3A_321 : i32
        %dma_wait3A_323 = arith.constant 0 : i32
        %dma_wait3A_324 = tpu.memref_slice %arg6[%add3A_322, %dma_wait3A_323] : memref<80x128xi32, #tpu.memory_space<vmem>> -> memref<1x128xi32, #tpu.memory_space<vmem>>
        %dma_wait3A_325 = tpu.memref_squeeze %dma_wait3A_324 : memref<1x128xi32, #tpu.memory_space<vmem>> -> memref<128xi32, #tpu.memory_space<vmem>>
        %dma_wait3A_326 = arith.constant 0 : i32
        %dma_wait3A_327 = arith.constant 0 : i32
        %dma_wait3A_328 = tpu.memref_slice %arg15[%dma_wait3A_326, %dma_wait3A_327] : memref<10240x64xf32, #tpu.memory_space<vmem_shared>> -> memref<10240x64xf32, #tpu.memory_space<vmem_shared>>
        tpu.wait_indirect_dma semaphore(%arg28 : memref<!tpu.dma_semaphore, #tpu.memory_space<semaphore_mem>>) src(%arg11 : memref<128x64xf32, #tpu.memory_space<vmem>>) dst(%dma_wait3A_328 : memref<10240x64xf32, #tpu.memory_space<vmem_shared>>)
        %add3A_329 = arith.constant 8 : i32
        %add3A_330 = arith.addi %mul3A_125, %add3A_329 : i32
        %add3A_331 = arith.constant 4 : i32
        %add3A_332 = arith.addi %add3A_330, %add3A_331 : i32
        %lt3A_333 = arith.constant 80 : i32
        %lt3A_334 = arith.cmpi slt, %add3A_332, %lt3A_333 : i32
        %convert_element_type3A_335 = arith.extui %lt3A_334 : i1 to i32
        %cond3A_336 = arith.constant 0 : i32
        %cond3A_337 = arith.cmpi ne, %convert_element_type3A_335, %cond3A_336 : i32
        scf.if %cond3A_337 {
          %add3A_389 = arith.constant 8 : i32
          %add3A_390 = arith.addi %mul3A_125, %add3A_389 : i32
          %add3A_391 = arith.constant 4 : i32
          %add3A_392 = arith.addi %add3A_390, %add3A_391 : i32
          %dma_start3A_393 = arith.constant 0 : i32
          %dma_start3A_394 = tpu.memref_slice %arg5[%add3A_392, %dma_start3A_393] : memref<80x128xi32, #tpu.memory_space<vmem>> -> memref<1x128xi32, #tpu.memory_space<vmem>>
          %dma_start3A_395 = tpu.memref_squeeze %dma_start3A_394 : memref<1x128xi32, #tpu.memory_space<vmem>> -> memref<128xi32, #tpu.memory_space<vmem>>
          %dma_start3A_396 = arith.constant 0 : i32
          %dma_start3A_397 = arith.constant 0 : i32
          %dma_start3A_398 = tpu.memref_slice %arg2[%dma_start3A_396, %dma_start3A_397] : memref<20000x64xf32, #tpu.memory_space<hbm>> -> memref<20000x64xf32, #tpu.memory_space<hbm>>
          tpu.enqueue_indirect_dma source(%dma_start3A_398 : memref<20000x64xf32, #tpu.memory_space<hbm>>) target(%arg11 : memref<128x64xf32, #tpu.memory_space<vmem>>) offsets(%dma_start3A_395 : memref<128xi32, #tpu.memory_space<vmem>>) semaphore(%arg20 : memref<!tpu.dma_semaphore, #tpu.memory_space<semaphore_mem>>)
        } else {
        }
        %add3A_338 = arith.constant 5 : i32
        %add3A_339 = arith.addi %mul3A_125, %add3A_338 : i32
        %dma_wait3A_340 = arith.constant 0 : i32
        %dma_wait3A_341 = tpu.memref_slice %arg6[%add3A_339, %dma_wait3A_340] : memref<80x128xi32, #tpu.memory_space<vmem>> -> memref<1x128xi32, #tpu.memory_space<vmem>>
        %dma_wait3A_342 = tpu.memref_squeeze %dma_wait3A_341 : memref<1x128xi32, #tpu.memory_space<vmem>> -> memref<128xi32, #tpu.memory_space<vmem>>
        %dma_wait3A_343 = arith.constant 0 : i32
        %dma_wait3A_344 = arith.constant 0 : i32
        %dma_wait3A_345 = tpu.memref_slice %arg15[%dma_wait3A_343, %dma_wait3A_344] : memref<10240x64xf32, #tpu.memory_space<vmem_shared>> -> memref<10240x64xf32, #tpu.memory_space<vmem_shared>>
        tpu.wait_indirect_dma semaphore(%arg29 : memref<!tpu.dma_semaphore, #tpu.memory_space<semaphore_mem>>) src(%arg12 : memref<128x64xf32, #tpu.memory_space<vmem>>) dst(%dma_wait3A_345 : memref<10240x64xf32, #tpu.memory_space<vmem_shared>>)
        %add3A_346 = arith.constant 8 : i32
        %add3A_347 = arith.addi %mul3A_125, %add3A_346 : i32
        %add3A_348 = arith.constant 5 : i32
        %add3A_349 = arith.addi %add3A_347, %add3A_348 : i32
        %lt3A_350 = arith.constant 80 : i32
        %lt3A_351 = arith.cmpi slt, %add3A_349, %lt3A_350 : i32
        %convert_element_type3A_352 = arith.extui %lt3A_351 : i1 to i32
        %cond3A_353 = arith.constant 0 : i32
        %cond3A_354 = arith.cmpi ne, %convert_element_type3A_352, %cond3A_353 : i32
        scf.if %cond3A_354 {
          %add3A_389 = arith.constant 8 : i32
          %add3A_390 = arith.addi %mul3A_125, %add3A_389 : i32
          %add3A_391 = arith.constant 5 : i32
          %add3A_392 = arith.addi %add3A_390, %add3A_391 : i32
          %dma_start3A_393 = arith.constant 0 : i32
          %dma_start3A_394 = tpu.memref_slice %arg5[%add3A_392, %dma_start3A_393] : memref<80x128xi32, #tpu.memory_space<vmem>> -> memref<1x128xi32, #tpu.memory_space<vmem>>
          %dma_start3A_395 = tpu.memref_squeeze %dma_start3A_394 : memref<1x128xi32, #tpu.memory_space<vmem>> -> memref<128xi32, #tpu.memory_space<vmem>>
          %dma_start3A_396 = arith.constant 0 : i32
          %dma_start3A_397 = arith.constant 0 : i32
          %dma_start3A_398 = tpu.memref_slice %arg2[%dma_start3A_396, %dma_start3A_397] : memref<20000x64xf32, #tpu.memory_space<hbm>> -> memref<20000x64xf32, #tpu.memory_space<hbm>>
          tpu.enqueue_indirect_dma source(%dma_start3A_398 : memref<20000x64xf32, #tpu.memory_space<hbm>>) target(%arg12 : memref<128x64xf32, #tpu.memory_space<vmem>>) offsets(%dma_start3A_395 : memref<128xi32, #tpu.memory_space<vmem>>) semaphore(%arg21 : memref<!tpu.dma_semaphore, #tpu.memory_space<semaphore_mem>>)
        } else {
        }
        %add3A_355 = arith.constant 6 : i32
        %add3A_356 = arith.addi %mul3A_125, %add3A_355 : i32
        %dma_wait3A_357 = arith.constant 0 : i32
        %dma_wait3A_358 = tpu.memref_slice %arg6[%add3A_356, %dma_wait3A_357] : memref<80x128xi32, #tpu.memory_space<vmem>> -> memref<1x128xi32, #tpu.memory_space<vmem>>
        %dma_wait3A_359 = tpu.memref_squeeze %dma_wait3A_358 : memref<1x128xi32, #tpu.memory_space<vmem>> -> memref<128xi32, #tpu.memory_space<vmem>>
        %dma_wait3A_360 = arith.constant 0 : i32
        %dma_wait3A_361 = arith.constant 0 : i32
        %dma_wait3A_362 = tpu.memref_slice %arg15[%dma_wait3A_360, %dma_wait3A_361] : memref<10240x64xf32, #tpu.memory_space<vmem_shared>> -> memref<10240x64xf32, #tpu.memory_space<vmem_shared>>
        tpu.wait_indirect_dma semaphore(%arg30 : memref<!tpu.dma_semaphore, #tpu.memory_space<semaphore_mem>>) src(%arg13 : memref<128x64xf32, #tpu.memory_space<vmem>>) dst(%dma_wait3A_362 : memref<10240x64xf32, #tpu.memory_space<vmem_shared>>)
        %add3A_363 = arith.constant 8 : i32
        %add3A_364 = arith.addi %mul3A_125, %add3A_363 : i32
        %add3A_365 = arith.constant 6 : i32
        %add3A_366 = arith.addi %add3A_364, %add3A_365 : i32
        %lt3A_367 = arith.constant 80 : i32
        %lt3A_368 = arith.cmpi slt, %add3A_366, %lt3A_367 : i32
        %convert_element_type3A_369 = arith.extui %lt3A_368 : i1 to i32
        %cond3A_370 = arith.constant 0 : i32
        %cond3A_371 = arith.cmpi ne, %convert_element_type3A_369, %cond3A_370 : i32
        scf.if %cond3A_371 {
          %add3A_389 = arith.constant 8 : i32
          %add3A_390 = arith.addi %mul3A_125, %add3A_389 : i32
          %add3A_391 = arith.constant 6 : i32
          %add3A_392 = arith.addi %add3A_390, %add3A_391 : i32
          %dma_start3A_393 = arith.constant 0 : i32
          %dma_start3A_394 = tpu.memref_slice %arg5[%add3A_392, %dma_start3A_393] : memref<80x128xi32, #tpu.memory_space<vmem>> -> memref<1x128xi32, #tpu.memory_space<vmem>>
          %dma_start3A_395 = tpu.memref_squeeze %dma_start3A_394 : memref<1x128xi32, #tpu.memory_space<vmem>> -> memref<128xi32, #tpu.memory_space<vmem>>
          %dma_start3A_396 = arith.constant 0 : i32
          %dma_start3A_397 = arith.constant 0 : i32
          %dma_start3A_398 = tpu.memref_slice %arg2[%dma_start3A_396, %dma_start3A_397] : memref<20000x64xf32, #tpu.memory_space<hbm>> -> memref<20000x64xf32, #tpu.memory_space<hbm>>
          tpu.enqueue_indirect_dma source(%dma_start3A_398 : memref<20000x64xf32, #tpu.memory_space<hbm>>) target(%arg13 : memref<128x64xf32, #tpu.memory_space<vmem>>) offsets(%dma_start3A_395 : memref<128xi32, #tpu.memory_space<vmem>>) semaphore(%arg22 : memref<!tpu.dma_semaphore, #tpu.memory_space<semaphore_mem>>)
        } else {
        }
        %add3A_372 = arith.constant 7 : i32
        %add3A_373 = arith.addi %mul3A_125, %add3A_372 : i32
        %dma_wait3A_374 = arith.constant 0 : i32
        %dma_wait3A_375 = tpu.memref_slice %arg6[%add3A_373, %dma_wait3A_374] : memref<80x128xi32, #tpu.memory_space<vmem>> -> memref<1x128xi32, #tpu.memory_space<vmem>>
        %dma_wait3A_376 = tpu.memref_squeeze %dma_wait3A_375 : memref<1x128xi32, #tpu.memory_space<vmem>> -> memref<128xi32, #tpu.memory_space<vmem>>
        %dma_wait3A_377 = arith.constant 0 : i32
        %dma_wait3A_378 = arith.constant 0 : i32
        %dma_wait3A_379 = tpu.memref_slice %arg15[%dma_wait3A_377, %dma_wait3A_378] : memref<10240x64xf32, #tpu.memory_space<vmem_shared>> -> memref<10240x64xf32, #tpu.memory_space<vmem_shared>>
        tpu.wait_indirect_dma semaphore(%arg31 : memref<!tpu.dma_semaphore, #tpu.memory_space<semaphore_mem>>) src(%arg14 : memref<128x64xf32, #tpu.memory_space<vmem>>) dst(%dma_wait3A_379 : memref<10240x64xf32, #tpu.memory_space<vmem_shared>>)
        %add3A_380 = arith.constant 8 : i32
        %add3A_381 = arith.addi %mul3A_125, %add3A_380 : i32
        %add3A_382 = arith.constant 7 : i32
        %add3A_383 = arith.addi %add3A_381, %add3A_382 : i32
        %lt3A_384 = arith.constant 80 : i32
        %lt3A_385 = arith.cmpi slt, %add3A_383, %lt3A_384 : i32
        %convert_element_type3A_386 = arith.extui %lt3A_385 : i1 to i32
        %cond3A_387 = arith.constant 0 : i32
        %cond3A_388 = arith.cmpi ne, %convert_element_type3A_386, %cond3A_387 : i32
        scf.if %cond3A_388 {
          %add3A_389 = arith.constant 8 : i32
          %add3A_390 = arith.addi %mul3A_125, %add3A_389 : i32
          %add3A_391 = arith.constant 7 : i32
          %add3A_392 = arith.addi %add3A_390, %add3A_391 : i32
          %dma_start3A_393 = arith.constant 0 : i32
          %dma_start3A_394 = tpu.memref_slice %arg5[%add3A_392, %dma_start3A_393] : memref<80x128xi32, #tpu.memory_space<vmem>> -> memref<1x128xi32, #tpu.memory_space<vmem>>
          %dma_start3A_395 = tpu.memref_squeeze %dma_start3A_394 : memref<1x128xi32, #tpu.memory_space<vmem>> -> memref<128xi32, #tpu.memory_space<vmem>>
          %dma_start3A_396 = arith.constant 0 : i32
          %dma_start3A_397 = arith.constant 0 : i32
          %dma_start3A_398 = tpu.memref_slice %arg2[%dma_start3A_396, %dma_start3A_397] : memref<20000x64xf32, #tpu.memory_space<hbm>> -> memref<20000x64xf32, #tpu.memory_space<hbm>>
          tpu.enqueue_indirect_dma source(%dma_start3A_398 : memref<20000x64xf32, #tpu.memory_space<hbm>>) target(%arg14 : memref<128x64xf32, #tpu.memory_space<vmem>>) offsets(%dma_start3A_395 : memref<128xi32, #tpu.memory_space<vmem>>) semaphore(%arg23 : memref<!tpu.dma_semaphore, #tpu.memory_space<semaphore_mem>>)
        } else {
        }
      }
      %scan3A_118 = arith.constant 10 : i32
    }
    %scan3A_49 = arith.constant 2 : i32
    %barrier3A_50 = arith.constant 0 : index
    tpu.barrier barrier_id(%barrier3A_50)
    "tpu.region"() ({
      %run_scoped3A = tpu.sem_alloc : memref<!tpu.dma_semaphore, #tpu.memory_space<semaphore_mem>>
      %dma_start3A_51 = arith.constant 0 : i32
      %dma_start3A_52 = tpu.memref_slice %arg4[%arg0, %mul3A_22, %dma_start3A_51] : memref<2x10240x64xf32, #tpu.memory_space<hbm>> -> memref<1x640x64xf32, #tpu.memory_space<hbm>>
      %dma_start3A_53 = tpu.memref_squeeze %dma_start3A_52 : memref<1x640x64xf32, #tpu.memory_space<hbm>> -> memref<640x64xf32, #tpu.memory_space<hbm>>
      %dma_start3A_54 = arith.constant 0 : i32
      %dma_start3A_55 = tpu.memref_slice %arg15[%mul3A_22, %dma_start3A_54] : memref<10240x64xf32, #tpu.memory_space<vmem_shared>> -> memref<640x64xf32, #tpu.memory_space<vmem_shared>>
      tpu.enqueue_dma source(%dma_start3A_55 : memref<640x64xf32, #tpu.memory_space<vmem_shared>>) target(%dma_start3A_53 : memref<640x64xf32, #tpu.memory_space<hbm>>) target_semaphore(%run_scoped3A : memref<!tpu.dma_semaphore, #tpu.memory_space<semaphore_mem>>)
      %dma_wait3A_56 = arith.constant 0 : i32
      %dma_wait3A_57 = tpu.memref_slice %arg4[%arg0, %mul3A_22, %dma_wait3A_56] : memref<2x10240x64xf32, #tpu.memory_space<hbm>> -> memref<1x640x64xf32, #tpu.memory_space<hbm>>
      %dma_wait3A_58 = tpu.memref_squeeze %dma_wait3A_57 : memref<1x640x64xf32, #tpu.memory_space<hbm>> -> memref<640x64xf32, #tpu.memory_space<hbm>>
      %dma_wait3A_59 = arith.constant 0 : i32
      %dma_wait3A_60 = tpu.memref_slice %arg15[%mul3A_22, %dma_wait3A_59] : memref<10240x64xf32, #tpu.memory_space<vmem_shared>> -> memref<640x64xf32, #tpu.memory_space<vmem_shared>>
      tpu.wait_dma2 semaphore(%run_scoped3A : memref<!tpu.dma_semaphore, #tpu.memory_space<semaphore_mem>>) src(%dma_wait3A_60 : memref<640x64xf32, #tpu.memory_space<vmem_shared>>) dst(%dma_wait3A_58 : memref<640x64xf32, #tpu.memory_space<hbm>>)
      tpu.yield
    }) : () -> ()
    return
  }
}

#map = affine_map<(d0, d1) -> (0, 0)>
#map1 = affine_map<(d0, d1) -> (0, 0, 0)>
module attributes {stable_mosaic.version = 14 : i64} {
  func.func @spmm(%arg0: i32, %arg1: i32, %arg2: memref<10000x64xf32, #tpu.memory_space<hbm>>, %arg3: memref<4x2560x128xi32, #tpu.memory_space<hbm>>, %arg4: memref<2x10240x64xf32, #tpu.memory_space<hbm>>, %arg5: memref<80x128xi32, #tpu.memory_space<vmem>>, %arg6: memref<80x128xi32, #tpu.memory_space<vmem>>, %arg7: memref<128x64xf32, #tpu.memory_space<vmem>>, %arg8: memref<128x64xf32, #tpu.memory_space<vmem>>, %arg9: memref<128x64xf32, #tpu.memory_space<vmem>>, %arg10: memref<128x64xf32, #tpu.memory_space<vmem>>, %arg11: memref<128x64xf32, #tpu.memory_space<vmem>>, %arg12: memref<128x64xf32, #tpu.memory_space<vmem>>, %arg13: memref<128x64xf32, #tpu.memory_space<vmem>>, %arg14: memref<128x64xf32, #tpu.memory_space<vmem>>, %arg15: memref<10240x64xf32, #tpu.memory_space<vmem_shared>>, %arg16: memref<!tpu.dma_semaphore, #tpu.memory_space<semaphore_mem>>, %arg17: memref<!tpu.dma_semaphore, #tpu.memory_space<semaphore_mem>>, %arg18: memref<!tpu.dma_semaphore, #tpu.memory_space<semaphore_mem>>, %arg19: memref<!tpu.dma_semaphore, #tpu.memory_space<semaphore_mem>>, %arg20: memref<!tpu.dma_semaphore, #tpu.memory_space<semaphore_mem>>, %arg21: memref<!tpu.dma_semaphore, #tpu.memory_space<semaphore_mem>>, %arg22: memref<!tpu.dma_semaphore, #tpu.memory_space<semaphore_mem>>, %arg23: memref<!tpu.dma_semaphore, #tpu.memory_space<semaphore_mem>>, %arg24: memref<!tpu.dma_semaphore, #tpu.memory_space<semaphore_mem>>, %arg25: memref<!tpu.dma_semaphore, #tpu.memory_space<semaphore_mem>>, %arg26: memref<!tpu.dma_semaphore, #tpu.memory_space<semaphore_mem>>, %arg27: memref<!tpu.dma_semaphore, #tpu.memory_space<semaphore_mem>>, %arg28: memref<!tpu.dma_semaphore, #tpu.memory_space<semaphore_mem>>, %arg29: memref<!tpu.dma_semaphore, #tpu.memory_space<semaphore_mem>>, %arg30: memref<!tpu.dma_semaphore, #tpu.memory_space<semaphore_mem>>, %arg31: memref<!tpu.dma_semaphore, #tpu.memory_space<semaphore_mem>>) attributes {dimension_semantics = [#tpu.dimension_semantics<core_parallel>, #tpu.dimension_semantics<subcore_parallel>], iteration_bounds = array<i64: 2, 16>, scalar_prefetch = 0 : i64, scratch_operands = 27 : i64, tpu.core_type = #tpu.core_type<sc_vector_subcore>, window_params = [{transform_indices = #map}, {transform_indices = #map1}, {transform_indices = #map1}]} {
    %mul3A = arith.constant 16 : i32
    %mul3A_0 = arith.muli %arg0, %mul3A : i32
    %add3A = arith.addi %mul3A_0, %arg1 : i32
    %broadcast_in_dim3A = arith.constant 0.000000e+00 : f32
    %broadcast_in_dim3A_1 = vector.broadcast %broadcast_in_dim3A : f32 to vector<16xf32>
    %scan3A = arith.constant 0 : i32
    %scan3A_2 = arith.constant 128 : i32
    %scan3A_3 = arith.addi %scan3A, %scan3A_2 : i32
    %scan3A_4 = arith.constant 1 : i32
    scf.for %scan3A_91 = %scan3A to %scan3A_3 step %scan3A_4  : i32 {
      %mul3A_92 = arith.constant 1 : i32
      %mul3A_93 = arith.muli %scan3A_91, %mul3A_92 : i32
      %add3A_94 = arith.constant 0 : i32
      %add3A_95 = arith.addi %add3A_94, %mul3A_93 : i32
      %swap3A = arith.index_cast %add3A_95 : i32 to index
      %swap3A_96 = arith.constant 0 : index
      %swap3A_97 = tpu.vector_load %arg7[%swap3A, %swap3A_96] {strides = array<i32>} : memref<128x64xf32, #tpu.memory_space<vmem>>, vector<1x16xf32>,
      %swap3A_98 = vector.shape_cast %swap3A_97 : vector<1x16xf32> to vector<16xf32>
      %swap3A_99 = vector.shape_cast %broadcast_in_dim3A_1 : vector<16xf32> to vector<1x16xf32>
      tpu.vector_store %arg7[%swap3A, %swap3A_96], %swap3A_99 {strides = array<i32>} : memref<128x64xf32, #tpu.memory_space<vmem>>, vector<1x16xf32>,
      %swap3A_100 = arith.index_cast %add3A_95 : i32 to index
      %swap3A_101 = arith.constant 16 : index
      %swap3A_102 = tpu.vector_load %arg7[%swap3A_100, %swap3A_101] {strides = array<i32>} : memref<128x64xf32, #tpu.memory_space<vmem>>, vector<1x16xf32>,
      %swap3A_103 = vector.shape_cast %swap3A_102 : vector<1x16xf32> to vector<16xf32>
      %swap3A_104 = vector.shape_cast %broadcast_in_dim3A_1 : vector<16xf32> to vector<1x16xf32>
      tpu.vector_store %arg7[%swap3A_100, %swap3A_101], %swap3A_104 {strides = array<i32>} : memref<128x64xf32, #tpu.memory_space<vmem>>, vector<1x16xf32>,
      %swap3A_105 = arith.index_cast %add3A_95 : i32 to index
      %swap3A_106 = arith.constant 32 : index
      %swap3A_107 = tpu.vector_load %arg7[%swap3A_105, %swap3A_106] {strides = array<i32>} : memref<128x64xf32, #tpu.memory_space<vmem>>, vector<1x16xf32>,
      %swap3A_108 = vector.shape_cast %swap3A_107 : vector<1x16xf32> to vector<16xf32>
      %swap3A_109 = vector.shape_cast %broadcast_in_dim3A_1 : vector<16xf32> to vector<1x16xf32>
      tpu.vector_store %arg7[%swap3A_105, %swap3A_106], %swap3A_109 {strides = array<i32>} : memref<128x64xf32, #tpu.memory_space<vmem>>, vector<1x16xf32>,
      %swap3A_110 = arith.index_cast %add3A_95 : i32 to index
      %swap3A_111 = arith.constant 48 : index
      %swap3A_112 = tpu.vector_load %arg7[%swap3A_110, %swap3A_111] {strides = array<i32>} : memref<128x64xf32, #tpu.memory_space<vmem>>, vector<1x16xf32>,
      %swap3A_113 = vector.shape_cast %swap3A_112 : vector<1x16xf32> to vector<16xf32>
      %swap3A_114 = vector.shape_cast %broadcast_in_dim3A_1 : vector<16xf32> to vector<1x16xf32>
      tpu.vector_store %arg7[%swap3A_110, %swap3A_111], %swap3A_114 {strides = array<i32>} : memref<128x64xf32, #tpu.memory_space<vmem>>, vector<1x16xf32>,
    }
    %scan3A_5 = arith.constant 128 : i32
    %mul3A_6 = arith.constant 640 : i32
    %mul3A_7 = arith.muli %arg1, %mul3A_6 : i32
    %add3A_8 = arith.constant 0 : i32
    %add3A_9 = arith.addi %mul3A_7, %add3A_8 : i32
    "tpu.region"() ({
      %run_scoped3A_91 = tpu.sem_alloc : memref<!tpu.dma_semaphore, #tpu.memory_space<semaphore_mem>>
      %dma_start3A_92 = arith.constant 0 : i32
      %dma_start3A_93 = arith.constant 0 : i32
      %dma_start3A_94 = tpu.memref_slice %arg7[%dma_start3A_92, %dma_start3A_93] : memref<128x64xf32, #tpu.memory_space<vmem>> -> memref<128x64xf32, #tpu.memory_space<vmem>>
      %dma_start3A_95 = arith.constant 0 : i32
      %dma_start3A_96 = tpu.memref_slice %arg15[%add3A_9, %dma_start3A_95] : memref<10240x64xf32, #tpu.memory_space<vmem_shared>> -> memref<128x64xf32, #tpu.memory_space<vmem_shared>>
      %dma_start3A_97 = arith.constant 0 : i32
      %dma_start3A_98 = tpu.memref_slice %arg15[%add3A_9, %dma_start3A_97] : memref<10240x64xf32, #tpu.memory_space<vmem_shared>> -> memref<128x64xf32, #tpu.memory_space<vmem_shared>>
      %dma_start3A_99 = arith.constant 0 : i32
      %dma_start3A_100 = arith.constant 0 : i32
      %dma_start3A_101 = tpu.memref_slice %arg7[%dma_start3A_99, %dma_start3A_100] : memref<128x64xf32, #tpu.memory_space<vmem>> -> memref<128x64xf32, #tpu.memory_space<vmem>>
      tpu.enqueue_dma source(%dma_start3A_101 : memref<128x64xf32, #tpu.memory_space<vmem>>) target(%dma_start3A_98 : memref<128x64xf32, #tpu.memory_space<vmem_shared>>) target_semaphore(%run_scoped3A_91 : memref<!tpu.dma_semaphore, #tpu.memory_space<semaphore_mem>>)
      %dma_wait3A = arith.constant 0 : i32
      %dma_wait3A_102 = arith.constant 0 : i32
      %dma_wait3A_103 = tpu.memref_slice %arg7[%dma_wait3A, %dma_wait3A_102] : memref<128x64xf32, #tpu.memory_space<vmem>> -> memref<128x64xf32, #tpu.memory_space<vmem>>
      %dma_wait3A_104 = arith.constant 0 : i32
      %dma_wait3A_105 = tpu.memref_slice %arg15[%add3A_9, %dma_wait3A_104] : memref<10240x64xf32, #tpu.memory_space<vmem_shared>> -> memref<128x64xf32, #tpu.memory_space<vmem_shared>>
      %dma_wait3A_106 = arith.constant 0 : i32
      %dma_wait3A_107 = tpu.memref_slice %arg15[%add3A_9, %dma_wait3A_106] : memref<10240x64xf32, #tpu.memory_space<vmem_shared>> -> memref<128x64xf32, #tpu.memory_space<vmem_shared>>
      %dma_wait3A_108 = arith.constant 0 : i32
      %dma_wait3A_109 = arith.constant 0 : i32
      %dma_wait3A_110 = tpu.memref_slice %arg7[%dma_wait3A_108, %dma_wait3A_109] : memref<128x64xf32, #tpu.memory_space<vmem>> -> memref<128x64xf32, #tpu.memory_space<vmem>>
      tpu.wait_dma2 semaphore(%run_scoped3A_91 : memref<!tpu.dma_semaphore, #tpu.memory_space<semaphore_mem>>) src(%dma_wait3A_110 : memref<128x64xf32, #tpu.memory_space<vmem>>) dst(%dma_wait3A_107 : memref<128x64xf32, #tpu.memory_space<vmem_shared>>)
      tpu.yield
    }) : () -> ()
    %add3A_10 = arith.constant 128 : i32
    %add3A_11 = arith.addi %mul3A_7, %add3A_10 : i32
    "tpu.region"() ({
      %run_scoped3A_91 = tpu.sem_alloc : memref<!tpu.dma_semaphore, #tpu.memory_space<semaphore_mem>>
      %dma_start3A_92 = arith.constant 0 : i32
      %dma_start3A_93 = arith.constant 0 : i32
      %dma_start3A_94 = tpu.memref_slice %arg7[%dma_start3A_92, %dma_start3A_93] : memref<128x64xf32, #tpu.memory_space<vmem>> -> memref<128x64xf32, #tpu.memory_space<vmem>>
      %dma_start3A_95 = arith.constant 0 : i32
      %dma_start3A_96 = tpu.memref_slice %arg15[%add3A_11, %dma_start3A_95] : memref<10240x64xf32, #tpu.memory_space<vmem_shared>> -> memref<128x64xf32, #tpu.memory_space<vmem_shared>>
      %dma_start3A_97 = arith.constant 0 : i32
      %dma_start3A_98 = tpu.memref_slice %arg15[%add3A_11, %dma_start3A_97] : memref<10240x64xf32, #tpu.memory_space<vmem_shared>> -> memref<128x64xf32, #tpu.memory_space<vmem_shared>>
      %dma_start3A_99 = arith.constant 0 : i32
      %dma_start3A_100 = arith.constant 0 : i32
      %dma_start3A_101 = tpu.memref_slice %arg7[%dma_start3A_99, %dma_start3A_100] : memref<128x64xf32, #tpu.memory_space<vmem>> -> memref<128x64xf32, #tpu.memory_space<vmem>>
      tpu.enqueue_dma source(%dma_start3A_101 : memref<128x64xf32, #tpu.memory_space<vmem>>) target(%dma_start3A_98 : memref<128x64xf32, #tpu.memory_space<vmem_shared>>) target_semaphore(%run_scoped3A_91 : memref<!tpu.dma_semaphore, #tpu.memory_space<semaphore_mem>>)
      %dma_wait3A = arith.constant 0 : i32
      %dma_wait3A_102 = arith.constant 0 : i32
      %dma_wait3A_103 = tpu.memref_slice %arg7[%dma_wait3A, %dma_wait3A_102] : memref<128x64xf32, #tpu.memory_space<vmem>> -> memref<128x64xf32, #tpu.memory_space<vmem>>
      %dma_wait3A_104 = arith.constant 0 : i32
      %dma_wait3A_105 = tpu.memref_slice %arg15[%add3A_11, %dma_wait3A_104] : memref<10240x64xf32, #tpu.memory_space<vmem_shared>> -> memref<128x64xf32, #tpu.memory_space<vmem_shared>>
      %dma_wait3A_106 = arith.constant 0 : i32
      %dma_wait3A_107 = tpu.memref_slice %arg15[%add3A_11, %dma_wait3A_106] : memref<10240x64xf32, #tpu.memory_space<vmem_shared>> -> memref<128x64xf32, #tpu.memory_space<vmem_shared>>
      %dma_wait3A_108 = arith.constant 0 : i32
      %dma_wait3A_109 = arith.constant 0 : i32
      %dma_wait3A_110 = tpu.memref_slice %arg7[%dma_wait3A_108, %dma_wait3A_109] : memref<128x64xf32, #tpu.memory_space<vmem>> -> memref<128x64xf32, #tpu.memory_space<vmem>>
      tpu.wait_dma2 semaphore(%run_scoped3A_91 : memref<!tpu.dma_semaphore, #tpu.memory_space<semaphore_mem>>) src(%dma_wait3A_110 : memref<128x64xf32, #tpu.memory_space<vmem>>) dst(%dma_wait3A_107 : memref<128x64xf32, #tpu.memory_space<vmem_shared>>)
      tpu.yield
    }) : () -> ()
    %add3A_12 = arith.constant 256 : i32
    %add3A_13 = arith.addi %mul3A_7, %add3A_12 : i32
    "tpu.region"() ({
      %run_scoped3A_91 = tpu.sem_alloc : memref<!tpu.dma_semaphore, #tpu.memory_space<semaphore_mem>>
      %dma_start3A_92 = arith.constant 0 : i32
      %dma_start3A_93 = arith.constant 0 : i32
      %dma_start3A_94 = tpu.memref_slice %arg7[%dma_start3A_92, %dma_start3A_93] : memref<128x64xf32, #tpu.memory_space<vmem>> -> memref<128x64xf32, #tpu.memory_space<vmem>>
      %dma_start3A_95 = arith.constant 0 : i32
      %dma_start3A_96 = tpu.memref_slice %arg15[%add3A_13, %dma_start3A_95] : memref<10240x64xf32, #tpu.memory_space<vmem_shared>> -> memref<128x64xf32, #tpu.memory_space<vmem_shared>>
      %dma_start3A_97 = arith.constant 0 : i32
      %dma_start3A_98 = tpu.memref_slice %arg15[%add3A_13, %dma_start3A_97] : memref<10240x64xf32, #tpu.memory_space<vmem_shared>> -> memref<128x64xf32, #tpu.memory_space<vmem_shared>>
      %dma_start3A_99 = arith.constant 0 : i32
      %dma_start3A_100 = arith.constant 0 : i32
      %dma_start3A_101 = tpu.memref_slice %arg7[%dma_start3A_99, %dma_start3A_100] : memref<128x64xf32, #tpu.memory_space<vmem>> -> memref<128x64xf32, #tpu.memory_space<vmem>>
      tpu.enqueue_dma source(%dma_start3A_101 : memref<128x64xf32, #tpu.memory_space<vmem>>) target(%dma_start3A_98 : memref<128x64xf32, #tpu.memory_space<vmem_shared>>) target_semaphore(%run_scoped3A_91 : memref<!tpu.dma_semaphore, #tpu.memory_space<semaphore_mem>>)
      %dma_wait3A = arith.constant 0 : i32
      %dma_wait3A_102 = arith.constant 0 : i32
      %dma_wait3A_103 = tpu.memref_slice %arg7[%dma_wait3A, %dma_wait3A_102] : memref<128x64xf32, #tpu.memory_space<vmem>> -> memref<128x64xf32, #tpu.memory_space<vmem>>
      %dma_wait3A_104 = arith.constant 0 : i32
      %dma_wait3A_105 = tpu.memref_slice %arg15[%add3A_13, %dma_wait3A_104] : memref<10240x64xf32, #tpu.memory_space<vmem_shared>> -> memref<128x64xf32, #tpu.memory_space<vmem_shared>>
      %dma_wait3A_106 = arith.constant 0 : i32
      %dma_wait3A_107 = tpu.memref_slice %arg15[%add3A_13, %dma_wait3A_106] : memref<10240x64xf32, #tpu.memory_space<vmem_shared>> -> memref<128x64xf32, #tpu.memory_space<vmem_shared>>
      %dma_wait3A_108 = arith.constant 0 : i32
      %dma_wait3A_109 = arith.constant 0 : i32
      %dma_wait3A_110 = tpu.memref_slice %arg7[%dma_wait3A_108, %dma_wait3A_109] : memref<128x64xf32, #tpu.memory_space<vmem>> -> memref<128x64xf32, #tpu.memory_space<vmem>>
      tpu.wait_dma2 semaphore(%run_scoped3A_91 : memref<!tpu.dma_semaphore, #tpu.memory_space<semaphore_mem>>) src(%dma_wait3A_110 : memref<128x64xf32, #tpu.memory_space<vmem>>) dst(%dma_wait3A_107 : memref<128x64xf32, #tpu.memory_space<vmem_shared>>)
      tpu.yield
    }) : () -> ()
    %add3A_14 = arith.constant 384 : i32
    %add3A_15 = arith.addi %mul3A_7, %add3A_14 : i32
    "tpu.region"() ({
      %run_scoped3A_91 = tpu.sem_alloc : memref<!tpu.dma_semaphore, #tpu.memory_space<semaphore_mem>>
      %dma_start3A_92 = arith.constant 0 : i32
      %dma_start3A_93 = arith.constant 0 : i32
      %dma_start3A_94 = tpu.memref_slice %arg7[%dma_start3A_92, %dma_start3A_93] : memref<128x64xf32, #tpu.memory_space<vmem>> -> memref<128x64xf32, #tpu.memory_space<vmem>>
      %dma_start3A_95 = arith.constant 0 : i32
      %dma_start3A_96 = tpu.memref_slice %arg15[%add3A_15, %dma_start3A_95] : memref<10240x64xf32, #tpu.memory_space<vmem_shared>> -> memref<128x64xf32, #tpu.memory_space<vmem_shared>>
      %dma_start3A_97 = arith.constant 0 : i32
      %dma_start3A_98 = tpu.memref_slice %arg15[%add3A_15, %dma_start3A_97] : memref<10240x64xf32, #tpu.memory_space<vmem_shared>> -> memref<128x64xf32, #tpu.memory_space<vmem_shared>>
      %dma_start3A_99 = arith.constant 0 : i32
      %dma_start3A_100 = arith.constant 0 : i32
      %dma_start3A_101 = tpu.memref_slice %arg7[%dma_start3A_99, %dma_start3A_100] : memref<128x64xf32, #tpu.memory_space<vmem>> -> memref<128x64xf32, #tpu.memory_space<vmem>>
      tpu.enqueue_dma source(%dma_start3A_101 : memref<128x64xf32, #tpu.memory_space<vmem>>) target(%dma_start3A_98 : memref<128x64xf32, #tpu.memory_space<vmem_shared>>) target_semaphore(%run_scoped3A_91 : memref<!tpu.dma_semaphore, #tpu.memory_space<semaphore_mem>>)
      %dma_wait3A = arith.constant 0 : i32
      %dma_wait3A_102 = arith.constant 0 : i32
      %dma_wait3A_103 = tpu.memref_slice %arg7[%dma_wait3A, %dma_wait3A_102] : memref<128x64xf32, #tpu.memory_space<vmem>> -> memref<128x64xf32, #tpu.memory_space<vmem>>
      %dma_wait3A_104 = arith.constant 0 : i32
      %dma_wait3A_105 = tpu.memref_slice %arg15[%add3A_15, %dma_wait3A_104] : memref<10240x64xf32, #tpu.memory_space<vmem_shared>> -> memref<128x64xf32, #tpu.memory_space<vmem_shared>>
      %dma_wait3A_106 = arith.constant 0 : i32
      %dma_wait3A_107 = tpu.memref_slice %arg15[%add3A_15, %dma_wait3A_106] : memref<10240x64xf32, #tpu.memory_space<vmem_shared>> -> memref<128x64xf32, #tpu.memory_space<vmem_shared>>
      %dma_wait3A_108 = arith.constant 0 : i32
      %dma_wait3A_109 = arith.constant 0 : i32
      %dma_wait3A_110 = tpu.memref_slice %arg7[%dma_wait3A_108, %dma_wait3A_109] : memref<128x64xf32, #tpu.memory_space<vmem>> -> memref<128x64xf32, #tpu.memory_space<vmem>>
      tpu.wait_dma2 semaphore(%run_scoped3A_91 : memref<!tpu.dma_semaphore, #tpu.memory_space<semaphore_mem>>) src(%dma_wait3A_110 : memref<128x64xf32, #tpu.memory_space<vmem>>) dst(%dma_wait3A_107 : memref<128x64xf32, #tpu.memory_space<vmem_shared>>)
      tpu.yield
    }) : () -> ()
    %add3A_16 = arith.constant 512 : i32
    %add3A_17 = arith.addi %mul3A_7, %add3A_16 : i32
    "tpu.region"() ({
      %run_scoped3A_91 = tpu.sem_alloc : memref<!tpu.dma_semaphore, #tpu.memory_space<semaphore_mem>>
      %dma_start3A_92 = arith.constant 0 : i32
      %dma_start3A_93 = arith.constant 0 : i32
      %dma_start3A_94 = tpu.memref_slice %arg7[%dma_start3A_92, %dma_start3A_93] : memref<128x64xf32, #tpu.memory_space<vmem>> -> memref<128x64xf32, #tpu.memory_space<vmem>>
      %dma_start3A_95 = arith.constant 0 : i32
      %dma_start3A_96 = tpu.memref_slice %arg15[%add3A_17, %dma_start3A_95] : memref<10240x64xf32, #tpu.memory_space<vmem_shared>> -> memref<128x64xf32, #tpu.memory_space<vmem_shared>>
      %dma_start3A_97 = arith.constant 0 : i32
      %dma_start3A_98 = tpu.memref_slice %arg15[%add3A_17, %dma_start3A_97] : memref<10240x64xf32, #tpu.memory_space<vmem_shared>> -> memref<128x64xf32, #tpu.memory_space<vmem_shared>>
      %dma_start3A_99 = arith.constant 0 : i32
      %dma_start3A_100 = arith.constant 0 : i32
      %dma_start3A_101 = tpu.memref_slice %arg7[%dma_start3A_99, %dma_start3A_100] : memref<128x64xf32, #tpu.memory_space<vmem>> -> memref<128x64xf32, #tpu.memory_space<vmem>>
      tpu.enqueue_dma source(%dma_start3A_101 : memref<128x64xf32, #tpu.memory_space<vmem>>) target(%dma_start3A_98 : memref<128x64xf32, #tpu.memory_space<vmem_shared>>) target_semaphore(%run_scoped3A_91 : memref<!tpu.dma_semaphore, #tpu.memory_space<semaphore_mem>>)
      %dma_wait3A = arith.constant 0 : i32
      %dma_wait3A_102 = arith.constant 0 : i32
      %dma_wait3A_103 = tpu.memref_slice %arg7[%dma_wait3A, %dma_wait3A_102] : memref<128x64xf32, #tpu.memory_space<vmem>> -> memref<128x64xf32, #tpu.memory_space<vmem>>
      %dma_wait3A_104 = arith.constant 0 : i32
      %dma_wait3A_105 = tpu.memref_slice %arg15[%add3A_17, %dma_wait3A_104] : memref<10240x64xf32, #tpu.memory_space<vmem_shared>> -> memref<128x64xf32, #tpu.memory_space<vmem_shared>>
      %dma_wait3A_106 = arith.constant 0 : i32
      %dma_wait3A_107 = tpu.memref_slice %arg15[%add3A_17, %dma_wait3A_106] : memref<10240x64xf32, #tpu.memory_space<vmem_shared>> -> memref<128x64xf32, #tpu.memory_space<vmem_shared>>
      %dma_wait3A_108 = arith.constant 0 : i32
      %dma_wait3A_109 = arith.constant 0 : i32
      %dma_wait3A_110 = tpu.memref_slice %arg7[%dma_wait3A_108, %dma_wait3A_109] : memref<128x64xf32, #tpu.memory_space<vmem>> -> memref<128x64xf32, #tpu.memory_space<vmem>>
      tpu.wait_dma2 semaphore(%run_scoped3A_91 : memref<!tpu.dma_semaphore, #tpu.memory_space<semaphore_mem>>) src(%dma_wait3A_110 : memref<128x64xf32, #tpu.memory_space<vmem>>) dst(%dma_wait3A_107 : memref<128x64xf32, #tpu.memory_space<vmem_shared>>)
      tpu.yield
    }) : () -> ()
    %barrier3A = arith.constant 0 : index
    tpu.barrier barrier_id(%barrier3A)
    %scan3A_18 = arith.constant 0 : i32
    %mul3A_19 = arith.constant 1 : i32
    %mul3A_20 = arith.muli %scan3A_18, %mul3A_19 : i32
    %add3A_21 = arith.constant 0 : i32
    %add3A_22 = arith.addi %add3A_21, %mul3A_20 : i32
    %mul3A_23 = arith.constant 80 : i32
    %mul3A_24 = arith.muli %add3A, %mul3A_23 : i32
    %mul3A_25 = arith.constant 80 : i32
    %mul3A_26 = arith.muli %add3A_22, %mul3A_25 : i32
    %add3A_27 = arith.addi %mul3A_24, %mul3A_26 : i32
    %run_scoped3A = arith.constant 0 : i32
    "tpu.region"() ({
      %run_scoped3A_91 = tpu.sem_alloc : memref<!tpu.dma_semaphore, #tpu.memory_space<semaphore_mem>>
      %dma_start3A_92 = arith.constant 0 : i32
      %dma_start3A_93 = tpu.memref_slice %arg3[%run_scoped3A, %add3A_27, %dma_start3A_92] : memref<4x2560x128xi32, #tpu.memory_space<hbm>> -> memref<1x80x128xi32, #tpu.memory_space<hbm>>
      %dma_start3A_94 = tpu.memref_squeeze %dma_start3A_93 : memref<1x80x128xi32, #tpu.memory_space<hbm>> -> memref<80x128xi32, #tpu.memory_space<hbm>>
      %dma_start3A_95 = arith.constant 0 : i32
      %dma_start3A_96 = tpu.memref_slice %arg3[%run_scoped3A, %add3A_27, %dma_start3A_95] : memref<4x2560x128xi32, #tpu.memory_space<hbm>> -> memref<1x80x128xi32, #tpu.memory_space<hbm>>
      %dma_start3A_97 = tpu.memref_squeeze %dma_start3A_96 : memref<1x80x128xi32, #tpu.memory_space<hbm>> -> memref<80x128xi32, #tpu.memory_space<hbm>>
      tpu.enqueue_dma source(%dma_start3A_97 : memref<80x128xi32, #tpu.memory_space<hbm>>) target(%arg5 : memref<80x128xi32, #tpu.memory_space<vmem>>) target_semaphore(%run_scoped3A_91 : memref<!tpu.dma_semaphore, #tpu.memory_space<semaphore_mem>>)
      %dma_wait3A = arith.constant 0 : i32
      %dma_wait3A_98 = tpu.memref_slice %arg3[%run_scoped3A, %add3A_27, %dma_wait3A] : memref<4x2560x128xi32, #tpu.memory_space<hbm>> -> memref<1x80x128xi32, #tpu.memory_space<hbm>>
      %dma_wait3A_99 = tpu.memref_squeeze %dma_wait3A_98 : memref<1x80x128xi32, #tpu.memory_space<hbm>> -> memref<80x128xi32, #tpu.memory_space<hbm>>
      %dma_wait3A_100 = arith.constant 0 : i32
      %dma_wait3A_101 = tpu.memref_slice %arg3[%run_scoped3A, %add3A_27, %dma_wait3A_100] : memref<4x2560x128xi32, #tpu.memory_space<hbm>> -> memref<1x80x128xi32, #tpu.memory_space<hbm>>
      %dma_wait3A_102 = tpu.memref_squeeze %dma_wait3A_101 : memref<1x80x128xi32, #tpu.memory_space<hbm>> -> memref<80x128xi32, #tpu.memory_space<hbm>>
      tpu.wait_dma2 semaphore(%run_scoped3A_91 : memref<!tpu.dma_semaphore, #tpu.memory_space<semaphore_mem>>) src(%dma_wait3A_102 : memref<80x128xi32, #tpu.memory_space<hbm>>) dst(%arg5 : memref<80x128xi32, #tpu.memory_space<vmem>>)
      tpu.yield
    }) : () -> ()
    %run_scoped3A_28 = arith.constant 3 : i32
    "tpu.region"() ({
      %run_scoped3A_91 = tpu.sem_alloc : memref<!tpu.dma_semaphore, #tpu.memory_space<semaphore_mem>>
      %dma_start3A_92 = arith.constant 0 : i32
      %dma_start3A_93 = tpu.memref_slice %arg3[%run_scoped3A_28, %add3A_27, %dma_start3A_92] : memref<4x2560x128xi32, #tpu.memory_space<hbm>> -> memref<1x80x128xi32, #tpu.memory_space<hbm>>
      %dma_start3A_94 = tpu.memref_squeeze %dma_start3A_93 : memref<1x80x128xi32, #tpu.memory_space<hbm>> -> memref<80x128xi32, #tpu.memory_space<hbm>>
      %dma_start3A_95 = arith.constant 0 : i32
      %dma_start3A_96 = tpu.memref_slice %arg3[%run_scoped3A_28, %add3A_27, %dma_start3A_95] : memref<4x2560x128xi32, #tpu.memory_space<hbm>> -> memref<1x80x128xi32, #tpu.memory_space<hbm>>
      %dma_start3A_97 = tpu.memref_squeeze %dma_start3A_96 : memref<1x80x128xi32, #tpu.memory_space<hbm>> -> memref<80x128xi32, #tpu.memory_space<hbm>>
      tpu.enqueue_dma source(%dma_start3A_97 : memref<80x128xi32, #tpu.memory_space<hbm>>) target(%arg6 : memref<80x128xi32, #tpu.memory_space<vmem>>) target_semaphore(%run_scoped3A_91 : memref<!tpu.dma_semaphore, #tpu.memory_space<semaphore_mem>>)
      %dma_wait3A = arith.constant 0 : i32
      %dma_wait3A_98 = tpu.memref_slice %arg3[%run_scoped3A_28, %add3A_27, %dma_wait3A] : memref<4x2560x128xi32, #tpu.memory_space<hbm>> -> memref<1x80x128xi32, #tpu.memory_space<hbm>>
      %dma_wait3A_99 = tpu.memref_squeeze %dma_wait3A_98 : memref<1x80x128xi32, #tpu.memory_space<hbm>> -> memref<80x128xi32, #tpu.memory_space<hbm>>
      %dma_wait3A_100 = arith.constant 0 : i32
      %dma_wait3A_101 = tpu.memref_slice %arg3[%run_scoped3A_28, %add3A_27, %dma_wait3A_100] : memref<4x2560x128xi32, #tpu.memory_space<hbm>> -> memref<1x80x128xi32, #tpu.memory_space<hbm>>
      %dma_wait3A_102 = tpu.memref_squeeze %dma_wait3A_101 : memref<1x80x128xi32, #tpu.memory_space<hbm>> -> memref<80x128xi32, #tpu.memory_space<hbm>>
      tpu.wait_dma2 semaphore(%run_scoped3A_91 : memref<!tpu.dma_semaphore, #tpu.memory_space<semaphore_mem>>) src(%dma_wait3A_102 : memref<80x128xi32, #tpu.memory_space<hbm>>) dst(%arg6 : memref<80x128xi32, #tpu.memory_space<vmem>>)
      tpu.yield
    }) : () -> ()
    %dma_start3A = arith.constant 0 : i32
    %dma_start3A_29 = arith.constant 0 : i32
    %dma_start3A_30 = tpu.memref_slice %arg5[%dma_start3A, %dma_start3A_29] : memref<80x128xi32, #tpu.memory_space<vmem>> -> memref<1x128xi32, #tpu.memory_space<vmem>>
    %dma_start3A_31 = tpu.memref_squeeze %dma_start3A_30 : memref<1x128xi32, #tpu.memory_space<vmem>> -> memref<128xi32, #tpu.memory_space<vmem>>
    %dma_start3A_32 = arith.constant 0 : i32
    %dma_start3A_33 = arith.constant 0 : i32
    %dma_start3A_34 = tpu.memref_slice %arg2[%dma_start3A_32, %dma_start3A_33] : memref<10000x64xf32, #tpu.memory_space<hbm>> -> memref<10000x64xf32, #tpu.memory_space<hbm>>
    tpu.enqueue_indirect_dma source(%dma_start3A_34 : memref<10000x64xf32, #tpu.memory_space<hbm>>) target(%arg7 : memref<128x64xf32, #tpu.memory_space<vmem>>) offsets(%dma_start3A_31 : memref<128xi32, #tpu.memory_space<vmem>>) semaphore(%arg16 : memref<!tpu.dma_semaphore, #tpu.memory_space<semaphore_mem>>)
    %dma_start3A_35 = arith.constant 1 : i32
    %dma_start3A_36 = arith.constant 0 : i32
    %dma_start3A_37 = tpu.memref_slice %arg5[%dma_start3A_35, %dma_start3A_36] : memref<80x128xi32, #tpu.memory_space<vmem>> -> memref<1x128xi32, #tpu.memory_space<vmem>>
    %dma_start3A_38 = tpu.memref_squeeze %dma_start3A_37 : memref<1x128xi32, #tpu.memory_space<vmem>> -> memref<128xi32, #tpu.memory_space<vmem>>
    %dma_start3A_39 = arith.constant 0 : i32
    %dma_start3A_40 = arith.constant 0 : i32
    %dma_start3A_41 = tpu.memref_slice %arg2[%dma_start3A_39, %dma_start3A_40] : memref<10000x64xf32, #tpu.memory_space<hbm>> -> memref<10000x64xf32, #tpu.memory_space<hbm>>
    tpu.enqueue_indirect_dma source(%dma_start3A_41 : memref<10000x64xf32, #tpu.memory_space<hbm>>) target(%arg8 : memref<128x64xf32, #tpu.memory_space<vmem>>) offsets(%dma_start3A_38 : memref<128xi32, #tpu.memory_space<vmem>>) semaphore(%arg17 : memref<!tpu.dma_semaphore, #tpu.memory_space<semaphore_mem>>)
    %dma_start3A_42 = arith.constant 2 : i32
    %dma_start3A_43 = arith.constant 0 : i32
    %dma_start3A_44 = tpu.memref_slice %arg5[%dma_start3A_42, %dma_start3A_43] : memref<80x128xi32, #tpu.memory_space<vmem>> -> memref<1x128xi32, #tpu.memory_space<vmem>>
    %dma_start3A_45 = tpu.memref_squeeze %dma_start3A_44 : memref<1x128xi32, #tpu.memory_space<vmem>> -> memref<128xi32, #tpu.memory_space<vmem>>
    %dma_start3A_46 = arith.constant 0 : i32
    %dma_start3A_47 = arith.constant 0 : i32
    %dma_start3A_48 = tpu.memref_slice %arg2[%dma_start3A_46, %dma_start3A_47] : memref<10000x64xf32, #tpu.memory_space<hbm>> -> memref<10000x64xf32, #tpu.memory_space<hbm>>
    tpu.enqueue_indirect_dma source(%dma_start3A_48 : memref<10000x64xf32, #tpu.memory_space<hbm>>) target(%arg9 : memref<128x64xf32, #tpu.memory_space<vmem>>) offsets(%dma_start3A_45 : memref<128xi32, #tpu.memory_space<vmem>>) semaphore(%arg18 : memref<!tpu.dma_semaphore, #tpu.memory_space<semaphore_mem>>)
    %dma_start3A_49 = arith.constant 3 : i32
    %dma_start3A_50 = arith.constant 0 : i32
    %dma_start3A_51 = tpu.memref_slice %arg5[%dma_start3A_49, %dma_start3A_50] : memref<80x128xi32, #tpu.memory_space<vmem>> -> memref<1x128xi32, #tpu.memory_space<vmem>>
    %dma_start3A_52 = tpu.memref_squeeze %dma_start3A_51 : memref<1x128xi32, #tpu.memory_space<vmem>> -> memref<128xi32, #tpu.memory_space<vmem>>
    %dma_start3A_53 = arith.constant 0 : i32
    %dma_start3A_54 = arith.constant 0 : i32
    %dma_start3A_55 = tpu.memref_slice %arg2[%dma_start3A_53, %dma_start3A_54] : memref<10000x64xf32, #tpu.memory_space<hbm>> -> memref<10000x64xf32, #tpu.memory_space<hbm>>
    tpu.enqueue_indirect_dma source(%dma_start3A_55 : memref<10000x64xf32, #tpu.memory_space<hbm>>) target(%arg10 : memref<128x64xf32, #tpu.memory_space<vmem>>) offsets(%dma_start3A_52 : memref<128xi32, #tpu.memory_space<vmem>>) semaphore(%arg19 : memref<!tpu.dma_semaphore, #tpu.memory_space<semaphore_mem>>)
    %dma_start3A_56 = arith.constant 4 : i32
    %dma_start3A_57 = arith.constant 0 : i32
    %dma_start3A_58 = tpu.memref_slice %arg5[%dma_start3A_56, %dma_start3A_57] : memref<80x128xi32, #tpu.memory_space<vmem>> -> memref<1x128xi32, #tpu.memory_space<vmem>>
    %dma_start3A_59 = tpu.memref_squeeze %dma_start3A_58 : memref<1x128xi32, #tpu.memory_space<vmem>> -> memref<128xi32, #tpu.memory_space<vmem>>
    %dma_start3A_60 = arith.constant 0 : i32
    %dma_start3A_61 = arith.constant 0 : i32
    %dma_start3A_62 = tpu.memref_slice %arg2[%dma_start3A_60, %dma_start3A_61] : memref<10000x64xf32, #tpu.memory_space<hbm>> -> memref<10000x64xf32, #tpu.memory_space<hbm>>
    tpu.enqueue_indirect_dma source(%dma_start3A_62 : memref<10000x64xf32, #tpu.memory_space<hbm>>) target(%arg11 : memref<128x64xf32, #tpu.memory_space<vmem>>) offsets(%dma_start3A_59 : memref<128xi32, #tpu.memory_space<vmem>>) semaphore(%arg20 : memref<!tpu.dma_semaphore, #tpu.memory_space<semaphore_mem>>)
    %dma_start3A_63 = arith.constant 5 : i32
    %dma_start3A_64 = arith.constant 0 : i32
    %dma_start3A_65 = tpu.memref_slice %arg5[%dma_start3A_63, %dma_start3A_64] : memref<80x128xi32, #tpu.memory_space<vmem>> -> memref<1x128xi32, #tpu.memory_space<vmem>>
    %dma_start3A_66 = tpu.memref_squeeze %dma_start3A_65 : memref<1x128xi32, #tpu.memory_space<vmem>> -> memref<128xi32, #tpu.memory_space<vmem>>
    %dma_start3A_67 = arith.constant 0 : i32
    %dma_start3A_68 = arith.constant 0 : i32
    %dma_start3A_69 = tpu.memref_slice %arg2[%dma_start3A_67, %dma_start3A_68] : memref<10000x64xf32, #tpu.memory_space<hbm>> -> memref<10000x64xf32, #tpu.memory_space<hbm>>
    tpu.enqueue_indirect_dma source(%dma_start3A_69 : memref<10000x64xf32, #tpu.memory_space<hbm>>) target(%arg12 : memref<128x64xf32, #tpu.memory_space<vmem>>) offsets(%dma_start3A_66 : memref<128xi32, #tpu.memory_space<vmem>>) semaphore(%arg21 : memref<!tpu.dma_semaphore, #tpu.memory_space<semaphore_mem>>)
    %dma_start3A_70 = arith.constant 6 : i32
    %dma_start3A_71 = arith.constant 0 : i32
    %dma_start3A_72 = tpu.memref_slice %arg5[%dma_start3A_70, %dma_start3A_71] : memref<80x128xi32, #tpu.memory_space<vmem>> -> memref<1x128xi32, #tpu.memory_space<vmem>>
    %dma_start3A_73 = tpu.memref_squeeze %dma_start3A_72 : memref<1x128xi32, #tpu.memory_space<vmem>> -> memref<128xi32, #tpu.memory_space<vmem>>
    %dma_start3A_74 = arith.constant 0 : i32
    %dma_start3A_75 = arith.constant 0 : i32
    %dma_start3A_76 = tpu.memref_slice %arg2[%dma_start3A_74, %dma_start3A_75] : memref<10000x64xf32, #tpu.memory_space<hbm>> -> memref<10000x64xf32, #tpu.memory_space<hbm>>
    tpu.enqueue_indirect_dma source(%dma_start3A_76 : memref<10000x64xf32, #tpu.memory_space<hbm>>) target(%arg13 : memref<128x64xf32, #tpu.memory_space<vmem>>) offsets(%dma_start3A_73 : memref<128xi32, #tpu.memory_space<vmem>>) semaphore(%arg22 : memref<!tpu.dma_semaphore, #tpu.memory_space<semaphore_mem>>)
    %dma_start3A_77 = arith.constant 7 : i32
    %dma_start3A_78 = arith.constant 0 : i32
    %dma_start3A_79 = tpu.memref_slice %arg5[%dma_start3A_77, %dma_start3A_78] : memref<80x128xi32, #tpu.memory_space<vmem>> -> memref<1x128xi32, #tpu.memory_space<vmem>>
    %dma_start3A_80 = tpu.memref_squeeze %dma_start3A_79 : memref<1x128xi32, #tpu.memory_space<vmem>> -> memref<128xi32, #tpu.memory_space<vmem>>
    %dma_start3A_81 = arith.constant 0 : i32
    %dma_start3A_82 = arith.constant 0 : i32
    %dma_start3A_83 = tpu.memref_slice %arg2[%dma_start3A_81, %dma_start3A_82] : memref<10000x64xf32, #tpu.memory_space<hbm>> -> memref<10000x64xf32, #tpu.memory_space<hbm>>
    tpu.enqueue_indirect_dma source(%dma_start3A_83 : memref<10000x64xf32, #tpu.memory_space<hbm>>) target(%arg14 : memref<128x64xf32, #tpu.memory_space<vmem>>) offsets(%dma_start3A_80 : memref<128xi32, #tpu.memory_space<vmem>>) semaphore(%arg23 : memref<!tpu.dma_semaphore, #tpu.memory_space<semaphore_mem>>)
    %scan3A_84 = arith.constant 0 : i32
    %scan3A_85 = arith.constant 10 : i32
    %scan3A_86 = arith.addi %scan3A_84, %scan3A_85 : i32
    %scan3A_87 = arith.constant 1 : i32
    scf.for %scan3A_91 = %scan3A_84 to %scan3A_86 step %scan3A_87  : i32 {
      %mul3A_92 = arith.constant 1 : i32
      %mul3A_93 = arith.muli %scan3A_91, %mul3A_92 : i32
      %add3A_94 = arith.constant 0 : i32
      %add3A_95 = arith.addi %add3A_94, %mul3A_93 : i32
      %mul3A_96 = arith.constant 8 : i32
      %mul3A_97 = arith.muli %add3A_95, %mul3A_96 : i32
      %add3A_98 = arith.constant 0 : i32
      %add3A_99 = arith.addi %mul3A_97, %add3A_98 : i32
      %dma_wait3A = arith.constant 0 : i32
      %dma_wait3A_100 = tpu.memref_slice %arg5[%add3A_99, %dma_wait3A] : memref<80x128xi32, #tpu.memory_space<vmem>> -> memref<1x128xi32, #tpu.memory_space<vmem>>
      %dma_wait3A_101 = tpu.memref_squeeze %dma_wait3A_100 : memref<1x128xi32, #tpu.memory_space<vmem>> -> memref<128xi32, #tpu.memory_space<vmem>>
      %dma_wait3A_102 = arith.constant 0 : i32
      %dma_wait3A_103 = arith.constant 0 : i32
      %dma_wait3A_104 = tpu.memref_slice %arg2[%dma_wait3A_102, %dma_wait3A_103] : memref<10000x64xf32, #tpu.memory_space<hbm>> -> memref<10000x64xf32, #tpu.memory_space<hbm>>
      tpu.wait_indirect_dma semaphore(%arg16 : memref<!tpu.dma_semaphore, #tpu.memory_space<semaphore_mem>>) src(%dma_wait3A_104 : memref<10000x64xf32, #tpu.memory_space<hbm>>) dst(%arg7 : memref<128x64xf32, #tpu.memory_space<vmem>>)
      %add3A_105 = arith.constant 0 : i32
      %add3A_106 = arith.addi %mul3A_97, %add3A_105 : i32
      %dma_start3A_107 = arith.constant 0 : i32
      %dma_start3A_108 = tpu.memref_slice %arg6[%add3A_106, %dma_start3A_107] : memref<80x128xi32, #tpu.memory_space<vmem>> -> memref<1x128xi32, #tpu.memory_space<vmem>>
      %dma_start3A_109 = tpu.memref_squeeze %dma_start3A_108 : memref<1x128xi32, #tpu.memory_space<vmem>> -> memref<128xi32, #tpu.memory_space<vmem>>
      %dma_start3A_110 = arith.constant 0 : i32
      %dma_start3A_111 = arith.constant 0 : i32
      %dma_start3A_112 = tpu.memref_slice %arg15[%dma_start3A_110, %dma_start3A_111] : memref<10240x64xf32, #tpu.memory_space<vmem_shared>> -> memref<10240x64xf32, #tpu.memory_space<vmem_shared>>
      tpu.enqueue_indirect_dma source(%arg7 : memref<128x64xf32, #tpu.memory_space<vmem>>) target(%dma_start3A_112 : memref<10240x64xf32, #tpu.memory_space<vmem_shared>>) offsets(%dma_start3A_109 : memref<128xi32, #tpu.memory_space<vmem>>) semaphore(%arg24 : memref<!tpu.dma_semaphore, #tpu.memory_space<semaphore_mem>>) {add = true}
      %add3A_113 = arith.constant 1 : i32
      %add3A_114 = arith.addi %mul3A_97, %add3A_113 : i32
      %dma_wait3A_115 = arith.constant 0 : i32
      %dma_wait3A_116 = tpu.memref_slice %arg5[%add3A_114, %dma_wait3A_115] : memref<80x128xi32, #tpu.memory_space<vmem>> -> memref<1x128xi32, #tpu.memory_space<vmem>>
      %dma_wait3A_117 = tpu.memref_squeeze %dma_wait3A_116 : memref<1x128xi32, #tpu.memory_space<vmem>> -> memref<128xi32, #tpu.memory_space<vmem>>
      %dma_wait3A_118 = arith.constant 0 : i32
      %dma_wait3A_119 = arith.constant 0 : i32
      %dma_wait3A_120 = tpu.memref_slice %arg2[%dma_wait3A_118, %dma_wait3A_119] : memref<10000x64xf32, #tpu.memory_space<hbm>> -> memref<10000x64xf32, #tpu.memory_space<hbm>>
      tpu.wait_indirect_dma semaphore(%arg17 : memref<!tpu.dma_semaphore, #tpu.memory_space<semaphore_mem>>) src(%dma_wait3A_120 : memref<10000x64xf32, #tpu.memory_space<hbm>>) dst(%arg8 : memref<128x64xf32, #tpu.memory_space<vmem>>)
      %add3A_121 = arith.constant 1 : i32
      %add3A_122 = arith.addi %mul3A_97, %add3A_121 : i32
      %dma_start3A_123 = arith.constant 0 : i32
      %dma_start3A_124 = tpu.memref_slice %arg6[%add3A_122, %dma_start3A_123] : memref<80x128xi32, #tpu.memory_space<vmem>> -> memref<1x128xi32, #tpu.memory_space<vmem>>
      %dma_start3A_125 = tpu.memref_squeeze %dma_start3A_124 : memref<1x128xi32, #tpu.memory_space<vmem>> -> memref<128xi32, #tpu.memory_space<vmem>>
      %dma_start3A_126 = arith.constant 0 : i32
      %dma_start3A_127 = arith.constant 0 : i32
      %dma_start3A_128 = tpu.memref_slice %arg15[%dma_start3A_126, %dma_start3A_127] : memref<10240x64xf32, #tpu.memory_space<vmem_shared>> -> memref<10240x64xf32, #tpu.memory_space<vmem_shared>>
      tpu.enqueue_indirect_dma source(%arg8 : memref<128x64xf32, #tpu.memory_space<vmem>>) target(%dma_start3A_128 : memref<10240x64xf32, #tpu.memory_space<vmem_shared>>) offsets(%dma_start3A_125 : memref<128xi32, #tpu.memory_space<vmem>>) semaphore(%arg25 : memref<!tpu.dma_semaphore, #tpu.memory_space<semaphore_mem>>) {add = true}
      %add3A_129 = arith.constant 2 : i32
      %add3A_130 = arith.addi %mul3A_97, %add3A_129 : i32
      %dma_wait3A_131 = arith.constant 0 : i32
      %dma_wait3A_132 = tpu.memref_slice %arg5[%add3A_130, %dma_wait3A_131] : memref<80x128xi32, #tpu.memory_space<vmem>> -> memref<1x128xi32, #tpu.memory_space<vmem>>
      %dma_wait3A_133 = tpu.memref_squeeze %dma_wait3A_132 : memref<1x128xi32, #tpu.memory_space<vmem>> -> memref<128xi32, #tpu.memory_space<vmem>>
      %dma_wait3A_134 = arith.constant 0 : i32
      %dma_wait3A_135 = arith.constant 0 : i32
      %dma_wait3A_136 = tpu.memref_slice %arg2[%dma_wait3A_134, %dma_wait3A_135] : memref<10000x64xf32, #tpu.memory_space<hbm>> -> memref<10000x64xf32, #tpu.memory_space<hbm>>
      tpu.wait_indirect_dma semaphore(%arg18 : memref<!tpu.dma_semaphore, #tpu.memory_space<semaphore_mem>>) src(%dma_wait3A_136 : memref<10000x64xf32, #tpu.memory_space<hbm>>) dst(%arg9 : memref<128x64xf32, #tpu.memory_space<vmem>>)
      %add3A_137 = arith.constant 2 : i32
      %add3A_138 = arith.addi %mul3A_97, %add3A_137 : i32
      %dma_start3A_139 = arith.constant 0 : i32
      %dma_start3A_140 = tpu.memref_slice %arg6[%add3A_138, %dma_start3A_139] : memref<80x128xi32, #tpu.memory_space<vmem>> -> memref<1x128xi32, #tpu.memory_space<vmem>>
      %dma_start3A_141 = tpu.memref_squeeze %dma_start3A_140 : memref<1x128xi32, #tpu.memory_space<vmem>> -> memref<128xi32, #tpu.memory_space<vmem>>
      %dma_start3A_142 = arith.constant 0 : i32
      %dma_start3A_143 = arith.constant 0 : i32
      %dma_start3A_144 = tpu.memref_slice %arg15[%dma_start3A_142, %dma_start3A_143] : memref<10240x64xf32, #tpu.memory_space<vmem_shared>> -> memref<10240x64xf32, #tpu.memory_space<vmem_shared>>
      tpu.enqueue_indirect_dma source(%arg9 : memref<128x64xf32, #tpu.memory_space<vmem>>) target(%dma_start3A_144 : memref<10240x64xf32, #tpu.memory_space<vmem_shared>>) offsets(%dma_start3A_141 : memref<128xi32, #tpu.memory_space<vmem>>) semaphore(%arg26 : memref<!tpu.dma_semaphore, #tpu.memory_space<semaphore_mem>>) {add = true}
      %add3A_145 = arith.constant 3 : i32
      %add3A_146 = arith.addi %mul3A_97, %add3A_145 : i32
      %dma_wait3A_147 = arith.constant 0 : i32
      %dma_wait3A_148 = tpu.memref_slice %arg5[%add3A_146, %dma_wait3A_147] : memref<80x128xi32, #tpu.memory_space<vmem>> -> memref<1x128xi32, #tpu.memory_space<vmem>>
      %dma_wait3A_149 = tpu.memref_squeeze %dma_wait3A_148 : memref<1x128xi32, #tpu.memory_space<vmem>> -> memref<128xi32, #tpu.memory_space<vmem>>
      %dma_wait3A_150 = arith.constant 0 : i32
      %dma_wait3A_151 = arith.constant 0 : i32
      %dma_wait3A_152 = tpu.memref_slice %arg2[%dma_wait3A_150, %dma_wait3A_151] : memref<10000x64xf32, #tpu.memory_space<hbm>> -> memref<10000x64xf32, #tpu.memory_space<hbm>>
      tpu.wait_indirect_dma semaphore(%arg19 : memref<!tpu.dma_semaphore, #tpu.memory_space<semaphore_mem>>) src(%dma_wait3A_152 : memref<10000x64xf32, #tpu.memory_space<hbm>>) dst(%arg10 : memref<128x64xf32, #tpu.memory_space<vmem>>)
      %add3A_153 = arith.constant 3 : i32
      %add3A_154 = arith.addi %mul3A_97, %add3A_153 : i32
      %dma_start3A_155 = arith.constant 0 : i32
      %dma_start3A_156 = tpu.memref_slice %arg6[%add3A_154, %dma_start3A_155] : memref<80x128xi32, #tpu.memory_space<vmem>> -> memref<1x128xi32, #tpu.memory_space<vmem>>
      %dma_start3A_157 = tpu.memref_squeeze %dma_start3A_156 : memref<1x128xi32, #tpu.memory_space<vmem>> -> memref<128xi32, #tpu.memory_space<vmem>>
      %dma_start3A_158 = arith.constant 0 : i32
      %dma_start3A_159 = arith.constant 0 : i32
      %dma_start3A_160 = tpu.memref_slice %arg15[%dma_start3A_158, %dma_start3A_159] : memref<10240x64xf32, #tpu.memory_space<vmem_shared>> -> memref<10240x64xf32, #tpu.memory_space<vmem_shared>>
      tpu.enqueue_indirect_dma source(%arg10 : memref<128x64xf32, #tpu.memory_space<vmem>>) target(%dma_start3A_160 : memref<10240x64xf32, #tpu.memory_space<vmem_shared>>) offsets(%dma_start3A_157 : memref<128xi32, #tpu.memory_space<vmem>>) semaphore(%arg27 : memref<!tpu.dma_semaphore, #tpu.memory_space<semaphore_mem>>) {add = true}
      %add3A_161 = arith.constant 4 : i32
      %add3A_162 = arith.addi %mul3A_97, %add3A_161 : i32
      %dma_wait3A_163 = arith.constant 0 : i32
      %dma_wait3A_164 = tpu.memref_slice %arg5[%add3A_162, %dma_wait3A_163] : memref<80x128xi32, #tpu.memory_space<vmem>> -> memref<1x128xi32, #tpu.memory_space<vmem>>
      %dma_wait3A_165 = tpu.memref_squeeze %dma_wait3A_164 : memref<1x128xi32, #tpu.memory_space<vmem>> -> memref<128xi32, #tpu.memory_space<vmem>>
      %dma_wait3A_166 = arith.constant 0 : i32
      %dma_wait3A_167 = arith.constant 0 : i32
      %dma_wait3A_168 = tpu.memref_slice %arg2[%dma_wait3A_166, %dma_wait3A_167] : memref<10000x64xf32, #tpu.memory_space<hbm>> -> memref<10000x64xf32, #tpu.memory_space<hbm>>
      tpu.wait_indirect_dma semaphore(%arg20 : memref<!tpu.dma_semaphore, #tpu.memory_space<semaphore_mem>>) src(%dma_wait3A_168 : memref<10000x64xf32, #tpu.memory_space<hbm>>) dst(%arg11 : memref<128x64xf32, #tpu.memory_space<vmem>>)
      %add3A_169 = arith.constant 4 : i32
      %add3A_170 = arith.addi %mul3A_97, %add3A_169 : i32
      %dma_start3A_171 = arith.constant 0 : i32
      %dma_start3A_172 = tpu.memref_slice %arg6[%add3A_170, %dma_start3A_171] : memref<80x128xi32, #tpu.memory_space<vmem>> -> memref<1x128xi32, #tpu.memory_space<vmem>>
      %dma_start3A_173 = tpu.memref_squeeze %dma_start3A_172 : memref<1x128xi32, #tpu.memory_space<vmem>> -> memref<128xi32, #tpu.memory_space<vmem>>
      %dma_start3A_174 = arith.constant 0 : i32
      %dma_start3A_175 = arith.constant 0 : i32
      %dma_start3A_176 = tpu.memref_slice %arg15[%dma_start3A_174, %dma_start3A_175] : memref<10240x64xf32, #tpu.memory_space<vmem_shared>> -> memref<10240x64xf32, #tpu.memory_space<vmem_shared>>
      tpu.enqueue_indirect_dma source(%arg11 : memref<128x64xf32, #tpu.memory_space<vmem>>) target(%dma_start3A_176 : memref<10240x64xf32, #tpu.memory_space<vmem_shared>>) offsets(%dma_start3A_173 : memref<128xi32, #tpu.memory_space<vmem>>) semaphore(%arg28 : memref<!tpu.dma_semaphore, #tpu.memory_space<semaphore_mem>>) {add = true}
      %add3A_177 = arith.constant 5 : i32
      %add3A_178 = arith.addi %mul3A_97, %add3A_177 : i32
      %dma_wait3A_179 = arith.constant 0 : i32
      %dma_wait3A_180 = tpu.memref_slice %arg5[%add3A_178, %dma_wait3A_179] : memref<80x128xi32, #tpu.memory_space<vmem>> -> memref<1x128xi32, #tpu.memory_space<vmem>>
      %dma_wait3A_181 = tpu.memref_squeeze %dma_wait3A_180 : memref<1x128xi32, #tpu.memory_space<vmem>> -> memref<128xi32, #tpu.memory_space<vmem>>
      %dma_wait3A_182 = arith.constant 0 : i32
      %dma_wait3A_183 = arith.constant 0 : i32
      %dma_wait3A_184 = tpu.memref_slice %arg2[%dma_wait3A_182, %dma_wait3A_183] : memref<10000x64xf32, #tpu.memory_space<hbm>> -> memref<10000x64xf32, #tpu.memory_space<hbm>>
      tpu.wait_indirect_dma semaphore(%arg21 : memref<!tpu.dma_semaphore, #tpu.memory_space<semaphore_mem>>) src(%dma_wait3A_184 : memref<10000x64xf32, #tpu.memory_space<hbm>>) dst(%arg12 : memref<128x64xf32, #tpu.memory_space<vmem>>)
      %add3A_185 = arith.constant 5 : i32
      %add3A_186 = arith.addi %mul3A_97, %add3A_185 : i32
      %dma_start3A_187 = arith.constant 0 : i32
      %dma_start3A_188 = tpu.memref_slice %arg6[%add3A_186, %dma_start3A_187] : memref<80x128xi32, #tpu.memory_space<vmem>> -> memref<1x128xi32, #tpu.memory_space<vmem>>
      %dma_start3A_189 = tpu.memref_squeeze %dma_start3A_188 : memref<1x128xi32, #tpu.memory_space<vmem>> -> memref<128xi32, #tpu.memory_space<vmem>>
      %dma_start3A_190 = arith.constant 0 : i32
      %dma_start3A_191 = arith.constant 0 : i32
      %dma_start3A_192 = tpu.memref_slice %arg15[%dma_start3A_190, %dma_start3A_191] : memref<10240x64xf32, #tpu.memory_space<vmem_shared>> -> memref<10240x64xf32, #tpu.memory_space<vmem_shared>>
      tpu.enqueue_indirect_dma source(%arg12 : memref<128x64xf32, #tpu.memory_space<vmem>>) target(%dma_start3A_192 : memref<10240x64xf32, #tpu.memory_space<vmem_shared>>) offsets(%dma_start3A_189 : memref<128xi32, #tpu.memory_space<vmem>>) semaphore(%arg29 : memref<!tpu.dma_semaphore, #tpu.memory_space<semaphore_mem>>) {add = true}
      %add3A_193 = arith.constant 6 : i32
      %add3A_194 = arith.addi %mul3A_97, %add3A_193 : i32
      %dma_wait3A_195 = arith.constant 0 : i32
      %dma_wait3A_196 = tpu.memref_slice %arg5[%add3A_194, %dma_wait3A_195] : memref<80x128xi32, #tpu.memory_space<vmem>> -> memref<1x128xi32, #tpu.memory_space<vmem>>
      %dma_wait3A_197 = tpu.memref_squeeze %dma_wait3A_196 : memref<1x128xi32, #tpu.memory_space<vmem>> -> memref<128xi32, #tpu.memory_space<vmem>>
      %dma_wait3A_198 = arith.constant 0 : i32
      %dma_wait3A_199 = arith.constant 0 : i32
      %dma_wait3A_200 = tpu.memref_slice %arg2[%dma_wait3A_198, %dma_wait3A_199] : memref<10000x64xf32, #tpu.memory_space<hbm>> -> memref<10000x64xf32, #tpu.memory_space<hbm>>
      tpu.wait_indirect_dma semaphore(%arg22 : memref<!tpu.dma_semaphore, #tpu.memory_space<semaphore_mem>>) src(%dma_wait3A_200 : memref<10000x64xf32, #tpu.memory_space<hbm>>) dst(%arg13 : memref<128x64xf32, #tpu.memory_space<vmem>>)
      %add3A_201 = arith.constant 6 : i32
      %add3A_202 = arith.addi %mul3A_97, %add3A_201 : i32
      %dma_start3A_203 = arith.constant 0 : i32
      %dma_start3A_204 = tpu.memref_slice %arg6[%add3A_202, %dma_start3A_203] : memref<80x128xi32, #tpu.memory_space<vmem>> -> memref<1x128xi32, #tpu.memory_space<vmem>>
      %dma_start3A_205 = tpu.memref_squeeze %dma_start3A_204 : memref<1x128xi32, #tpu.memory_space<vmem>> -> memref<128xi32, #tpu.memory_space<vmem>>
      %dma_start3A_206 = arith.constant 0 : i32
      %dma_start3A_207 = arith.constant 0 : i32
      %dma_start3A_208 = tpu.memref_slice %arg15[%dma_start3A_206, %dma_start3A_207] : memref<10240x64xf32, #tpu.memory_space<vmem_shared>> -> memref<10240x64xf32, #tpu.memory_space<vmem_shared>>
      tpu.enqueue_indirect_dma source(%arg13 : memref<128x64xf32, #tpu.memory_space<vmem>>) target(%dma_start3A_208 : memref<10240x64xf32, #tpu.memory_space<vmem_shared>>) offsets(%dma_start3A_205 : memref<128xi32, #tpu.memory_space<vmem>>) semaphore(%arg30 : memref<!tpu.dma_semaphore, #tpu.memory_space<semaphore_mem>>) {add = true}
      %add3A_209 = arith.constant 7 : i32
      %add3A_210 = arith.addi %mul3A_97, %add3A_209 : i32
      %dma_wait3A_211 = arith.constant 0 : i32
      %dma_wait3A_212 = tpu.memref_slice %arg5[%add3A_210, %dma_wait3A_211] : memref<80x128xi32, #tpu.memory_space<vmem>> -> memref<1x128xi32, #tpu.memory_space<vmem>>
      %dma_wait3A_213 = tpu.memref_squeeze %dma_wait3A_212 : memref<1x128xi32, #tpu.memory_space<vmem>> -> memref<128xi32, #tpu.memory_space<vmem>>
      %dma_wait3A_214 = arith.constant 0 : i32
      %dma_wait3A_215 = arith.constant 0 : i32
      %dma_wait3A_216 = tpu.memref_slice %arg2[%dma_wait3A_214, %dma_wait3A_215] : memref<10000x64xf32, #tpu.memory_space<hbm>> -> memref<10000x64xf32, #tpu.memory_space<hbm>>
      tpu.wait_indirect_dma semaphore(%arg23 : memref<!tpu.dma_semaphore, #tpu.memory_space<semaphore_mem>>) src(%dma_wait3A_216 : memref<10000x64xf32, #tpu.memory_space<hbm>>) dst(%arg14 : memref<128x64xf32, #tpu.memory_space<vmem>>)
      %add3A_217 = arith.constant 7 : i32
      %add3A_218 = arith.addi %mul3A_97, %add3A_217 : i32
      %dma_start3A_219 = arith.constant 0 : i32
      %dma_start3A_220 = tpu.memref_slice %arg6[%add3A_218, %dma_start3A_219] : memref<80x128xi32, #tpu.memory_space<vmem>> -> memref<1x128xi32, #tpu.memory_space<vmem>>
      %dma_start3A_221 = tpu.memref_squeeze %dma_start3A_220 : memref<1x128xi32, #tpu.memory_space<vmem>> -> memref<128xi32, #tpu.memory_space<vmem>>
      %dma_start3A_222 = arith.constant 0 : i32
      %dma_start3A_223 = arith.constant 0 : i32
      %dma_start3A_224 = tpu.memref_slice %arg15[%dma_start3A_222, %dma_start3A_223] : memref<10240x64xf32, #tpu.memory_space<vmem_shared>> -> memref<10240x64xf32, #tpu.memory_space<vmem_shared>>
      tpu.enqueue_indirect_dma source(%arg14 : memref<128x64xf32, #tpu.memory_space<vmem>>) target(%dma_start3A_224 : memref<10240x64xf32, #tpu.memory_space<vmem_shared>>) offsets(%dma_start3A_221 : memref<128xi32, #tpu.memory_space<vmem>>) semaphore(%arg31 : memref<!tpu.dma_semaphore, #tpu.memory_space<semaphore_mem>>) {add = true}
      %add3A_225 = arith.constant 0 : i32
      %add3A_226 = arith.addi %mul3A_97, %add3A_225 : i32
      %dma_wait3A_227 = arith.constant 0 : i32
      %dma_wait3A_228 = tpu.memref_slice %arg6[%add3A_226, %dma_wait3A_227] : memref<80x128xi32, #tpu.memory_space<vmem>> -> memref<1x128xi32, #tpu.memory_space<vmem>>
      %dma_wait3A_229 = tpu.memref_squeeze %dma_wait3A_228 : memref<1x128xi32, #tpu.memory_space<vmem>> -> memref<128xi32, #tpu.memory_space<vmem>>
      %dma_wait3A_230 = arith.constant 0 : i32
      %dma_wait3A_231 = arith.constant 0 : i32
      %dma_wait3A_232 = tpu.memref_slice %arg15[%dma_wait3A_230, %dma_wait3A_231] : memref<10240x64xf32, #tpu.memory_space<vmem_shared>> -> memref<10240x64xf32, #tpu.memory_space<vmem_shared>>
      tpu.wait_indirect_dma semaphore(%arg24 : memref<!tpu.dma_semaphore, #tpu.memory_space<semaphore_mem>>) src(%arg7 : memref<128x64xf32, #tpu.memory_space<vmem>>) dst(%dma_wait3A_232 : memref<10240x64xf32, #tpu.memory_space<vmem_shared>>)
      %add3A_233 = arith.constant 8 : i32
      %add3A_234 = arith.addi %mul3A_97, %add3A_233 : i32
      %add3A_235 = arith.constant 0 : i32
      %add3A_236 = arith.addi %add3A_234, %add3A_235 : i32
      %lt3A = arith.constant 80 : i32
      %lt3A_237 = arith.cmpi slt, %add3A_236, %lt3A : i32
      %convert_element_type3A = arith.extui %lt3A_237 : i1 to i32
      %cond3A = arith.constant 0 : i32
      %cond3A_238 = arith.cmpi ne, %convert_element_type3A, %cond3A : i32
      scf.if %cond3A_238 {
        %add3A_358 = arith.constant 8 : i32
        %add3A_359 = arith.addi %mul3A_97, %add3A_358 : i32
        %add3A_360 = arith.constant 0 : i32
        %add3A_361 = arith.addi %add3A_359, %add3A_360 : i32
        %dma_start3A_362 = arith.constant 0 : i32
        %dma_start3A_363 = tpu.memref_slice %arg5[%add3A_361, %dma_start3A_362] : memref<80x128xi32, #tpu.memory_space<vmem>> -> memref<1x128xi32, #tpu.memory_space<vmem>>
        %dma_start3A_364 = tpu.memref_squeeze %dma_start3A_363 : memref<1x128xi32, #tpu.memory_space<vmem>> -> memref<128xi32, #tpu.memory_space<vmem>>
        %dma_start3A_365 = arith.constant 0 : i32
        %dma_start3A_366 = arith.constant 0 : i32
        %dma_start3A_367 = tpu.memref_slice %arg2[%dma_start3A_365, %dma_start3A_366] : memref<10000x64xf32, #tpu.memory_space<hbm>> -> memref<10000x64xf32, #tpu.memory_space<hbm>>
        tpu.enqueue_indirect_dma source(%dma_start3A_367 : memref<10000x64xf32, #tpu.memory_space<hbm>>) target(%arg7 : memref<128x64xf32, #tpu.memory_space<vmem>>) offsets(%dma_start3A_364 : memref<128xi32, #tpu.memory_space<vmem>>) semaphore(%arg16 : memref<!tpu.dma_semaphore, #tpu.memory_space<semaphore_mem>>)
      } else {
      }
      %add3A_239 = arith.constant 1 : i32
      %add3A_240 = arith.addi %mul3A_97, %add3A_239 : i32
      %dma_wait3A_241 = arith.constant 0 : i32
      %dma_wait3A_242 = tpu.memref_slice %arg6[%add3A_240, %dma_wait3A_241] : memref<80x128xi32, #tpu.memory_space<vmem>> -> memref<1x128xi32, #tpu.memory_space<vmem>>
      %dma_wait3A_243 = tpu.memref_squeeze %dma_wait3A_242 : memref<1x128xi32, #tpu.memory_space<vmem>> -> memref<128xi32, #tpu.memory_space<vmem>>
      %dma_wait3A_244 = arith.constant 0 : i32
      %dma_wait3A_245 = arith.constant 0 : i32
      %dma_wait3A_246 = tpu.memref_slice %arg15[%dma_wait3A_244, %dma_wait3A_245] : memref<10240x64xf32, #tpu.memory_space<vmem_shared>> -> memref<10240x64xf32, #tpu.memory_space<vmem_shared>>
      tpu.wait_indirect_dma semaphore(%arg25 : memref<!tpu.dma_semaphore, #tpu.memory_space<semaphore_mem>>) src(%arg8 : memref<128x64xf32, #tpu.memory_space<vmem>>) dst(%dma_wait3A_246 : memref<10240x64xf32, #tpu.memory_space<vmem_shared>>)
      %add3A_247 = arith.constant 8 : i32
      %add3A_248 = arith.addi %mul3A_97, %add3A_247 : i32
      %add3A_249 = arith.constant 1 : i32
      %add3A_250 = arith.addi %add3A_248, %add3A_249 : i32
      %lt3A_251 = arith.constant 80 : i32
      %lt3A_252 = arith.cmpi slt, %add3A_250, %lt3A_251 : i32
      %convert_element_type3A_253 = arith.extui %lt3A_252 : i1 to i32
      %cond3A_254 = arith.constant 0 : i32
      %cond3A_255 = arith.cmpi ne, %convert_element_type3A_253, %cond3A_254 : i32
      scf.if %cond3A_255 {
        %add3A_358 = arith.constant 8 : i32
        %add3A_359 = arith.addi %mul3A_97, %add3A_358 : i32
        %add3A_360 = arith.constant 1 : i32
        %add3A_361 = arith.addi %add3A_359, %add3A_360 : i32
        %dma_start3A_362 = arith.constant 0 : i32
        %dma_start3A_363 = tpu.memref_slice %arg5[%add3A_361, %dma_start3A_362] : memref<80x128xi32, #tpu.memory_space<vmem>> -> memref<1x128xi32, #tpu.memory_space<vmem>>
        %dma_start3A_364 = tpu.memref_squeeze %dma_start3A_363 : memref<1x128xi32, #tpu.memory_space<vmem>> -> memref<128xi32, #tpu.memory_space<vmem>>
        %dma_start3A_365 = arith.constant 0 : i32
        %dma_start3A_366 = arith.constant 0 : i32
        %dma_start3A_367 = tpu.memref_slice %arg2[%dma_start3A_365, %dma_start3A_366] : memref<10000x64xf32, #tpu.memory_space<hbm>> -> memref<10000x64xf32, #tpu.memory_space<hbm>>
        tpu.enqueue_indirect_dma source(%dma_start3A_367 : memref<10000x64xf32, #tpu.memory_space<hbm>>) target(%arg8 : memref<128x64xf32, #tpu.memory_space<vmem>>) offsets(%dma_start3A_364 : memref<128xi32, #tpu.memory_space<vmem>>) semaphore(%arg17 : memref<!tpu.dma_semaphore, #tpu.memory_space<semaphore_mem>>)
      } else {
      }
      %add3A_256 = arith.constant 2 : i32
      %add3A_257 = arith.addi %mul3A_97, %add3A_256 : i32
      %dma_wait3A_258 = arith.constant 0 : i32
      %dma_wait3A_259 = tpu.memref_slice %arg6[%add3A_257, %dma_wait3A_258] : memref<80x128xi32, #tpu.memory_space<vmem>> -> memref<1x128xi32, #tpu.memory_space<vmem>>
      %dma_wait3A_260 = tpu.memref_squeeze %dma_wait3A_259 : memref<1x128xi32, #tpu.memory_space<vmem>> -> memref<128xi32, #tpu.memory_space<vmem>>
      %dma_wait3A_261 = arith.constant 0 : i32
      %dma_wait3A_262 = arith.constant 0 : i32
      %dma_wait3A_263 = tpu.memref_slice %arg15[%dma_wait3A_261, %dma_wait3A_262] : memref<10240x64xf32, #tpu.memory_space<vmem_shared>> -> memref<10240x64xf32, #tpu.memory_space<vmem_shared>>
      tpu.wait_indirect_dma semaphore(%arg26 : memref<!tpu.dma_semaphore, #tpu.memory_space<semaphore_mem>>) src(%arg9 : memref<128x64xf32, #tpu.memory_space<vmem>>) dst(%dma_wait3A_263 : memref<10240x64xf32, #tpu.memory_space<vmem_shared>>)
      %add3A_264 = arith.constant 8 : i32
      %add3A_265 = arith.addi %mul3A_97, %add3A_264 : i32
      %add3A_266 = arith.constant 2 : i32
      %add3A_267 = arith.addi %add3A_265, %add3A_266 : i32
      %lt3A_268 = arith.constant 80 : i32
      %lt3A_269 = arith.cmpi slt, %add3A_267, %lt3A_268 : i32
      %convert_element_type3A_270 = arith.extui %lt3A_269 : i1 to i32
      %cond3A_271 = arith.constant 0 : i32
      %cond3A_272 = arith.cmpi ne, %convert_element_type3A_270, %cond3A_271 : i32
      scf.if %cond3A_272 {
        %add3A_358 = arith.constant 8 : i32
        %add3A_359 = arith.addi %mul3A_97, %add3A_358 : i32
        %add3A_360 = arith.constant 2 : i32
        %add3A_361 = arith.addi %add3A_359, %add3A_360 : i32
        %dma_start3A_362 = arith.constant 0 : i32
        %dma_start3A_363 = tpu.memref_slice %arg5[%add3A_361, %dma_start3A_362] : memref<80x128xi32, #tpu.memory_space<vmem>> -> memref<1x128xi32, #tpu.memory_space<vmem>>
        %dma_start3A_364 = tpu.memref_squeeze %dma_start3A_363 : memref<1x128xi32, #tpu.memory_space<vmem>> -> memref<128xi32, #tpu.memory_space<vmem>>
        %dma_start3A_365 = arith.constant 0 : i32
        %dma_start3A_366 = arith.constant 0 : i32
        %dma_start3A_367 = tpu.memref_slice %arg2[%dma_start3A_365, %dma_start3A_366] : memref<10000x64xf32, #tpu.memory_space<hbm>> -> memref<10000x64xf32, #tpu.memory_space<hbm>>
        tpu.enqueue_indirect_dma source(%dma_start3A_367 : memref<10000x64xf32, #tpu.memory_space<hbm>>) target(%arg9 : memref<128x64xf32, #tpu.memory_space<vmem>>) offsets(%dma_start3A_364 : memref<128xi32, #tpu.memory_space<vmem>>) semaphore(%arg18 : memref<!tpu.dma_semaphore, #tpu.memory_space<semaphore_mem>>)
      } else {
      }
      %add3A_273 = arith.constant 3 : i32
      %add3A_274 = arith.addi %mul3A_97, %add3A_273 : i32
      %dma_wait3A_275 = arith.constant 0 : i32
      %dma_wait3A_276 = tpu.memref_slice %arg6[%add3A_274, %dma_wait3A_275] : memref<80x128xi32, #tpu.memory_space<vmem>> -> memref<1x128xi32, #tpu.memory_space<vmem>>
      %dma_wait3A_277 = tpu.memref_squeeze %dma_wait3A_276 : memref<1x128xi32, #tpu.memory_space<vmem>> -> memref<128xi32, #tpu.memory_space<vmem>>
      %dma_wait3A_278 = arith.constant 0 : i32
      %dma_wait3A_279 = arith.constant 0 : i32
      %dma_wait3A_280 = tpu.memref_slice %arg15[%dma_wait3A_278, %dma_wait3A_279] : memref<10240x64xf32, #tpu.memory_space<vmem_shared>> -> memref<10240x64xf32, #tpu.memory_space<vmem_shared>>
      tpu.wait_indirect_dma semaphore(%arg27 : memref<!tpu.dma_semaphore, #tpu.memory_space<semaphore_mem>>) src(%arg10 : memref<128x64xf32, #tpu.memory_space<vmem>>) dst(%dma_wait3A_280 : memref<10240x64xf32, #tpu.memory_space<vmem_shared>>)
      %add3A_281 = arith.constant 8 : i32
      %add3A_282 = arith.addi %mul3A_97, %add3A_281 : i32
      %add3A_283 = arith.constant 3 : i32
      %add3A_284 = arith.addi %add3A_282, %add3A_283 : i32
      %lt3A_285 = arith.constant 80 : i32
      %lt3A_286 = arith.cmpi slt, %add3A_284, %lt3A_285 : i32
      %convert_element_type3A_287 = arith.extui %lt3A_286 : i1 to i32
      %cond3A_288 = arith.constant 0 : i32
      %cond3A_289 = arith.cmpi ne, %convert_element_type3A_287, %cond3A_288 : i32
      scf.if %cond3A_289 {
        %add3A_358 = arith.constant 8 : i32
        %add3A_359 = arith.addi %mul3A_97, %add3A_358 : i32
        %add3A_360 = arith.constant 3 : i32
        %add3A_361 = arith.addi %add3A_359, %add3A_360 : i32
        %dma_start3A_362 = arith.constant 0 : i32
        %dma_start3A_363 = tpu.memref_slice %arg5[%add3A_361, %dma_start3A_362] : memref<80x128xi32, #tpu.memory_space<vmem>> -> memref<1x128xi32, #tpu.memory_space<vmem>>
        %dma_start3A_364 = tpu.memref_squeeze %dma_start3A_363 : memref<1x128xi32, #tpu.memory_space<vmem>> -> memref<128xi32, #tpu.memory_space<vmem>>
        %dma_start3A_365 = arith.constant 0 : i32
        %dma_start3A_366 = arith.constant 0 : i32
        %dma_start3A_367 = tpu.memref_slice %arg2[%dma_start3A_365, %dma_start3A_366] : memref<10000x64xf32, #tpu.memory_space<hbm>> -> memref<10000x64xf32, #tpu.memory_space<hbm>>
        tpu.enqueue_indirect_dma source(%dma_start3A_367 : memref<10000x64xf32, #tpu.memory_space<hbm>>) target(%arg10 : memref<128x64xf32, #tpu.memory_space<vmem>>) offsets(%dma_start3A_364 : memref<128xi32, #tpu.memory_space<vmem>>) semaphore(%arg19 : memref<!tpu.dma_semaphore, #tpu.memory_space<semaphore_mem>>)
      } else {
      }
      %add3A_290 = arith.constant 4 : i32
      %add3A_291 = arith.addi %mul3A_97, %add3A_290 : i32
      %dma_wait3A_292 = arith.constant 0 : i32
      %dma_wait3A_293 = tpu.memref_slice %arg6[%add3A_291, %dma_wait3A_292] : memref<80x128xi32, #tpu.memory_space<vmem>> -> memref<1x128xi32, #tpu.memory_space<vmem>>
      %dma_wait3A_294 = tpu.memref_squeeze %dma_wait3A_293 : memref<1x128xi32, #tpu.memory_space<vmem>> -> memref<128xi32, #tpu.memory_space<vmem>>
      %dma_wait3A_295 = arith.constant 0 : i32
      %dma_wait3A_296 = arith.constant 0 : i32
      %dma_wait3A_297 = tpu.memref_slice %arg15[%dma_wait3A_295, %dma_wait3A_296] : memref<10240x64xf32, #tpu.memory_space<vmem_shared>> -> memref<10240x64xf32, #tpu.memory_space<vmem_shared>>
      tpu.wait_indirect_dma semaphore(%arg28 : memref<!tpu.dma_semaphore, #tpu.memory_space<semaphore_mem>>) src(%arg11 : memref<128x64xf32, #tpu.memory_space<vmem>>) dst(%dma_wait3A_297 : memref<10240x64xf32, #tpu.memory_space<vmem_shared>>)
      %add3A_298 = arith.constant 8 : i32
      %add3A_299 = arith.addi %mul3A_97, %add3A_298 : i32
      %add3A_300 = arith.constant 4 : i32
      %add3A_301 = arith.addi %add3A_299, %add3A_300 : i32
      %lt3A_302 = arith.constant 80 : i32
      %lt3A_303 = arith.cmpi slt, %add3A_301, %lt3A_302 : i32
      %convert_element_type3A_304 = arith.extui %lt3A_303 : i1 to i32
      %cond3A_305 = arith.constant 0 : i32
      %cond3A_306 = arith.cmpi ne, %convert_element_type3A_304, %cond3A_305 : i32
      scf.if %cond3A_306 {
        %add3A_358 = arith.constant 8 : i32
        %add3A_359 = arith.addi %mul3A_97, %add3A_358 : i32
        %add3A_360 = arith.constant 4 : i32
        %add3A_361 = arith.addi %add3A_359, %add3A_360 : i32
        %dma_start3A_362 = arith.constant 0 : i32
        %dma_start3A_363 = tpu.memref_slice %arg5[%add3A_361, %dma_start3A_362] : memref<80x128xi32, #tpu.memory_space<vmem>> -> memref<1x128xi32, #tpu.memory_space<vmem>>
        %dma_start3A_364 = tpu.memref_squeeze %dma_start3A_363 : memref<1x128xi32, #tpu.memory_space<vmem>> -> memref<128xi32, #tpu.memory_space<vmem>>
        %dma_start3A_365 = arith.constant 0 : i32
        %dma_start3A_366 = arith.constant 0 : i32
        %dma_start3A_367 = tpu.memref_slice %arg2[%dma_start3A_365, %dma_start3A_366] : memref<10000x64xf32, #tpu.memory_space<hbm>> -> memref<10000x64xf32, #tpu.memory_space<hbm>>
        tpu.enqueue_indirect_dma source(%dma_start3A_367 : memref<10000x64xf32, #tpu.memory_space<hbm>>) target(%arg11 : memref<128x64xf32, #tpu.memory_space<vmem>>) offsets(%dma_start3A_364 : memref<128xi32, #tpu.memory_space<vmem>>) semaphore(%arg20 : memref<!tpu.dma_semaphore, #tpu.memory_space<semaphore_mem>>)
      } else {
      }
      %add3A_307 = arith.constant 5 : i32
      %add3A_308 = arith.addi %mul3A_97, %add3A_307 : i32
      %dma_wait3A_309 = arith.constant 0 : i32
      %dma_wait3A_310 = tpu.memref_slice %arg6[%add3A_308, %dma_wait3A_309] : memref<80x128xi32, #tpu.memory_space<vmem>> -> memref<1x128xi32, #tpu.memory_space<vmem>>
      %dma_wait3A_311 = tpu.memref_squeeze %dma_wait3A_310 : memref<1x128xi32, #tpu.memory_space<vmem>> -> memref<128xi32, #tpu.memory_space<vmem>>
      %dma_wait3A_312 = arith.constant 0 : i32
      %dma_wait3A_313 = arith.constant 0 : i32
      %dma_wait3A_314 = tpu.memref_slice %arg15[%dma_wait3A_312, %dma_wait3A_313] : memref<10240x64xf32, #tpu.memory_space<vmem_shared>> -> memref<10240x64xf32, #tpu.memory_space<vmem_shared>>
      tpu.wait_indirect_dma semaphore(%arg29 : memref<!tpu.dma_semaphore, #tpu.memory_space<semaphore_mem>>) src(%arg12 : memref<128x64xf32, #tpu.memory_space<vmem>>) dst(%dma_wait3A_314 : memref<10240x64xf32, #tpu.memory_space<vmem_shared>>)
      %add3A_315 = arith.constant 8 : i32
      %add3A_316 = arith.addi %mul3A_97, %add3A_315 : i32
      %add3A_317 = arith.constant 5 : i32
      %add3A_318 = arith.addi %add3A_316, %add3A_317 : i32
      %lt3A_319 = arith.constant 80 : i32
      %lt3A_320 = arith.cmpi slt, %add3A_318, %lt3A_319 : i32
      %convert_element_type3A_321 = arith.extui %lt3A_320 : i1 to i32
      %cond3A_322 = arith.constant 0 : i32
      %cond3A_323 = arith.cmpi ne, %convert_element_type3A_321, %cond3A_322 : i32
      scf.if %cond3A_323 {
        %add3A_358 = arith.constant 8 : i32
        %add3A_359 = arith.addi %mul3A_97, %add3A_358 : i32
        %add3A_360 = arith.constant 5 : i32
        %add3A_361 = arith.addi %add3A_359, %add3A_360 : i32
        %dma_start3A_362 = arith.constant 0 : i32
        %dma_start3A_363 = tpu.memref_slice %arg5[%add3A_361, %dma_start3A_362] : memref<80x128xi32, #tpu.memory_space<vmem>> -> memref<1x128xi32, #tpu.memory_space<vmem>>
        %dma_start3A_364 = tpu.memref_squeeze %dma_start3A_363 : memref<1x128xi32, #tpu.memory_space<vmem>> -> memref<128xi32, #tpu.memory_space<vmem>>
        %dma_start3A_365 = arith.constant 0 : i32
        %dma_start3A_366 = arith.constant 0 : i32
        %dma_start3A_367 = tpu.memref_slice %arg2[%dma_start3A_365, %dma_start3A_366] : memref<10000x64xf32, #tpu.memory_space<hbm>> -> memref<10000x64xf32, #tpu.memory_space<hbm>>
        tpu.enqueue_indirect_dma source(%dma_start3A_367 : memref<10000x64xf32, #tpu.memory_space<hbm>>) target(%arg12 : memref<128x64xf32, #tpu.memory_space<vmem>>) offsets(%dma_start3A_364 : memref<128xi32, #tpu.memory_space<vmem>>) semaphore(%arg21 : memref<!tpu.dma_semaphore, #tpu.memory_space<semaphore_mem>>)
      } else {
      }
      %add3A_324 = arith.constant 6 : i32
      %add3A_325 = arith.addi %mul3A_97, %add3A_324 : i32
      %dma_wait3A_326 = arith.constant 0 : i32
      %dma_wait3A_327 = tpu.memref_slice %arg6[%add3A_325, %dma_wait3A_326] : memref<80x128xi32, #tpu.memory_space<vmem>> -> memref<1x128xi32, #tpu.memory_space<vmem>>
      %dma_wait3A_328 = tpu.memref_squeeze %dma_wait3A_327 : memref<1x128xi32, #tpu.memory_space<vmem>> -> memref<128xi32, #tpu.memory_space<vmem>>
      %dma_wait3A_329 = arith.constant 0 : i32
      %dma_wait3A_330 = arith.constant 0 : i32
      %dma_wait3A_331 = tpu.memref_slice %arg15[%dma_wait3A_329, %dma_wait3A_330] : memref<10240x64xf32, #tpu.memory_space<vmem_shared>> -> memref<10240x64xf32, #tpu.memory_space<vmem_shared>>
      tpu.wait_indirect_dma semaphore(%arg30 : memref<!tpu.dma_semaphore, #tpu.memory_space<semaphore_mem>>) src(%arg13 : memref<128x64xf32, #tpu.memory_space<vmem>>) dst(%dma_wait3A_331 : memref<10240x64xf32, #tpu.memory_space<vmem_shared>>)
      %add3A_332 = arith.constant 8 : i32
      %add3A_333 = arith.addi %mul3A_97, %add3A_332 : i32
      %add3A_334 = arith.constant 6 : i32
      %add3A_335 = arith.addi %add3A_333, %add3A_334 : i32
      %lt3A_336 = arith.constant 80 : i32
      %lt3A_337 = arith.cmpi slt, %add3A_335, %lt3A_336 : i32
      %convert_element_type3A_338 = arith.extui %lt3A_337 : i1 to i32
      %cond3A_339 = arith.constant 0 : i32
      %cond3A_340 = arith.cmpi ne, %convert_element_type3A_338, %cond3A_339 : i32
      scf.if %cond3A_340 {
        %add3A_358 = arith.constant 8 : i32
        %add3A_359 = arith.addi %mul3A_97, %add3A_358 : i32
        %add3A_360 = arith.constant 6 : i32
        %add3A_361 = arith.addi %add3A_359, %add3A_360 : i32
        %dma_start3A_362 = arith.constant 0 : i32
        %dma_start3A_363 = tpu.memref_slice %arg5[%add3A_361, %dma_start3A_362] : memref<80x128xi32, #tpu.memory_space<vmem>> -> memref<1x128xi32, #tpu.memory_space<vmem>>
        %dma_start3A_364 = tpu.memref_squeeze %dma_start3A_363 : memref<1x128xi32, #tpu.memory_space<vmem>> -> memref<128xi32, #tpu.memory_space<vmem>>
        %dma_start3A_365 = arith.constant 0 : i32
        %dma_start3A_366 = arith.constant 0 : i32
        %dma_start3A_367 = tpu.memref_slice %arg2[%dma_start3A_365, %dma_start3A_366] : memref<10000x64xf32, #tpu.memory_space<hbm>> -> memref<10000x64xf32, #tpu.memory_space<hbm>>
        tpu.enqueue_indirect_dma source(%dma_start3A_367 : memref<10000x64xf32, #tpu.memory_space<hbm>>) target(%arg13 : memref<128x64xf32, #tpu.memory_space<vmem>>) offsets(%dma_start3A_364 : memref<128xi32, #tpu.memory_space<vmem>>) semaphore(%arg22 : memref<!tpu.dma_semaphore, #tpu.memory_space<semaphore_mem>>)
      } else {
      }
      %add3A_341 = arith.constant 7 : i32
      %add3A_342 = arith.addi %mul3A_97, %add3A_341 : i32
      %dma_wait3A_343 = arith.constant 0 : i32
      %dma_wait3A_344 = tpu.memref_slice %arg6[%add3A_342, %dma_wait3A_343] : memref<80x128xi32, #tpu.memory_space<vmem>> -> memref<1x128xi32, #tpu.memory_space<vmem>>
      %dma_wait3A_345 = tpu.memref_squeeze %dma_wait3A_344 : memref<1x128xi32, #tpu.memory_space<vmem>> -> memref<128xi32, #tpu.memory_space<vmem>>
      %dma_wait3A_346 = arith.constant 0 : i32
      %dma_wait3A_347 = arith.constant 0 : i32
      %dma_wait3A_348 = tpu.memref_slice %arg15[%dma_wait3A_346, %dma_wait3A_347] : memref<10240x64xf32, #tpu.memory_space<vmem_shared>> -> memref<10240x64xf32, #tpu.memory_space<vmem_shared>>
      tpu.wait_indirect_dma semaphore(%arg31 : memref<!tpu.dma_semaphore, #tpu.memory_space<semaphore_mem>>) src(%arg14 : memref<128x64xf32, #tpu.memory_space<vmem>>) dst(%dma_wait3A_348 : memref<10240x64xf32, #tpu.memory_space<vmem_shared>>)
      %add3A_349 = arith.constant 8 : i32
      %add3A_350 = arith.addi %mul3A_97, %add3A_349 : i32
      %add3A_351 = arith.constant 7 : i32
      %add3A_352 = arith.addi %add3A_350, %add3A_351 : i32
      %lt3A_353 = arith.constant 80 : i32
      %lt3A_354 = arith.cmpi slt, %add3A_352, %lt3A_353 : i32
      %convert_element_type3A_355 = arith.extui %lt3A_354 : i1 to i32
      %cond3A_356 = arith.constant 0 : i32
      %cond3A_357 = arith.cmpi ne, %convert_element_type3A_355, %cond3A_356 : i32
      scf.if %cond3A_357 {
        %add3A_358 = arith.constant 8 : i32
        %add3A_359 = arith.addi %mul3A_97, %add3A_358 : i32
        %add3A_360 = arith.constant 7 : i32
        %add3A_361 = arith.addi %add3A_359, %add3A_360 : i32
        %dma_start3A_362 = arith.constant 0 : i32
        %dma_start3A_363 = tpu.memref_slice %arg5[%add3A_361, %dma_start3A_362] : memref<80x128xi32, #tpu.memory_space<vmem>> -> memref<1x128xi32, #tpu.memory_space<vmem>>
        %dma_start3A_364 = tpu.memref_squeeze %dma_start3A_363 : memref<1x128xi32, #tpu.memory_space<vmem>> -> memref<128xi32, #tpu.memory_space<vmem>>
        %dma_start3A_365 = arith.constant 0 : i32
        %dma_start3A_366 = arith.constant 0 : i32
        %dma_start3A_367 = tpu.memref_slice %arg2[%dma_start3A_365, %dma_start3A_366] : memref<10000x64xf32, #tpu.memory_space<hbm>> -> memref<10000x64xf32, #tpu.memory_space<hbm>>
        tpu.enqueue_indirect_dma source(%dma_start3A_367 : memref<10000x64xf32, #tpu.memory_space<hbm>>) target(%arg14 : memref<128x64xf32, #tpu.memory_space<vmem>>) offsets(%dma_start3A_364 : memref<128xi32, #tpu.memory_space<vmem>>) semaphore(%arg23 : memref<!tpu.dma_semaphore, #tpu.memory_space<semaphore_mem>>)
      } else {
      }
    }
    %scan3A_88 = arith.constant 10 : i32
    %scan3A_89 = arith.constant 1 : i32
    %barrier3A_90 = arith.constant 0 : index
    tpu.barrier barrier_id(%barrier3A_90)
    "tpu.region"() ({
      %run_scoped3A_91 = tpu.sem_alloc : memref<!tpu.dma_semaphore, #tpu.memory_space<semaphore_mem>>
      %dma_start3A_92 = arith.constant 0 : i32
      %dma_start3A_93 = tpu.memref_slice %arg4[%arg0, %mul3A_7, %dma_start3A_92] : memref<2x10240x64xf32, #tpu.memory_space<hbm>> -> memref<1x640x64xf32, #tpu.memory_space<hbm>>
      %dma_start3A_94 = tpu.memref_squeeze %dma_start3A_93 : memref<1x640x64xf32, #tpu.memory_space<hbm>> -> memref<640x64xf32, #tpu.memory_space<hbm>>
      %dma_start3A_95 = arith.constant 0 : i32
      %dma_start3A_96 = tpu.memref_slice %arg15[%mul3A_7, %dma_start3A_95] : memref<10240x64xf32, #tpu.memory_space<vmem_shared>> -> memref<640x64xf32, #tpu.memory_space<vmem_shared>>
      tpu.enqueue_dma source(%dma_start3A_96 : memref<640x64xf32, #tpu.memory_space<vmem_shared>>) target(%dma_start3A_94 : memref<640x64xf32, #tpu.memory_space<hbm>>) target_semaphore(%run_scoped3A_91 : memref<!tpu.dma_semaphore, #tpu.memory_space<semaphore_mem>>)
      %dma_wait3A = arith.constant 0 : i32
      %dma_wait3A_97 = tpu.memref_slice %arg4[%arg0, %mul3A_7, %dma_wait3A] : memref<2x10240x64xf32, #tpu.memory_space<hbm>> -> memref<1x640x64xf32, #tpu.memory_space<hbm>>
      %dma_wait3A_98 = tpu.memref_squeeze %dma_wait3A_97 : memref<1x640x64xf32, #tpu.memory_space<hbm>> -> memref<640x64xf32, #tpu.memory_space<hbm>>
      %dma_wait3A_99 = arith.constant 0 : i32
      %dma_wait3A_100 = tpu.memref_slice %arg15[%mul3A_7, %dma_wait3A_99] : memref<10240x64xf32, #tpu.memory_space<vmem_shared>> -> memref<640x64xf32, #tpu.memory_space<vmem_shared>>
      tpu.wait_dma2 semaphore(%run_scoped3A_91 : memref<!tpu.dma_semaphore, #tpu.memory_space<semaphore_mem>>) src(%dma_wait3A_100 : memref<640x64xf32, #tpu.memory_space<vmem_shared>>) dst(%dma_wait3A_98 : memref<640x64xf32, #tpu.memory_space<hbm>>)
      tpu.yield
    }) : () -> ()
    return
  }
}

#map = affine_map<(d0, d1) -> (0, 0)>
#map1 = affine_map<(d0, d1) -> (0, 0, 0)>
module attributes {stable_mosaic.version = 14 : i64} {
  func.func @spmm(%arg0: i32, %arg1: i32, %arg2: memref<10000x64xf32, #tpu.memory_space<hbm>>, %arg3: memref<4x2560x128xi32, #tpu.memory_space<hbm>>, %arg4: memref<2x10240x64xf32, #tpu.memory_space<hbm>>, %arg5: memref<80x128xi32, #tpu.memory_space<vmem>>, %arg6: memref<80x128xi32, #tpu.memory_space<vmem>>, %arg7: memref<128x64xf32, #tpu.memory_space<vmem>>, %arg8: memref<128x64xf32, #tpu.memory_space<vmem>>, %arg9: memref<128x64xf32, #tpu.memory_space<vmem>>, %arg10: memref<128x64xf32, #tpu.memory_space<vmem>>, %arg11: memref<128x64xf32, #tpu.memory_space<vmem>>, %arg12: memref<128x64xf32, #tpu.memory_space<vmem>>, %arg13: memref<128x64xf32, #tpu.memory_space<vmem>>, %arg14: memref<128x64xf32, #tpu.memory_space<vmem>>, %arg15: memref<10240x64xf32, #tpu.memory_space<vmem_shared>>, %arg16: memref<!tpu.dma_semaphore, #tpu.memory_space<semaphore_mem>>, %arg17: memref<!tpu.dma_semaphore, #tpu.memory_space<semaphore_mem>>, %arg18: memref<!tpu.dma_semaphore, #tpu.memory_space<semaphore_mem>>, %arg19: memref<!tpu.dma_semaphore, #tpu.memory_space<semaphore_mem>>, %arg20: memref<!tpu.dma_semaphore, #tpu.memory_space<semaphore_mem>>, %arg21: memref<!tpu.dma_semaphore, #tpu.memory_space<semaphore_mem>>, %arg22: memref<!tpu.dma_semaphore, #tpu.memory_space<semaphore_mem>>, %arg23: memref<!tpu.dma_semaphore, #tpu.memory_space<semaphore_mem>>, %arg24: memref<!tpu.dma_semaphore, #tpu.memory_space<semaphore_mem>>, %arg25: memref<!tpu.dma_semaphore, #tpu.memory_space<semaphore_mem>>, %arg26: memref<!tpu.dma_semaphore, #tpu.memory_space<semaphore_mem>>, %arg27: memref<!tpu.dma_semaphore, #tpu.memory_space<semaphore_mem>>, %arg28: memref<!tpu.dma_semaphore, #tpu.memory_space<semaphore_mem>>, %arg29: memref<!tpu.dma_semaphore, #tpu.memory_space<semaphore_mem>>, %arg30: memref<!tpu.dma_semaphore, #tpu.memory_space<semaphore_mem>>, %arg31: memref<!tpu.dma_semaphore, #tpu.memory_space<semaphore_mem>>) attributes {dimension_semantics = [#tpu.dimension_semantics<core_parallel>, #tpu.dimension_semantics<subcore_parallel>], iteration_bounds = array<i64: 2, 16>, scalar_prefetch = 0 : i64, scratch_operands = 27 : i64, tpu.core_type = #tpu.core_type<sc_vector_subcore>, window_params = [{transform_indices = #map}, {transform_indices = #map1}, {transform_indices = #map1}]} {
    %mul3A = arith.constant 16 : i32
    %mul3A_0 = arith.muli %arg0, %mul3A : i32
    %add3A = arith.addi %mul3A_0, %arg1 : i32
    %broadcast_in_dim3A = arith.constant 0.000000e+00 : f32
    %broadcast_in_dim3A_1 = vector.broadcast %broadcast_in_dim3A : f32 to vector<16xf32>
    %scan3A = arith.constant 0 : i32
    %scan3A_2 = arith.constant 128 : i32
    %scan3A_3 = arith.addi %scan3A, %scan3A_2 : i32
    %scan3A_4 = arith.constant 1 : i32
    scf.for %scan3A_91 = %scan3A to %scan3A_3 step %scan3A_4  : i32 {
      %mul3A_92 = arith.constant 1 : i32
      %mul3A_93 = arith.muli %scan3A_91, %mul3A_92 : i32
      %add3A_94 = arith.constant 0 : i32
      %add3A_95 = arith.addi %add3A_94, %mul3A_93 : i32
      %swap3A = arith.index_cast %add3A_95 : i32 to index
      %swap3A_96 = arith.constant 0 : index
      %swap3A_97 = tpu.vector_load %arg7[%swap3A, %swap3A_96] {strides = array<i32>} : memref<128x64xf32, #tpu.memory_space<vmem>>, vector<1x16xf32>,
      %swap3A_98 = vector.shape_cast %swap3A_97 : vector<1x16xf32> to vector<16xf32>
      %swap3A_99 = vector.shape_cast %broadcast_in_dim3A_1 : vector<16xf32> to vector<1x16xf32>
      tpu.vector_store %arg7[%swap3A, %swap3A_96], %swap3A_99 {strides = array<i32>} : memref<128x64xf32, #tpu.memory_space<vmem>>, vector<1x16xf32>,
      %swap3A_100 = arith.index_cast %add3A_95 : i32 to index
      %swap3A_101 = arith.constant 16 : index
      %swap3A_102 = tpu.vector_load %arg7[%swap3A_100, %swap3A_101] {strides = array<i32>} : memref<128x64xf32, #tpu.memory_space<vmem>>, vector<1x16xf32>,
      %swap3A_103 = vector.shape_cast %swap3A_102 : vector<1x16xf32> to vector<16xf32>
      %swap3A_104 = vector.shape_cast %broadcast_in_dim3A_1 : vector<16xf32> to vector<1x16xf32>
      tpu.vector_store %arg7[%swap3A_100, %swap3A_101], %swap3A_104 {strides = array<i32>} : memref<128x64xf32, #tpu.memory_space<vmem>>, vector<1x16xf32>,
      %swap3A_105 = arith.index_cast %add3A_95 : i32 to index
      %swap3A_106 = arith.constant 32 : index
      %swap3A_107 = tpu.vector_load %arg7[%swap3A_105, %swap3A_106] {strides = array<i32>} : memref<128x64xf32, #tpu.memory_space<vmem>>, vector<1x16xf32>,
      %swap3A_108 = vector.shape_cast %swap3A_107 : vector<1x16xf32> to vector<16xf32>
      %swap3A_109 = vector.shape_cast %broadcast_in_dim3A_1 : vector<16xf32> to vector<1x16xf32>
      tpu.vector_store %arg7[%swap3A_105, %swap3A_106], %swap3A_109 {strides = array<i32>} : memref<128x64xf32, #tpu.memory_space<vmem>>, vector<1x16xf32>,
      %swap3A_110 = arith.index_cast %add3A_95 : i32 to index
      %swap3A_111 = arith.constant 48 : index
      %swap3A_112 = tpu.vector_load %arg7[%swap3A_110, %swap3A_111] {strides = array<i32>} : memref<128x64xf32, #tpu.memory_space<vmem>>, vector<1x16xf32>,
      %swap3A_113 = vector.shape_cast %swap3A_112 : vector<1x16xf32> to vector<16xf32>
      %swap3A_114 = vector.shape_cast %broadcast_in_dim3A_1 : vector<16xf32> to vector<1x16xf32>
      tpu.vector_store %arg7[%swap3A_110, %swap3A_111], %swap3A_114 {strides = array<i32>} : memref<128x64xf32, #tpu.memory_space<vmem>>, vector<1x16xf32>,
    }
    %scan3A_5 = arith.constant 128 : i32
    %mul3A_6 = arith.constant 640 : i32
    %mul3A_7 = arith.muli %arg1, %mul3A_6 : i32
    %add3A_8 = arith.constant 0 : i32
    %add3A_9 = arith.addi %mul3A_7, %add3A_8 : i32
    "tpu.region"() ({
      %run_scoped3A_91 = tpu.sem_alloc : memref<!tpu.dma_semaphore, #tpu.memory_space<semaphore_mem>>
      %dma_start3A_92 = arith.constant 0 : i32
      %dma_start3A_93 = arith.constant 0 : i32
      %dma_start3A_94 = tpu.memref_slice %arg7[%dma_start3A_92, %dma_start3A_93] : memref<128x64xf32, #tpu.memory_space<vmem>> -> memref<128x64xf32, #tpu.memory_space<vmem>>
      %dma_start3A_95 = arith.constant 0 : i32
      %dma_start3A_96 = tpu.memref_slice %arg15[%add3A_9, %dma_start3A_95] : memref<10240x64xf32, #tpu.memory_space<vmem_shared>> -> memref<128x64xf32, #tpu.memory_space<vmem_shared>>
      %dma_start3A_97 = arith.constant 0 : i32
      %dma_start3A_98 = tpu.memref_slice %arg15[%add3A_9, %dma_start3A_97] : memref<10240x64xf32, #tpu.memory_space<vmem_shared>> -> memref<128x64xf32, #tpu.memory_space<vmem_shared>>
      %dma_start3A_99 = arith.constant 0 : i32
      %dma_start3A_100 = arith.constant 0 : i32
      %dma_start3A_101 = tpu.memref_slice %arg7[%dma_start3A_99, %dma_start3A_100] : memref<128x64xf32, #tpu.memory_space<vmem>> -> memref<128x64xf32, #tpu.memory_space<vmem>>
      tpu.enqueue_dma source(%dma_start3A_101 : memref<128x64xf32, #tpu.memory_space<vmem>>) target(%dma_start3A_98 : memref<128x64xf32, #tpu.memory_space<vmem_shared>>) target_semaphore(%run_scoped3A_91 : memref<!tpu.dma_semaphore, #tpu.memory_space<semaphore_mem>>)
      %dma_wait3A = arith.constant 0 : i32
      %dma_wait3A_102 = arith.constant 0 : i32
      %dma_wait3A_103 = tpu.memref_slice %arg7[%dma_wait3A, %dma_wait3A_102] : memref<128x64xf32, #tpu.memory_space<vmem>> -> memref<128x64xf32, #tpu.memory_space<vmem>>
      %dma_wait3A_104 = arith.constant 0 : i32
      %dma_wait3A_105 = tpu.memref_slice %arg15[%add3A_9, %dma_wait3A_104] : memref<10240x64xf32, #tpu.memory_space<vmem_shared>> -> memref<128x64xf32, #tpu.memory_space<vmem_shared>>
      %dma_wait3A_106 = arith.constant 0 : i32
      %dma_wait3A_107 = tpu.memref_slice %arg15[%add3A_9, %dma_wait3A_106] : memref<10240x64xf32, #tpu.memory_space<vmem_shared>> -> memref<128x64xf32, #tpu.memory_space<vmem_shared>>
      %dma_wait3A_108 = arith.constant 0 : i32
      %dma_wait3A_109 = arith.constant 0 : i32
      %dma_wait3A_110 = tpu.memref_slice %arg7[%dma_wait3A_108, %dma_wait3A_109] : memref<128x64xf32, #tpu.memory_space<vmem>> -> memref<128x64xf32, #tpu.memory_space<vmem>>
      tpu.wait_dma2 semaphore(%run_scoped3A_91 : memref<!tpu.dma_semaphore, #tpu.memory_space<semaphore_mem>>) src(%dma_wait3A_110 : memref<128x64xf32, #tpu.memory_space<vmem>>) dst(%dma_wait3A_107 : memref<128x64xf32, #tpu.memory_space<vmem_shared>>)
      tpu.yield
    }) : () -> ()
    %add3A_10 = arith.constant 128 : i32
    %add3A_11 = arith.addi %mul3A_7, %add3A_10 : i32
    "tpu.region"() ({
      %run_scoped3A_91 = tpu.sem_alloc : memref<!tpu.dma_semaphore, #tpu.memory_space<semaphore_mem>>
      %dma_start3A_92 = arith.constant 0 : i32
      %dma_start3A_93 = arith.constant 0 : i32
      %dma_start3A_94 = tpu.memref_slice %arg7[%dma_start3A_92, %dma_start3A_93] : memref<128x64xf32, #tpu.memory_space<vmem>> -> memref<128x64xf32, #tpu.memory_space<vmem>>
      %dma_start3A_95 = arith.constant 0 : i32
      %dma_start3A_96 = tpu.memref_slice %arg15[%add3A_11, %dma_start3A_95] : memref<10240x64xf32, #tpu.memory_space<vmem_shared>> -> memref<128x64xf32, #tpu.memory_space<vmem_shared>>
      %dma_start3A_97 = arith.constant 0 : i32
      %dma_start3A_98 = tpu.memref_slice %arg15[%add3A_11, %dma_start3A_97] : memref<10240x64xf32, #tpu.memory_space<vmem_shared>> -> memref<128x64xf32, #tpu.memory_space<vmem_shared>>
      %dma_start3A_99 = arith.constant 0 : i32
      %dma_start3A_100 = arith.constant 0 : i32
      %dma_start3A_101 = tpu.memref_slice %arg7[%dma_start3A_99, %dma_start3A_100] : memref<128x64xf32, #tpu.memory_space<vmem>> -> memref<128x64xf32, #tpu.memory_space<vmem>>
      tpu.enqueue_dma source(%dma_start3A_101 : memref<128x64xf32, #tpu.memory_space<vmem>>) target(%dma_start3A_98 : memref<128x64xf32, #tpu.memory_space<vmem_shared>>) target_semaphore(%run_scoped3A_91 : memref<!tpu.dma_semaphore, #tpu.memory_space<semaphore_mem>>)
      %dma_wait3A = arith.constant 0 : i32
      %dma_wait3A_102 = arith.constant 0 : i32
      %dma_wait3A_103 = tpu.memref_slice %arg7[%dma_wait3A, %dma_wait3A_102] : memref<128x64xf32, #tpu.memory_space<vmem>> -> memref<128x64xf32, #tpu.memory_space<vmem>>
      %dma_wait3A_104 = arith.constant 0 : i32
      %dma_wait3A_105 = tpu.memref_slice %arg15[%add3A_11, %dma_wait3A_104] : memref<10240x64xf32, #tpu.memory_space<vmem_shared>> -> memref<128x64xf32, #tpu.memory_space<vmem_shared>>
      %dma_wait3A_106 = arith.constant 0 : i32
      %dma_wait3A_107 = tpu.memref_slice %arg15[%add3A_11, %dma_wait3A_106] : memref<10240x64xf32, #tpu.memory_space<vmem_shared>> -> memref<128x64xf32, #tpu.memory_space<vmem_shared>>
      %dma_wait3A_108 = arith.constant 0 : i32
      %dma_wait3A_109 = arith.constant 0 : i32
      %dma_wait3A_110 = tpu.memref_slice %arg7[%dma_wait3A_108, %dma_wait3A_109] : memref<128x64xf32, #tpu.memory_space<vmem>> -> memref<128x64xf32, #tpu.memory_space<vmem>>
      tpu.wait_dma2 semaphore(%run_scoped3A_91 : memref<!tpu.dma_semaphore, #tpu.memory_space<semaphore_mem>>) src(%dma_wait3A_110 : memref<128x64xf32, #tpu.memory_space<vmem>>) dst(%dma_wait3A_107 : memref<128x64xf32, #tpu.memory_space<vmem_shared>>)
      tpu.yield
    }) : () -> ()
    %add3A_12 = arith.constant 256 : i32
    %add3A_13 = arith.addi %mul3A_7, %add3A_12 : i32
    "tpu.region"() ({
      %run_scoped3A_91 = tpu.sem_alloc : memref<!tpu.dma_semaphore, #tpu.memory_space<semaphore_mem>>
      %dma_start3A_92 = arith.constant 0 : i32
      %dma_start3A_93 = arith.constant 0 : i32
      %dma_start3A_94 = tpu.memref_slice %arg7[%dma_start3A_92, %dma_start3A_93] : memref<128x64xf32, #tpu.memory_space<vmem>> -> memref<128x64xf32, #tpu.memory_space<vmem>>
      %dma_start3A_95 = arith.constant 0 : i32
      %dma_start3A_96 = tpu.memref_slice %arg15[%add3A_13, %dma_start3A_95] : memref<10240x64xf32, #tpu.memory_space<vmem_shared>> -> memref<128x64xf32, #tpu.memory_space<vmem_shared>>
      %dma_start3A_97 = arith.constant 0 : i32
      %dma_start3A_98 = tpu.memref_slice %arg15[%add3A_13, %dma_start3A_97] : memref<10240x64xf32, #tpu.memory_space<vmem_shared>> -> memref<128x64xf32, #tpu.memory_space<vmem_shared>>
      %dma_start3A_99 = arith.constant 0 : i32
      %dma_start3A_100 = arith.constant 0 : i32
      %dma_start3A_101 = tpu.memref_slice %arg7[%dma_start3A_99, %dma_start3A_100] : memref<128x64xf32, #tpu.memory_space<vmem>> -> memref<128x64xf32, #tpu.memory_space<vmem>>
      tpu.enqueue_dma source(%dma_start3A_101 : memref<128x64xf32, #tpu.memory_space<vmem>>) target(%dma_start3A_98 : memref<128x64xf32, #tpu.memory_space<vmem_shared>>) target_semaphore(%run_scoped3A_91 : memref<!tpu.dma_semaphore, #tpu.memory_space<semaphore_mem>>)
      %dma_wait3A = arith.constant 0 : i32
      %dma_wait3A_102 = arith.constant 0 : i32
      %dma_wait3A_103 = tpu.memref_slice %arg7[%dma_wait3A, %dma_wait3A_102] : memref<128x64xf32, #tpu.memory_space<vmem>> -> memref<128x64xf32, #tpu.memory_space<vmem>>
      %dma_wait3A_104 = arith.constant 0 : i32
      %dma_wait3A_105 = tpu.memref_slice %arg15[%add3A_13, %dma_wait3A_104] : memref<10240x64xf32, #tpu.memory_space<vmem_shared>> -> memref<128x64xf32, #tpu.memory_space<vmem_shared>>
      %dma_wait3A_106 = arith.constant 0 : i32
      %dma_wait3A_107 = tpu.memref_slice %arg15[%add3A_13, %dma_wait3A_106] : memref<10240x64xf32, #tpu.memory_space<vmem_shared>> -> memref<128x64xf32, #tpu.memory_space<vmem_shared>>
      %dma_wait3A_108 = arith.constant 0 : i32
      %dma_wait3A_109 = arith.constant 0 : i32
      %dma_wait3A_110 = tpu.memref_slice %arg7[%dma_wait3A_108, %dma_wait3A_109] : memref<128x64xf32, #tpu.memory_space<vmem>> -> memref<128x64xf32, #tpu.memory_space<vmem>>
      tpu.wait_dma2 semaphore(%run_scoped3A_91 : memref<!tpu.dma_semaphore, #tpu.memory_space<semaphore_mem>>) src(%dma_wait3A_110 : memref<128x64xf32, #tpu.memory_space<vmem>>) dst(%dma_wait3A_107 : memref<128x64xf32, #tpu.memory_space<vmem_shared>>)
      tpu.yield
    }) : () -> ()
    %add3A_14 = arith.constant 384 : i32
    %add3A_15 = arith.addi %mul3A_7, %add3A_14 : i32
    "tpu.region"() ({
      %run_scoped3A_91 = tpu.sem_alloc : memref<!tpu.dma_semaphore, #tpu.memory_space<semaphore_mem>>
      %dma_start3A_92 = arith.constant 0 : i32
      %dma_start3A_93 = arith.constant 0 : i32
      %dma_start3A_94 = tpu.memref_slice %arg7[%dma_start3A_92, %dma_start3A_93] : memref<128x64xf32, #tpu.memory_space<vmem>> -> memref<128x64xf32, #tpu.memory_space<vmem>>
      %dma_start3A_95 = arith.constant 0 : i32
      %dma_start3A_96 = tpu.memref_slice %arg15[%add3A_15, %dma_start3A_95] : memref<10240x64xf32, #tpu.memory_space<vmem_shared>> -> memref<128x64xf32, #tpu.memory_space<vmem_shared>>
      %dma_start3A_97 = arith.constant 0 : i32
      %dma_start3A_98 = tpu.memref_slice %arg15[%add3A_15, %dma_start3A_97] : memref<10240x64xf32, #tpu.memory_space<vmem_shared>> -> memref<128x64xf32, #tpu.memory_space<vmem_shared>>
      %dma_start3A_99 = arith.constant 0 : i32
      %dma_start3A_100 = arith.constant 0 : i32
      %dma_start3A_101 = tpu.memref_slice %arg7[%dma_start3A_99, %dma_start3A_100] : memref<128x64xf32, #tpu.memory_space<vmem>> -> memref<128x64xf32, #tpu.memory_space<vmem>>
      tpu.enqueue_dma source(%dma_start3A_101 : memref<128x64xf32, #tpu.memory_space<vmem>>) target(%dma_start3A_98 : memref<128x64xf32, #tpu.memory_space<vmem_shared>>) target_semaphore(%run_scoped3A_91 : memref<!tpu.dma_semaphore, #tpu.memory_space<semaphore_mem>>)
      %dma_wait3A = arith.constant 0 : i32
      %dma_wait3A_102 = arith.constant 0 : i32
      %dma_wait3A_103 = tpu.memref_slice %arg7[%dma_wait3A, %dma_wait3A_102] : memref<128x64xf32, #tpu.memory_space<vmem>> -> memref<128x64xf32, #tpu.memory_space<vmem>>
      %dma_wait3A_104 = arith.constant 0 : i32
      %dma_wait3A_105 = tpu.memref_slice %arg15[%add3A_15, %dma_wait3A_104] : memref<10240x64xf32, #tpu.memory_space<vmem_shared>> -> memref<128x64xf32, #tpu.memory_space<vmem_shared>>
      %dma_wait3A_106 = arith.constant 0 : i32
      %dma_wait3A_107 = tpu.memref_slice %arg15[%add3A_15, %dma_wait3A_106] : memref<10240x64xf32, #tpu.memory_space<vmem_shared>> -> memref<128x64xf32, #tpu.memory_space<vmem_shared>>
      %dma_wait3A_108 = arith.constant 0 : i32
      %dma_wait3A_109 = arith.constant 0 : i32
      %dma_wait3A_110 = tpu.memref_slice %arg7[%dma_wait3A_108, %dma_wait3A_109] : memref<128x64xf32, #tpu.memory_space<vmem>> -> memref<128x64xf32, #tpu.memory_space<vmem>>
      tpu.wait_dma2 semaphore(%run_scoped3A_91 : memref<!tpu.dma_semaphore, #tpu.memory_space<semaphore_mem>>) src(%dma_wait3A_110 : memref<128x64xf32, #tpu.memory_space<vmem>>) dst(%dma_wait3A_107 : memref<128x64xf32, #tpu.memory_space<vmem_shared>>)
      tpu.yield
    }) : () -> ()
    %add3A_16 = arith.constant 512 : i32
    %add3A_17 = arith.addi %mul3A_7, %add3A_16 : i32
    "tpu.region"() ({
      %run_scoped3A_91 = tpu.sem_alloc : memref<!tpu.dma_semaphore, #tpu.memory_space<semaphore_mem>>
      %dma_start3A_92 = arith.constant 0 : i32
      %dma_start3A_93 = arith.constant 0 : i32
      %dma_start3A_94 = tpu.memref_slice %arg7[%dma_start3A_92, %dma_start3A_93] : memref<128x64xf32, #tpu.memory_space<vmem>> -> memref<128x64xf32, #tpu.memory_space<vmem>>
      %dma_start3A_95 = arith.constant 0 : i32
      %dma_start3A_96 = tpu.memref_slice %arg15[%add3A_17, %dma_start3A_95] : memref<10240x64xf32, #tpu.memory_space<vmem_shared>> -> memref<128x64xf32, #tpu.memory_space<vmem_shared>>
      %dma_start3A_97 = arith.constant 0 : i32
      %dma_start3A_98 = tpu.memref_slice %arg15[%add3A_17, %dma_start3A_97] : memref<10240x64xf32, #tpu.memory_space<vmem_shared>> -> memref<128x64xf32, #tpu.memory_space<vmem_shared>>
      %dma_start3A_99 = arith.constant 0 : i32
      %dma_start3A_100 = arith.constant 0 : i32
      %dma_start3A_101 = tpu.memref_slice %arg7[%dma_start3A_99, %dma_start3A_100] : memref<128x64xf32, #tpu.memory_space<vmem>> -> memref<128x64xf32, #tpu.memory_space<vmem>>
      tpu.enqueue_dma source(%dma_start3A_101 : memref<128x64xf32, #tpu.memory_space<vmem>>) target(%dma_start3A_98 : memref<128x64xf32, #tpu.memory_space<vmem_shared>>) target_semaphore(%run_scoped3A_91 : memref<!tpu.dma_semaphore, #tpu.memory_space<semaphore_mem>>)
      %dma_wait3A = arith.constant 0 : i32
      %dma_wait3A_102 = arith.constant 0 : i32
      %dma_wait3A_103 = tpu.memref_slice %arg7[%dma_wait3A, %dma_wait3A_102] : memref<128x64xf32, #tpu.memory_space<vmem>> -> memref<128x64xf32, #tpu.memory_space<vmem>>
      %dma_wait3A_104 = arith.constant 0 : i32
      %dma_wait3A_105 = tpu.memref_slice %arg15[%add3A_17, %dma_wait3A_104] : memref<10240x64xf32, #tpu.memory_space<vmem_shared>> -> memref<128x64xf32, #tpu.memory_space<vmem_shared>>
      %dma_wait3A_106 = arith.constant 0 : i32
      %dma_wait3A_107 = tpu.memref_slice %arg15[%add3A_17, %dma_wait3A_106] : memref<10240x64xf32, #tpu.memory_space<vmem_shared>> -> memref<128x64xf32, #tpu.memory_space<vmem_shared>>
      %dma_wait3A_108 = arith.constant 0 : i32
      %dma_wait3A_109 = arith.constant 0 : i32
      %dma_wait3A_110 = tpu.memref_slice %arg7[%dma_wait3A_108, %dma_wait3A_109] : memref<128x64xf32, #tpu.memory_space<vmem>> -> memref<128x64xf32, #tpu.memory_space<vmem>>
      tpu.wait_dma2 semaphore(%run_scoped3A_91 : memref<!tpu.dma_semaphore, #tpu.memory_space<semaphore_mem>>) src(%dma_wait3A_110 : memref<128x64xf32, #tpu.memory_space<vmem>>) dst(%dma_wait3A_107 : memref<128x64xf32, #tpu.memory_space<vmem_shared>>)
      tpu.yield
    }) : () -> ()
    %barrier3A = arith.constant 0 : index
    tpu.barrier barrier_id(%barrier3A)
    %scan3A_18 = arith.constant 0 : i32
    %mul3A_19 = arith.constant 1 : i32
    %mul3A_20 = arith.muli %scan3A_18, %mul3A_19 : i32
    %add3A_21 = arith.constant 0 : i32
    %add3A_22 = arith.addi %add3A_21, %mul3A_20 : i32
    %mul3A_23 = arith.constant 80 : i32
    %mul3A_24 = arith.muli %add3A, %mul3A_23 : i32
    %mul3A_25 = arith.constant 80 : i32
    %mul3A_26 = arith.muli %add3A_22, %mul3A_25 : i32
    %add3A_27 = arith.addi %mul3A_24, %mul3A_26 : i32
    %run_scoped3A = arith.constant 0 : i32
    "tpu.region"() ({
      %run_scoped3A_91 = tpu.sem_alloc : memref<!tpu.dma_semaphore, #tpu.memory_space<semaphore_mem>>
      %dma_start3A_92 = arith.constant 0 : i32
      %dma_start3A_93 = tpu.memref_slice %arg3[%run_scoped3A, %add3A_27, %dma_start3A_92] : memref<4x2560x128xi32, #tpu.memory_space<hbm>> -> memref<1x80x128xi32, #tpu.memory_space<hbm>>
      %dma_start3A_94 = tpu.memref_squeeze %dma_start3A_93 : memref<1x80x128xi32, #tpu.memory_space<hbm>> -> memref<80x128xi32, #tpu.memory_space<hbm>>
      %dma_start3A_95 = arith.constant 0 : i32
      %dma_start3A_96 = tpu.memref_slice %arg3[%run_scoped3A, %add3A_27, %dma_start3A_95] : memref<4x2560x128xi32, #tpu.memory_space<hbm>> -> memref<1x80x128xi32, #tpu.memory_space<hbm>>
      %dma_start3A_97 = tpu.memref_squeeze %dma_start3A_96 : memref<1x80x128xi32, #tpu.memory_space<hbm>> -> memref<80x128xi32, #tpu.memory_space<hbm>>
      tpu.enqueue_dma source(%dma_start3A_97 : memref<80x128xi32, #tpu.memory_space<hbm>>) target(%arg5 : memref<80x128xi32, #tpu.memory_space<vmem>>) target_semaphore(%run_scoped3A_91 : memref<!tpu.dma_semaphore, #tpu.memory_space<semaphore_mem>>)
      %dma_wait3A = arith.constant 0 : i32
      %dma_wait3A_98 = tpu.memref_slice %arg3[%run_scoped3A, %add3A_27, %dma_wait3A] : memref<4x2560x128xi32, #tpu.memory_space<hbm>> -> memref<1x80x128xi32, #tpu.memory_space<hbm>>
      %dma_wait3A_99 = tpu.memref_squeeze %dma_wait3A_98 : memref<1x80x128xi32, #tpu.memory_space<hbm>> -> memref<80x128xi32, #tpu.memory_space<hbm>>
      %dma_wait3A_100 = arith.constant 0 : i32
      %dma_wait3A_101 = tpu.memref_slice %arg3[%run_scoped3A, %add3A_27, %dma_wait3A_100] : memref<4x2560x128xi32, #tpu.memory_space<hbm>> -> memref<1x80x128xi32, #tpu.memory_space<hbm>>
      %dma_wait3A_102 = tpu.memref_squeeze %dma_wait3A_101 : memref<1x80x128xi32, #tpu.memory_space<hbm>> -> memref<80x128xi32, #tpu.memory_space<hbm>>
      tpu.wait_dma2 semaphore(%run_scoped3A_91 : memref<!tpu.dma_semaphore, #tpu.memory_space<semaphore_mem>>) src(%dma_wait3A_102 : memref<80x128xi32, #tpu.memory_space<hbm>>) dst(%arg5 : memref<80x128xi32, #tpu.memory_space<vmem>>)
      tpu.yield
    }) : () -> ()
    %run_scoped3A_28 = arith.constant 3 : i32
    "tpu.region"() ({
      %run_scoped3A_91 = tpu.sem_alloc : memref<!tpu.dma_semaphore, #tpu.memory_space<semaphore_mem>>
      %dma_start3A_92 = arith.constant 0 : i32
      %dma_start3A_93 = tpu.memref_slice %arg3[%run_scoped3A_28, %add3A_27, %dma_start3A_92] : memref<4x2560x128xi32, #tpu.memory_space<hbm>> -> memref<1x80x128xi32, #tpu.memory_space<hbm>>
      %dma_start3A_94 = tpu.memref_squeeze %dma_start3A_93 : memref<1x80x128xi32, #tpu.memory_space<hbm>> -> memref<80x128xi32, #tpu.memory_space<hbm>>
      %dma_start3A_95 = arith.constant 0 : i32
      %dma_start3A_96 = tpu.memref_slice %arg3[%run_scoped3A_28, %add3A_27, %dma_start3A_95] : memref<4x2560x128xi32, #tpu.memory_space<hbm>> -> memref<1x80x128xi32, #tpu.memory_space<hbm>>
      %dma_start3A_97 = tpu.memref_squeeze %dma_start3A_96 : memref<1x80x128xi32, #tpu.memory_space<hbm>> -> memref<80x128xi32, #tpu.memory_space<hbm>>
      tpu.enqueue_dma source(%dma_start3A_97 : memref<80x128xi32, #tpu.memory_space<hbm>>) target(%arg6 : memref<80x128xi32, #tpu.memory_space<vmem>>) target_semaphore(%run_scoped3A_91 : memref<!tpu.dma_semaphore, #tpu.memory_space<semaphore_mem>>)
      %dma_wait3A = arith.constant 0 : i32
      %dma_wait3A_98 = tpu.memref_slice %arg3[%run_scoped3A_28, %add3A_27, %dma_wait3A] : memref<4x2560x128xi32, #tpu.memory_space<hbm>> -> memref<1x80x128xi32, #tpu.memory_space<hbm>>
      %dma_wait3A_99 = tpu.memref_squeeze %dma_wait3A_98 : memref<1x80x128xi32, #tpu.memory_space<hbm>> -> memref<80x128xi32, #tpu.memory_space<hbm>>
      %dma_wait3A_100 = arith.constant 0 : i32
      %dma_wait3A_101 = tpu.memref_slice %arg3[%run_scoped3A_28, %add3A_27, %dma_wait3A_100] : memref<4x2560x128xi32, #tpu.memory_space<hbm>> -> memref<1x80x128xi32, #tpu.memory_space<hbm>>
      %dma_wait3A_102 = tpu.memref_squeeze %dma_wait3A_101 : memref<1x80x128xi32, #tpu.memory_space<hbm>> -> memref<80x128xi32, #tpu.memory_space<hbm>>
      tpu.wait_dma2 semaphore(%run_scoped3A_91 : memref<!tpu.dma_semaphore, #tpu.memory_space<semaphore_mem>>) src(%dma_wait3A_102 : memref<80x128xi32, #tpu.memory_space<hbm>>) dst(%arg6 : memref<80x128xi32, #tpu.memory_space<vmem>>)
      tpu.yield
    }) : () -> ()
    %dma_start3A = arith.constant 0 : i32
    %dma_start3A_29 = arith.constant 0 : i32
    %dma_start3A_30 = tpu.memref_slice %arg5[%dma_start3A, %dma_start3A_29] : memref<80x128xi32, #tpu.memory_space<vmem>> -> memref<1x128xi32, #tpu.memory_space<vmem>>
    %dma_start3A_31 = tpu.memref_squeeze %dma_start3A_30 : memref<1x128xi32, #tpu.memory_space<vmem>> -> memref<128xi32, #tpu.memory_space<vmem>>
    %dma_start3A_32 = arith.constant 0 : i32
    %dma_start3A_33 = arith.constant 0 : i32
    %dma_start3A_34 = tpu.memref_slice %arg2[%dma_start3A_32, %dma_start3A_33] : memref<10000x64xf32, #tpu.memory_space<hbm>> -> memref<10000x64xf32, #tpu.memory_space<hbm>>
    tpu.enqueue_indirect_dma source(%dma_start3A_34 : memref<10000x64xf32, #tpu.memory_space<hbm>>) target(%arg7 : memref<128x64xf32, #tpu.memory_space<vmem>>) offsets(%dma_start3A_31 : memref<128xi32, #tpu.memory_space<vmem>>) semaphore(%arg16 : memref<!tpu.dma_semaphore, #tpu.memory_space<semaphore_mem>>)
    %dma_start3A_35 = arith.constant 1 : i32
    %dma_start3A_36 = arith.constant 0 : i32
    %dma_start3A_37 = tpu.memref_slice %arg5[%dma_start3A_35, %dma_start3A_36] : memref<80x128xi32, #tpu.memory_space<vmem>> -> memref<1x128xi32, #tpu.memory_space<vmem>>
    %dma_start3A_38 = tpu.memref_squeeze %dma_start3A_37 : memref<1x128xi32, #tpu.memory_space<vmem>> -> memref<128xi32, #tpu.memory_space<vmem>>
    %dma_start3A_39 = arith.constant 0 : i32
    %dma_start3A_40 = arith.constant 0 : i32
    %dma_start3A_41 = tpu.memref_slice %arg2[%dma_start3A_39, %dma_start3A_40] : memref<10000x64xf32, #tpu.memory_space<hbm>> -> memref<10000x64xf32, #tpu.memory_space<hbm>>
    tpu.enqueue_indirect_dma source(%dma_start3A_41 : memref<10000x64xf32, #tpu.memory_space<hbm>>) target(%arg8 : memref<128x64xf32, #tpu.memory_space<vmem>>) offsets(%dma_start3A_38 : memref<128xi32, #tpu.memory_space<vmem>>) semaphore(%arg17 : memref<!tpu.dma_semaphore, #tpu.memory_space<semaphore_mem>>)
    %dma_start3A_42 = arith.constant 2 : i32
    %dma_start3A_43 = arith.constant 0 : i32
    %dma_start3A_44 = tpu.memref_slice %arg5[%dma_start3A_42, %dma_start3A_43] : memref<80x128xi32, #tpu.memory_space<vmem>> -> memref<1x128xi32, #tpu.memory_space<vmem>>
    %dma_start3A_45 = tpu.memref_squeeze %dma_start3A_44 : memref<1x128xi32, #tpu.memory_space<vmem>> -> memref<128xi32, #tpu.memory_space<vmem>>
    %dma_start3A_46 = arith.constant 0 : i32
    %dma_start3A_47 = arith.constant 0 : i32
    %dma_start3A_48 = tpu.memref_slice %arg2[%dma_start3A_46, %dma_start3A_47] : memref<10000x64xf32, #tpu.memory_space<hbm>> -> memref<10000x64xf32, #tpu.memory_space<hbm>>
    tpu.enqueue_indirect_dma source(%dma_start3A_48 : memref<10000x64xf32, #tpu.memory_space<hbm>>) target(%arg9 : memref<128x64xf32, #tpu.memory_space<vmem>>) offsets(%dma_start3A_45 : memref<128xi32, #tpu.memory_space<vmem>>) semaphore(%arg18 : memref<!tpu.dma_semaphore, #tpu.memory_space<semaphore_mem>>)
    %dma_start3A_49 = arith.constant 3 : i32
    %dma_start3A_50 = arith.constant 0 : i32
    %dma_start3A_51 = tpu.memref_slice %arg5[%dma_start3A_49, %dma_start3A_50] : memref<80x128xi32, #tpu.memory_space<vmem>> -> memref<1x128xi32, #tpu.memory_space<vmem>>
    %dma_start3A_52 = tpu.memref_squeeze %dma_start3A_51 : memref<1x128xi32, #tpu.memory_space<vmem>> -> memref<128xi32, #tpu.memory_space<vmem>>
    %dma_start3A_53 = arith.constant 0 : i32
    %dma_start3A_54 = arith.constant 0 : i32
    %dma_start3A_55 = tpu.memref_slice %arg2[%dma_start3A_53, %dma_start3A_54] : memref<10000x64xf32, #tpu.memory_space<hbm>> -> memref<10000x64xf32, #tpu.memory_space<hbm>>
    tpu.enqueue_indirect_dma source(%dma_start3A_55 : memref<10000x64xf32, #tpu.memory_space<hbm>>) target(%arg10 : memref<128x64xf32, #tpu.memory_space<vmem>>) offsets(%dma_start3A_52 : memref<128xi32, #tpu.memory_space<vmem>>) semaphore(%arg19 : memref<!tpu.dma_semaphore, #tpu.memory_space<semaphore_mem>>)
    %dma_start3A_56 = arith.constant 4 : i32
    %dma_start3A_57 = arith.constant 0 : i32
    %dma_start3A_58 = tpu.memref_slice %arg5[%dma_start3A_56, %dma_start3A_57] : memref<80x128xi32, #tpu.memory_space<vmem>> -> memref<1x128xi32, #tpu.memory_space<vmem>>
    %dma_start3A_59 = tpu.memref_squeeze %dma_start3A_58 : memref<1x128xi32, #tpu.memory_space<vmem>> -> memref<128xi32, #tpu.memory_space<vmem>>
    %dma_start3A_60 = arith.constant 0 : i32
    %dma_start3A_61 = arith.constant 0 : i32
    %dma_start3A_62 = tpu.memref_slice %arg2[%dma_start3A_60, %dma_start3A_61] : memref<10000x64xf32, #tpu.memory_space<hbm>> -> memref<10000x64xf32, #tpu.memory_space<hbm>>
    tpu.enqueue_indirect_dma source(%dma_start3A_62 : memref<10000x64xf32, #tpu.memory_space<hbm>>) target(%arg11 : memref<128x64xf32, #tpu.memory_space<vmem>>) offsets(%dma_start3A_59 : memref<128xi32, #tpu.memory_space<vmem>>) semaphore(%arg20 : memref<!tpu.dma_semaphore, #tpu.memory_space<semaphore_mem>>)
    %dma_start3A_63 = arith.constant 5 : i32
    %dma_start3A_64 = arith.constant 0 : i32
    %dma_start3A_65 = tpu.memref_slice %arg5[%dma_start3A_63, %dma_start3A_64] : memref<80x128xi32, #tpu.memory_space<vmem>> -> memref<1x128xi32, #tpu.memory_space<vmem>>
    %dma_start3A_66 = tpu.memref_squeeze %dma_start3A_65 : memref<1x128xi32, #tpu.memory_space<vmem>> -> memref<128xi32, #tpu.memory_space<vmem>>
    %dma_start3A_67 = arith.constant 0 : i32
    %dma_start3A_68 = arith.constant 0 : i32
    %dma_start3A_69 = tpu.memref_slice %arg2[%dma_start3A_67, %dma_start3A_68] : memref<10000x64xf32, #tpu.memory_space<hbm>> -> memref<10000x64xf32, #tpu.memory_space<hbm>>
    tpu.enqueue_indirect_dma source(%dma_start3A_69 : memref<10000x64xf32, #tpu.memory_space<hbm>>) target(%arg12 : memref<128x64xf32, #tpu.memory_space<vmem>>) offsets(%dma_start3A_66 : memref<128xi32, #tpu.memory_space<vmem>>) semaphore(%arg21 : memref<!tpu.dma_semaphore, #tpu.memory_space<semaphore_mem>>)
    %dma_start3A_70 = arith.constant 6 : i32
    %dma_start3A_71 = arith.constant 0 : i32
    %dma_start3A_72 = tpu.memref_slice %arg5[%dma_start3A_70, %dma_start3A_71] : memref<80x128xi32, #tpu.memory_space<vmem>> -> memref<1x128xi32, #tpu.memory_space<vmem>>
    %dma_start3A_73 = tpu.memref_squeeze %dma_start3A_72 : memref<1x128xi32, #tpu.memory_space<vmem>> -> memref<128xi32, #tpu.memory_space<vmem>>
    %dma_start3A_74 = arith.constant 0 : i32
    %dma_start3A_75 = arith.constant 0 : i32
    %dma_start3A_76 = tpu.memref_slice %arg2[%dma_start3A_74, %dma_start3A_75] : memref<10000x64xf32, #tpu.memory_space<hbm>> -> memref<10000x64xf32, #tpu.memory_space<hbm>>
    tpu.enqueue_indirect_dma source(%dma_start3A_76 : memref<10000x64xf32, #tpu.memory_space<hbm>>) target(%arg13 : memref<128x64xf32, #tpu.memory_space<vmem>>) offsets(%dma_start3A_73 : memref<128xi32, #tpu.memory_space<vmem>>) semaphore(%arg22 : memref<!tpu.dma_semaphore, #tpu.memory_space<semaphore_mem>>)
    %dma_start3A_77 = arith.constant 7 : i32
    %dma_start3A_78 = arith.constant 0 : i32
    %dma_start3A_79 = tpu.memref_slice %arg5[%dma_start3A_77, %dma_start3A_78] : memref<80x128xi32, #tpu.memory_space<vmem>> -> memref<1x128xi32, #tpu.memory_space<vmem>>
    %dma_start3A_80 = tpu.memref_squeeze %dma_start3A_79 : memref<1x128xi32, #tpu.memory_space<vmem>> -> memref<128xi32, #tpu.memory_space<vmem>>
    %dma_start3A_81 = arith.constant 0 : i32
    %dma_start3A_82 = arith.constant 0 : i32
    %dma_start3A_83 = tpu.memref_slice %arg2[%dma_start3A_81, %dma_start3A_82] : memref<10000x64xf32, #tpu.memory_space<hbm>> -> memref<10000x64xf32, #tpu.memory_space<hbm>>
    tpu.enqueue_indirect_dma source(%dma_start3A_83 : memref<10000x64xf32, #tpu.memory_space<hbm>>) target(%arg14 : memref<128x64xf32, #tpu.memory_space<vmem>>) offsets(%dma_start3A_80 : memref<128xi32, #tpu.memory_space<vmem>>) semaphore(%arg23 : memref<!tpu.dma_semaphore, #tpu.memory_space<semaphore_mem>>)
    %scan3A_84 = arith.constant 0 : i32
    %scan3A_85 = arith.constant 10 : i32
    %scan3A_86 = arith.addi %scan3A_84, %scan3A_85 : i32
    %scan3A_87 = arith.constant 1 : i32
    scf.for %scan3A_91 = %scan3A_84 to %scan3A_86 step %scan3A_87  : i32 {
      %mul3A_92 = arith.constant 1 : i32
      %mul3A_93 = arith.muli %scan3A_91, %mul3A_92 : i32
      %add3A_94 = arith.constant 0 : i32
      %add3A_95 = arith.addi %add3A_94, %mul3A_93 : i32
      %mul3A_96 = arith.constant 8 : i32
      %mul3A_97 = arith.muli %add3A_95, %mul3A_96 : i32
      %add3A_98 = arith.constant 0 : i32
      %add3A_99 = arith.addi %mul3A_97, %add3A_98 : i32
      %dma_wait3A = arith.constant 0 : i32
      %dma_wait3A_100 = tpu.memref_slice %arg5[%add3A_99, %dma_wait3A] : memref<80x128xi32, #tpu.memory_space<vmem>> -> memref<1x128xi32, #tpu.memory_space<vmem>>
      %dma_wait3A_101 = tpu.memref_squeeze %dma_wait3A_100 : memref<1x128xi32, #tpu.memory_space<vmem>> -> memref<128xi32, #tpu.memory_space<vmem>>
      %dma_wait3A_102 = arith.constant 0 : i32
      %dma_wait3A_103 = arith.constant 0 : i32
      %dma_wait3A_104 = tpu.memref_slice %arg2[%dma_wait3A_102, %dma_wait3A_103] : memref<10000x64xf32, #tpu.memory_space<hbm>> -> memref<10000x64xf32, #tpu.memory_space<hbm>>
      tpu.wait_indirect_dma semaphore(%arg16 : memref<!tpu.dma_semaphore, #tpu.memory_space<semaphore_mem>>) src(%dma_wait3A_104 : memref<10000x64xf32, #tpu.memory_space<hbm>>) dst(%arg7 : memref<128x64xf32, #tpu.memory_space<vmem>>)
      %add3A_105 = arith.constant 0 : i32
      %add3A_106 = arith.addi %mul3A_97, %add3A_105 : i32
      %dma_start3A_107 = arith.constant 0 : i32
      %dma_start3A_108 = tpu.memref_slice %arg6[%add3A_106, %dma_start3A_107] : memref<80x128xi32, #tpu.memory_space<vmem>> -> memref<1x128xi32, #tpu.memory_space<vmem>>
      %dma_start3A_109 = tpu.memref_squeeze %dma_start3A_108 : memref<1x128xi32, #tpu.memory_space<vmem>> -> memref<128xi32, #tpu.memory_space<vmem>>
      %dma_start3A_110 = arith.constant 0 : i32
      %dma_start3A_111 = arith.constant 0 : i32
      %dma_start3A_112 = tpu.memref_slice %arg15[%dma_start3A_110, %dma_start3A_111] : memref<10240x64xf32, #tpu.memory_space<vmem_shared>> -> memref<10240x64xf32, #tpu.memory_space<vmem_shared>>
      tpu.enqueue_indirect_dma source(%arg7 : memref<128x64xf32, #tpu.memory_space<vmem>>) target(%dma_start3A_112 : memref<10240x64xf32, #tpu.memory_space<vmem_shared>>) offsets(%dma_start3A_109 : memref<128xi32, #tpu.memory_space<vmem>>) semaphore(%arg24 : memref<!tpu.dma_semaphore, #tpu.memory_space<semaphore_mem>>) {add = true}
      %add3A_113 = arith.constant 1 : i32
      %add3A_114 = arith.addi %mul3A_97, %add3A_113 : i32
      %dma_wait3A_115 = arith.constant 0 : i32
      %dma_wait3A_116 = tpu.memref_slice %arg5[%add3A_114, %dma_wait3A_115] : memref<80x128xi32, #tpu.memory_space<vmem>> -> memref<1x128xi32, #tpu.memory_space<vmem>>
      %dma_wait3A_117 = tpu.memref_squeeze %dma_wait3A_116 : memref<1x128xi32, #tpu.memory_space<vmem>> -> memref<128xi32, #tpu.memory_space<vmem>>
      %dma_wait3A_118 = arith.constant 0 : i32
      %dma_wait3A_119 = arith.constant 0 : i32
      %dma_wait3A_120 = tpu.memref_slice %arg2[%dma_wait3A_118, %dma_wait3A_119] : memref<10000x64xf32, #tpu.memory_space<hbm>> -> memref<10000x64xf32, #tpu.memory_space<hbm>>
      tpu.wait_indirect_dma semaphore(%arg17 : memref<!tpu.dma_semaphore, #tpu.memory_space<semaphore_mem>>) src(%dma_wait3A_120 : memref<10000x64xf32, #tpu.memory_space<hbm>>) dst(%arg8 : memref<128x64xf32, #tpu.memory_space<vmem>>)
      %add3A_121 = arith.constant 1 : i32
      %add3A_122 = arith.addi %mul3A_97, %add3A_121 : i32
      %dma_start3A_123 = arith.constant 0 : i32
      %dma_start3A_124 = tpu.memref_slice %arg6[%add3A_122, %dma_start3A_123] : memref<80x128xi32, #tpu.memory_space<vmem>> -> memref<1x128xi32, #tpu.memory_space<vmem>>
      %dma_start3A_125 = tpu.memref_squeeze %dma_start3A_124 : memref<1x128xi32, #tpu.memory_space<vmem>> -> memref<128xi32, #tpu.memory_space<vmem>>
      %dma_start3A_126 = arith.constant 0 : i32
      %dma_start3A_127 = arith.constant 0 : i32
      %dma_start3A_128 = tpu.memref_slice %arg15[%dma_start3A_126, %dma_start3A_127] : memref<10240x64xf32, #tpu.memory_space<vmem_shared>> -> memref<10240x64xf32, #tpu.memory_space<vmem_shared>>
      tpu.enqueue_indirect_dma source(%arg8 : memref<128x64xf32, #tpu.memory_space<vmem>>) target(%dma_start3A_128 : memref<10240x64xf32, #tpu.memory_space<vmem_shared>>) offsets(%dma_start3A_125 : memref<128xi32, #tpu.memory_space<vmem>>) semaphore(%arg25 : memref<!tpu.dma_semaphore, #tpu.memory_space<semaphore_mem>>) {add = true}
      %add3A_129 = arith.constant 2 : i32
      %add3A_130 = arith.addi %mul3A_97, %add3A_129 : i32
      %dma_wait3A_131 = arith.constant 0 : i32
      %dma_wait3A_132 = tpu.memref_slice %arg5[%add3A_130, %dma_wait3A_131] : memref<80x128xi32, #tpu.memory_space<vmem>> -> memref<1x128xi32, #tpu.memory_space<vmem>>
      %dma_wait3A_133 = tpu.memref_squeeze %dma_wait3A_132 : memref<1x128xi32, #tpu.memory_space<vmem>> -> memref<128xi32, #tpu.memory_space<vmem>>
      %dma_wait3A_134 = arith.constant 0 : i32
      %dma_wait3A_135 = arith.constant 0 : i32
      %dma_wait3A_136 = tpu.memref_slice %arg2[%dma_wait3A_134, %dma_wait3A_135] : memref<10000x64xf32, #tpu.memory_space<hbm>> -> memref<10000x64xf32, #tpu.memory_space<hbm>>
      tpu.wait_indirect_dma semaphore(%arg18 : memref<!tpu.dma_semaphore, #tpu.memory_space<semaphore_mem>>) src(%dma_wait3A_136 : memref<10000x64xf32, #tpu.memory_space<hbm>>) dst(%arg9 : memref<128x64xf32, #tpu.memory_space<vmem>>)
      %add3A_137 = arith.constant 2 : i32
      %add3A_138 = arith.addi %mul3A_97, %add3A_137 : i32
      %dma_start3A_139 = arith.constant 0 : i32
      %dma_start3A_140 = tpu.memref_slice %arg6[%add3A_138, %dma_start3A_139] : memref<80x128xi32, #tpu.memory_space<vmem>> -> memref<1x128xi32, #tpu.memory_space<vmem>>
      %dma_start3A_141 = tpu.memref_squeeze %dma_start3A_140 : memref<1x128xi32, #tpu.memory_space<vmem>> -> memref<128xi32, #tpu.memory_space<vmem>>
      %dma_start3A_142 = arith.constant 0 : i32
      %dma_start3A_143 = arith.constant 0 : i32
      %dma_start3A_144 = tpu.memref_slice %arg15[%dma_start3A_142, %dma_start3A_143] : memref<10240x64xf32, #tpu.memory_space<vmem_shared>> -> memref<10240x64xf32, #tpu.memory_space<vmem_shared>>
      tpu.enqueue_indirect_dma source(%arg9 : memref<128x64xf32, #tpu.memory_space<vmem>>) target(%dma_start3A_144 : memref<10240x64xf32, #tpu.memory_space<vmem_shared>>) offsets(%dma_start3A_141 : memref<128xi32, #tpu.memory_space<vmem>>) semaphore(%arg26 : memref<!tpu.dma_semaphore, #tpu.memory_space<semaphore_mem>>) {add = true}
      %add3A_145 = arith.constant 3 : i32
      %add3A_146 = arith.addi %mul3A_97, %add3A_145 : i32
      %dma_wait3A_147 = arith.constant 0 : i32
      %dma_wait3A_148 = tpu.memref_slice %arg5[%add3A_146, %dma_wait3A_147] : memref<80x128xi32, #tpu.memory_space<vmem>> -> memref<1x128xi32, #tpu.memory_space<vmem>>
      %dma_wait3A_149 = tpu.memref_squeeze %dma_wait3A_148 : memref<1x128xi32, #tpu.memory_space<vmem>> -> memref<128xi32, #tpu.memory_space<vmem>>
      %dma_wait3A_150 = arith.constant 0 : i32
      %dma_wait3A_151 = arith.constant 0 : i32
      %dma_wait3A_152 = tpu.memref_slice %arg2[%dma_wait3A_150, %dma_wait3A_151] : memref<10000x64xf32, #tpu.memory_space<hbm>> -> memref<10000x64xf32, #tpu.memory_space<hbm>>
      tpu.wait_indirect_dma semaphore(%arg19 : memref<!tpu.dma_semaphore, #tpu.memory_space<semaphore_mem>>) src(%dma_wait3A_152 : memref<10000x64xf32, #tpu.memory_space<hbm>>) dst(%arg10 : memref<128x64xf32, #tpu.memory_space<vmem>>)
      %add3A_153 = arith.constant 3 : i32
      %add3A_154 = arith.addi %mul3A_97, %add3A_153 : i32
      %dma_start3A_155 = arith.constant 0 : i32
      %dma_start3A_156 = tpu.memref_slice %arg6[%add3A_154, %dma_start3A_155] : memref<80x128xi32, #tpu.memory_space<vmem>> -> memref<1x128xi32, #tpu.memory_space<vmem>>
      %dma_start3A_157 = tpu.memref_squeeze %dma_start3A_156 : memref<1x128xi32, #tpu.memory_space<vmem>> -> memref<128xi32, #tpu.memory_space<vmem>>
      %dma_start3A_158 = arith.constant 0 : i32
      %dma_start3A_159 = arith.constant 0 : i32
      %dma_start3A_160 = tpu.memref_slice %arg15[%dma_start3A_158, %dma_start3A_159] : memref<10240x64xf32, #tpu.memory_space<vmem_shared>> -> memref<10240x64xf32, #tpu.memory_space<vmem_shared>>
      tpu.enqueue_indirect_dma source(%arg10 : memref<128x64xf32, #tpu.memory_space<vmem>>) target(%dma_start3A_160 : memref<10240x64xf32, #tpu.memory_space<vmem_shared>>) offsets(%dma_start3A_157 : memref<128xi32, #tpu.memory_space<vmem>>) semaphore(%arg27 : memref<!tpu.dma_semaphore, #tpu.memory_space<semaphore_mem>>) {add = true}
      %add3A_161 = arith.constant 4 : i32
      %add3A_162 = arith.addi %mul3A_97, %add3A_161 : i32
      %dma_wait3A_163 = arith.constant 0 : i32
      %dma_wait3A_164 = tpu.memref_slice %arg5[%add3A_162, %dma_wait3A_163] : memref<80x128xi32, #tpu.memory_space<vmem>> -> memref<1x128xi32, #tpu.memory_space<vmem>>
      %dma_wait3A_165 = tpu.memref_squeeze %dma_wait3A_164 : memref<1x128xi32, #tpu.memory_space<vmem>> -> memref<128xi32, #tpu.memory_space<vmem>>
      %dma_wait3A_166 = arith.constant 0 : i32
      %dma_wait3A_167 = arith.constant 0 : i32
      %dma_wait3A_168 = tpu.memref_slice %arg2[%dma_wait3A_166, %dma_wait3A_167] : memref<10000x64xf32, #tpu.memory_space<hbm>> -> memref<10000x64xf32, #tpu.memory_space<hbm>>
      tpu.wait_indirect_dma semaphore(%arg20 : memref<!tpu.dma_semaphore, #tpu.memory_space<semaphore_mem>>) src(%dma_wait3A_168 : memref<10000x64xf32, #tpu.memory_space<hbm>>) dst(%arg11 : memref<128x64xf32, #tpu.memory_space<vmem>>)
      %add3A_169 = arith.constant 4 : i32
      %add3A_170 = arith.addi %mul3A_97, %add3A_169 : i32
      %dma_start3A_171 = arith.constant 0 : i32
      %dma_start3A_172 = tpu.memref_slice %arg6[%add3A_170, %dma_start3A_171] : memref<80x128xi32, #tpu.memory_space<vmem>> -> memref<1x128xi32, #tpu.memory_space<vmem>>
      %dma_start3A_173 = tpu.memref_squeeze %dma_start3A_172 : memref<1x128xi32, #tpu.memory_space<vmem>> -> memref<128xi32, #tpu.memory_space<vmem>>
      %dma_start3A_174 = arith.constant 0 : i32
      %dma_start3A_175 = arith.constant 0 : i32
      %dma_start3A_176 = tpu.memref_slice %arg15[%dma_start3A_174, %dma_start3A_175] : memref<10240x64xf32, #tpu.memory_space<vmem_shared>> -> memref<10240x64xf32, #tpu.memory_space<vmem_shared>>
      tpu.enqueue_indirect_dma source(%arg11 : memref<128x64xf32, #tpu.memory_space<vmem>>) target(%dma_start3A_176 : memref<10240x64xf32, #tpu.memory_space<vmem_shared>>) offsets(%dma_start3A_173 : memref<128xi32, #tpu.memory_space<vmem>>) semaphore(%arg28 : memref<!tpu.dma_semaphore, #tpu.memory_space<semaphore_mem>>) {add = true}
      %add3A_177 = arith.constant 5 : i32
      %add3A_178 = arith.addi %mul3A_97, %add3A_177 : i32
      %dma_wait3A_179 = arith.constant 0 : i32
      %dma_wait3A_180 = tpu.memref_slice %arg5[%add3A_178, %dma_wait3A_179] : memref<80x128xi32, #tpu.memory_space<vmem>> -> memref<1x128xi32, #tpu.memory_space<vmem>>
      %dma_wait3A_181 = tpu.memref_squeeze %dma_wait3A_180 : memref<1x128xi32, #tpu.memory_space<vmem>> -> memref<128xi32, #tpu.memory_space<vmem>>
      %dma_wait3A_182 = arith.constant 0 : i32
      %dma_wait3A_183 = arith.constant 0 : i32
      %dma_wait3A_184 = tpu.memref_slice %arg2[%dma_wait3A_182, %dma_wait3A_183] : memref<10000x64xf32, #tpu.memory_space<hbm>> -> memref<10000x64xf32, #tpu.memory_space<hbm>>
      tpu.wait_indirect_dma semaphore(%arg21 : memref<!tpu.dma_semaphore, #tpu.memory_space<semaphore_mem>>) src(%dma_wait3A_184 : memref<10000x64xf32, #tpu.memory_space<hbm>>) dst(%arg12 : memref<128x64xf32, #tpu.memory_space<vmem>>)
      %add3A_185 = arith.constant 5 : i32
      %add3A_186 = arith.addi %mul3A_97, %add3A_185 : i32
      %dma_start3A_187 = arith.constant 0 : i32
      %dma_start3A_188 = tpu.memref_slice %arg6[%add3A_186, %dma_start3A_187] : memref<80x128xi32, #tpu.memory_space<vmem>> -> memref<1x128xi32, #tpu.memory_space<vmem>>
      %dma_start3A_189 = tpu.memref_squeeze %dma_start3A_188 : memref<1x128xi32, #tpu.memory_space<vmem>> -> memref<128xi32, #tpu.memory_space<vmem>>
      %dma_start3A_190 = arith.constant 0 : i32
      %dma_start3A_191 = arith.constant 0 : i32
      %dma_start3A_192 = tpu.memref_slice %arg15[%dma_start3A_190, %dma_start3A_191] : memref<10240x64xf32, #tpu.memory_space<vmem_shared>> -> memref<10240x64xf32, #tpu.memory_space<vmem_shared>>
      tpu.enqueue_indirect_dma source(%arg12 : memref<128x64xf32, #tpu.memory_space<vmem>>) target(%dma_start3A_192 : memref<10240x64xf32, #tpu.memory_space<vmem_shared>>) offsets(%dma_start3A_189 : memref<128xi32, #tpu.memory_space<vmem>>) semaphore(%arg29 : memref<!tpu.dma_semaphore, #tpu.memory_space<semaphore_mem>>) {add = true}
      %add3A_193 = arith.constant 6 : i32
      %add3A_194 = arith.addi %mul3A_97, %add3A_193 : i32
      %dma_wait3A_195 = arith.constant 0 : i32
      %dma_wait3A_196 = tpu.memref_slice %arg5[%add3A_194, %dma_wait3A_195] : memref<80x128xi32, #tpu.memory_space<vmem>> -> memref<1x128xi32, #tpu.memory_space<vmem>>
      %dma_wait3A_197 = tpu.memref_squeeze %dma_wait3A_196 : memref<1x128xi32, #tpu.memory_space<vmem>> -> memref<128xi32, #tpu.memory_space<vmem>>
      %dma_wait3A_198 = arith.constant 0 : i32
      %dma_wait3A_199 = arith.constant 0 : i32
      %dma_wait3A_200 = tpu.memref_slice %arg2[%dma_wait3A_198, %dma_wait3A_199] : memref<10000x64xf32, #tpu.memory_space<hbm>> -> memref<10000x64xf32, #tpu.memory_space<hbm>>
      tpu.wait_indirect_dma semaphore(%arg22 : memref<!tpu.dma_semaphore, #tpu.memory_space<semaphore_mem>>) src(%dma_wait3A_200 : memref<10000x64xf32, #tpu.memory_space<hbm>>) dst(%arg13 : memref<128x64xf32, #tpu.memory_space<vmem>>)
      %add3A_201 = arith.constant 6 : i32
      %add3A_202 = arith.addi %mul3A_97, %add3A_201 : i32
      %dma_start3A_203 = arith.constant 0 : i32
      %dma_start3A_204 = tpu.memref_slice %arg6[%add3A_202, %dma_start3A_203] : memref<80x128xi32, #tpu.memory_space<vmem>> -> memref<1x128xi32, #tpu.memory_space<vmem>>
      %dma_start3A_205 = tpu.memref_squeeze %dma_start3A_204 : memref<1x128xi32, #tpu.memory_space<vmem>> -> memref<128xi32, #tpu.memory_space<vmem>>
      %dma_start3A_206 = arith.constant 0 : i32
      %dma_start3A_207 = arith.constant 0 : i32
      %dma_start3A_208 = tpu.memref_slice %arg15[%dma_start3A_206, %dma_start3A_207] : memref<10240x64xf32, #tpu.memory_space<vmem_shared>> -> memref<10240x64xf32, #tpu.memory_space<vmem_shared>>
      tpu.enqueue_indirect_dma source(%arg13 : memref<128x64xf32, #tpu.memory_space<vmem>>) target(%dma_start3A_208 : memref<10240x64xf32, #tpu.memory_space<vmem_shared>>) offsets(%dma_start3A_205 : memref<128xi32, #tpu.memory_space<vmem>>) semaphore(%arg30 : memref<!tpu.dma_semaphore, #tpu.memory_space<semaphore_mem>>) {add = true}
      %add3A_209 = arith.constant 7 : i32
      %add3A_210 = arith.addi %mul3A_97, %add3A_209 : i32
      %dma_wait3A_211 = arith.constant 0 : i32
      %dma_wait3A_212 = tpu.memref_slice %arg5[%add3A_210, %dma_wait3A_211] : memref<80x128xi32, #tpu.memory_space<vmem>> -> memref<1x128xi32, #tpu.memory_space<vmem>>
      %dma_wait3A_213 = tpu.memref_squeeze %dma_wait3A_212 : memref<1x128xi32, #tpu.memory_space<vmem>> -> memref<128xi32, #tpu.memory_space<vmem>>
      %dma_wait3A_214 = arith.constant 0 : i32
      %dma_wait3A_215 = arith.constant 0 : i32
      %dma_wait3A_216 = tpu.memref_slice %arg2[%dma_wait3A_214, %dma_wait3A_215] : memref<10000x64xf32, #tpu.memory_space<hbm>> -> memref<10000x64xf32, #tpu.memory_space<hbm>>
      tpu.wait_indirect_dma semaphore(%arg23 : memref<!tpu.dma_semaphore, #tpu.memory_space<semaphore_mem>>) src(%dma_wait3A_216 : memref<10000x64xf32, #tpu.memory_space<hbm>>) dst(%arg14 : memref<128x64xf32, #tpu.memory_space<vmem>>)
      %add3A_217 = arith.constant 7 : i32
      %add3A_218 = arith.addi %mul3A_97, %add3A_217 : i32
      %dma_start3A_219 = arith.constant 0 : i32
      %dma_start3A_220 = tpu.memref_slice %arg6[%add3A_218, %dma_start3A_219] : memref<80x128xi32, #tpu.memory_space<vmem>> -> memref<1x128xi32, #tpu.memory_space<vmem>>
      %dma_start3A_221 = tpu.memref_squeeze %dma_start3A_220 : memref<1x128xi32, #tpu.memory_space<vmem>> -> memref<128xi32, #tpu.memory_space<vmem>>
      %dma_start3A_222 = arith.constant 0 : i32
      %dma_start3A_223 = arith.constant 0 : i32
      %dma_start3A_224 = tpu.memref_slice %arg15[%dma_start3A_222, %dma_start3A_223] : memref<10240x64xf32, #tpu.memory_space<vmem_shared>> -> memref<10240x64xf32, #tpu.memory_space<vmem_shared>>
      tpu.enqueue_indirect_dma source(%arg14 : memref<128x64xf32, #tpu.memory_space<vmem>>) target(%dma_start3A_224 : memref<10240x64xf32, #tpu.memory_space<vmem_shared>>) offsets(%dma_start3A_221 : memref<128xi32, #tpu.memory_space<vmem>>) semaphore(%arg31 : memref<!tpu.dma_semaphore, #tpu.memory_space<semaphore_mem>>) {add = true}
      %add3A_225 = arith.constant 0 : i32
      %add3A_226 = arith.addi %mul3A_97, %add3A_225 : i32
      %dma_wait3A_227 = arith.constant 0 : i32
      %dma_wait3A_228 = tpu.memref_slice %arg6[%add3A_226, %dma_wait3A_227] : memref<80x128xi32, #tpu.memory_space<vmem>> -> memref<1x128xi32, #tpu.memory_space<vmem>>
      %dma_wait3A_229 = tpu.memref_squeeze %dma_wait3A_228 : memref<1x128xi32, #tpu.memory_space<vmem>> -> memref<128xi32, #tpu.memory_space<vmem>>
      %dma_wait3A_230 = arith.constant 0 : i32
      %dma_wait3A_231 = arith.constant 0 : i32
      %dma_wait3A_232 = tpu.memref_slice %arg15[%dma_wait3A_230, %dma_wait3A_231] : memref<10240x64xf32, #tpu.memory_space<vmem_shared>> -> memref<10240x64xf32, #tpu.memory_space<vmem_shared>>
      tpu.wait_indirect_dma semaphore(%arg24 : memref<!tpu.dma_semaphore, #tpu.memory_space<semaphore_mem>>) src(%arg7 : memref<128x64xf32, #tpu.memory_space<vmem>>) dst(%dma_wait3A_232 : memref<10240x64xf32, #tpu.memory_space<vmem_shared>>)
      %add3A_233 = arith.constant 8 : i32
      %add3A_234 = arith.addi %mul3A_97, %add3A_233 : i32
      %add3A_235 = arith.constant 0 : i32
      %add3A_236 = arith.addi %add3A_234, %add3A_235 : i32
      %lt3A = arith.constant 80 : i32
      %lt3A_237 = arith.cmpi slt, %add3A_236, %lt3A : i32
      %convert_element_type3A = arith.extui %lt3A_237 : i1 to i32
      %cond3A = arith.constant 0 : i32
      %cond3A_238 = arith.cmpi ne, %convert_element_type3A, %cond3A : i32
      scf.if %cond3A_238 {
        %add3A_358 = arith.constant 8 : i32
        %add3A_359 = arith.addi %mul3A_97, %add3A_358 : i32
        %add3A_360 = arith.constant 0 : i32
        %add3A_361 = arith.addi %add3A_359, %add3A_360 : i32
        %dma_start3A_362 = arith.constant 0 : i32
        %dma_start3A_363 = tpu.memref_slice %arg5[%add3A_361, %dma_start3A_362] : memref<80x128xi32, #tpu.memory_space<vmem>> -> memref<1x128xi32, #tpu.memory_space<vmem>>
        %dma_start3A_364 = tpu.memref_squeeze %dma_start3A_363 : memref<1x128xi32, #tpu.memory_space<vmem>> -> memref<128xi32, #tpu.memory_space<vmem>>
        %dma_start3A_365 = arith.constant 0 : i32
        %dma_start3A_366 = arith.constant 0 : i32
        %dma_start3A_367 = tpu.memref_slice %arg2[%dma_start3A_365, %dma_start3A_366] : memref<10000x64xf32, #tpu.memory_space<hbm>> -> memref<10000x64xf32, #tpu.memory_space<hbm>>
        tpu.enqueue_indirect_dma source(%dma_start3A_367 : memref<10000x64xf32, #tpu.memory_space<hbm>>) target(%arg7 : memref<128x64xf32, #tpu.memory_space<vmem>>) offsets(%dma_start3A_364 : memref<128xi32, #tpu.memory_space<vmem>>) semaphore(%arg16 : memref<!tpu.dma_semaphore, #tpu.memory_space<semaphore_mem>>)
      } else {
      }
      %add3A_239 = arith.constant 1 : i32
      %add3A_240 = arith.addi %mul3A_97, %add3A_239 : i32
      %dma_wait3A_241 = arith.constant 0 : i32
      %dma_wait3A_242 = tpu.memref_slice %arg6[%add3A_240, %dma_wait3A_241] : memref<80x128xi32, #tpu.memory_space<vmem>> -> memref<1x128xi32, #tpu.memory_space<vmem>>
      %dma_wait3A_243 = tpu.memref_squeeze %dma_wait3A_242 : memref<1x128xi32, #tpu.memory_space<vmem>> -> memref<128xi32, #tpu.memory_space<vmem>>
      %dma_wait3A_244 = arith.constant 0 : i32
      %dma_wait3A_245 = arith.constant 0 : i32
      %dma_wait3A_246 = tpu.memref_slice %arg15[%dma_wait3A_244, %dma_wait3A_245] : memref<10240x64xf32, #tpu.memory_space<vmem_shared>> -> memref<10240x64xf32, #tpu.memory_space<vmem_shared>>
      tpu.wait_indirect_dma semaphore(%arg25 : memref<!tpu.dma_semaphore, #tpu.memory_space<semaphore_mem>>) src(%arg8 : memref<128x64xf32, #tpu.memory_space<vmem>>) dst(%dma_wait3A_246 : memref<10240x64xf32, #tpu.memory_space<vmem_shared>>)
      %add3A_247 = arith.constant 8 : i32
      %add3A_248 = arith.addi %mul3A_97, %add3A_247 : i32
      %add3A_249 = arith.constant 1 : i32
      %add3A_250 = arith.addi %add3A_248, %add3A_249 : i32
      %lt3A_251 = arith.constant 80 : i32
      %lt3A_252 = arith.cmpi slt, %add3A_250, %lt3A_251 : i32
      %convert_element_type3A_253 = arith.extui %lt3A_252 : i1 to i32
      %cond3A_254 = arith.constant 0 : i32
      %cond3A_255 = arith.cmpi ne, %convert_element_type3A_253, %cond3A_254 : i32
      scf.if %cond3A_255 {
        %add3A_358 = arith.constant 8 : i32
        %add3A_359 = arith.addi %mul3A_97, %add3A_358 : i32
        %add3A_360 = arith.constant 1 : i32
        %add3A_361 = arith.addi %add3A_359, %add3A_360 : i32
        %dma_start3A_362 = arith.constant 0 : i32
        %dma_start3A_363 = tpu.memref_slice %arg5[%add3A_361, %dma_start3A_362] : memref<80x128xi32, #tpu.memory_space<vmem>> -> memref<1x128xi32, #tpu.memory_space<vmem>>
        %dma_start3A_364 = tpu.memref_squeeze %dma_start3A_363 : memref<1x128xi32, #tpu.memory_space<vmem>> -> memref<128xi32, #tpu.memory_space<vmem>>
        %dma_start3A_365 = arith.constant 0 : i32
        %dma_start3A_366 = arith.constant 0 : i32
        %dma_start3A_367 = tpu.memref_slice %arg2[%dma_start3A_365, %dma_start3A_366] : memref<10000x64xf32, #tpu.memory_space<hbm>> -> memref<10000x64xf32, #tpu.memory_space<hbm>>
        tpu.enqueue_indirect_dma source(%dma_start3A_367 : memref<10000x64xf32, #tpu.memory_space<hbm>>) target(%arg8 : memref<128x64xf32, #tpu.memory_space<vmem>>) offsets(%dma_start3A_364 : memref<128xi32, #tpu.memory_space<vmem>>) semaphore(%arg17 : memref<!tpu.dma_semaphore, #tpu.memory_space<semaphore_mem>>)
      } else {
      }
      %add3A_256 = arith.constant 2 : i32
      %add3A_257 = arith.addi %mul3A_97, %add3A_256 : i32
      %dma_wait3A_258 = arith.constant 0 : i32
      %dma_wait3A_259 = tpu.memref_slice %arg6[%add3A_257, %dma_wait3A_258] : memref<80x128xi32, #tpu.memory_space<vmem>> -> memref<1x128xi32, #tpu.memory_space<vmem>>
      %dma_wait3A_260 = tpu.memref_squeeze %dma_wait3A_259 : memref<1x128xi32, #tpu.memory_space<vmem>> -> memref<128xi32, #tpu.memory_space<vmem>>
      %dma_wait3A_261 = arith.constant 0 : i32
      %dma_wait3A_262 = arith.constant 0 : i32
      %dma_wait3A_263 = tpu.memref_slice %arg15[%dma_wait3A_261, %dma_wait3A_262] : memref<10240x64xf32, #tpu.memory_space<vmem_shared>> -> memref<10240x64xf32, #tpu.memory_space<vmem_shared>>
      tpu.wait_indirect_dma semaphore(%arg26 : memref<!tpu.dma_semaphore, #tpu.memory_space<semaphore_mem>>) src(%arg9 : memref<128x64xf32, #tpu.memory_space<vmem>>) dst(%dma_wait3A_263 : memref<10240x64xf32, #tpu.memory_space<vmem_shared>>)
      %add3A_264 = arith.constant 8 : i32
      %add3A_265 = arith.addi %mul3A_97, %add3A_264 : i32
      %add3A_266 = arith.constant 2 : i32
      %add3A_267 = arith.addi %add3A_265, %add3A_266 : i32
      %lt3A_268 = arith.constant 80 : i32
      %lt3A_269 = arith.cmpi slt, %add3A_267, %lt3A_268 : i32
      %convert_element_type3A_270 = arith.extui %lt3A_269 : i1 to i32
      %cond3A_271 = arith.constant 0 : i32
      %cond3A_272 = arith.cmpi ne, %convert_element_type3A_270, %cond3A_271 : i32
      scf.if %cond3A_272 {
        %add3A_358 = arith.constant 8 : i32
        %add3A_359 = arith.addi %mul3A_97, %add3A_358 : i32
        %add3A_360 = arith.constant 2 : i32
        %add3A_361 = arith.addi %add3A_359, %add3A_360 : i32
        %dma_start3A_362 = arith.constant 0 : i32
        %dma_start3A_363 = tpu.memref_slice %arg5[%add3A_361, %dma_start3A_362] : memref<80x128xi32, #tpu.memory_space<vmem>> -> memref<1x128xi32, #tpu.memory_space<vmem>>
        %dma_start3A_364 = tpu.memref_squeeze %dma_start3A_363 : memref<1x128xi32, #tpu.memory_space<vmem>> -> memref<128xi32, #tpu.memory_space<vmem>>
        %dma_start3A_365 = arith.constant 0 : i32
        %dma_start3A_366 = arith.constant 0 : i32
        %dma_start3A_367 = tpu.memref_slice %arg2[%dma_start3A_365, %dma_start3A_366] : memref<10000x64xf32, #tpu.memory_space<hbm>> -> memref<10000x64xf32, #tpu.memory_space<hbm>>
        tpu.enqueue_indirect_dma source(%dma_start3A_367 : memref<10000x64xf32, #tpu.memory_space<hbm>>) target(%arg9 : memref<128x64xf32, #tpu.memory_space<vmem>>) offsets(%dma_start3A_364 : memref<128xi32, #tpu.memory_space<vmem>>) semaphore(%arg18 : memref<!tpu.dma_semaphore, #tpu.memory_space<semaphore_mem>>)
      } else {
      }
      %add3A_273 = arith.constant 3 : i32
      %add3A_274 = arith.addi %mul3A_97, %add3A_273 : i32
      %dma_wait3A_275 = arith.constant 0 : i32
      %dma_wait3A_276 = tpu.memref_slice %arg6[%add3A_274, %dma_wait3A_275] : memref<80x128xi32, #tpu.memory_space<vmem>> -> memref<1x128xi32, #tpu.memory_space<vmem>>
      %dma_wait3A_277 = tpu.memref_squeeze %dma_wait3A_276 : memref<1x128xi32, #tpu.memory_space<vmem>> -> memref<128xi32, #tpu.memory_space<vmem>>
      %dma_wait3A_278 = arith.constant 0 : i32
      %dma_wait3A_279 = arith.constant 0 : i32
      %dma_wait3A_280 = tpu.memref_slice %arg15[%dma_wait3A_278, %dma_wait3A_279] : memref<10240x64xf32, #tpu.memory_space<vmem_shared>> -> memref<10240x64xf32, #tpu.memory_space<vmem_shared>>
      tpu.wait_indirect_dma semaphore(%arg27 : memref<!tpu.dma_semaphore, #tpu.memory_space<semaphore_mem>>) src(%arg10 : memref<128x64xf32, #tpu.memory_space<vmem>>) dst(%dma_wait3A_280 : memref<10240x64xf32, #tpu.memory_space<vmem_shared>>)
      %add3A_281 = arith.constant 8 : i32
      %add3A_282 = arith.addi %mul3A_97, %add3A_281 : i32
      %add3A_283 = arith.constant 3 : i32
      %add3A_284 = arith.addi %add3A_282, %add3A_283 : i32
      %lt3A_285 = arith.constant 80 : i32
      %lt3A_286 = arith.cmpi slt, %add3A_284, %lt3A_285 : i32
      %convert_element_type3A_287 = arith.extui %lt3A_286 : i1 to i32
      %cond3A_288 = arith.constant 0 : i32
      %cond3A_289 = arith.cmpi ne, %convert_element_type3A_287, %cond3A_288 : i32
      scf.if %cond3A_289 {
        %add3A_358 = arith.constant 8 : i32
        %add3A_359 = arith.addi %mul3A_97, %add3A_358 : i32
        %add3A_360 = arith.constant 3 : i32
        %add3A_361 = arith.addi %add3A_359, %add3A_360 : i32
        %dma_start3A_362 = arith.constant 0 : i32
        %dma_start3A_363 = tpu.memref_slice %arg5[%add3A_361, %dma_start3A_362] : memref<80x128xi32, #tpu.memory_space<vmem>> -> memref<1x128xi32, #tpu.memory_space<vmem>>
        %dma_start3A_364 = tpu.memref_squeeze %dma_start3A_363 : memref<1x128xi32, #tpu.memory_space<vmem>> -> memref<128xi32, #tpu.memory_space<vmem>>
        %dma_start3A_365 = arith.constant 0 : i32
        %dma_start3A_366 = arith.constant 0 : i32
        %dma_start3A_367 = tpu.memref_slice %arg2[%dma_start3A_365, %dma_start3A_366] : memref<10000x64xf32, #tpu.memory_space<hbm>> -> memref<10000x64xf32, #tpu.memory_space<hbm>>
        tpu.enqueue_indirect_dma source(%dma_start3A_367 : memref<10000x64xf32, #tpu.memory_space<hbm>>) target(%arg10 : memref<128x64xf32, #tpu.memory_space<vmem>>) offsets(%dma_start3A_364 : memref<128xi32, #tpu.memory_space<vmem>>) semaphore(%arg19 : memref<!tpu.dma_semaphore, #tpu.memory_space<semaphore_mem>>)
      } else {
      }
      %add3A_290 = arith.constant 4 : i32
      %add3A_291 = arith.addi %mul3A_97, %add3A_290 : i32
      %dma_wait3A_292 = arith.constant 0 : i32
      %dma_wait3A_293 = tpu.memref_slice %arg6[%add3A_291, %dma_wait3A_292] : memref<80x128xi32, #tpu.memory_space<vmem>> -> memref<1x128xi32, #tpu.memory_space<vmem>>
      %dma_wait3A_294 = tpu.memref_squeeze %dma_wait3A_293 : memref<1x128xi32, #tpu.memory_space<vmem>> -> memref<128xi32, #tpu.memory_space<vmem>>
      %dma_wait3A_295 = arith.constant 0 : i32
      %dma_wait3A_296 = arith.constant 0 : i32
      %dma_wait3A_297 = tpu.memref_slice %arg15[%dma_wait3A_295, %dma_wait3A_296] : memref<10240x64xf32, #tpu.memory_space<vmem_shared>> -> memref<10240x64xf32, #tpu.memory_space<vmem_shared>>
      tpu.wait_indirect_dma semaphore(%arg28 : memref<!tpu.dma_semaphore, #tpu.memory_space<semaphore_mem>>) src(%arg11 : memref<128x64xf32, #tpu.memory_space<vmem>>) dst(%dma_wait3A_297 : memref<10240x64xf32, #tpu.memory_space<vmem_shared>>)
      %add3A_298 = arith.constant 8 : i32
      %add3A_299 = arith.addi %mul3A_97, %add3A_298 : i32
      %add3A_300 = arith.constant 4 : i32
      %add3A_301 = arith.addi %add3A_299, %add3A_300 : i32
      %lt3A_302 = arith.constant 80 : i32
      %lt3A_303 = arith.cmpi slt, %add3A_301, %lt3A_302 : i32
      %convert_element_type3A_304 = arith.extui %lt3A_303 : i1 to i32
      %cond3A_305 = arith.constant 0 : i32
      %cond3A_306 = arith.cmpi ne, %convert_element_type3A_304, %cond3A_305 : i32
      scf.if %cond3A_306 {
        %add3A_358 = arith.constant 8 : i32
        %add3A_359 = arith.addi %mul3A_97, %add3A_358 : i32
        %add3A_360 = arith.constant 4 : i32
        %add3A_361 = arith.addi %add3A_359, %add3A_360 : i32
        %dma_start3A_362 = arith.constant 0 : i32
        %dma_start3A_363 = tpu.memref_slice %arg5[%add3A_361, %dma_start3A_362] : memref<80x128xi32, #tpu.memory_space<vmem>> -> memref<1x128xi32, #tpu.memory_space<vmem>>
        %dma_start3A_364 = tpu.memref_squeeze %dma_start3A_363 : memref<1x128xi32, #tpu.memory_space<vmem>> -> memref<128xi32, #tpu.memory_space<vmem>>
        %dma_start3A_365 = arith.constant 0 : i32
        %dma_start3A_366 = arith.constant 0 : i32
        %dma_start3A_367 = tpu.memref_slice %arg2[%dma_start3A_365, %dma_start3A_366] : memref<10000x64xf32, #tpu.memory_space<hbm>> -> memref<10000x64xf32, #tpu.memory_space<hbm>>
        tpu.enqueue_indirect_dma source(%dma_start3A_367 : memref<10000x64xf32, #tpu.memory_space<hbm>>) target(%arg11 : memref<128x64xf32, #tpu.memory_space<vmem>>) offsets(%dma_start3A_364 : memref<128xi32, #tpu.memory_space<vmem>>) semaphore(%arg20 : memref<!tpu.dma_semaphore, #tpu.memory_space<semaphore_mem>>)
      } else {
      }
      %add3A_307 = arith.constant 5 : i32
      %add3A_308 = arith.addi %mul3A_97, %add3A_307 : i32
      %dma_wait3A_309 = arith.constant 0 : i32
      %dma_wait3A_310 = tpu.memref_slice %arg6[%add3A_308, %dma_wait3A_309] : memref<80x128xi32, #tpu.memory_space<vmem>> -> memref<1x128xi32, #tpu.memory_space<vmem>>
      %dma_wait3A_311 = tpu.memref_squeeze %dma_wait3A_310 : memref<1x128xi32, #tpu.memory_space<vmem>> -> memref<128xi32, #tpu.memory_space<vmem>>
      %dma_wait3A_312 = arith.constant 0 : i32
      %dma_wait3A_313 = arith.constant 0 : i32
      %dma_wait3A_314 = tpu.memref_slice %arg15[%dma_wait3A_312, %dma_wait3A_313] : memref<10240x64xf32, #tpu.memory_space<vmem_shared>> -> memref<10240x64xf32, #tpu.memory_space<vmem_shared>>
      tpu.wait_indirect_dma semaphore(%arg29 : memref<!tpu.dma_semaphore, #tpu.memory_space<semaphore_mem>>) src(%arg12 : memref<128x64xf32, #tpu.memory_space<vmem>>) dst(%dma_wait3A_314 : memref<10240x64xf32, #tpu.memory_space<vmem_shared>>)
      %add3A_315 = arith.constant 8 : i32
      %add3A_316 = arith.addi %mul3A_97, %add3A_315 : i32
      %add3A_317 = arith.constant 5 : i32
      %add3A_318 = arith.addi %add3A_316, %add3A_317 : i32
      %lt3A_319 = arith.constant 80 : i32
      %lt3A_320 = arith.cmpi slt, %add3A_318, %lt3A_319 : i32
      %convert_element_type3A_321 = arith.extui %lt3A_320 : i1 to i32
      %cond3A_322 = arith.constant 0 : i32
      %cond3A_323 = arith.cmpi ne, %convert_element_type3A_321, %cond3A_322 : i32
      scf.if %cond3A_323 {
        %add3A_358 = arith.constant 8 : i32
        %add3A_359 = arith.addi %mul3A_97, %add3A_358 : i32
        %add3A_360 = arith.constant 5 : i32
        %add3A_361 = arith.addi %add3A_359, %add3A_360 : i32
        %dma_start3A_362 = arith.constant 0 : i32
        %dma_start3A_363 = tpu.memref_slice %arg5[%add3A_361, %dma_start3A_362] : memref<80x128xi32, #tpu.memory_space<vmem>> -> memref<1x128xi32, #tpu.memory_space<vmem>>
        %dma_start3A_364 = tpu.memref_squeeze %dma_start3A_363 : memref<1x128xi32, #tpu.memory_space<vmem>> -> memref<128xi32, #tpu.memory_space<vmem>>
        %dma_start3A_365 = arith.constant 0 : i32
        %dma_start3A_366 = arith.constant 0 : i32
        %dma_start3A_367 = tpu.memref_slice %arg2[%dma_start3A_365, %dma_start3A_366] : memref<10000x64xf32, #tpu.memory_space<hbm>> -> memref<10000x64xf32, #tpu.memory_space<hbm>>
        tpu.enqueue_indirect_dma source(%dma_start3A_367 : memref<10000x64xf32, #tpu.memory_space<hbm>>) target(%arg12 : memref<128x64xf32, #tpu.memory_space<vmem>>) offsets(%dma_start3A_364 : memref<128xi32, #tpu.memory_space<vmem>>) semaphore(%arg21 : memref<!tpu.dma_semaphore, #tpu.memory_space<semaphore_mem>>)
      } else {
      }
      %add3A_324 = arith.constant 6 : i32
      %add3A_325 = arith.addi %mul3A_97, %add3A_324 : i32
      %dma_wait3A_326 = arith.constant 0 : i32
      %dma_wait3A_327 = tpu.memref_slice %arg6[%add3A_325, %dma_wait3A_326] : memref<80x128xi32, #tpu.memory_space<vmem>> -> memref<1x128xi32, #tpu.memory_space<vmem>>
      %dma_wait3A_328 = tpu.memref_squeeze %dma_wait3A_327 : memref<1x128xi32, #tpu.memory_space<vmem>> -> memref<128xi32, #tpu.memory_space<vmem>>
      %dma_wait3A_329 = arith.constant 0 : i32
      %dma_wait3A_330 = arith.constant 0 : i32
      %dma_wait3A_331 = tpu.memref_slice %arg15[%dma_wait3A_329, %dma_wait3A_330] : memref<10240x64xf32, #tpu.memory_space<vmem_shared>> -> memref<10240x64xf32, #tpu.memory_space<vmem_shared>>
      tpu.wait_indirect_dma semaphore(%arg30 : memref<!tpu.dma_semaphore, #tpu.memory_space<semaphore_mem>>) src(%arg13 : memref<128x64xf32, #tpu.memory_space<vmem>>) dst(%dma_wait3A_331 : memref<10240x64xf32, #tpu.memory_space<vmem_shared>>)
      %add3A_332 = arith.constant 8 : i32
      %add3A_333 = arith.addi %mul3A_97, %add3A_332 : i32
      %add3A_334 = arith.constant 6 : i32
      %add3A_335 = arith.addi %add3A_333, %add3A_334 : i32
      %lt3A_336 = arith.constant 80 : i32
      %lt3A_337 = arith.cmpi slt, %add3A_335, %lt3A_336 : i32
      %convert_element_type3A_338 = arith.extui %lt3A_337 : i1 to i32
      %cond3A_339 = arith.constant 0 : i32
      %cond3A_340 = arith.cmpi ne, %convert_element_type3A_338, %cond3A_339 : i32
      scf.if %cond3A_340 {
        %add3A_358 = arith.constant 8 : i32
        %add3A_359 = arith.addi %mul3A_97, %add3A_358 : i32
        %add3A_360 = arith.constant 6 : i32
        %add3A_361 = arith.addi %add3A_359, %add3A_360 : i32
        %dma_start3A_362 = arith.constant 0 : i32
        %dma_start3A_363 = tpu.memref_slice %arg5[%add3A_361, %dma_start3A_362] : memref<80x128xi32, #tpu.memory_space<vmem>> -> memref<1x128xi32, #tpu.memory_space<vmem>>
        %dma_start3A_364 = tpu.memref_squeeze %dma_start3A_363 : memref<1x128xi32, #tpu.memory_space<vmem>> -> memref<128xi32, #tpu.memory_space<vmem>>
        %dma_start3A_365 = arith.constant 0 : i32
        %dma_start3A_366 = arith.constant 0 : i32
        %dma_start3A_367 = tpu.memref_slice %arg2[%dma_start3A_365, %dma_start3A_366] : memref<10000x64xf32, #tpu.memory_space<hbm>> -> memref<10000x64xf32, #tpu.memory_space<hbm>>
        tpu.enqueue_indirect_dma source(%dma_start3A_367 : memref<10000x64xf32, #tpu.memory_space<hbm>>) target(%arg13 : memref<128x64xf32, #tpu.memory_space<vmem>>) offsets(%dma_start3A_364 : memref<128xi32, #tpu.memory_space<vmem>>) semaphore(%arg22 : memref<!tpu.dma_semaphore, #tpu.memory_space<semaphore_mem>>)
      } else {
      }
      %add3A_341 = arith.constant 7 : i32
      %add3A_342 = arith.addi %mul3A_97, %add3A_341 : i32
      %dma_wait3A_343 = arith.constant 0 : i32
      %dma_wait3A_344 = tpu.memref_slice %arg6[%add3A_342, %dma_wait3A_343] : memref<80x128xi32, #tpu.memory_space<vmem>> -> memref<1x128xi32, #tpu.memory_space<vmem>>
      %dma_wait3A_345 = tpu.memref_squeeze %dma_wait3A_344 : memref<1x128xi32, #tpu.memory_space<vmem>> -> memref<128xi32, #tpu.memory_space<vmem>>
      %dma_wait3A_346 = arith.constant 0 : i32
      %dma_wait3A_347 = arith.constant 0 : i32
      %dma_wait3A_348 = tpu.memref_slice %arg15[%dma_wait3A_346, %dma_wait3A_347] : memref<10240x64xf32, #tpu.memory_space<vmem_shared>> -> memref<10240x64xf32, #tpu.memory_space<vmem_shared>>
      tpu.wait_indirect_dma semaphore(%arg31 : memref<!tpu.dma_semaphore, #tpu.memory_space<semaphore_mem>>) src(%arg14 : memref<128x64xf32, #tpu.memory_space<vmem>>) dst(%dma_wait3A_348 : memref<10240x64xf32, #tpu.memory_space<vmem_shared>>)
      %add3A_349 = arith.constant 8 : i32
      %add3A_350 = arith.addi %mul3A_97, %add3A_349 : i32
      %add3A_351 = arith.constant 7 : i32
      %add3A_352 = arith.addi %add3A_350, %add3A_351 : i32
      %lt3A_353 = arith.constant 80 : i32
      %lt3A_354 = arith.cmpi slt, %add3A_352, %lt3A_353 : i32
      %convert_element_type3A_355 = arith.extui %lt3A_354 : i1 to i32
      %cond3A_356 = arith.constant 0 : i32
      %cond3A_357 = arith.cmpi ne, %convert_element_type3A_355, %cond3A_356 : i32
      scf.if %cond3A_357 {
        %add3A_358 = arith.constant 8 : i32
        %add3A_359 = arith.addi %mul3A_97, %add3A_358 : i32
        %add3A_360 = arith.constant 7 : i32
        %add3A_361 = arith.addi %add3A_359, %add3A_360 : i32
        %dma_start3A_362 = arith.constant 0 : i32
        %dma_start3A_363 = tpu.memref_slice %arg5[%add3A_361, %dma_start3A_362] : memref<80x128xi32, #tpu.memory_space<vmem>> -> memref<1x128xi32, #tpu.memory_space<vmem>>
        %dma_start3A_364 = tpu.memref_squeeze %dma_start3A_363 : memref<1x128xi32, #tpu.memory_space<vmem>> -> memref<128xi32, #tpu.memory_space<vmem>>
        %dma_start3A_365 = arith.constant 0 : i32
        %dma_start3A_366 = arith.constant 0 : i32
        %dma_start3A_367 = tpu.memref_slice %arg2[%dma_start3A_365, %dma_start3A_366] : memref<10000x64xf32, #tpu.memory_space<hbm>> -> memref<10000x64xf32, #tpu.memory_space<hbm>>
        tpu.enqueue_indirect_dma source(%dma_start3A_367 : memref<10000x64xf32, #tpu.memory_space<hbm>>) target(%arg14 : memref<128x64xf32, #tpu.memory_space<vmem>>) offsets(%dma_start3A_364 : memref<128xi32, #tpu.memory_space<vmem>>) semaphore(%arg23 : memref<!tpu.dma_semaphore, #tpu.memory_space<semaphore_mem>>)
      } else {
      }
    }
    %scan3A_88 = arith.constant 10 : i32
    %scan3A_89 = arith.constant 1 : i32
    %barrier3A_90 = arith.constant 0 : index
    tpu.barrier barrier_id(%barrier3A_90)
    "tpu.region"() ({
      %run_scoped3A_91 = tpu.sem_alloc : memref<!tpu.dma_semaphore, #tpu.memory_space<semaphore_mem>>
      %dma_start3A_92 = arith.constant 0 : i32
      %dma_start3A_93 = tpu.memref_slice %arg4[%arg0, %mul3A_7, %dma_start3A_92] : memref<2x10240x64xf32, #tpu.memory_space<hbm>> -> memref<1x640x64xf32, #tpu.memory_space<hbm>>
      %dma_start3A_94 = tpu.memref_squeeze %dma_start3A_93 : memref<1x640x64xf32, #tpu.memory_space<hbm>> -> memref<640x64xf32, #tpu.memory_space<hbm>>
      %dma_start3A_95 = arith.constant 0 : i32
      %dma_start3A_96 = tpu.memref_slice %arg15[%mul3A_7, %dma_start3A_95] : memref<10240x64xf32, #tpu.memory_space<vmem_shared>> -> memref<640x64xf32, #tpu.memory_space<vmem_shared>>
      tpu.enqueue_dma source(%dma_start3A_96 : memref<640x64xf32, #tpu.memory_space<vmem_shared>>) target(%dma_start3A_94 : memref<640x64xf32, #tpu.memory_space<hbm>>) target_semaphore(%run_scoped3A_91 : memref<!tpu.dma_semaphore, #tpu.memory_space<semaphore_mem>>)
      %dma_wait3A = arith.constant 0 : i32
      %dma_wait3A_97 = tpu.memref_slice %arg4[%arg0, %mul3A_7, %dma_wait3A] : memref<2x10240x64xf32, #tpu.memory_space<hbm>> -> memref<1x640x64xf32, #tpu.memory_space<hbm>>
      %dma_wait3A_98 = tpu.memref_squeeze %dma_wait3A_97 : memref<1x640x64xf32, #tpu.memory_space<hbm>> -> memref<640x64xf32, #tpu.memory_space<hbm>>
      %dma_wait3A_99 = arith.constant 0 : i32
      %dma_wait3A_100 = tpu.memref_slice %arg15[%mul3A_7, %dma_wait3A_99] : memref<10240x64xf32, #tpu.memory_space<vmem_shared>> -> memref<640x64xf32, #tpu.memory_space<vmem_shared>>
      tpu.wait_dma2 semaphore(%run_scoped3A_91 : memref<!tpu.dma_semaphore, #tpu.memory_space<semaphore_mem>>) src(%dma_wait3A_100 : memref<640x64xf32, #tpu.memory_space<vmem_shared>>) dst(%dma_wait3A_98 : memref<640x64xf32, #tpu.memory_space<hbm>>)
      tpu.yield
    }) : () -> ()
    return
  }
}

#map = affine_map<(d0, d1) -> (0, 0)>
#map1 = affine_map<(d0, d1) -> (0, 0, 0)>
module attributes {stable_mosaic.version = 14 : i64} {
  func.func @spmm(%arg0: i32, %arg1: i32, %arg2: memref<20000x64xf32, #tpu.memory_space<hbm>>, %arg3: memref<4x2560x128xi32, #tpu.memory_space<hbm>>, %arg4: memref<2x10240x64xf32, #tpu.memory_space<hbm>>, %arg5: memref<80x128xi32, #tpu.memory_space<vmem>>, %arg6: memref<80x128xi32, #tpu.memory_space<vmem>>, %arg7: memref<128x64xf32, #tpu.memory_space<vmem>>, %arg8: memref<128x64xf32, #tpu.memory_space<vmem>>, %arg9: memref<128x64xf32, #tpu.memory_space<vmem>>, %arg10: memref<128x64xf32, #tpu.memory_space<vmem>>, %arg11: memref<128x64xf32, #tpu.memory_space<vmem>>, %arg12: memref<128x64xf32, #tpu.memory_space<vmem>>, %arg13: memref<128x64xf32, #tpu.memory_space<vmem>>, %arg14: memref<128x64xf32, #tpu.memory_space<vmem>>, %arg15: memref<10240x64xf32, #tpu.memory_space<vmem_shared>>, %arg16: memref<!tpu.dma_semaphore, #tpu.memory_space<semaphore_mem>>, %arg17: memref<!tpu.dma_semaphore, #tpu.memory_space<semaphore_mem>>, %arg18: memref<!tpu.dma_semaphore, #tpu.memory_space<semaphore_mem>>, %arg19: memref<!tpu.dma_semaphore, #tpu.memory_space<semaphore_mem>>, %arg20: memref<!tpu.dma_semaphore, #tpu.memory_space<semaphore_mem>>, %arg21: memref<!tpu.dma_semaphore, #tpu.memory_space<semaphore_mem>>, %arg22: memref<!tpu.dma_semaphore, #tpu.memory_space<semaphore_mem>>, %arg23: memref<!tpu.dma_semaphore, #tpu.memory_space<semaphore_mem>>, %arg24: memref<!tpu.dma_semaphore, #tpu.memory_space<semaphore_mem>>, %arg25: memref<!tpu.dma_semaphore, #tpu.memory_space<semaphore_mem>>, %arg26: memref<!tpu.dma_semaphore, #tpu.memory_space<semaphore_mem>>, %arg27: memref<!tpu.dma_semaphore, #tpu.memory_space<semaphore_mem>>, %arg28: memref<!tpu.dma_semaphore, #tpu.memory_space<semaphore_mem>>, %arg29: memref<!tpu.dma_semaphore, #tpu.memory_space<semaphore_mem>>, %arg30: memref<!tpu.dma_semaphore, #tpu.memory_space<semaphore_mem>>, %arg31: memref<!tpu.dma_semaphore, #tpu.memory_space<semaphore_mem>>, %arg32: memref<!tpu.dma_semaphore, #tpu.memory_space<semaphore_mem>>) attributes {dimension_semantics = [#tpu.dimension_semantics<core_parallel>, #tpu.dimension_semantics<subcore_parallel>], iteration_bounds = array<i64: 2, 16>, scalar_prefetch = 0 : i64, scratch_operands = 28 : i64, tpu.core_type = #tpu.core_type<sc_vector_subcore>, window_params = [{transform_indices = #map}, {transform_indices = #map1}, {transform_indices = #map1}]} {
    %add3A = arith.constant 1 : i32
    %add3A_0 = arith.addi %add3A, %arg0 : i32
    %mul3A = arith.constant 160 : i32
    %mul3A_1 = arith.muli %arg1, %mul3A : i32
    %dma_start3A = arith.constant 0 : i32
    %dma_start3A_2 = tpu.memref_slice %arg3[%add3A_0, %mul3A_1, %dma_start3A] : memref<4x2560x128xi32, #tpu.memory_space<hbm>> -> memref<1x80x128xi32, #tpu.memory_space<hbm>>
    %dma_start3A_3 = tpu.memref_squeeze %dma_start3A_2 : memref<1x80x128xi32, #tpu.memory_space<hbm>> -> memref<80x128xi32, #tpu.memory_space<hbm>>
    %dma_start3A_4 = arith.constant 0 : i32
    %dma_start3A_5 = tpu.memref_slice %arg3[%add3A_0, %mul3A_1, %dma_start3A_4] : memref<4x2560x128xi32, #tpu.memory_space<hbm>> -> memref<1x80x128xi32, #tpu.memory_space<hbm>>
    %dma_start3A_6 = tpu.memref_squeeze %dma_start3A_5 : memref<1x80x128xi32, #tpu.memory_space<hbm>> -> memref<80x128xi32, #tpu.memory_space<hbm>>
    tpu.enqueue_dma source(%dma_start3A_6 : memref<80x128xi32, #tpu.memory_space<hbm>>) target(%arg5 : memref<80x128xi32, #tpu.memory_space<vmem>>) target_semaphore(%arg32 : memref<!tpu.dma_semaphore, #tpu.memory_space<semaphore_mem>>)
    %mul3A_7 = arith.constant 160 : i32
    %mul3A_8 = arith.muli %arg1, %mul3A_7 : i32
    %dma_start3A_9 = arith.constant 3 : i32
    %dma_start3A_10 = arith.constant 0 : i32
    %dma_start3A_11 = tpu.memref_slice %arg3[%dma_start3A_9, %mul3A_8, %dma_start3A_10] : memref<4x2560x128xi32, #tpu.memory_space<hbm>> -> memref<1x80x128xi32, #tpu.memory_space<hbm>>
    %dma_start3A_12 = tpu.memref_squeeze %dma_start3A_11 : memref<1x80x128xi32, #tpu.memory_space<hbm>> -> memref<80x128xi32, #tpu.memory_space<hbm>>
    %dma_start3A_13 = arith.constant 0 : i32
    %dma_start3A_14 = tpu.memref_slice %arg3[%dma_start3A_9, %mul3A_8, %dma_start3A_13] : memref<4x2560x128xi32, #tpu.memory_space<hbm>> -> memref<1x80x128xi32, #tpu.memory_space<hbm>>
    %dma_start3A_15 = tpu.memref_squeeze %dma_start3A_14 : memref<1x80x128xi32, #tpu.memory_space<hbm>> -> memref<80x128xi32, #tpu.memory_space<hbm>>
    tpu.enqueue_dma source(%dma_start3A_15 : memref<80x128xi32, #tpu.memory_space<hbm>>) target(%arg6 : memref<80x128xi32, #tpu.memory_space<vmem>>) target_semaphore(%arg32 : memref<!tpu.dma_semaphore, #tpu.memory_space<semaphore_mem>>)
    %broadcast_in_dim3A = arith.constant 0.000000e+00 : f32
    %broadcast_in_dim3A_16 = vector.broadcast %broadcast_in_dim3A : f32 to vector<16xf32>
    %scan3A = arith.constant 0 : i32
    %scan3A_17 = arith.constant 128 : i32
    %scan3A_18 = arith.addi %scan3A, %scan3A_17 : i32
    %scan3A_19 = arith.constant 1 : i32
    scf.for %scan3A_51 = %scan3A to %scan3A_18 step %scan3A_19  : i32 {
      %mul3A_52 = arith.constant 1 : i32
      %mul3A_53 = arith.muli %scan3A_51, %mul3A_52 : i32
      %add3A_54 = arith.constant 0 : i32
      %add3A_55 = arith.addi %add3A_54, %mul3A_53 : i32
      %swap3A = arith.index_cast %add3A_55 : i32 to index
      %swap3A_56 = arith.constant 0 : index
      %swap3A_57 = tpu.vector_load %arg7[%swap3A, %swap3A_56] {strides = array<i32>} : memref<128x64xf32, #tpu.memory_space<vmem>>, vector<1x16xf32>,
      %swap3A_58 = vector.shape_cast %swap3A_57 : vector<1x16xf32> to vector<16xf32>
      %swap3A_59 = vector.shape_cast %broadcast_in_dim3A_16 : vector<16xf32> to vector<1x16xf32>
      tpu.vector_store %arg7[%swap3A, %swap3A_56], %swap3A_59 {strides = array<i32>} : memref<128x64xf32, #tpu.memory_space<vmem>>, vector<1x16xf32>,
      %swap3A_60 = arith.index_cast %add3A_55 : i32 to index
      %swap3A_61 = arith.constant 16 : index
      %swap3A_62 = tpu.vector_load %arg7[%swap3A_60, %swap3A_61] {strides = array<i32>} : memref<128x64xf32, #tpu.memory_space<vmem>>, vector<1x16xf32>,
      %swap3A_63 = vector.shape_cast %swap3A_62 : vector<1x16xf32> to vector<16xf32>
      %swap3A_64 = vector.shape_cast %broadcast_in_dim3A_16 : vector<16xf32> to vector<1x16xf32>
      tpu.vector_store %arg7[%swap3A_60, %swap3A_61], %swap3A_64 {strides = array<i32>} : memref<128x64xf32, #tpu.memory_space<vmem>>, vector<1x16xf32>,
      %swap3A_65 = arith.index_cast %add3A_55 : i32 to index
      %swap3A_66 = arith.constant 32 : index
      %swap3A_67 = tpu.vector_load %arg7[%swap3A_65, %swap3A_66] {strides = array<i32>} : memref<128x64xf32, #tpu.memory_space<vmem>>, vector<1x16xf32>,
      %swap3A_68 = vector.shape_cast %swap3A_67 : vector<1x16xf32> to vector<16xf32>
      %swap3A_69 = vector.shape_cast %broadcast_in_dim3A_16 : vector<16xf32> to vector<1x16xf32>
      tpu.vector_store %arg7[%swap3A_65, %swap3A_66], %swap3A_69 {strides = array<i32>} : memref<128x64xf32, #tpu.memory_space<vmem>>, vector<1x16xf32>,
      %swap3A_70 = arith.index_cast %add3A_55 : i32 to index
      %swap3A_71 = arith.constant 48 : index
      %swap3A_72 = tpu.vector_load %arg7[%swap3A_70, %swap3A_71] {strides = array<i32>} : memref<128x64xf32, #tpu.memory_space<vmem>>, vector<1x16xf32>,
      %swap3A_73 = vector.shape_cast %swap3A_72 : vector<1x16xf32> to vector<16xf32>
      %swap3A_74 = vector.shape_cast %broadcast_in_dim3A_16 : vector<16xf32> to vector<1x16xf32>
      tpu.vector_store %arg7[%swap3A_70, %swap3A_71], %swap3A_74 {strides = array<i32>} : memref<128x64xf32, #tpu.memory_space<vmem>>, vector<1x16xf32>,
    }
    %scan3A_20 = arith.constant 128 : i32
    %mul3A_21 = arith.constant 640 : i32
    %mul3A_22 = arith.muli %arg1, %mul3A_21 : i32
    %add3A_23 = arith.constant 0 : i32
    %add3A_24 = arith.addi %mul3A_22, %add3A_23 : i32
    "tpu.region"() ({
      %run_scoped3A = tpu.sem_alloc : memref<!tpu.dma_semaphore, #tpu.memory_space<semaphore_mem>>
      %dma_start3A_51 = arith.constant 0 : i32
      %dma_start3A_52 = arith.constant 0 : i32
      %dma_start3A_53 = tpu.memref_slice %arg7[%dma_start3A_51, %dma_start3A_52] : memref<128x64xf32, #tpu.memory_space<vmem>> -> memref<128x64xf32, #tpu.memory_space<vmem>>
      %dma_start3A_54 = arith.constant 0 : i32
      %dma_start3A_55 = tpu.memref_slice %arg15[%add3A_24, %dma_start3A_54] : memref<10240x64xf32, #tpu.memory_space<vmem_shared>> -> memref<128x64xf32, #tpu.memory_space<vmem_shared>>
      %dma_start3A_56 = arith.constant 0 : i32
      %dma_start3A_57 = tpu.memref_slice %arg15[%add3A_24, %dma_start3A_56] : memref<10240x64xf32, #tpu.memory_space<vmem_shared>> -> memref<128x64xf32, #tpu.memory_space<vmem_shared>>
      %dma_start3A_58 = arith.constant 0 : i32
      %dma_start3A_59 = arith.constant 0 : i32
      %dma_start3A_60 = tpu.memref_slice %arg7[%dma_start3A_58, %dma_start3A_59] : memref<128x64xf32, #tpu.memory_space<vmem>> -> memref<128x64xf32, #tpu.memory_space<vmem>>
      tpu.enqueue_dma source(%dma_start3A_60 : memref<128x64xf32, #tpu.memory_space<vmem>>) target(%dma_start3A_57 : memref<128x64xf32, #tpu.memory_space<vmem_shared>>) target_semaphore(%run_scoped3A : memref<!tpu.dma_semaphore, #tpu.memory_space<semaphore_mem>>)
      %dma_wait3A_61 = arith.constant 0 : i32
      %dma_wait3A_62 = arith.constant 0 : i32
      %dma_wait3A_63 = tpu.memref_slice %arg7[%dma_wait3A_61, %dma_wait3A_62] : memref<128x64xf32, #tpu.memory_space<vmem>> -> memref<128x64xf32, #tpu.memory_space<vmem>>
      %dma_wait3A_64 = arith.constant 0 : i32
      %dma_wait3A_65 = tpu.memref_slice %arg15[%add3A_24, %dma_wait3A_64] : memref<10240x64xf32, #tpu.memory_space<vmem_shared>> -> memref<128x64xf32, #tpu.memory_space<vmem_shared>>
      %dma_wait3A_66 = arith.constant 0 : i32
      %dma_wait3A_67 = tpu.memref_slice %arg15[%add3A_24, %dma_wait3A_66] : memref<10240x64xf32, #tpu.memory_space<vmem_shared>> -> memref<128x64xf32, #tpu.memory_space<vmem_shared>>
      %dma_wait3A_68 = arith.constant 0 : i32
      %dma_wait3A_69 = arith.constant 0 : i32
      %dma_wait3A_70 = tpu.memref_slice %arg7[%dma_wait3A_68, %dma_wait3A_69] : memref<128x64xf32, #tpu.memory_space<vmem>> -> memref<128x64xf32, #tpu.memory_space<vmem>>
      tpu.wait_dma2 semaphore(%run_scoped3A : memref<!tpu.dma_semaphore, #tpu.memory_space<semaphore_mem>>) src(%dma_wait3A_70 : memref<128x64xf32, #tpu.memory_space<vmem>>) dst(%dma_wait3A_67 : memref<128x64xf32, #tpu.memory_space<vmem_shared>>)
      tpu.yield
    }) : () -> ()
    %add3A_25 = arith.constant 128 : i32
    %add3A_26 = arith.addi %mul3A_22, %add3A_25 : i32
    "tpu.region"() ({
      %run_scoped3A = tpu.sem_alloc : memref<!tpu.dma_semaphore, #tpu.memory_space<semaphore_mem>>
      %dma_start3A_51 = arith.constant 0 : i32
      %dma_start3A_52 = arith.constant 0 : i32
      %dma_start3A_53 = tpu.memref_slice %arg7[%dma_start3A_51, %dma_start3A_52] : memref<128x64xf32, #tpu.memory_space<vmem>> -> memref<128x64xf32, #tpu.memory_space<vmem>>
      %dma_start3A_54 = arith.constant 0 : i32
      %dma_start3A_55 = tpu.memref_slice %arg15[%add3A_26, %dma_start3A_54] : memref<10240x64xf32, #tpu.memory_space<vmem_shared>> -> memref<128x64xf32, #tpu.memory_space<vmem_shared>>
      %dma_start3A_56 = arith.constant 0 : i32
      %dma_start3A_57 = tpu.memref_slice %arg15[%add3A_26, %dma_start3A_56] : memref<10240x64xf32, #tpu.memory_space<vmem_shared>> -> memref<128x64xf32, #tpu.memory_space<vmem_shared>>
      %dma_start3A_58 = arith.constant 0 : i32
      %dma_start3A_59 = arith.constant 0 : i32
      %dma_start3A_60 = tpu.memref_slice %arg7[%dma_start3A_58, %dma_start3A_59] : memref<128x64xf32, #tpu.memory_space<vmem>> -> memref<128x64xf32, #tpu.memory_space<vmem>>
      tpu.enqueue_dma source(%dma_start3A_60 : memref<128x64xf32, #tpu.memory_space<vmem>>) target(%dma_start3A_57 : memref<128x64xf32, #tpu.memory_space<vmem_shared>>) target_semaphore(%run_scoped3A : memref<!tpu.dma_semaphore, #tpu.memory_space<semaphore_mem>>)
      %dma_wait3A_61 = arith.constant 0 : i32
      %dma_wait3A_62 = arith.constant 0 : i32
      %dma_wait3A_63 = tpu.memref_slice %arg7[%dma_wait3A_61, %dma_wait3A_62] : memref<128x64xf32, #tpu.memory_space<vmem>> -> memref<128x64xf32, #tpu.memory_space<vmem>>
      %dma_wait3A_64 = arith.constant 0 : i32
      %dma_wait3A_65 = tpu.memref_slice %arg15[%add3A_26, %dma_wait3A_64] : memref<10240x64xf32, #tpu.memory_space<vmem_shared>> -> memref<128x64xf32, #tpu.memory_space<vmem_shared>>
      %dma_wait3A_66 = arith.constant 0 : i32
      %dma_wait3A_67 = tpu.memref_slice %arg15[%add3A_26, %dma_wait3A_66] : memref<10240x64xf32, #tpu.memory_space<vmem_shared>> -> memref<128x64xf32, #tpu.memory_space<vmem_shared>>
      %dma_wait3A_68 = arith.constant 0 : i32
      %dma_wait3A_69 = arith.constant 0 : i32
      %dma_wait3A_70 = tpu.memref_slice %arg7[%dma_wait3A_68, %dma_wait3A_69] : memref<128x64xf32, #tpu.memory_space<vmem>> -> memref<128x64xf32, #tpu.memory_space<vmem>>
      tpu.wait_dma2 semaphore(%run_scoped3A : memref<!tpu.dma_semaphore, #tpu.memory_space<semaphore_mem>>) src(%dma_wait3A_70 : memref<128x64xf32, #tpu.memory_space<vmem>>) dst(%dma_wait3A_67 : memref<128x64xf32, #tpu.memory_space<vmem_shared>>)
      tpu.yield
    }) : () -> ()
    %add3A_27 = arith.constant 256 : i32
    %add3A_28 = arith.addi %mul3A_22, %add3A_27 : i32
    "tpu.region"() ({
      %run_scoped3A = tpu.sem_alloc : memref<!tpu.dma_semaphore, #tpu.memory_space<semaphore_mem>>
      %dma_start3A_51 = arith.constant 0 : i32
      %dma_start3A_52 = arith.constant 0 : i32
      %dma_start3A_53 = tpu.memref_slice %arg7[%dma_start3A_51, %dma_start3A_52] : memref<128x64xf32, #tpu.memory_space<vmem>> -> memref<128x64xf32, #tpu.memory_space<vmem>>
      %dma_start3A_54 = arith.constant 0 : i32
      %dma_start3A_55 = tpu.memref_slice %arg15[%add3A_28, %dma_start3A_54] : memref<10240x64xf32, #tpu.memory_space<vmem_shared>> -> memref<128x64xf32, #tpu.memory_space<vmem_shared>>
      %dma_start3A_56 = arith.constant 0 : i32
      %dma_start3A_57 = tpu.memref_slice %arg15[%add3A_28, %dma_start3A_56] : memref<10240x64xf32, #tpu.memory_space<vmem_shared>> -> memref<128x64xf32, #tpu.memory_space<vmem_shared>>
      %dma_start3A_58 = arith.constant 0 : i32
      %dma_start3A_59 = arith.constant 0 : i32
      %dma_start3A_60 = tpu.memref_slice %arg7[%dma_start3A_58, %dma_start3A_59] : memref<128x64xf32, #tpu.memory_space<vmem>> -> memref<128x64xf32, #tpu.memory_space<vmem>>
      tpu.enqueue_dma source(%dma_start3A_60 : memref<128x64xf32, #tpu.memory_space<vmem>>) target(%dma_start3A_57 : memref<128x64xf32, #tpu.memory_space<vmem_shared>>) target_semaphore(%run_scoped3A : memref<!tpu.dma_semaphore, #tpu.memory_space<semaphore_mem>>)
      %dma_wait3A_61 = arith.constant 0 : i32
      %dma_wait3A_62 = arith.constant 0 : i32
      %dma_wait3A_63 = tpu.memref_slice %arg7[%dma_wait3A_61, %dma_wait3A_62] : memref<128x64xf32, #tpu.memory_space<vmem>> -> memref<128x64xf32, #tpu.memory_space<vmem>>
      %dma_wait3A_64 = arith.constant 0 : i32
      %dma_wait3A_65 = tpu.memref_slice %arg15[%add3A_28, %dma_wait3A_64] : memref<10240x64xf32, #tpu.memory_space<vmem_shared>> -> memref<128x64xf32, #tpu.memory_space<vmem_shared>>
      %dma_wait3A_66 = arith.constant 0 : i32
      %dma_wait3A_67 = tpu.memref_slice %arg15[%add3A_28, %dma_wait3A_66] : memref<10240x64xf32, #tpu.memory_space<vmem_shared>> -> memref<128x64xf32, #tpu.memory_space<vmem_shared>>
      %dma_wait3A_68 = arith.constant 0 : i32
      %dma_wait3A_69 = arith.constant 0 : i32
      %dma_wait3A_70 = tpu.memref_slice %arg7[%dma_wait3A_68, %dma_wait3A_69] : memref<128x64xf32, #tpu.memory_space<vmem>> -> memref<128x64xf32, #tpu.memory_space<vmem>>
      tpu.wait_dma2 semaphore(%run_scoped3A : memref<!tpu.dma_semaphore, #tpu.memory_space<semaphore_mem>>) src(%dma_wait3A_70 : memref<128x64xf32, #tpu.memory_space<vmem>>) dst(%dma_wait3A_67 : memref<128x64xf32, #tpu.memory_space<vmem_shared>>)
      tpu.yield
    }) : () -> ()
    %add3A_29 = arith.constant 384 : i32
    %add3A_30 = arith.addi %mul3A_22, %add3A_29 : i32
    "tpu.region"() ({
      %run_scoped3A = tpu.sem_alloc : memref<!tpu.dma_semaphore, #tpu.memory_space<semaphore_mem>>
      %dma_start3A_51 = arith.constant 0 : i32
      %dma_start3A_52 = arith.constant 0 : i32
      %dma_start3A_53 = tpu.memref_slice %arg7[%dma_start3A_51, %dma_start3A_52] : memref<128x64xf32, #tpu.memory_space<vmem>> -> memref<128x64xf32, #tpu.memory_space<vmem>>
      %dma_start3A_54 = arith.constant 0 : i32
      %dma_start3A_55 = tpu.memref_slice %arg15[%add3A_30, %dma_start3A_54] : memref<10240x64xf32, #tpu.memory_space<vmem_shared>> -> memref<128x64xf32, #tpu.memory_space<vmem_shared>>
      %dma_start3A_56 = arith.constant 0 : i32
      %dma_start3A_57 = tpu.memref_slice %arg15[%add3A_30, %dma_start3A_56] : memref<10240x64xf32, #tpu.memory_space<vmem_shared>> -> memref<128x64xf32, #tpu.memory_space<vmem_shared>>
      %dma_start3A_58 = arith.constant 0 : i32
      %dma_start3A_59 = arith.constant 0 : i32
      %dma_start3A_60 = tpu.memref_slice %arg7[%dma_start3A_58, %dma_start3A_59] : memref<128x64xf32, #tpu.memory_space<vmem>> -> memref<128x64xf32, #tpu.memory_space<vmem>>
      tpu.enqueue_dma source(%dma_start3A_60 : memref<128x64xf32, #tpu.memory_space<vmem>>) target(%dma_start3A_57 : memref<128x64xf32, #tpu.memory_space<vmem_shared>>) target_semaphore(%run_scoped3A : memref<!tpu.dma_semaphore, #tpu.memory_space<semaphore_mem>>)
      %dma_wait3A_61 = arith.constant 0 : i32
      %dma_wait3A_62 = arith.constant 0 : i32
      %dma_wait3A_63 = tpu.memref_slice %arg7[%dma_wait3A_61, %dma_wait3A_62] : memref<128x64xf32, #tpu.memory_space<vmem>> -> memref<128x64xf32, #tpu.memory_space<vmem>>
      %dma_wait3A_64 = arith.constant 0 : i32
      %dma_wait3A_65 = tpu.memref_slice %arg15[%add3A_30, %dma_wait3A_64] : memref<10240x64xf32, #tpu.memory_space<vmem_shared>> -> memref<128x64xf32, #tpu.memory_space<vmem_shared>>
      %dma_wait3A_66 = arith.constant 0 : i32
      %dma_wait3A_67 = tpu.memref_slice %arg15[%add3A_30, %dma_wait3A_66] : memref<10240x64xf32, #tpu.memory_space<vmem_shared>> -> memref<128x64xf32, #tpu.memory_space<vmem_shared>>
      %dma_wait3A_68 = arith.constant 0 : i32
      %dma_wait3A_69 = arith.constant 0 : i32
      %dma_wait3A_70 = tpu.memref_slice %arg7[%dma_wait3A_68, %dma_wait3A_69] : memref<128x64xf32, #tpu.memory_space<vmem>> -> memref<128x64xf32, #tpu.memory_space<vmem>>
      tpu.wait_dma2 semaphore(%run_scoped3A : memref<!tpu.dma_semaphore, #tpu.memory_space<semaphore_mem>>) src(%dma_wait3A_70 : memref<128x64xf32, #tpu.memory_space<vmem>>) dst(%dma_wait3A_67 : memref<128x64xf32, #tpu.memory_space<vmem_shared>>)
      tpu.yield
    }) : () -> ()
    %add3A_31 = arith.constant 512 : i32
    %add3A_32 = arith.addi %mul3A_22, %add3A_31 : i32
    "tpu.region"() ({
      %run_scoped3A = tpu.sem_alloc : memref<!tpu.dma_semaphore, #tpu.memory_space<semaphore_mem>>
      %dma_start3A_51 = arith.constant 0 : i32
      %dma_start3A_52 = arith.constant 0 : i32
      %dma_start3A_53 = tpu.memref_slice %arg7[%dma_start3A_51, %dma_start3A_52] : memref<128x64xf32, #tpu.memory_space<vmem>> -> memref<128x64xf32, #tpu.memory_space<vmem>>
      %dma_start3A_54 = arith.constant 0 : i32
      %dma_start3A_55 = tpu.memref_slice %arg15[%add3A_32, %dma_start3A_54] : memref<10240x64xf32, #tpu.memory_space<vmem_shared>> -> memref<128x64xf32, #tpu.memory_space<vmem_shared>>
      %dma_start3A_56 = arith.constant 0 : i32
      %dma_start3A_57 = tpu.memref_slice %arg15[%add3A_32, %dma_start3A_56] : memref<10240x64xf32, #tpu.memory_space<vmem_shared>> -> memref<128x64xf32, #tpu.memory_space<vmem_shared>>
      %dma_start3A_58 = arith.constant 0 : i32
      %dma_start3A_59 = arith.constant 0 : i32
      %dma_start3A_60 = tpu.memref_slice %arg7[%dma_start3A_58, %dma_start3A_59] : memref<128x64xf32, #tpu.memory_space<vmem>> -> memref<128x64xf32, #tpu.memory_space<vmem>>
      tpu.enqueue_dma source(%dma_start3A_60 : memref<128x64xf32, #tpu.memory_space<vmem>>) target(%dma_start3A_57 : memref<128x64xf32, #tpu.memory_space<vmem_shared>>) target_semaphore(%run_scoped3A : memref<!tpu.dma_semaphore, #tpu.memory_space<semaphore_mem>>)
      %dma_wait3A_61 = arith.constant 0 : i32
      %dma_wait3A_62 = arith.constant 0 : i32
      %dma_wait3A_63 = tpu.memref_slice %arg7[%dma_wait3A_61, %dma_wait3A_62] : memref<128x64xf32, #tpu.memory_space<vmem>> -> memref<128x64xf32, #tpu.memory_space<vmem>>
      %dma_wait3A_64 = arith.constant 0 : i32
      %dma_wait3A_65 = tpu.memref_slice %arg15[%add3A_32, %dma_wait3A_64] : memref<10240x64xf32, #tpu.memory_space<vmem_shared>> -> memref<128x64xf32, #tpu.memory_space<vmem_shared>>
      %dma_wait3A_66 = arith.constant 0 : i32
      %dma_wait3A_67 = tpu.memref_slice %arg15[%add3A_32, %dma_wait3A_66] : memref<10240x64xf32, #tpu.memory_space<vmem_shared>> -> memref<128x64xf32, #tpu.memory_space<vmem_shared>>
      %dma_wait3A_68 = arith.constant 0 : i32
      %dma_wait3A_69 = arith.constant 0 : i32
      %dma_wait3A_70 = tpu.memref_slice %arg7[%dma_wait3A_68, %dma_wait3A_69] : memref<128x64xf32, #tpu.memory_space<vmem>> -> memref<128x64xf32, #tpu.memory_space<vmem>>
      tpu.wait_dma2 semaphore(%run_scoped3A : memref<!tpu.dma_semaphore, #tpu.memory_space<semaphore_mem>>) src(%dma_wait3A_70 : memref<128x64xf32, #tpu.memory_space<vmem>>) dst(%dma_wait3A_67 : memref<128x64xf32, #tpu.memory_space<vmem_shared>>)
      tpu.yield
    }) : () -> ()
    %barrier3A = arith.constant 0 : index
    tpu.barrier barrier_id(%barrier3A)
    %dma_wait3A = arith.constant 0 : i32
    %dma_wait3A_33 = tpu.memref_slice %arg3[%add3A_0, %mul3A_1, %dma_wait3A] : memref<4x2560x128xi32, #tpu.memory_space<hbm>> -> memref<1x80x128xi32, #tpu.memory_space<hbm>>
    %dma_wait3A_34 = tpu.memref_squeeze %dma_wait3A_33 : memref<1x80x128xi32, #tpu.memory_space<hbm>> -> memref<80x128xi32, #tpu.memory_space<hbm>>
    %dma_wait3A_35 = arith.constant 0 : i32
    %dma_wait3A_36 = tpu.memref_slice %arg3[%add3A_0, %mul3A_1, %dma_wait3A_35] : memref<4x2560x128xi32, #tpu.memory_space<hbm>> -> memref<1x80x128xi32, #tpu.memory_space<hbm>>
    %dma_wait3A_37 = tpu.memref_squeeze %dma_wait3A_36 : memref<1x80x128xi32, #tpu.memory_space<hbm>> -> memref<80x128xi32, #tpu.memory_space<hbm>>
    tpu.wait_dma2 semaphore(%arg32 : memref<!tpu.dma_semaphore, #tpu.memory_space<semaphore_mem>>) src(%dma_wait3A_37 : memref<80x128xi32, #tpu.memory_space<hbm>>) dst(%arg5 : memref<80x128xi32, #tpu.memory_space<vmem>>)
    %dma_wait3A_38 = arith.constant 3 : i32
    %dma_wait3A_39 = arith.constant 0 : i32
    %dma_wait3A_40 = tpu.memref_slice %arg3[%dma_wait3A_38, %mul3A_8, %dma_wait3A_39] : memref<4x2560x128xi32, #tpu.memory_space<hbm>> -> memref<1x80x128xi32, #tpu.memory_space<hbm>>
    %dma_wait3A_41 = tpu.memref_squeeze %dma_wait3A_40 : memref<1x80x128xi32, #tpu.memory_space<hbm>> -> memref<80x128xi32, #tpu.memory_space<hbm>>
    %dma_wait3A_42 = arith.constant 0 : i32
    %dma_wait3A_43 = tpu.memref_slice %arg3[%dma_wait3A_38, %mul3A_8, %dma_wait3A_42] : memref<4x2560x128xi32, #tpu.memory_space<hbm>> -> memref<1x80x128xi32, #tpu.memory_space<hbm>>
    %dma_wait3A_44 = tpu.memref_squeeze %dma_wait3A_43 : memref<1x80x128xi32, #tpu.memory_space<hbm>> -> memref<80x128xi32, #tpu.memory_space<hbm>>
    tpu.wait_dma2 semaphore(%arg32 : memref<!tpu.dma_semaphore, #tpu.memory_space<semaphore_mem>>) src(%dma_wait3A_44 : memref<80x128xi32, #tpu.memory_space<hbm>>) dst(%arg6 : memref<80x128xi32, #tpu.memory_space<vmem>>)
    %scan3A_45 = arith.constant 0 : i32
    %scan3A_46 = arith.constant 2 : i32
    %scan3A_47 = arith.addi %scan3A_45, %scan3A_46 : i32
    %scan3A_48 = arith.constant 1 : i32
    scf.for %scan3A_51 = %scan3A_45 to %scan3A_47 step %scan3A_48  : i32 {
      %mul3A_52 = arith.constant 1 : i32
      %mul3A_53 = arith.muli %scan3A_51, %mul3A_52 : i32
      %add3A_54 = arith.constant 0 : i32
      %add3A_55 = arith.addi %add3A_54, %mul3A_53 : i32
      %gt3A = arith.constant 0 : i32
      %gt3A_56 = arith.cmpi sgt, %add3A_55, %gt3A : i32
      %convert_element_type3A = arith.extui %gt3A_56 : i1 to i32
      %cond3A = arith.constant 0 : i32
      %cond3A_57 = arith.cmpi ne, %convert_element_type3A, %cond3A : i32
      scf.if %cond3A_57 {
        %add3A_119 = arith.constant 1 : i32
        %add3A_120 = arith.addi %add3A_119, %arg0 : i32
        %mul3A_121 = arith.constant 160 : i32
        %mul3A_122 = arith.muli %arg1, %mul3A_121 : i32
        %mul3A_123 = arith.constant 80 : i32
        %mul3A_124 = arith.muli %add3A_55, %mul3A_123 : i32
        %add3A_125 = arith.addi %mul3A_122, %mul3A_124 : i32
        %dma_start3A_126 = arith.constant 0 : i32
        %dma_start3A_127 = tpu.memref_slice %arg3[%add3A_120, %add3A_125, %dma_start3A_126] : memref<4x2560x128xi32, #tpu.memory_space<hbm>> -> memref<1x80x128xi32, #tpu.memory_space<hbm>>
        %dma_start3A_128 = tpu.memref_squeeze %dma_start3A_127 : memref<1x80x128xi32, #tpu.memory_space<hbm>> -> memref<80x128xi32, #tpu.memory_space<hbm>>
        %dma_start3A_129 = arith.constant 0 : i32
        %dma_start3A_130 = tpu.memref_slice %arg3[%add3A_120, %add3A_125, %dma_start3A_129] : memref<4x2560x128xi32, #tpu.memory_space<hbm>> -> memref<1x80x128xi32, #tpu.memory_space<hbm>>
        %dma_start3A_131 = tpu.memref_squeeze %dma_start3A_130 : memref<1x80x128xi32, #tpu.memory_space<hbm>> -> memref<80x128xi32, #tpu.memory_space<hbm>>
        tpu.enqueue_dma source(%dma_start3A_131 : memref<80x128xi32, #tpu.memory_space<hbm>>) target(%arg5 : memref<80x128xi32, #tpu.memory_space<vmem>>) target_semaphore(%arg32 : memref<!tpu.dma_semaphore, #tpu.memory_space<semaphore_mem>>)
        %mul3A_132 = arith.constant 160 : i32
        %mul3A_133 = arith.muli %arg1, %mul3A_132 : i32
        %mul3A_134 = arith.constant 80 : i32
        %mul3A_135 = arith.muli %add3A_55, %mul3A_134 : i32
        %add3A_136 = arith.addi %mul3A_133, %mul3A_135 : i32
        %dma_start3A_137 = arith.constant 3 : i32
        %dma_start3A_138 = arith.constant 0 : i32
        %dma_start3A_139 = tpu.memref_slice %arg3[%dma_start3A_137, %add3A_136, %dma_start3A_138] : memref<4x2560x128xi32, #tpu.memory_space<hbm>> -> memref<1x80x128xi32, #tpu.memory_space<hbm>>
        %dma_start3A_140 = tpu.memref_squeeze %dma_start3A_139 : memref<1x80x128xi32, #tpu.memory_space<hbm>> -> memref<80x128xi32, #tpu.memory_space<hbm>>
        %dma_start3A_141 = arith.constant 0 : i32
        %dma_start3A_142 = tpu.memref_slice %arg3[%dma_start3A_137, %add3A_136, %dma_start3A_141] : memref<4x2560x128xi32, #tpu.memory_space<hbm>> -> memref<1x80x128xi32, #tpu.memory_space<hbm>>
        %dma_start3A_143 = tpu.memref_squeeze %dma_start3A_142 : memref<1x80x128xi32, #tpu.memory_space<hbm>> -> memref<80x128xi32, #tpu.memory_space<hbm>>
        tpu.enqueue_dma source(%dma_start3A_143 : memref<80x128xi32, #tpu.memory_space<hbm>>) target(%arg6 : memref<80x128xi32, #tpu.memory_space<vmem>>) target_semaphore(%arg32 : memref<!tpu.dma_semaphore, #tpu.memory_space<semaphore_mem>>)
        %dma_wait3A_144 = arith.constant 0 : i32
        %dma_wait3A_145 = tpu.memref_slice %arg3[%add3A_120, %add3A_125, %dma_wait3A_144] : memref<4x2560x128xi32, #tpu.memory_space<hbm>> -> memref<1x80x128xi32, #tpu.memory_space<hbm>>
        %dma_wait3A_146 = tpu.memref_squeeze %dma_wait3A_145 : memref<1x80x128xi32, #tpu.memory_space<hbm>> -> memref<80x128xi32, #tpu.memory_space<hbm>>
        %dma_wait3A_147 = arith.constant 0 : i32
        %dma_wait3A_148 = tpu.memref_slice %arg3[%add3A_120, %add3A_125, %dma_wait3A_147] : memref<4x2560x128xi32, #tpu.memory_space<hbm>> -> memref<1x80x128xi32, #tpu.memory_space<hbm>>
        %dma_wait3A_149 = tpu.memref_squeeze %dma_wait3A_148 : memref<1x80x128xi32, #tpu.memory_space<hbm>> -> memref<80x128xi32, #tpu.memory_space<hbm>>
        tpu.wait_dma2 semaphore(%arg32 : memref<!tpu.dma_semaphore, #tpu.memory_space<semaphore_mem>>) src(%dma_wait3A_149 : memref<80x128xi32, #tpu.memory_space<hbm>>) dst(%arg5 : memref<80x128xi32, #tpu.memory_space<vmem>>)
        %dma_wait3A_150 = arith.constant 3 : i32
        %dma_wait3A_151 = arith.constant 0 : i32
        %dma_wait3A_152 = tpu.memref_slice %arg3[%dma_wait3A_150, %add3A_136, %dma_wait3A_151] : memref<4x2560x128xi32, #tpu.memory_space<hbm>> -> memref<1x80x128xi32, #tpu.memory_space<hbm>>
        %dma_wait3A_153 = tpu.memref_squeeze %dma_wait3A_152 : memref<1x80x128xi32, #tpu.memory_space<hbm>> -> memref<80x128xi32, #tpu.memory_space<hbm>>
        %dma_wait3A_154 = arith.constant 0 : i32
        %dma_wait3A_155 = tpu.memref_slice %arg3[%dma_wait3A_150, %add3A_136, %dma_wait3A_154] : memref<4x2560x128xi32, #tpu.memory_space<hbm>> -> memref<1x80x128xi32, #tpu.memory_space<hbm>>
        %dma_wait3A_156 = tpu.memref_squeeze %dma_wait3A_155 : memref<1x80x128xi32, #tpu.memory_space<hbm>> -> memref<80x128xi32, #tpu.memory_space<hbm>>
        tpu.wait_dma2 semaphore(%arg32 : memref<!tpu.dma_semaphore, #tpu.memory_space<semaphore_mem>>) src(%dma_wait3A_156 : memref<80x128xi32, #tpu.memory_space<hbm>>) dst(%arg6 : memref<80x128xi32, #tpu.memory_space<vmem>>)
      } else {
      }
      %dma_start3A_58 = arith.constant 0 : i32
      %dma_start3A_59 = arith.constant 0 : i32
      %dma_start3A_60 = tpu.memref_slice %arg5[%dma_start3A_58, %dma_start3A_59] : memref<80x128xi32, #tpu.memory_space<vmem>> -> memref<1x128xi32, #tpu.memory_space<vmem>>
      %dma_start3A_61 = tpu.memref_squeeze %dma_start3A_60 : memref<1x128xi32, #tpu.memory_space<vmem>> -> memref<128xi32, #tpu.memory_space<vmem>>
      %dma_start3A_62 = arith.constant 0 : i32
      %dma_start3A_63 = arith.constant 0 : i32
      %dma_start3A_64 = tpu.memref_slice %arg2[%dma_start3A_62, %dma_start3A_63] : memref<20000x64xf32, #tpu.memory_space<hbm>> -> memref<20000x64xf32, #tpu.memory_space<hbm>>
      tpu.enqueue_indirect_dma source(%dma_start3A_64 : memref<20000x64xf32, #tpu.memory_space<hbm>>) target(%arg7 : memref<128x64xf32, #tpu.memory_space<vmem>>) offsets(%dma_start3A_61 : memref<128xi32, #tpu.memory_space<vmem>>) semaphore(%arg16 : memref<!tpu.dma_semaphore, #tpu.memory_space<semaphore_mem>>)
      %dma_start3A_65 = arith.constant 1 : i32
      %dma_start3A_66 = arith.constant 0 : i32
      %dma_start3A_67 = tpu.memref_slice %arg5[%dma_start3A_65, %dma_start3A_66] : memref<80x128xi32, #tpu.memory_space<vmem>> -> memref<1x128xi32, #tpu.memory_space<vmem>>
      %dma_start3A_68 = tpu.memref_squeeze %dma_start3A_67 : memref<1x128xi32, #tpu.memory_space<vmem>> -> memref<128xi32, #tpu.memory_space<vmem>>
      %dma_start3A_69 = arith.constant 0 : i32
      %dma_start3A_70 = arith.constant 0 : i32
      %dma_start3A_71 = tpu.memref_slice %arg2[%dma_start3A_69, %dma_start3A_70] : memref<20000x64xf32, #tpu.memory_space<hbm>> -> memref<20000x64xf32, #tpu.memory_space<hbm>>
      tpu.enqueue_indirect_dma source(%dma_start3A_71 : memref<20000x64xf32, #tpu.memory_space<hbm>>) target(%arg8 : memref<128x64xf32, #tpu.memory_space<vmem>>) offsets(%dma_start3A_68 : memref<128xi32, #tpu.memory_space<vmem>>) semaphore(%arg17 : memref<!tpu.dma_semaphore, #tpu.memory_space<semaphore_mem>>)
      %dma_start3A_72 = arith.constant 2 : i32
      %dma_start3A_73 = arith.constant 0 : i32
      %dma_start3A_74 = tpu.memref_slice %arg5[%dma_start3A_72, %dma_start3A_73] : memref<80x128xi32, #tpu.memory_space<vmem>> -> memref<1x128xi32, #tpu.memory_space<vmem>>
      %dma_start3A_75 = tpu.memref_squeeze %dma_start3A_74 : memref<1x128xi32, #tpu.memory_space<vmem>> -> memref<128xi32, #tpu.memory_space<vmem>>
      %dma_start3A_76 = arith.constant 0 : i32
      %dma_start3A_77 = arith.constant 0 : i32
      %dma_start3A_78 = tpu.memref_slice %arg2[%dma_start3A_76, %dma_start3A_77] : memref<20000x64xf32, #tpu.memory_space<hbm>> -> memref<20000x64xf32, #tpu.memory_space<hbm>>
      tpu.enqueue_indirect_dma source(%dma_start3A_78 : memref<20000x64xf32, #tpu.memory_space<hbm>>) target(%arg9 : memref<128x64xf32, #tpu.memory_space<vmem>>) offsets(%dma_start3A_75 : memref<128xi32, #tpu.memory_space<vmem>>) semaphore(%arg18 : memref<!tpu.dma_semaphore, #tpu.memory_space<semaphore_mem>>)
      %dma_start3A_79 = arith.constant 3 : i32
      %dma_start3A_80 = arith.constant 0 : i32
      %dma_start3A_81 = tpu.memref_slice %arg5[%dma_start3A_79, %dma_start3A_80] : memref<80x128xi32, #tpu.memory_space<vmem>> -> memref<1x128xi32, #tpu.memory_space<vmem>>
      %dma_start3A_82 = tpu.memref_squeeze %dma_start3A_81 : memref<1x128xi32, #tpu.memory_space<vmem>> -> memref<128xi32, #tpu.memory_space<vmem>>
      %dma_start3A_83 = arith.constant 0 : i32
      %dma_start3A_84 = arith.constant 0 : i32
      %dma_start3A_85 = tpu.memref_slice %arg2[%dma_start3A_83, %dma_start3A_84] : memref<20000x64xf32, #tpu.memory_space<hbm>> -> memref<20000x64xf32, #tpu.memory_space<hbm>>
      tpu.enqueue_indirect_dma source(%dma_start3A_85 : memref<20000x64xf32, #tpu.memory_space<hbm>>) target(%arg10 : memref<128x64xf32, #tpu.memory_space<vmem>>) offsets(%dma_start3A_82 : memref<128xi32, #tpu.memory_space<vmem>>) semaphore(%arg19 : memref<!tpu.dma_semaphore, #tpu.memory_space<semaphore_mem>>)
      %dma_start3A_86 = arith.constant 4 : i32
      %dma_start3A_87 = arith.constant 0 : i32
      %dma_start3A_88 = tpu.memref_slice %arg5[%dma_start3A_86, %dma_start3A_87] : memref<80x128xi32, #tpu.memory_space<vmem>> -> memref<1x128xi32, #tpu.memory_space<vmem>>
      %dma_start3A_89 = tpu.memref_squeeze %dma_start3A_88 : memref<1x128xi32, #tpu.memory_space<vmem>> -> memref<128xi32, #tpu.memory_space<vmem>>
      %dma_start3A_90 = arith.constant 0 : i32
      %dma_start3A_91 = arith.constant 0 : i32
      %dma_start3A_92 = tpu.memref_slice %arg2[%dma_start3A_90, %dma_start3A_91] : memref<20000x64xf32, #tpu.memory_space<hbm>> -> memref<20000x64xf32, #tpu.memory_space<hbm>>
      tpu.enqueue_indirect_dma source(%dma_start3A_92 : memref<20000x64xf32, #tpu.memory_space<hbm>>) target(%arg11 : memref<128x64xf32, #tpu.memory_space<vmem>>) offsets(%dma_start3A_89 : memref<128xi32, #tpu.memory_space<vmem>>) semaphore(%arg20 : memref<!tpu.dma_semaphore, #tpu.memory_space<semaphore_mem>>)
      %dma_start3A_93 = arith.constant 5 : i32
      %dma_start3A_94 = arith.constant 0 : i32
      %dma_start3A_95 = tpu.memref_slice %arg5[%dma_start3A_93, %dma_start3A_94] : memref<80x128xi32, #tpu.memory_space<vmem>> -> memref<1x128xi32, #tpu.memory_space<vmem>>
      %dma_start3A_96 = tpu.memref_squeeze %dma_start3A_95 : memref<1x128xi32, #tpu.memory_space<vmem>> -> memref<128xi32, #tpu.memory_space<vmem>>
      %dma_start3A_97 = arith.constant 0 : i32
      %dma_start3A_98 = arith.constant 0 : i32
      %dma_start3A_99 = tpu.memref_slice %arg2[%dma_start3A_97, %dma_start3A_98] : memref<20000x64xf32, #tpu.memory_space<hbm>> -> memref<20000x64xf32, #tpu.memory_space<hbm>>
      tpu.enqueue_indirect_dma source(%dma_start3A_99 : memref<20000x64xf32, #tpu.memory_space<hbm>>) target(%arg12 : memref<128x64xf32, #tpu.memory_space<vmem>>) offsets(%dma_start3A_96 : memref<128xi32, #tpu.memory_space<vmem>>) semaphore(%arg21 : memref<!tpu.dma_semaphore, #tpu.memory_space<semaphore_mem>>)
      %dma_start3A_100 = arith.constant 6 : i32
      %dma_start3A_101 = arith.constant 0 : i32
      %dma_start3A_102 = tpu.memref_slice %arg5[%dma_start3A_100, %dma_start3A_101] : memref<80x128xi32, #tpu.memory_space<vmem>> -> memref<1x128xi32, #tpu.memory_space<vmem>>
      %dma_start3A_103 = tpu.memref_squeeze %dma_start3A_102 : memref<1x128xi32, #tpu.memory_space<vmem>> -> memref<128xi32, #tpu.memory_space<vmem>>
      %dma_start3A_104 = arith.constant 0 : i32
      %dma_start3A_105 = arith.constant 0 : i32
      %dma_start3A_106 = tpu.memref_slice %arg2[%dma_start3A_104, %dma_start3A_105] : memref<20000x64xf32, #tpu.memory_space<hbm>> -> memref<20000x64xf32, #tpu.memory_space<hbm>>
      tpu.enqueue_indirect_dma source(%dma_start3A_106 : memref<20000x64xf32, #tpu.memory_space<hbm>>) target(%arg13 : memref<128x64xf32, #tpu.memory_space<vmem>>) offsets(%dma_start3A_103 : memref<128xi32, #tpu.memory_space<vmem>>) semaphore(%arg22 : memref<!tpu.dma_semaphore, #tpu.memory_space<semaphore_mem>>)
      %dma_start3A_107 = arith.constant 7 : i32
      %dma_start3A_108 = arith.constant 0 : i32
      %dma_start3A_109 = tpu.memref_slice %arg5[%dma_start3A_107, %dma_start3A_108] : memref<80x128xi32, #tpu.memory_space<vmem>> -> memref<1x128xi32, #tpu.memory_space<vmem>>
      %dma_start3A_110 = tpu.memref_squeeze %dma_start3A_109 : memref<1x128xi32, #tpu.memory_space<vmem>> -> memref<128xi32, #tpu.memory_space<vmem>>
      %dma_start3A_111 = arith.constant 0 : i32
      %dma_start3A_112 = arith.constant 0 : i32
      %dma_start3A_113 = tpu.memref_slice %arg2[%dma_start3A_111, %dma_start3A_112] : memref<20000x64xf32, #tpu.memory_space<hbm>> -> memref<20000x64xf32, #tpu.memory_space<hbm>>
      tpu.enqueue_indirect_dma source(%dma_start3A_113 : memref<20000x64xf32, #tpu.memory_space<hbm>>) target(%arg14 : memref<128x64xf32, #tpu.memory_space<vmem>>) offsets(%dma_start3A_110 : memref<128xi32, #tpu.memory_space<vmem>>) semaphore(%arg23 : memref<!tpu.dma_semaphore, #tpu.memory_space<semaphore_mem>>)
      %scan3A_114 = arith.constant 0 : i32
      %scan3A_115 = arith.constant 10 : i32
      %scan3A_116 = arith.addi %scan3A_114, %scan3A_115 : i32
      %scan3A_117 = arith.constant 1 : i32
      scf.for %scan3A_119 = %scan3A_114 to %scan3A_116 step %scan3A_117  : i32 {
        %mul3A_120 = arith.constant 1 : i32
        %mul3A_121 = arith.muli %scan3A_119, %mul3A_120 : i32
        %add3A_122 = arith.constant 0 : i32
        %add3A_123 = arith.addi %add3A_122, %mul3A_121 : i32
        %mul3A_124 = arith.constant 8 : i32
        %mul3A_125 = arith.muli %add3A_123, %mul3A_124 : i32
        %add3A_126 = arith.constant 0 : i32
        %add3A_127 = arith.addi %mul3A_125, %add3A_126 : i32
        %dma_wait3A_128 = arith.constant 0 : i32
        %dma_wait3A_129 = tpu.memref_slice %arg5[%add3A_127, %dma_wait3A_128] : memref<80x128xi32, #tpu.memory_space<vmem>> -> memref<1x128xi32, #tpu.memory_space<vmem>>
        %dma_wait3A_130 = tpu.memref_squeeze %dma_wait3A_129 : memref<1x128xi32, #tpu.memory_space<vmem>> -> memref<128xi32, #tpu.memory_space<vmem>>
        %dma_wait3A_131 = arith.constant 0 : i32
        %dma_wait3A_132 = arith.constant 0 : i32
        %dma_wait3A_133 = tpu.memref_slice %arg2[%dma_wait3A_131, %dma_wait3A_132] : memref<20000x64xf32, #tpu.memory_space<hbm>> -> memref<20000x64xf32, #tpu.memory_space<hbm>>
        tpu.wait_indirect_dma semaphore(%arg16 : memref<!tpu.dma_semaphore, #tpu.memory_space<semaphore_mem>>) src(%dma_wait3A_133 : memref<20000x64xf32, #tpu.memory_space<hbm>>) dst(%arg7 : memref<128x64xf32, #tpu.memory_space<vmem>>)
        %add3A_134 = arith.constant 0 : i32
        %add3A_135 = arith.addi %mul3A_125, %add3A_134 : i32
        %dma_start3A_136 = arith.constant 0 : i32
        %dma_start3A_137 = tpu.memref_slice %arg6[%add3A_135, %dma_start3A_136] : memref<80x128xi32, #tpu.memory_space<vmem>> -> memref<1x128xi32, #tpu.memory_space<vmem>>
        %dma_start3A_138 = tpu.memref_squeeze %dma_start3A_137 : memref<1x128xi32, #tpu.memory_space<vmem>> -> memref<128xi32, #tpu.memory_space<vmem>>
        %dma_start3A_139 = arith.constant 0 : i32
        %dma_start3A_140 = arith.constant 0 : i32
        %dma_start3A_141 = tpu.memref_slice %arg15[%dma_start3A_139, %dma_start3A_140] : memref<10240x64xf32, #tpu.memory_space<vmem_shared>> -> memref<10240x64xf32, #tpu.memory_space<vmem_shared>>
        tpu.enqueue_indirect_dma source(%arg7 : memref<128x64xf32, #tpu.memory_space<vmem>>) target(%dma_start3A_141 : memref<10240x64xf32, #tpu.memory_space<vmem_shared>>) offsets(%dma_start3A_138 : memref<128xi32, #tpu.memory_space<vmem>>) semaphore(%arg24 : memref<!tpu.dma_semaphore, #tpu.memory_space<semaphore_mem>>) {add = true}
        %add3A_142 = arith.constant 1 : i32
        %add3A_143 = arith.addi %mul3A_125, %add3A_142 : i32
        %dma_wait3A_144 = arith.constant 0 : i32
        %dma_wait3A_145 = tpu.memref_slice %arg5[%add3A_143, %dma_wait3A_144] : memref<80x128xi32, #tpu.memory_space<vmem>> -> memref<1x128xi32, #tpu.memory_space<vmem>>
        %dma_wait3A_146 = tpu.memref_squeeze %dma_wait3A_145 : memref<1x128xi32, #tpu.memory_space<vmem>> -> memref<128xi32, #tpu.memory_space<vmem>>
        %dma_wait3A_147 = arith.constant 0 : i32
        %dma_wait3A_148 = arith.constant 0 : i32
        %dma_wait3A_149 = tpu.memref_slice %arg2[%dma_wait3A_147, %dma_wait3A_148] : memref<20000x64xf32, #tpu.memory_space<hbm>> -> memref<20000x64xf32, #tpu.memory_space<hbm>>
        tpu.wait_indirect_dma semaphore(%arg17 : memref<!tpu.dma_semaphore, #tpu.memory_space<semaphore_mem>>) src(%dma_wait3A_149 : memref<20000x64xf32, #tpu.memory_space<hbm>>) dst(%arg8 : memref<128x64xf32, #tpu.memory_space<vmem>>)
        %add3A_150 = arith.constant 1 : i32
        %add3A_151 = arith.addi %mul3A_125, %add3A_150 : i32
        %dma_start3A_152 = arith.constant 0 : i32
        %dma_start3A_153 = tpu.memref_slice %arg6[%add3A_151, %dma_start3A_152] : memref<80x128xi32, #tpu.memory_space<vmem>> -> memref<1x128xi32, #tpu.memory_space<vmem>>
        %dma_start3A_154 = tpu.memref_squeeze %dma_start3A_153 : memref<1x128xi32, #tpu.memory_space<vmem>> -> memref<128xi32, #tpu.memory_space<vmem>>
        %dma_start3A_155 = arith.constant 0 : i32
        %dma_start3A_156 = arith.constant 0 : i32
        %dma_start3A_157 = tpu.memref_slice %arg15[%dma_start3A_155, %dma_start3A_156] : memref<10240x64xf32, #tpu.memory_space<vmem_shared>> -> memref<10240x64xf32, #tpu.memory_space<vmem_shared>>
        tpu.enqueue_indirect_dma source(%arg8 : memref<128x64xf32, #tpu.memory_space<vmem>>) target(%dma_start3A_157 : memref<10240x64xf32, #tpu.memory_space<vmem_shared>>) offsets(%dma_start3A_154 : memref<128xi32, #tpu.memory_space<vmem>>) semaphore(%arg25 : memref<!tpu.dma_semaphore, #tpu.memory_space<semaphore_mem>>) {add = true}
        %add3A_158 = arith.constant 2 : i32
        %add3A_159 = arith.addi %mul3A_125, %add3A_158 : i32
        %dma_wait3A_160 = arith.constant 0 : i32
        %dma_wait3A_161 = tpu.memref_slice %arg5[%add3A_159, %dma_wait3A_160] : memref<80x128xi32, #tpu.memory_space<vmem>> -> memref<1x128xi32, #tpu.memory_space<vmem>>
        %dma_wait3A_162 = tpu.memref_squeeze %dma_wait3A_161 : memref<1x128xi32, #tpu.memory_space<vmem>> -> memref<128xi32, #tpu.memory_space<vmem>>
        %dma_wait3A_163 = arith.constant 0 : i32
        %dma_wait3A_164 = arith.constant 0 : i32
        %dma_wait3A_165 = tpu.memref_slice %arg2[%dma_wait3A_163, %dma_wait3A_164] : memref<20000x64xf32, #tpu.memory_space<hbm>> -> memref<20000x64xf32, #tpu.memory_space<hbm>>
        tpu.wait_indirect_dma semaphore(%arg18 : memref<!tpu.dma_semaphore, #tpu.memory_space<semaphore_mem>>) src(%dma_wait3A_165 : memref<20000x64xf32, #tpu.memory_space<hbm>>) dst(%arg9 : memref<128x64xf32, #tpu.memory_space<vmem>>)
        %add3A_166 = arith.constant 2 : i32
        %add3A_167 = arith.addi %mul3A_125, %add3A_166 : i32
        %dma_start3A_168 = arith.constant 0 : i32
        %dma_start3A_169 = tpu.memref_slice %arg6[%add3A_167, %dma_start3A_168] : memref<80x128xi32, #tpu.memory_space<vmem>> -> memref<1x128xi32, #tpu.memory_space<vmem>>
        %dma_start3A_170 = tpu.memref_squeeze %dma_start3A_169 : memref<1x128xi32, #tpu.memory_space<vmem>> -> memref<128xi32, #tpu.memory_space<vmem>>
        %dma_start3A_171 = arith.constant 0 : i32
        %dma_start3A_172 = arith.constant 0 : i32
        %dma_start3A_173 = tpu.memref_slice %arg15[%dma_start3A_171, %dma_start3A_172] : memref<10240x64xf32, #tpu.memory_space<vmem_shared>> -> memref<10240x64xf32, #tpu.memory_space<vmem_shared>>
        tpu.enqueue_indirect_dma source(%arg9 : memref<128x64xf32, #tpu.memory_space<vmem>>) target(%dma_start3A_173 : memref<10240x64xf32, #tpu.memory_space<vmem_shared>>) offsets(%dma_start3A_170 : memref<128xi32, #tpu.memory_space<vmem>>) semaphore(%arg26 : memref<!tpu.dma_semaphore, #tpu.memory_space<semaphore_mem>>) {add = true}
        %add3A_174 = arith.constant 3 : i32
        %add3A_175 = arith.addi %mul3A_125, %add3A_174 : i32
        %dma_wait3A_176 = arith.constant 0 : i32
        %dma_wait3A_177 = tpu.memref_slice %arg5[%add3A_175, %dma_wait3A_176] : memref<80x128xi32, #tpu.memory_space<vmem>> -> memref<1x128xi32, #tpu.memory_space<vmem>>
        %dma_wait3A_178 = tpu.memref_squeeze %dma_wait3A_177 : memref<1x128xi32, #tpu.memory_space<vmem>> -> memref<128xi32, #tpu.memory_space<vmem>>
        %dma_wait3A_179 = arith.constant 0 : i32
        %dma_wait3A_180 = arith.constant 0 : i32
        %dma_wait3A_181 = tpu.memref_slice %arg2[%dma_wait3A_179, %dma_wait3A_180] : memref<20000x64xf32, #tpu.memory_space<hbm>> -> memref<20000x64xf32, #tpu.memory_space<hbm>>
        tpu.wait_indirect_dma semaphore(%arg19 : memref<!tpu.dma_semaphore, #tpu.memory_space<semaphore_mem>>) src(%dma_wait3A_181 : memref<20000x64xf32, #tpu.memory_space<hbm>>) dst(%arg10 : memref<128x64xf32, #tpu.memory_space<vmem>>)
        %add3A_182 = arith.constant 3 : i32
        %add3A_183 = arith.addi %mul3A_125, %add3A_182 : i32
        %dma_start3A_184 = arith.constant 0 : i32
        %dma_start3A_185 = tpu.memref_slice %arg6[%add3A_183, %dma_start3A_184] : memref<80x128xi32, #tpu.memory_space<vmem>> -> memref<1x128xi32, #tpu.memory_space<vmem>>
        %dma_start3A_186 = tpu.memref_squeeze %dma_start3A_185 : memref<1x128xi32, #tpu.memory_space<vmem>> -> memref<128xi32, #tpu.memory_space<vmem>>
        %dma_start3A_187 = arith.constant 0 : i32
        %dma_start3A_188 = arith.constant 0 : i32
        %dma_start3A_189 = tpu.memref_slice %arg15[%dma_start3A_187, %dma_start3A_188] : memref<10240x64xf32, #tpu.memory_space<vmem_shared>> -> memref<10240x64xf32, #tpu.memory_space<vmem_shared>>
        tpu.enqueue_indirect_dma source(%arg10 : memref<128x64xf32, #tpu.memory_space<vmem>>) target(%dma_start3A_189 : memref<10240x64xf32, #tpu.memory_space<vmem_shared>>) offsets(%dma_start3A_186 : memref<128xi32, #tpu.memory_space<vmem>>) semaphore(%arg27 : memref<!tpu.dma_semaphore, #tpu.memory_space<semaphore_mem>>) {add = true}
        %add3A_190 = arith.constant 4 : i32
        %add3A_191 = arith.addi %mul3A_125, %add3A_190 : i32
        %dma_wait3A_192 = arith.constant 0 : i32
        %dma_wait3A_193 = tpu.memref_slice %arg5[%add3A_191, %dma_wait3A_192] : memref<80x128xi32, #tpu.memory_space<vmem>> -> memref<1x128xi32, #tpu.memory_space<vmem>>
        %dma_wait3A_194 = tpu.memref_squeeze %dma_wait3A_193 : memref<1x128xi32, #tpu.memory_space<vmem>> -> memref<128xi32, #tpu.memory_space<vmem>>
        %dma_wait3A_195 = arith.constant 0 : i32
        %dma_wait3A_196 = arith.constant 0 : i32
        %dma_wait3A_197 = tpu.memref_slice %arg2[%dma_wait3A_195, %dma_wait3A_196] : memref<20000x64xf32, #tpu.memory_space<hbm>> -> memref<20000x64xf32, #tpu.memory_space<hbm>>
        tpu.wait_indirect_dma semaphore(%arg20 : memref<!tpu.dma_semaphore, #tpu.memory_space<semaphore_mem>>) src(%dma_wait3A_197 : memref<20000x64xf32, #tpu.memory_space<hbm>>) dst(%arg11 : memref<128x64xf32, #tpu.memory_space<vmem>>)
        %add3A_198 = arith.constant 4 : i32
        %add3A_199 = arith.addi %mul3A_125, %add3A_198 : i32
        %dma_start3A_200 = arith.constant 0 : i32
        %dma_start3A_201 = tpu.memref_slice %arg6[%add3A_199, %dma_start3A_200] : memref<80x128xi32, #tpu.memory_space<vmem>> -> memref<1x128xi32, #tpu.memory_space<vmem>>
        %dma_start3A_202 = tpu.memref_squeeze %dma_start3A_201 : memref<1x128xi32, #tpu.memory_space<vmem>> -> memref<128xi32, #tpu.memory_space<vmem>>
        %dma_start3A_203 = arith.constant 0 : i32
        %dma_start3A_204 = arith.constant 0 : i32
        %dma_start3A_205 = tpu.memref_slice %arg15[%dma_start3A_203, %dma_start3A_204] : memref<10240x64xf32, #tpu.memory_space<vmem_shared>> -> memref<10240x64xf32, #tpu.memory_space<vmem_shared>>
        tpu.enqueue_indirect_dma source(%arg11 : memref<128x64xf32, #tpu.memory_space<vmem>>) target(%dma_start3A_205 : memref<10240x64xf32, #tpu.memory_space<vmem_shared>>) offsets(%dma_start3A_202 : memref<128xi32, #tpu.memory_space<vmem>>) semaphore(%arg28 : memref<!tpu.dma_semaphore, #tpu.memory_space<semaphore_mem>>) {add = true}
        %add3A_206 = arith.constant 5 : i32
        %add3A_207 = arith.addi %mul3A_125, %add3A_206 : i32
        %dma_wait3A_208 = arith.constant 0 : i32
        %dma_wait3A_209 = tpu.memref_slice %arg5[%add3A_207, %dma_wait3A_208] : memref<80x128xi32, #tpu.memory_space<vmem>> -> memref<1x128xi32, #tpu.memory_space<vmem>>
        %dma_wait3A_210 = tpu.memref_squeeze %dma_wait3A_209 : memref<1x128xi32, #tpu.memory_space<vmem>> -> memref<128xi32, #tpu.memory_space<vmem>>
        %dma_wait3A_211 = arith.constant 0 : i32
        %dma_wait3A_212 = arith.constant 0 : i32
        %dma_wait3A_213 = tpu.memref_slice %arg2[%dma_wait3A_211, %dma_wait3A_212] : memref<20000x64xf32, #tpu.memory_space<hbm>> -> memref<20000x64xf32, #tpu.memory_space<hbm>>
        tpu.wait_indirect_dma semaphore(%arg21 : memref<!tpu.dma_semaphore, #tpu.memory_space<semaphore_mem>>) src(%dma_wait3A_213 : memref<20000x64xf32, #tpu.memory_space<hbm>>) dst(%arg12 : memref<128x64xf32, #tpu.memory_space<vmem>>)
        %add3A_214 = arith.constant 5 : i32
        %add3A_215 = arith.addi %mul3A_125, %add3A_214 : i32
        %dma_start3A_216 = arith.constant 0 : i32
        %dma_start3A_217 = tpu.memref_slice %arg6[%add3A_215, %dma_start3A_216] : memref<80x128xi32, #tpu.memory_space<vmem>> -> memref<1x128xi32, #tpu.memory_space<vmem>>
        %dma_start3A_218 = tpu.memref_squeeze %dma_start3A_217 : memref<1x128xi32, #tpu.memory_space<vmem>> -> memref<128xi32, #tpu.memory_space<vmem>>
        %dma_start3A_219 = arith.constant 0 : i32
        %dma_start3A_220 = arith.constant 0 : i32
        %dma_start3A_221 = tpu.memref_slice %arg15[%dma_start3A_219, %dma_start3A_220] : memref<10240x64xf32, #tpu.memory_space<vmem_shared>> -> memref<10240x64xf32, #tpu.memory_space<vmem_shared>>
        tpu.enqueue_indirect_dma source(%arg12 : memref<128x64xf32, #tpu.memory_space<vmem>>) target(%dma_start3A_221 : memref<10240x64xf32, #tpu.memory_space<vmem_shared>>) offsets(%dma_start3A_218 : memref<128xi32, #tpu.memory_space<vmem>>) semaphore(%arg29 : memref<!tpu.dma_semaphore, #tpu.memory_space<semaphore_mem>>) {add = true}
        %add3A_222 = arith.constant 6 : i32
        %add3A_223 = arith.addi %mul3A_125, %add3A_222 : i32
        %dma_wait3A_224 = arith.constant 0 : i32
        %dma_wait3A_225 = tpu.memref_slice %arg5[%add3A_223, %dma_wait3A_224] : memref<80x128xi32, #tpu.memory_space<vmem>> -> memref<1x128xi32, #tpu.memory_space<vmem>>
        %dma_wait3A_226 = tpu.memref_squeeze %dma_wait3A_225 : memref<1x128xi32, #tpu.memory_space<vmem>> -> memref<128xi32, #tpu.memory_space<vmem>>
        %dma_wait3A_227 = arith.constant 0 : i32
        %dma_wait3A_228 = arith.constant 0 : i32
        %dma_wait3A_229 = tpu.memref_slice %arg2[%dma_wait3A_227, %dma_wait3A_228] : memref<20000x64xf32, #tpu.memory_space<hbm>> -> memref<20000x64xf32, #tpu.memory_space<hbm>>
        tpu.wait_indirect_dma semaphore(%arg22 : memref<!tpu.dma_semaphore, #tpu.memory_space<semaphore_mem>>) src(%dma_wait3A_229 : memref<20000x64xf32, #tpu.memory_space<hbm>>) dst(%arg13 : memref<128x64xf32, #tpu.memory_space<vmem>>)
        %add3A_230 = arith.constant 6 : i32
        %add3A_231 = arith.addi %mul3A_125, %add3A_230 : i32
        %dma_start3A_232 = arith.constant 0 : i32
        %dma_start3A_233 = tpu.memref_slice %arg6[%add3A_231, %dma_start3A_232] : memref<80x128xi32, #tpu.memory_space<vmem>> -> memref<1x128xi32, #tpu.memory_space<vmem>>
        %dma_start3A_234 = tpu.memref_squeeze %dma_start3A_233 : memref<1x128xi32, #tpu.memory_space<vmem>> -> memref<128xi32, #tpu.memory_space<vmem>>
        %dma_start3A_235 = arith.constant 0 : i32
        %dma_start3A_236 = arith.constant 0 : i32
        %dma_start3A_237 = tpu.memref_slice %arg15[%dma_start3A_235, %dma_start3A_236] : memref<10240x64xf32, #tpu.memory_space<vmem_shared>> -> memref<10240x64xf32, #tpu.memory_space<vmem_shared>>
        tpu.enqueue_indirect_dma source(%arg13 : memref<128x64xf32, #tpu.memory_space<vmem>>) target(%dma_start3A_237 : memref<10240x64xf32, #tpu.memory_space<vmem_shared>>) offsets(%dma_start3A_234 : memref<128xi32, #tpu.memory_space<vmem>>) semaphore(%arg30 : memref<!tpu.dma_semaphore, #tpu.memory_space<semaphore_mem>>) {add = true}
        %add3A_238 = arith.constant 7 : i32
        %add3A_239 = arith.addi %mul3A_125, %add3A_238 : i32
        %dma_wait3A_240 = arith.constant 0 : i32
        %dma_wait3A_241 = tpu.memref_slice %arg5[%add3A_239, %dma_wait3A_240] : memref<80x128xi32, #tpu.memory_space<vmem>> -> memref<1x128xi32, #tpu.memory_space<vmem>>
        %dma_wait3A_242 = tpu.memref_squeeze %dma_wait3A_241 : memref<1x128xi32, #tpu.memory_space<vmem>> -> memref<128xi32, #tpu.memory_space<vmem>>
        %dma_wait3A_243 = arith.constant 0 : i32
        %dma_wait3A_244 = arith.constant 0 : i32
        %dma_wait3A_245 = tpu.memref_slice %arg2[%dma_wait3A_243, %dma_wait3A_244] : memref<20000x64xf32, #tpu.memory_space<hbm>> -> memref<20000x64xf32, #tpu.memory_space<hbm>>
        tpu.wait_indirect_dma semaphore(%arg23 : memref<!tpu.dma_semaphore, #tpu.memory_space<semaphore_mem>>) src(%dma_wait3A_245 : memref<20000x64xf32, #tpu.memory_space<hbm>>) dst(%arg14 : memref<128x64xf32, #tpu.memory_space<vmem>>)
        %add3A_246 = arith.constant 7 : i32
        %add3A_247 = arith.addi %mul3A_125, %add3A_246 : i32
        %dma_start3A_248 = arith.constant 0 : i32
        %dma_start3A_249 = tpu.memref_slice %arg6[%add3A_247, %dma_start3A_248] : memref<80x128xi32, #tpu.memory_space<vmem>> -> memref<1x128xi32, #tpu.memory_space<vmem>>
        %dma_start3A_250 = tpu.memref_squeeze %dma_start3A_249 : memref<1x128xi32, #tpu.memory_space<vmem>> -> memref<128xi32, #tpu.memory_space<vmem>>
        %dma_start3A_251 = arith.constant 0 : i32
        %dma_start3A_252 = arith.constant 0 : i32
        %dma_start3A_253 = tpu.memref_slice %arg15[%dma_start3A_251, %dma_start3A_252] : memref<10240x64xf32, #tpu.memory_space<vmem_shared>> -> memref<10240x64xf32, #tpu.memory_space<vmem_shared>>
        tpu.enqueue_indirect_dma source(%arg14 : memref<128x64xf32, #tpu.memory_space<vmem>>) target(%dma_start3A_253 : memref<10240x64xf32, #tpu.memory_space<vmem_shared>>) offsets(%dma_start3A_250 : memref<128xi32, #tpu.memory_space<vmem>>) semaphore(%arg31 : memref<!tpu.dma_semaphore, #tpu.memory_space<semaphore_mem>>) {add = true}
        %add3A_254 = arith.constant 0 : i32
        %add3A_255 = arith.addi %mul3A_125, %add3A_254 : i32
        %dma_wait3A_256 = arith.constant 0 : i32
        %dma_wait3A_257 = tpu.memref_slice %arg6[%add3A_255, %dma_wait3A_256] : memref<80x128xi32, #tpu.memory_space<vmem>> -> memref<1x128xi32, #tpu.memory_space<vmem>>
        %dma_wait3A_258 = tpu.memref_squeeze %dma_wait3A_257 : memref<1x128xi32, #tpu.memory_space<vmem>> -> memref<128xi32, #tpu.memory_space<vmem>>
        %dma_wait3A_259 = arith.constant 0 : i32
        %dma_wait3A_260 = arith.constant 0 : i32
        %dma_wait3A_261 = tpu.memref_slice %arg15[%dma_wait3A_259, %dma_wait3A_260] : memref<10240x64xf32, #tpu.memory_space<vmem_shared>> -> memref<10240x64xf32, #tpu.memory_space<vmem_shared>>
        tpu.wait_indirect_dma semaphore(%arg24 : memref<!tpu.dma_semaphore, #tpu.memory_space<semaphore_mem>>) src(%arg7 : memref<128x64xf32, #tpu.memory_space<vmem>>) dst(%dma_wait3A_261 : memref<10240x64xf32, #tpu.memory_space<vmem_shared>>)
        %add3A_262 = arith.constant 8 : i32
        %add3A_263 = arith.addi %mul3A_125, %add3A_262 : i32
        %add3A_264 = arith.constant 0 : i32
        %add3A_265 = arith.addi %add3A_263, %add3A_264 : i32
        %lt3A = arith.constant 80 : i32
        %lt3A_266 = arith.cmpi slt, %add3A_265, %lt3A : i32
        %convert_element_type3A_267 = arith.extui %lt3A_266 : i1 to i32
        %cond3A_268 = arith.constant 0 : i32
        %cond3A_269 = arith.cmpi ne, %convert_element_type3A_267, %cond3A_268 : i32
        scf.if %cond3A_269 {
          %add3A_389 = arith.constant 8 : i32
          %add3A_390 = arith.addi %mul3A_125, %add3A_389 : i32
          %add3A_391 = arith.constant 0 : i32
          %add3A_392 = arith.addi %add3A_390, %add3A_391 : i32
          %dma_start3A_393 = arith.constant 0 : i32
          %dma_start3A_394 = tpu.memref_slice %arg5[%add3A_392, %dma_start3A_393] : memref<80x128xi32, #tpu.memory_space<vmem>> -> memref<1x128xi32, #tpu.memory_space<vmem>>
          %dma_start3A_395 = tpu.memref_squeeze %dma_start3A_394 : memref<1x128xi32, #tpu.memory_space<vmem>> -> memref<128xi32, #tpu.memory_space<vmem>>
          %dma_start3A_396 = arith.constant 0 : i32
          %dma_start3A_397 = arith.constant 0 : i32
          %dma_start3A_398 = tpu.memref_slice %arg2[%dma_start3A_396, %dma_start3A_397] : memref<20000x64xf32, #tpu.memory_space<hbm>> -> memref<20000x64xf32, #tpu.memory_space<hbm>>
          tpu.enqueue_indirect_dma source(%dma_start3A_398 : memref<20000x64xf32, #tpu.memory_space<hbm>>) target(%arg7 : memref<128x64xf32, #tpu.memory_space<vmem>>) offsets(%dma_start3A_395 : memref<128xi32, #tpu.memory_space<vmem>>) semaphore(%arg16 : memref<!tpu.dma_semaphore, #tpu.memory_space<semaphore_mem>>)
        } else {
        }
        %add3A_270 = arith.constant 1 : i32
        %add3A_271 = arith.addi %mul3A_125, %add3A_270 : i32
        %dma_wait3A_272 = arith.constant 0 : i32
        %dma_wait3A_273 = tpu.memref_slice %arg6[%add3A_271, %dma_wait3A_272] : memref<80x128xi32, #tpu.memory_space<vmem>> -> memref<1x128xi32, #tpu.memory_space<vmem>>
        %dma_wait3A_274 = tpu.memref_squeeze %dma_wait3A_273 : memref<1x128xi32, #tpu.memory_space<vmem>> -> memref<128xi32, #tpu.memory_space<vmem>>
        %dma_wait3A_275 = arith.constant 0 : i32
        %dma_wait3A_276 = arith.constant 0 : i32
        %dma_wait3A_277 = tpu.memref_slice %arg15[%dma_wait3A_275, %dma_wait3A_276] : memref<10240x64xf32, #tpu.memory_space<vmem_shared>> -> memref<10240x64xf32, #tpu.memory_space<vmem_shared>>
        tpu.wait_indirect_dma semaphore(%arg25 : memref<!tpu.dma_semaphore, #tpu.memory_space<semaphore_mem>>) src(%arg8 : memref<128x64xf32, #tpu.memory_space<vmem>>) dst(%dma_wait3A_277 : memref<10240x64xf32, #tpu.memory_space<vmem_shared>>)
        %add3A_278 = arith.constant 8 : i32
        %add3A_279 = arith.addi %mul3A_125, %add3A_278 : i32
        %add3A_280 = arith.constant 1 : i32
        %add3A_281 = arith.addi %add3A_279, %add3A_280 : i32
        %lt3A_282 = arith.constant 80 : i32
        %lt3A_283 = arith.cmpi slt, %add3A_281, %lt3A_282 : i32
        %convert_element_type3A_284 = arith.extui %lt3A_283 : i1 to i32
        %cond3A_285 = arith.constant 0 : i32
        %cond3A_286 = arith.cmpi ne, %convert_element_type3A_284, %cond3A_285 : i32
        scf.if %cond3A_286 {
          %add3A_389 = arith.constant 8 : i32
          %add3A_390 = arith.addi %mul3A_125, %add3A_389 : i32
          %add3A_391 = arith.constant 1 : i32
          %add3A_392 = arith.addi %add3A_390, %add3A_391 : i32
          %dma_start3A_393 = arith.constant 0 : i32
          %dma_start3A_394 = tpu.memref_slice %arg5[%add3A_392, %dma_start3A_393] : memref<80x128xi32, #tpu.memory_space<vmem>> -> memref<1x128xi32, #tpu.memory_space<vmem>>
          %dma_start3A_395 = tpu.memref_squeeze %dma_start3A_394 : memref<1x128xi32, #tpu.memory_space<vmem>> -> memref<128xi32, #tpu.memory_space<vmem>>
          %dma_start3A_396 = arith.constant 0 : i32
          %dma_start3A_397 = arith.constant 0 : i32
          %dma_start3A_398 = tpu.memref_slice %arg2[%dma_start3A_396, %dma_start3A_397] : memref<20000x64xf32, #tpu.memory_space<hbm>> -> memref<20000x64xf32, #tpu.memory_space<hbm>>
          tpu.enqueue_indirect_dma source(%dma_start3A_398 : memref<20000x64xf32, #tpu.memory_space<hbm>>) target(%arg8 : memref<128x64xf32, #tpu.memory_space<vmem>>) offsets(%dma_start3A_395 : memref<128xi32, #tpu.memory_space<vmem>>) semaphore(%arg17 : memref<!tpu.dma_semaphore, #tpu.memory_space<semaphore_mem>>)
        } else {
        }
        %add3A_287 = arith.constant 2 : i32
        %add3A_288 = arith.addi %mul3A_125, %add3A_287 : i32
        %dma_wait3A_289 = arith.constant 0 : i32
        %dma_wait3A_290 = tpu.memref_slice %arg6[%add3A_288, %dma_wait3A_289] : memref<80x128xi32, #tpu.memory_space<vmem>> -> memref<1x128xi32, #tpu.memory_space<vmem>>
        %dma_wait3A_291 = tpu.memref_squeeze %dma_wait3A_290 : memref<1x128xi32, #tpu.memory_space<vmem>> -> memref<128xi32, #tpu.memory_space<vmem>>
        %dma_wait3A_292 = arith.constant 0 : i32
        %dma_wait3A_293 = arith.constant 0 : i32
        %dma_wait3A_294 = tpu.memref_slice %arg15[%dma_wait3A_292, %dma_wait3A_293] : memref<10240x64xf32, #tpu.memory_space<vmem_shared>> -> memref<10240x64xf32, #tpu.memory_space<vmem_shared>>
        tpu.wait_indirect_dma semaphore(%arg26 : memref<!tpu.dma_semaphore, #tpu.memory_space<semaphore_mem>>) src(%arg9 : memref<128x64xf32, #tpu.memory_space<vmem>>) dst(%dma_wait3A_294 : memref<10240x64xf32, #tpu.memory_space<vmem_shared>>)
        %add3A_295 = arith.constant 8 : i32
        %add3A_296 = arith.addi %mul3A_125, %add3A_295 : i32
        %add3A_297 = arith.constant 2 : i32
        %add3A_298 = arith.addi %add3A_296, %add3A_297 : i32
        %lt3A_299 = arith.constant 80 : i32
        %lt3A_300 = arith.cmpi slt, %add3A_298, %lt3A_299 : i32
        %convert_element_type3A_301 = arith.extui %lt3A_300 : i1 to i32
        %cond3A_302 = arith.constant 0 : i32
        %cond3A_303 = arith.cmpi ne, %convert_element_type3A_301, %cond3A_302 : i32
        scf.if %cond3A_303 {
          %add3A_389 = arith.constant 8 : i32
          %add3A_390 = arith.addi %mul3A_125, %add3A_389 : i32
          %add3A_391 = arith.constant 2 : i32
          %add3A_392 = arith.addi %add3A_390, %add3A_391 : i32
          %dma_start3A_393 = arith.constant 0 : i32
          %dma_start3A_394 = tpu.memref_slice %arg5[%add3A_392, %dma_start3A_393] : memref<80x128xi32, #tpu.memory_space<vmem>> -> memref<1x128xi32, #tpu.memory_space<vmem>>
          %dma_start3A_395 = tpu.memref_squeeze %dma_start3A_394 : memref<1x128xi32, #tpu.memory_space<vmem>> -> memref<128xi32, #tpu.memory_space<vmem>>
          %dma_start3A_396 = arith.constant 0 : i32
          %dma_start3A_397 = arith.constant 0 : i32
          %dma_start3A_398 = tpu.memref_slice %arg2[%dma_start3A_396, %dma_start3A_397] : memref<20000x64xf32, #tpu.memory_space<hbm>> -> memref<20000x64xf32, #tpu.memory_space<hbm>>
          tpu.enqueue_indirect_dma source(%dma_start3A_398 : memref<20000x64xf32, #tpu.memory_space<hbm>>) target(%arg9 : memref<128x64xf32, #tpu.memory_space<vmem>>) offsets(%dma_start3A_395 : memref<128xi32, #tpu.memory_space<vmem>>) semaphore(%arg18 : memref<!tpu.dma_semaphore, #tpu.memory_space<semaphore_mem>>)
        } else {
        }
        %add3A_304 = arith.constant 3 : i32
        %add3A_305 = arith.addi %mul3A_125, %add3A_304 : i32
        %dma_wait3A_306 = arith.constant 0 : i32
        %dma_wait3A_307 = tpu.memref_slice %arg6[%add3A_305, %dma_wait3A_306] : memref<80x128xi32, #tpu.memory_space<vmem>> -> memref<1x128xi32, #tpu.memory_space<vmem>>
        %dma_wait3A_308 = tpu.memref_squeeze %dma_wait3A_307 : memref<1x128xi32, #tpu.memory_space<vmem>> -> memref<128xi32, #tpu.memory_space<vmem>>
        %dma_wait3A_309 = arith.constant 0 : i32
        %dma_wait3A_310 = arith.constant 0 : i32
        %dma_wait3A_311 = tpu.memref_slice %arg15[%dma_wait3A_309, %dma_wait3A_310] : memref<10240x64xf32, #tpu.memory_space<vmem_shared>> -> memref<10240x64xf32, #tpu.memory_space<vmem_shared>>
        tpu.wait_indirect_dma semaphore(%arg27 : memref<!tpu.dma_semaphore, #tpu.memory_space<semaphore_mem>>) src(%arg10 : memref<128x64xf32, #tpu.memory_space<vmem>>) dst(%dma_wait3A_311 : memref<10240x64xf32, #tpu.memory_space<vmem_shared>>)
        %add3A_312 = arith.constant 8 : i32
        %add3A_313 = arith.addi %mul3A_125, %add3A_312 : i32
        %add3A_314 = arith.constant 3 : i32
        %add3A_315 = arith.addi %add3A_313, %add3A_314 : i32
        %lt3A_316 = arith.constant 80 : i32
        %lt3A_317 = arith.cmpi slt, %add3A_315, %lt3A_316 : i32
        %convert_element_type3A_318 = arith.extui %lt3A_317 : i1 to i32
        %cond3A_319 = arith.constant 0 : i32
        %cond3A_320 = arith.cmpi ne, %convert_element_type3A_318, %cond3A_319 : i32
        scf.if %cond3A_320 {
          %add3A_389 = arith.constant 8 : i32
          %add3A_390 = arith.addi %mul3A_125, %add3A_389 : i32
          %add3A_391 = arith.constant 3 : i32
          %add3A_392 = arith.addi %add3A_390, %add3A_391 : i32
          %dma_start3A_393 = arith.constant 0 : i32
          %dma_start3A_394 = tpu.memref_slice %arg5[%add3A_392, %dma_start3A_393] : memref<80x128xi32, #tpu.memory_space<vmem>> -> memref<1x128xi32, #tpu.memory_space<vmem>>
          %dma_start3A_395 = tpu.memref_squeeze %dma_start3A_394 : memref<1x128xi32, #tpu.memory_space<vmem>> -> memref<128xi32, #tpu.memory_space<vmem>>
          %dma_start3A_396 = arith.constant 0 : i32
          %dma_start3A_397 = arith.constant 0 : i32
          %dma_start3A_398 = tpu.memref_slice %arg2[%dma_start3A_396, %dma_start3A_397] : memref<20000x64xf32, #tpu.memory_space<hbm>> -> memref<20000x64xf32, #tpu.memory_space<hbm>>
          tpu.enqueue_indirect_dma source(%dma_start3A_398 : memref<20000x64xf32, #tpu.memory_space<hbm>>) target(%arg10 : memref<128x64xf32, #tpu.memory_space<vmem>>) offsets(%dma_start3A_395 : memref<128xi32, #tpu.memory_space<vmem>>) semaphore(%arg19 : memref<!tpu.dma_semaphore, #tpu.memory_space<semaphore_mem>>)
        } else {
        }
        %add3A_321 = arith.constant 4 : i32
        %add3A_322 = arith.addi %mul3A_125, %add3A_321 : i32
        %dma_wait3A_323 = arith.constant 0 : i32
        %dma_wait3A_324 = tpu.memref_slice %arg6[%add3A_322, %dma_wait3A_323] : memref<80x128xi32, #tpu.memory_space<vmem>> -> memref<1x128xi32, #tpu.memory_space<vmem>>
        %dma_wait3A_325 = tpu.memref_squeeze %dma_wait3A_324 : memref<1x128xi32, #tpu.memory_space<vmem>> -> memref<128xi32, #tpu.memory_space<vmem>>
        %dma_wait3A_326 = arith.constant 0 : i32
        %dma_wait3A_327 = arith.constant 0 : i32
        %dma_wait3A_328 = tpu.memref_slice %arg15[%dma_wait3A_326, %dma_wait3A_327] : memref<10240x64xf32, #tpu.memory_space<vmem_shared>> -> memref<10240x64xf32, #tpu.memory_space<vmem_shared>>
        tpu.wait_indirect_dma semaphore(%arg28 : memref<!tpu.dma_semaphore, #tpu.memory_space<semaphore_mem>>) src(%arg11 : memref<128x64xf32, #tpu.memory_space<vmem>>) dst(%dma_wait3A_328 : memref<10240x64xf32, #tpu.memory_space<vmem_shared>>)
        %add3A_329 = arith.constant 8 : i32
        %add3A_330 = arith.addi %mul3A_125, %add3A_329 : i32
        %add3A_331 = arith.constant 4 : i32
        %add3A_332 = arith.addi %add3A_330, %add3A_331 : i32
        %lt3A_333 = arith.constant 80 : i32
        %lt3A_334 = arith.cmpi slt, %add3A_332, %lt3A_333 : i32
        %convert_element_type3A_335 = arith.extui %lt3A_334 : i1 to i32
        %cond3A_336 = arith.constant 0 : i32
        %cond3A_337 = arith.cmpi ne, %convert_element_type3A_335, %cond3A_336 : i32
        scf.if %cond3A_337 {
          %add3A_389 = arith.constant 8 : i32
          %add3A_390 = arith.addi %mul3A_125, %add3A_389 : i32
          %add3A_391 = arith.constant 4 : i32
          %add3A_392 = arith.addi %add3A_390, %add3A_391 : i32
          %dma_start3A_393 = arith.constant 0 : i32
          %dma_start3A_394 = tpu.memref_slice %arg5[%add3A_392, %dma_start3A_393] : memref<80x128xi32, #tpu.memory_space<vmem>> -> memref<1x128xi32, #tpu.memory_space<vmem>>
          %dma_start3A_395 = tpu.memref_squeeze %dma_start3A_394 : memref<1x128xi32, #tpu.memory_space<vmem>> -> memref<128xi32, #tpu.memory_space<vmem>>
          %dma_start3A_396 = arith.constant 0 : i32
          %dma_start3A_397 = arith.constant 0 : i32
          %dma_start3A_398 = tpu.memref_slice %arg2[%dma_start3A_396, %dma_start3A_397] : memref<20000x64xf32, #tpu.memory_space<hbm>> -> memref<20000x64xf32, #tpu.memory_space<hbm>>
          tpu.enqueue_indirect_dma source(%dma_start3A_398 : memref<20000x64xf32, #tpu.memory_space<hbm>>) target(%arg11 : memref<128x64xf32, #tpu.memory_space<vmem>>) offsets(%dma_start3A_395 : memref<128xi32, #tpu.memory_space<vmem>>) semaphore(%arg20 : memref<!tpu.dma_semaphore, #tpu.memory_space<semaphore_mem>>)
        } else {
        }
        %add3A_338 = arith.constant 5 : i32
        %add3A_339 = arith.addi %mul3A_125, %add3A_338 : i32
        %dma_wait3A_340 = arith.constant 0 : i32
        %dma_wait3A_341 = tpu.memref_slice %arg6[%add3A_339, %dma_wait3A_340] : memref<80x128xi32, #tpu.memory_space<vmem>> -> memref<1x128xi32, #tpu.memory_space<vmem>>
        %dma_wait3A_342 = tpu.memref_squeeze %dma_wait3A_341 : memref<1x128xi32, #tpu.memory_space<vmem>> -> memref<128xi32, #tpu.memory_space<vmem>>
        %dma_wait3A_343 = arith.constant 0 : i32
        %dma_wait3A_344 = arith.constant 0 : i32
        %dma_wait3A_345 = tpu.memref_slice %arg15[%dma_wait3A_343, %dma_wait3A_344] : memref<10240x64xf32, #tpu.memory_space<vmem_shared>> -> memref<10240x64xf32, #tpu.memory_space<vmem_shared>>
        tpu.wait_indirect_dma semaphore(%arg29 : memref<!tpu.dma_semaphore, #tpu.memory_space<semaphore_mem>>) src(%arg12 : memref<128x64xf32, #tpu.memory_space<vmem>>) dst(%dma_wait3A_345 : memref<10240x64xf32, #tpu.memory_space<vmem_shared>>)
        %add3A_346 = arith.constant 8 : i32
        %add3A_347 = arith.addi %mul3A_125, %add3A_346 : i32
        %add3A_348 = arith.constant 5 : i32
        %add3A_349 = arith.addi %add3A_347, %add3A_348 : i32
        %lt3A_350 = arith.constant 80 : i32
        %lt3A_351 = arith.cmpi slt, %add3A_349, %lt3A_350 : i32
        %convert_element_type3A_352 = arith.extui %lt3A_351 : i1 to i32
        %cond3A_353 = arith.constant 0 : i32
        %cond3A_354 = arith.cmpi ne, %convert_element_type3A_352, %cond3A_353 : i32
        scf.if %cond3A_354 {
          %add3A_389 = arith.constant 8 : i32
          %add3A_390 = arith.addi %mul3A_125, %add3A_389 : i32
          %add3A_391 = arith.constant 5 : i32
          %add3A_392 = arith.addi %add3A_390, %add3A_391 : i32
          %dma_start3A_393 = arith.constant 0 : i32
          %dma_start3A_394 = tpu.memref_slice %arg5[%add3A_392, %dma_start3A_393] : memref<80x128xi32, #tpu.memory_space<vmem>> -> memref<1x128xi32, #tpu.memory_space<vmem>>
          %dma_start3A_395 = tpu.memref_squeeze %dma_start3A_394 : memref<1x128xi32, #tpu.memory_space<vmem>> -> memref<128xi32, #tpu.memory_space<vmem>>
          %dma_start3A_396 = arith.constant 0 : i32
          %dma_start3A_397 = arith.constant 0 : i32
          %dma_start3A_398 = tpu.memref_slice %arg2[%dma_start3A_396, %dma_start3A_397] : memref<20000x64xf32, #tpu.memory_space<hbm>> -> memref<20000x64xf32, #tpu.memory_space<hbm>>
          tpu.enqueue_indirect_dma source(%dma_start3A_398 : memref<20000x64xf32, #tpu.memory_space<hbm>>) target(%arg12 : memref<128x64xf32, #tpu.memory_space<vmem>>) offsets(%dma_start3A_395 : memref<128xi32, #tpu.memory_space<vmem>>) semaphore(%arg21 : memref<!tpu.dma_semaphore, #tpu.memory_space<semaphore_mem>>)
        } else {
        }
        %add3A_355 = arith.constant 6 : i32
        %add3A_356 = arith.addi %mul3A_125, %add3A_355 : i32
        %dma_wait3A_357 = arith.constant 0 : i32
        %dma_wait3A_358 = tpu.memref_slice %arg6[%add3A_356, %dma_wait3A_357] : memref<80x128xi32, #tpu.memory_space<vmem>> -> memref<1x128xi32, #tpu.memory_space<vmem>>
        %dma_wait3A_359 = tpu.memref_squeeze %dma_wait3A_358 : memref<1x128xi32, #tpu.memory_space<vmem>> -> memref<128xi32, #tpu.memory_space<vmem>>
        %dma_wait3A_360 = arith.constant 0 : i32
        %dma_wait3A_361 = arith.constant 0 : i32
        %dma_wait3A_362 = tpu.memref_slice %arg15[%dma_wait3A_360, %dma_wait3A_361] : memref<10240x64xf32, #tpu.memory_space<vmem_shared>> -> memref<10240x64xf32, #tpu.memory_space<vmem_shared>>
        tpu.wait_indirect_dma semaphore(%arg30 : memref<!tpu.dma_semaphore, #tpu.memory_space<semaphore_mem>>) src(%arg13 : memref<128x64xf32, #tpu.memory_space<vmem>>) dst(%dma_wait3A_362 : memref<10240x64xf32, #tpu.memory_space<vmem_shared>>)
        %add3A_363 = arith.constant 8 : i32
        %add3A_364 = arith.addi %mul3A_125, %add3A_363 : i32
        %add3A_365 = arith.constant 6 : i32
        %add3A_366 = arith.addi %add3A_364, %add3A_365 : i32
        %lt3A_367 = arith.constant 80 : i32
        %lt3A_368 = arith.cmpi slt, %add3A_366, %lt3A_367 : i32
        %convert_element_type3A_369 = arith.extui %lt3A_368 : i1 to i32
        %cond3A_370 = arith.constant 0 : i32
        %cond3A_371 = arith.cmpi ne, %convert_element_type3A_369, %cond3A_370 : i32
        scf.if %cond3A_371 {
          %add3A_389 = arith.constant 8 : i32
          %add3A_390 = arith.addi %mul3A_125, %add3A_389 : i32
          %add3A_391 = arith.constant 6 : i32
          %add3A_392 = arith.addi %add3A_390, %add3A_391 : i32
          %dma_start3A_393 = arith.constant 0 : i32
          %dma_start3A_394 = tpu.memref_slice %arg5[%add3A_392, %dma_start3A_393] : memref<80x128xi32, #tpu.memory_space<vmem>> -> memref<1x128xi32, #tpu.memory_space<vmem>>
          %dma_start3A_395 = tpu.memref_squeeze %dma_start3A_394 : memref<1x128xi32, #tpu.memory_space<vmem>> -> memref<128xi32, #tpu.memory_space<vmem>>
          %dma_start3A_396 = arith.constant 0 : i32
          %dma_start3A_397 = arith.constant 0 : i32
          %dma_start3A_398 = tpu.memref_slice %arg2[%dma_start3A_396, %dma_start3A_397] : memref<20000x64xf32, #tpu.memory_space<hbm>> -> memref<20000x64xf32, #tpu.memory_space<hbm>>
          tpu.enqueue_indirect_dma source(%dma_start3A_398 : memref<20000x64xf32, #tpu.memory_space<hbm>>) target(%arg13 : memref<128x64xf32, #tpu.memory_space<vmem>>) offsets(%dma_start3A_395 : memref<128xi32, #tpu.memory_space<vmem>>) semaphore(%arg22 : memref<!tpu.dma_semaphore, #tpu.memory_space<semaphore_mem>>)
        } else {
        }
        %add3A_372 = arith.constant 7 : i32
        %add3A_373 = arith.addi %mul3A_125, %add3A_372 : i32
        %dma_wait3A_374 = arith.constant 0 : i32
        %dma_wait3A_375 = tpu.memref_slice %arg6[%add3A_373, %dma_wait3A_374] : memref<80x128xi32, #tpu.memory_space<vmem>> -> memref<1x128xi32, #tpu.memory_space<vmem>>
        %dma_wait3A_376 = tpu.memref_squeeze %dma_wait3A_375 : memref<1x128xi32, #tpu.memory_space<vmem>> -> memref<128xi32, #tpu.memory_space<vmem>>
        %dma_wait3A_377 = arith.constant 0 : i32
        %dma_wait3A_378 = arith.constant 0 : i32
        %dma_wait3A_379 = tpu.memref_slice %arg15[%dma_wait3A_377, %dma_wait3A_378] : memref<10240x64xf32, #tpu.memory_space<vmem_shared>> -> memref<10240x64xf32, #tpu.memory_space<vmem_shared>>
        tpu.wait_indirect_dma semaphore(%arg31 : memref<!tpu.dma_semaphore, #tpu.memory_space<semaphore_mem>>) src(%arg14 : memref<128x64xf32, #tpu.memory_space<vmem>>) dst(%dma_wait3A_379 : memref<10240x64xf32, #tpu.memory_space<vmem_shared>>)
        %add3A_380 = arith.constant 8 : i32
        %add3A_381 = arith.addi %mul3A_125, %add3A_380 : i32
        %add3A_382 = arith.constant 7 : i32
        %add3A_383 = arith.addi %add3A_381, %add3A_382 : i32
        %lt3A_384 = arith.constant 80 : i32
        %lt3A_385 = arith.cmpi slt, %add3A_383, %lt3A_384 : i32
        %convert_element_type3A_386 = arith.extui %lt3A_385 : i1 to i32
        %cond3A_387 = arith.constant 0 : i32
        %cond3A_388 = arith.cmpi ne, %convert_element_type3A_386, %cond3A_387 : i32
        scf.if %cond3A_388 {
          %add3A_389 = arith.constant 8 : i32
          %add3A_390 = arith.addi %mul3A_125, %add3A_389 : i32
          %add3A_391 = arith.constant 7 : i32
          %add3A_392 = arith.addi %add3A_390, %add3A_391 : i32
          %dma_start3A_393 = arith.constant 0 : i32
          %dma_start3A_394 = tpu.memref_slice %arg5[%add3A_392, %dma_start3A_393] : memref<80x128xi32, #tpu.memory_space<vmem>> -> memref<1x128xi32, #tpu.memory_space<vmem>>
          %dma_start3A_395 = tpu.memref_squeeze %dma_start3A_394 : memref<1x128xi32, #tpu.memory_space<vmem>> -> memref<128xi32, #tpu.memory_space<vmem>>
          %dma_start3A_396 = arith.constant 0 : i32
          %dma_start3A_397 = arith.constant 0 : i32
          %dma_start3A_398 = tpu.memref_slice %arg2[%dma_start3A_396, %dma_start3A_397] : memref<20000x64xf32, #tpu.memory_space<hbm>> -> memref<20000x64xf32, #tpu.memory_space<hbm>>
          tpu.enqueue_indirect_dma source(%dma_start3A_398 : memref<20000x64xf32, #tpu.memory_space<hbm>>) target(%arg14 : memref<128x64xf32, #tpu.memory_space<vmem>>) offsets(%dma_start3A_395 : memref<128xi32, #tpu.memory_space<vmem>>) semaphore(%arg23 : memref<!tpu.dma_semaphore, #tpu.memory_space<semaphore_mem>>)
        } else {
        }
      }
      %scan3A_118 = arith.constant 10 : i32
    }
    %scan3A_49 = arith.constant 2 : i32
    %barrier3A_50 = arith.constant 0 : index
    tpu.barrier barrier_id(%barrier3A_50)
    "tpu.region"() ({
      %run_scoped3A = tpu.sem_alloc : memref<!tpu.dma_semaphore, #tpu.memory_space<semaphore_mem>>
      %dma_start3A_51 = arith.constant 0 : i32
      %dma_start3A_52 = tpu.memref_slice %arg4[%arg0, %mul3A_22, %dma_start3A_51] : memref<2x10240x64xf32, #tpu.memory_space<hbm>> -> memref<1x640x64xf32, #tpu.memory_space<hbm>>
      %dma_start3A_53 = tpu.memref_squeeze %dma_start3A_52 : memref<1x640x64xf32, #tpu.memory_space<hbm>> -> memref<640x64xf32, #tpu.memory_space<hbm>>
      %dma_start3A_54 = arith.constant 0 : i32
      %dma_start3A_55 = tpu.memref_slice %arg15[%mul3A_22, %dma_start3A_54] : memref<10240x64xf32, #tpu.memory_space<vmem_shared>> -> memref<640x64xf32, #tpu.memory_space<vmem_shared>>
      tpu.enqueue_dma source(%dma_start3A_55 : memref<640x64xf32, #tpu.memory_space<vmem_shared>>) target(%dma_start3A_53 : memref<640x64xf32, #tpu.memory_space<hbm>>) target_semaphore(%run_scoped3A : memref<!tpu.dma_semaphore, #tpu.memory_space<semaphore_mem>>)
      %dma_wait3A_56 = arith.constant 0 : i32
      %dma_wait3A_57 = tpu.memref_slice %arg4[%arg0, %mul3A_22, %dma_wait3A_56] : memref<2x10240x64xf32, #tpu.memory_space<hbm>> -> memref<1x640x64xf32, #tpu.memory_space<hbm>>
      %dma_wait3A_58 = tpu.memref_squeeze %dma_wait3A_57 : memref<1x640x64xf32, #tpu.memory_space<hbm>> -> memref<640x64xf32, #tpu.memory_space<hbm>>
      %dma_wait3A_59 = arith.constant 0 : i32
      %dma_wait3A_60 = tpu.memref_slice %arg15[%mul3A_22, %dma_wait3A_59] : memref<10240x64xf32, #tpu.memory_space<vmem_shared>> -> memref<640x64xf32, #tpu.memory_space<vmem_shared>>
      tpu.wait_dma2 semaphore(%run_scoped3A : memref<!tpu.dma_semaphore, #tpu.memory_space<semaphore_mem>>) src(%dma_wait3A_60 : memref<640x64xf32, #tpu.memory_space<vmem_shared>>) dst(%dma_wait3A_58 : memref<640x64xf32, #tpu.memory_space<hbm>>)
      tpu.yield
    }) : () -> ()
    return
  }
}

module attributes {stable_mosaic.version = 14 : i64} {
  func.func @_tc_pre(%arg0: i32, %arg1: memref<2000x1xf32, #tpu.memory_space<vmem>>, %arg2: memref<2000x1xf32, #tpu.memory_space<vmem>>, %arg3: memref<2000x128xf32, #tpu.memory_space<vmem>>, %arg4: memref<2000x1xf32, #tpu.memory_space<vmem>>, %arg5: memref<2000x128xf32, #tpu.memory_space<vmem>>) attributes {dimension_semantics = [#tpu.dimension_semantics<arbitrary>], iteration_bounds = array<i64: 5>, scalar_prefetch = 0 : i64, scratch_operands = 0 : i64, tpu.core_type = #tpu.core_type<tc>, window_params = [{transform_indices = @transform_0, window_bounds = array<i64: 2000, 1>}, {transform_indices = @transform_1, window_bounds = array<i64: 2000, 1>}, {transform_indices = @transform_2, window_bounds = array<i64: 2000, 128>}, {transform_indices = @transform_3, window_bounds = array<i64: 2000, 1>}, {transform_indices = @transform_4, window_bounds = array<i64: 2000, 128>}]} {
    %get3A = arith.constant 0 : index
    %get3A_0 = arith.constant 0 : index
    %get3A_1 = vector.load %arg1[%get3A, %get3A_0] : memref<2000x1xf32, #tpu.memory_space<vmem>>, vector<2000x1xf32>
    %get3A_2 = arith.constant 0 : index
    %get3A_3 = arith.constant 0 : index
    %get3A_4 = vector.load %arg2[%get3A_2, %get3A_3] : memref<2000x1xf32, #tpu.memory_space<vmem>>, vector<2000x1xf32>
    %add3A = arith.addf %get3A_1, %get3A_4 : vector<2000x1xf32>
    %add3A_5 = arith.constant 1.000000e+00 : f32
    %add3A_6 = vector.broadcast %add3A_5 : f32 to vector<2000x1xf32>
    %add3A_7 = arith.addf %add3A, %add3A_6 : vector<2000x1xf32>
    %sqrt3A = math.sqrt %add3A_7 : vector<2000x1xf32>
    %div3A = arith.constant 1.000000e+00 : f32
    %div3A_8 = vector.broadcast %div3A : f32 to vector<2000x1xf32>
    %div3A_9 = arith.divf %div3A_8, %sqrt3A : vector<2000x1xf32>
    %swap3A = arith.constant 0 : index
    %swap3A_10 = arith.constant 0 : index
    %swap3A_11 = vector.load %arg4[%swap3A, %swap3A_10] : memref<2000x1xf32, #tpu.memory_space<vmem>>, vector<2000x1xf32>
    tpu.vector_store %arg4[%swap3A, %swap3A_10], %div3A_9 {strides = array<i32>} : memref<2000x1xf32, #tpu.memory_space<vmem>>, vector<2000x1xf32>,
    %get3A_12 = arith.constant 0 : index
    %get3A_13 = arith.constant 0 : index
    %get3A_14 = vector.load %arg3[%get3A_12, %get3A_13] : memref<2000x128xf32, #tpu.memory_space<vmem>>, vector<2000x128xf32>
    %mul3A = vector.broadcast %div3A_9 : vector<2000x1xf32> to vector<2000x128xf32>
    %mul3A_15 = arith.mulf %get3A_14, %mul3A : vector<2000x128xf32>
    %swap3A_16 = arith.constant 0 : index
    %swap3A_17 = arith.constant 0 : index
    %swap3A_18 = vector.load %arg5[%swap3A_16, %swap3A_17] : memref<2000x128xf32, #tpu.memory_space<vmem>>, vector<2000x128xf32>
    tpu.vector_store %arg5[%swap3A_16, %swap3A_17], %mul3A_15 {strides = array<i32>} : memref<2000x128xf32, #tpu.memory_space<vmem>>, vector<2000x128xf32>,
    return
  }
  func.func @transform_0(%arg0: i32) -> (i32, i32) {
    %c0_i32 = arith.constant 0 : i32
    %c0_i32_0 = arith.constant 0 : i32
    return %arg0, %c0_i32 : i32, i32
  }
  func.func @transform_1(%arg0: i32) -> (i32, i32) {
    %c0_i32 = arith.constant 0 : i32
    %c0_i32_0 = arith.constant 0 : i32
    return %arg0, %c0_i32 : i32, i32
  }
  func.func @transform_2(%arg0: i32) -> (i32, i32) {
    %c0_i32 = arith.constant 0 : i32
    %c0_i32_0 = arith.constant 0 : i32
    return %arg0, %c0_i32 : i32, i32
  }
  func.func @transform_3(%arg0: i32) -> (i32, i32) {
    %c0_i32 = arith.constant 0 : i32
    %c0_i32_0 = arith.constant 0 : i32
    return %arg0, %c0_i32 : i32, i32
  }
  func.func @transform_4(%arg0: i32) -> (i32, i32) {
    %c0_i32 = arith.constant 0 : i32
    %c0_i32_0 = arith.constant 0 : i32
    return %arg0, %c0_i32 : i32, i32
  }
}

module attributes {stable_mosaic.version = 14 : i64} {
  func.func @_tc_mm1(%arg0: i32, %arg1: memref<2x2000x64xf32, #tpu.memory_space<vmem>>, %arg2: memref<2000x128xf32, #tpu.memory_space<vmem>>, %arg3: memref<2000x1xf32, #tpu.memory_space<vmem>>, %arg4: memref<128x256xf32, #tpu.memory_space<vmem>>, %arg5: memref<1x256xf32, #tpu.memory_space<vmem>>, %arg6: memref<256x64xf32, #tpu.memory_space<vmem>>, %arg7: memref<2000x64xf32, #tpu.memory_space<vmem>>) attributes {dimension_semantics = [#tpu.dimension_semantics<arbitrary>], iteration_bounds = array<i64: 5>, scalar_prefetch = 0 : i64, scratch_operands = 0 : i64, tpu.core_type = #tpu.core_type<tc>, window_params = [{transform_indices = @transform_0, window_bounds = array<i64: 2, 2000, 64>}, {transform_indices = @transform_1, window_bounds = array<i64: 2000, 128>}, {transform_indices = @transform_2, window_bounds = array<i64: 2000, 1>}, {pipeline_mode = #tpu.pipeline_mode<synchronous>, transform_indices = @transform_3, window_bounds = array<i64: 128, 256>}, {pipeline_mode = #tpu.pipeline_mode<synchronous>, transform_indices = @transform_4, window_bounds = array<i64: 1, 256>}, {pipeline_mode = #tpu.pipeline_mode<synchronous>, transform_indices = @transform_5, window_bounds = array<i64: 256, 64>}, {transform_indices = @transform_6, window_bounds = array<i64: 2000, 64>}]} {
    %get3A = arith.constant 0 : index
    %get3A_0 = arith.constant 0 : index
    %get3A_1 = vector.load %arg3[%get3A, %get3A_0] : memref<2000x1xf32, #tpu.memory_space<vmem>>, vector<2000x1xf32>
    %get3A_2 = arith.constant 0 : index
    %get3A_3 = arith.constant 0 : index
    %get3A_4 = arith.constant 0 : index
    %get3A_5 = vector.load %arg1[%get3A_2, %get3A_3, %get3A_4] : memref<2x2000x64xf32, #tpu.memory_space<vmem>>, vector<1x2000x64xf32>
    %get3A_6 = vector.shape_cast %get3A_5 : vector<1x2000x64xf32> to vector<2000x64xf32>
    %get3A_7 = arith.constant 1 : index
    %get3A_8 = arith.constant 0 : index
    %get3A_9 = arith.constant 0 : index
    %get3A_10 = vector.load %arg1[%get3A_7, %get3A_8, %get3A_9] : memref<2x2000x64xf32, #tpu.memory_space<vmem>>, vector<1x2000x64xf32>
    %get3A_11 = vector.shape_cast %get3A_10 : vector<1x2000x64xf32> to vector<2000x64xf32>
    %concatenate3A = tpu.concatenate %get3A_6, %get3A_11 in 1 : vector<2000x64xf32>, vector<2000x64xf32> -> vector<2000x128xf32>
    %get3A_12 = arith.constant 0 : index
    %get3A_13 = arith.constant 0 : index
    %get3A_14 = vector.load %arg2[%get3A_12, %get3A_13] : memref<2000x128xf32, #tpu.memory_space<vmem>>, vector<2000x128xf32>
    %add3A = arith.addf %concatenate3A, %get3A_14 : vector<2000x128xf32>
    %mul3A = vector.broadcast %get3A_1 : vector<2000x1xf32> to vector<2000x128xf32>
    %mul3A_15 = arith.mulf %mul3A, %add3A : vector<2000x128xf32>
    %get3A_16 = arith.constant 0 : index
    %get3A_17 = arith.constant 0 : index
    %get3A_18 = vector.load %arg4[%get3A_16, %get3A_17] : memref<128x256xf32, #tpu.memory_space<vmem>>, vector<128x256xf32>
    %dot_general3A = arith.constant dense<0.000000e+00> : vector<2000x256xf32>
    %dot_general3A_19 = tpu.matmul %mul3A_15, %get3A_18, %dot_general3A {dimension_numbers = #tpu.dot_dimension_numbers<[1], [0], [0], [1], [0, 0, 1, 1], [], []>, transpose_lhs_hint = false} : vector<2000x128xf32>, vector<128x256xf32>, vector<2000x256xf32> -> vector<2000x256xf32>
    %get3A_20 = arith.constant 0 : index
    %get3A_21 = arith.constant 0 : index
    %get3A_22 = vector.load %arg5[%get3A_20, %get3A_21] : memref<1x256xf32, #tpu.memory_space<vmem>>, vector<1x256xf32>
    %add3A_23 = vector.broadcast %get3A_22 : vector<1x256xf32> to vector<2000x256xf32>
    %add3A_24 = arith.addf %dot_general3A_19, %add3A_23 : vector<2000x256xf32>
    %max3A = arith.constant 0.000000e+00 : f32
    %max3A_25 = vector.broadcast %max3A : f32 to vector<2000x256xf32>
    %max3A_26 = arith.maximumf %add3A_24, %max3A_25 : vector<2000x256xf32>
    %get3A_27 = arith.constant 0 : index
    %get3A_28 = arith.constant 0 : index
    %get3A_29 = vector.load %arg6[%get3A_27, %get3A_28] : memref<256x64xf32, #tpu.memory_space<vmem>>, vector<256x64xf32>
    %dot_general3A_30 = arith.constant dense<0.000000e+00> : vector<2000x64xf32>
    %dot_general3A_31 = tpu.matmul %max3A_26, %get3A_29, %dot_general3A_30 {dimension_numbers = #tpu.dot_dimension_numbers<[1], [0], [0], [1], [0, 0, 1, 1], [], []>, transpose_lhs_hint = false} : vector<2000x256xf32>, vector<256x64xf32>, vector<2000x64xf32> -> vector<2000x64xf32>
    %mul3A_32 = vector.broadcast %get3A_1 : vector<2000x1xf32> to vector<2000x64xf32>
    %mul3A_33 = arith.mulf %mul3A_32, %dot_general3A_31 : vector<2000x64xf32>
    %swap3A = arith.constant 0 : index
    %swap3A_34 = arith.constant 0 : index
    %swap3A_35 = vector.load %arg7[%swap3A, %swap3A_34] : memref<2000x64xf32, #tpu.memory_space<vmem>>, vector<2000x64xf32>
    tpu.vector_store %arg7[%swap3A, %swap3A_34], %mul3A_33 {strides = array<i32>} : memref<2000x64xf32, #tpu.memory_space<vmem>>, vector<2000x64xf32>,
    return
  }
  func.func @transform_0(%arg0: i32) -> (i32, i32, i32) {
    %c0_i32 = arith.constant 0 : i32
    %c0_i32_0 = arith.constant 0 : i32
    %c0_i32_1 = arith.constant 0 : i32
    return %c0_i32, %arg0, %c0_i32_0 : i32, i32, i32
  }
  func.func @transform_1(%arg0: i32) -> (i32, i32) {
    %c0_i32 = arith.constant 0 : i32
    %c0_i32_0 = arith.constant 0 : i32
    return %arg0, %c0_i32 : i32, i32
  }
  func.func @transform_2(%arg0: i32) -> (i32, i32) {
    %c0_i32 = arith.constant 0 : i32
    %c0_i32_0 = arith.constant 0 : i32
    return %arg0, %c0_i32 : i32, i32
  }
  func.func @transform_3(%arg0: i32) -> (i32, i32) {
    %c0_i32 = arith.constant 0 : i32
    %c0_i32_0 = arith.constant 0 : i32
    %c0_i32_1 = arith.constant 0 : i32
    return %c0_i32, %c0_i32_0 : i32, i32
  }
  func.func @transform_4(%arg0: i32) -> (i32, i32) {
    %c0_i32 = arith.constant 0 : i32
    %c0_i32_0 = arith.constant 0 : i32
    %c0_i32_1 = arith.constant 0 : i32
    return %c0_i32, %c0_i32_0 : i32, i32
  }
  func.func @transform_5(%arg0: i32) -> (i32, i32) {
    %c0_i32 = arith.constant 0 : i32
    %c0_i32_0 = arith.constant 0 : i32
    %c0_i32_1 = arith.constant 0 : i32
    return %c0_i32, %c0_i32_0 : i32, i32
  }
  func.func @transform_6(%arg0: i32) -> (i32, i32) {
    %c0_i32 = arith.constant 0 : i32
    %c0_i32_0 = arith.constant 0 : i32
    return %arg0, %c0_i32 : i32, i32
  }
}

module attributes {stable_mosaic.version = 14 : i64} {
  func.func @_tc_ew(%arg0: i32, %arg1: memref<2x2000x64xf32, #tpu.memory_space<vmem>>, %arg2: memref<2000x64xf32, #tpu.memory_space<vmem>>, %arg3: memref<2000x1xf32, #tpu.memory_space<vmem>>, %arg4: memref<1x64xf32, #tpu.memory_space<vmem>>, %arg5: memref<2000x64xf32, #tpu.memory_space<vmem>>) attributes {dimension_semantics = [#tpu.dimension_semantics<arbitrary>], iteration_bounds = array<i64: 5>, scalar_prefetch = 0 : i64, scratch_operands = 0 : i64, tpu.core_type = #tpu.core_type<tc>, window_params = [{transform_indices = @transform_0, window_bounds = array<i64: 2, 2000, 64>}, {transform_indices = @transform_1, window_bounds = array<i64: 2000, 64>}, {transform_indices = @transform_2, window_bounds = array<i64: 2000, 1>}, {pipeline_mode = #tpu.pipeline_mode<synchronous>, transform_indices = @transform_3, window_bounds = array<i64: 1, 64>}, {transform_indices = @transform_4, window_bounds = array<i64: 2000, 64>}]} {
    %get3A = arith.constant 0 : index
    %get3A_0 = arith.constant 0 : index
    %get3A_1 = vector.load %arg3[%get3A, %get3A_0] : memref<2000x1xf32, #tpu.memory_space<vmem>>, vector<2000x1xf32>
    %get3A_2 = arith.constant 0 : index
    %get3A_3 = arith.constant 0 : index
    %get3A_4 = arith.constant 0 : index
    %get3A_5 = vector.load %arg1[%get3A_2, %get3A_3, %get3A_4] : memref<2x2000x64xf32, #tpu.memory_space<vmem>>, vector<1x2000x64xf32>
    %get3A_6 = vector.shape_cast %get3A_5 : vector<1x2000x64xf32> to vector<2000x64xf32>
    %get3A_7 = arith.constant 1 : index
    %get3A_8 = arith.constant 0 : index
    %get3A_9 = arith.constant 0 : index
    %get3A_10 = vector.load %arg1[%get3A_7, %get3A_8, %get3A_9] : memref<2x2000x64xf32, #tpu.memory_space<vmem>>, vector<1x2000x64xf32>
    %get3A_11 = vector.shape_cast %get3A_10 : vector<1x2000x64xf32> to vector<2000x64xf32>
    %add3A = arith.addf %get3A_6, %get3A_11 : vector<2000x64xf32>
    %get3A_12 = arith.constant 0 : index
    %get3A_13 = arith.constant 0 : index
    %get3A_14 = vector.load %arg2[%get3A_12, %get3A_13] : memref<2000x64xf32, #tpu.memory_space<vmem>>, vector<2000x64xf32>
    %add3A_15 = arith.addf %add3A, %get3A_14 : vector<2000x64xf32>
    %mul3A = vector.broadcast %get3A_1 : vector<2000x1xf32> to vector<2000x64xf32>
    %mul3A_16 = arith.mulf %mul3A, %add3A_15 : vector<2000x64xf32>
    %get3A_17 = arith.constant 0 : index
    %get3A_18 = arith.constant 0 : index
    %get3A_19 = vector.load %arg4[%get3A_17, %get3A_18] : memref<1x64xf32, #tpu.memory_space<vmem>>, vector<1x64xf32>
    %add3A_20 = vector.broadcast %get3A_19 : vector<1x64xf32> to vector<2000x64xf32>
    %add3A_21 = arith.addf %mul3A_16, %add3A_20 : vector<2000x64xf32>
    %mul3A_22 = vector.broadcast %get3A_1 : vector<2000x1xf32> to vector<2000x64xf32>
    %mul3A_23 = arith.mulf %mul3A_22, %add3A_21 : vector<2000x64xf32>
    %swap3A = arith.constant 0 : index
    %swap3A_24 = arith.constant 0 : index
    %swap3A_25 = vector.load %arg5[%swap3A, %swap3A_24] : memref<2000x64xf32, #tpu.memory_space<vmem>>, vector<2000x64xf32>
    tpu.vector_store %arg5[%swap3A, %swap3A_24], %mul3A_23 {strides = array<i32>} : memref<2000x64xf32, #tpu.memory_space<vmem>>, vector<2000x64xf32>,
    return
  }
  func.func @transform_0(%arg0: i32) -> (i32, i32, i32) {
    %c0_i32 = arith.constant 0 : i32
    %c0_i32_0 = arith.constant 0 : i32
    %c0_i32_1 = arith.constant 0 : i32
    return %c0_i32, %arg0, %c0_i32_0 : i32, i32, i32
  }
  func.func @transform_1(%arg0: i32) -> (i32, i32) {
    %c0_i32 = arith.constant 0 : i32
    %c0_i32_0 = arith.constant 0 : i32
    return %arg0, %c0_i32 : i32, i32
  }
  func.func @transform_2(%arg0: i32) -> (i32, i32) {
    %c0_i32 = arith.constant 0 : i32
    %c0_i32_0 = arith.constant 0 : i32
    return %arg0, %c0_i32 : i32, i32
  }
  func.func @transform_3(%arg0: i32) -> (i32, i32) {
    %c0_i32 = arith.constant 0 : i32
    %c0_i32_0 = arith.constant 0 : i32
    %c0_i32_1 = arith.constant 0 : i32
    return %c0_i32, %c0_i32_0 : i32, i32
  }
  func.func @transform_4(%arg0: i32) -> (i32, i32) {
    %c0_i32 = arith.constant 0 : i32
    %c0_i32_0 = arith.constant 0 : i32
    return %arg0, %c0_i32 : i32, i32
  }
}

module attributes {stable_mosaic.version = 14 : i64} {
  func.func @_tc_mm3(%arg0: i32, %arg1: memref<2x2000x64xf32, #tpu.memory_space<vmem>>, %arg2: memref<2000x64xf32, #tpu.memory_space<vmem>>, %arg3: memref<2000x1xf32, #tpu.memory_space<vmem>>, %arg4: memref<64x256xf32, #tpu.memory_space<vmem>>, %arg5: memref<1x256xf32, #tpu.memory_space<vmem>>, %arg6: memref<256x128xf32, #tpu.memory_space<vmem>>, %arg7: memref<2000x128xf32, #tpu.memory_space<vmem>>) attributes {dimension_semantics = [#tpu.dimension_semantics<arbitrary>], iteration_bounds = array<i64: 5>, scalar_prefetch = 0 : i64, scratch_operands = 0 : i64, tpu.core_type = #tpu.core_type<tc>, window_params = [{transform_indices = @transform_0, window_bounds = array<i64: 2, 2000, 64>}, {transform_indices = @transform_1, window_bounds = array<i64: 2000, 64>}, {transform_indices = @transform_2, window_bounds = array<i64: 2000, 1>}, {pipeline_mode = #tpu.pipeline_mode<synchronous>, transform_indices = @transform_3, window_bounds = array<i64: 64, 256>}, {pipeline_mode = #tpu.pipeline_mode<synchronous>, transform_indices = @transform_4, window_bounds = array<i64: 1, 256>}, {pipeline_mode = #tpu.pipeline_mode<synchronous>, transform_indices = @transform_5, window_bounds = array<i64: 256, 128>}, {transform_indices = @transform_6, window_bounds = array<i64: 2000, 128>}]} {
    %get3A = arith.constant 0 : index
    %get3A_0 = arith.constant 0 : index
    %get3A_1 = vector.load %arg3[%get3A, %get3A_0] : memref<2000x1xf32, #tpu.memory_space<vmem>>, vector<2000x1xf32>
    %get3A_2 = arith.constant 0 : index
    %get3A_3 = arith.constant 0 : index
    %get3A_4 = arith.constant 0 : index
    %get3A_5 = vector.load %arg1[%get3A_2, %get3A_3, %get3A_4] : memref<2x2000x64xf32, #tpu.memory_space<vmem>>, vector<1x2000x64xf32>
    %get3A_6 = vector.shape_cast %get3A_5 : vector<1x2000x64xf32> to vector<2000x64xf32>
    %get3A_7 = arith.constant 1 : index
    %get3A_8 = arith.constant 0 : index
    %get3A_9 = arith.constant 0 : index
    %get3A_10 = vector.load %arg1[%get3A_7, %get3A_8, %get3A_9] : memref<2x2000x64xf32, #tpu.memory_space<vmem>>, vector<1x2000x64xf32>
    %get3A_11 = vector.shape_cast %get3A_10 : vector<1x2000x64xf32> to vector<2000x64xf32>
    %add3A = arith.addf %get3A_6, %get3A_11 : vector<2000x64xf32>
    %get3A_12 = arith.constant 0 : index
    %get3A_13 = arith.constant 0 : index
    %get3A_14 = vector.load %arg2[%get3A_12, %get3A_13] : memref<2000x64xf32, #tpu.memory_space<vmem>>, vector<2000x64xf32>
    %add3A_15 = arith.addf %add3A, %get3A_14 : vector<2000x64xf32>
    %mul3A = vector.broadcast %get3A_1 : vector<2000x1xf32> to vector<2000x64xf32>
    %mul3A_16 = arith.mulf %mul3A, %add3A_15 : vector<2000x64xf32>
    %get3A_17 = arith.constant 0 : index
    %get3A_18 = arith.constant 0 : index
    %get3A_19 = vector.load %arg4[%get3A_17, %get3A_18] : memref<64x256xf32, #tpu.memory_space<vmem>>, vector<64x256xf32>
    %dot_general3A = arith.constant dense<0.000000e+00> : vector<2000x256xf32>
    %dot_general3A_20 = tpu.matmul %mul3A_16, %get3A_19, %dot_general3A {dimension_numbers = #tpu.dot_dimension_numbers<[1], [0], [0], [1], [0, 0, 1, 1], [], []>, transpose_lhs_hint = false} : vector<2000x64xf32>, vector<64x256xf32>, vector<2000x256xf32> -> vector<2000x256xf32>
    %get3A_21 = arith.constant 0 : index
    %get3A_22 = arith.constant 0 : index
    %get3A_23 = vector.load %arg5[%get3A_21, %get3A_22] : memref<1x256xf32, #tpu.memory_space<vmem>>, vector<1x256xf32>
    %add3A_24 = vector.broadcast %get3A_23 : vector<1x256xf32> to vector<2000x256xf32>
    %add3A_25 = arith.addf %dot_general3A_20, %add3A_24 : vector<2000x256xf32>
    %max3A = arith.constant 0.000000e+00 : f32
    %max3A_26 = vector.broadcast %max3A : f32 to vector<2000x256xf32>
    %max3A_27 = arith.maximumf %add3A_25, %max3A_26 : vector<2000x256xf32>
    %get3A_28 = arith.constant 0 : index
    %get3A_29 = arith.constant 0 : index
    %get3A_30 = vector.load %arg6[%get3A_28, %get3A_29] : memref<256x128xf32, #tpu.memory_space<vmem>>, vector<256x128xf32>
    %dot_general3A_31 = arith.constant dense<0.000000e+00> : vector<2000x128xf32>
    %dot_general3A_32 = tpu.matmul %max3A_27, %get3A_30, %dot_general3A_31 {dimension_numbers = #tpu.dot_dimension_numbers<[1], [0], [0], [1], [0, 0, 1, 1], [], []>, transpose_lhs_hint = false} : vector<2000x256xf32>, vector<256x128xf32>, vector<2000x128xf32> -> vector<2000x128xf32>
    %mul3A_33 = vector.broadcast %get3A_1 : vector<2000x1xf32> to vector<2000x128xf32>
    %mul3A_34 = arith.mulf %mul3A_33, %dot_general3A_32 : vector<2000x128xf32>
    %swap3A = arith.constant 0 : index
    %swap3A_35 = arith.constant 0 : index
    %swap3A_36 = vector.load %arg7[%swap3A, %swap3A_35] : memref<2000x128xf32, #tpu.memory_space<vmem>>, vector<2000x128xf32>
    tpu.vector_store %arg7[%swap3A, %swap3A_35], %mul3A_34 {strides = array<i32>} : memref<2000x128xf32, #tpu.memory_space<vmem>>, vector<2000x128xf32>,
    return
  }
  func.func @transform_0(%arg0: i32) -> (i32, i32, i32) {
    %c0_i32 = arith.constant 0 : i32
    %c0_i32_0 = arith.constant 0 : i32
    %c0_i32_1 = arith.constant 0 : i32
    return %c0_i32, %arg0, %c0_i32_0 : i32, i32, i32
  }
  func.func @transform_1(%arg0: i32) -> (i32, i32) {
    %c0_i32 = arith.constant 0 : i32
    %c0_i32_0 = arith.constant 0 : i32
    return %arg0, %c0_i32 : i32, i32
  }
  func.func @transform_2(%arg0: i32) -> (i32, i32) {
    %c0_i32 = arith.constant 0 : i32
    %c0_i32_0 = arith.constant 0 : i32
    return %arg0, %c0_i32 : i32, i32
  }
  func.func @transform_3(%arg0: i32) -> (i32, i32) {
    %c0_i32 = arith.constant 0 : i32
    %c0_i32_0 = arith.constant 0 : i32
    %c0_i32_1 = arith.constant 0 : i32
    return %c0_i32, %c0_i32_0 : i32, i32
  }
  func.func @transform_4(%arg0: i32) -> (i32, i32) {
    %c0_i32 = arith.constant 0 : i32
    %c0_i32_0 = arith.constant 0 : i32
    %c0_i32_1 = arith.constant 0 : i32
    return %c0_i32, %c0_i32_0 : i32, i32
  }
  func.func @transform_5(%arg0: i32) -> (i32, i32) {
    %c0_i32 = arith.constant 0 : i32
    %c0_i32_0 = arith.constant 0 : i32
    %c0_i32_1 = arith.constant 0 : i32
    return %c0_i32, %c0_i32_0 : i32, i32
  }
  func.func @transform_6(%arg0: i32) -> (i32, i32) {
    %c0_i32 = arith.constant 0 : i32
    %c0_i32_0 = arith.constant 0 : i32
    return %arg0, %c0_i32 : i32, i32
  }
}

module attributes {stable_mosaic.version = 14 : i64} {
  func.func @_tc_final(%arg0: i32, %arg1: memref<2x2000x64xf32, #tpu.memory_space<vmem>>, %arg2: memref<2000x128xf32, #tpu.memory_space<vmem>>, %arg3: memref<2000x1xf32, #tpu.memory_space<vmem>>, %arg4: memref<1x128xf32, #tpu.memory_space<vmem>>, %arg5: memref<2000x128xf32, #tpu.memory_space<vmem>>) attributes {dimension_semantics = [#tpu.dimension_semantics<arbitrary>], iteration_bounds = array<i64: 5>, scalar_prefetch = 0 : i64, scratch_operands = 0 : i64, tpu.core_type = #tpu.core_type<tc>, window_params = [{transform_indices = @transform_0, window_bounds = array<i64: 2, 2000, 64>}, {transform_indices = @transform_1, window_bounds = array<i64: 2000, 128>}, {transform_indices = @transform_2, window_bounds = array<i64: 2000, 1>}, {pipeline_mode = #tpu.pipeline_mode<synchronous>, transform_indices = @transform_3, window_bounds = array<i64: 1, 128>}, {transform_indices = @transform_4, window_bounds = array<i64: 2000, 128>}]} {
    %get3A = arith.constant 0 : index
    %get3A_0 = arith.constant 0 : index
    %get3A_1 = vector.load %arg3[%get3A, %get3A_0] : memref<2000x1xf32, #tpu.memory_space<vmem>>, vector<2000x1xf32>
    %get3A_2 = arith.constant 0 : index
    %get3A_3 = arith.constant 0 : index
    %get3A_4 = arith.constant 0 : index
    %get3A_5 = vector.load %arg1[%get3A_2, %get3A_3, %get3A_4] : memref<2x2000x64xf32, #tpu.memory_space<vmem>>, vector<1x2000x64xf32>
    %get3A_6 = vector.shape_cast %get3A_5 : vector<1x2000x64xf32> to vector<2000x64xf32>
    %get3A_7 = arith.constant 1 : index
    %get3A_8 = arith.constant 0 : index
    %get3A_9 = arith.constant 0 : index
    %get3A_10 = vector.load %arg1[%get3A_7, %get3A_8, %get3A_9] : memref<2x2000x64xf32, #tpu.memory_space<vmem>>, vector<1x2000x64xf32>
    %get3A_11 = vector.shape_cast %get3A_10 : vector<1x2000x64xf32> to vector<2000x64xf32>
    %concatenate3A = tpu.concatenate %get3A_6, %get3A_11 in 1 : vector<2000x64xf32>, vector<2000x64xf32> -> vector<2000x128xf32>
    %get3A_12 = arith.constant 0 : index
    %get3A_13 = arith.constant 0 : index
    %get3A_14 = vector.load %arg2[%get3A_12, %get3A_13] : memref<2000x128xf32, #tpu.memory_space<vmem>>, vector<2000x128xf32>
    %add3A = arith.addf %concatenate3A, %get3A_14 : vector<2000x128xf32>
    %mul3A = vector.broadcast %get3A_1 : vector<2000x1xf32> to vector<2000x128xf32>
    %mul3A_15 = arith.mulf %mul3A, %add3A : vector<2000x128xf32>
    %get3A_16 = arith.constant 0 : index
    %get3A_17 = arith.constant 0 : index
    %get3A_18 = vector.load %arg4[%get3A_16, %get3A_17] : memref<1x128xf32, #tpu.memory_space<vmem>>, vector<1x128xf32>
    %add3A_19 = vector.broadcast %get3A_18 : vector<1x128xf32> to vector<2000x128xf32>
    %add3A_20 = arith.addf %mul3A_15, %add3A_19 : vector<2000x128xf32>
    %swap3A = arith.constant 0 : index
    %swap3A_21 = arith.constant 0 : index
    %swap3A_22 = vector.load %arg5[%swap3A, %swap3A_21] : memref<2000x128xf32, #tpu.memory_space<vmem>>, vector<2000x128xf32>
    tpu.vector_store %arg5[%swap3A, %swap3A_21], %add3A_20 {strides = array<i32>} : memref<2000x128xf32, #tpu.memory_space<vmem>>, vector<2000x128xf32>,
    return
  }
  func.func @transform_0(%arg0: i32) -> (i32, i32, i32) {
    %c0_i32 = arith.constant 0 : i32
    %c0_i32_0 = arith.constant 0 : i32
    %c0_i32_1 = arith.constant 0 : i32
    return %c0_i32, %arg0, %c0_i32_0 : i32, i32, i32
  }
  func.func @transform_1(%arg0: i32) -> (i32, i32) {
    %c0_i32 = arith.constant 0 : i32
    %c0_i32_0 = arith.constant 0 : i32
    return %arg0, %c0_i32 : i32, i32
  }
  func.func @transform_2(%arg0: i32) -> (i32, i32) {
    %c0_i32 = arith.constant 0 : i32
    %c0_i32_0 = arith.constant 0 : i32
    return %arg0, %c0_i32 : i32, i32
  }
  func.func @transform_3(%arg0: i32) -> (i32, i32) {
    %c0_i32 = arith.constant 0 : i32
    %c0_i32_0 = arith.constant 0 : i32
    %c0_i32_1 = arith.constant 0 : i32
    return %c0_i32, %c0_i32_0 : i32, i32
  }
  func.func @transform_4(%arg0: i32) -> (i32, i32) {
    %c0_i32 = arith.constant 0 : i32
    %c0_i32_0 = arith.constant 0 : i32
    return %arg0, %c0_i32 : i32, i32
  }
}

</mosaic_0001>

<sc_bundles>
// kernel: kernel.12.cloned.1.call-start
scs
__scs_entry_jumppad:
0x0: {  	(pc) =	sbr.rel $0x88, $3  }
0x1: {  	(tag) =	ssettag $0x0;
	lr =	simm.s32 $0x1  }
0x2: {  	[smem:$0x3F97] =	sst lr;
	_ =	strace $0xD0000000  }
0x3: {  	_ = 	snop  }
0x4: {  	_ = 	snop  }
0x5: {  	_ = 	snop  }
0x6: {  	_ = 	snop  }
0x7: {  	_ = 	snop  }
__scs_overlays_trampoline_lowered:
0x8: {  	[smem:$0x3FA6] =	sst s0  }
0x9: {  	[smem:$0x3FA7] =	sst s1  }
0xa: {  	[smem:$0x3FA8] =	sst s2  }
0xb: {  	[smem:$0x3FA9] =	sst s3  }
0xc: {  	[smem:$0x3FAA] =	sst s4  }
0xd: {  	[smem:$0x3FAB] =	sst s5  }
0xe: {  	[smem:$0x3FAC] =	sst s6  }
0xf: {  	[smem:$0x3FAD] =	sst s7  }
0x10: {  	[smem:$0x3FAE] =	sst s8  }
0x11: {  	[smem:$0x3FAF] =	sst s9;
	s0 =	simm.s32 @!p0 $0x0  }
0x12: {  	s1 =	sld [smem:$0x3F95];
	s0 =	simm.s32 @p0 $0x1  }
0x13: {  	[smem:$0x3FB0] =	sst s0;
	s0 =	simm.s32 @!p1 $0x0  }
0x14: {  	s2 =	sld [smem:$0x3F94];
	s0 =	simm.s32 @p1 $0x1  }
0x15: {  	[smem:$0x3FB1] =	sst s0;
	s0 =	simm.s32 @!p2 $0x0  }
0x16: {  	s3 =	sld [smem:$0x3FDB];
	s0 =	simm.s32 @p2 $0x1  }
0x17: {  	s4 =	simm.s32 $0x1BF5;
	[smem:$0x3FB3] =	sst s0  }
0x18: {  	s0 =	sld [smem:$0x3F96];
	_ =	swait.ge [sflag:s4], $0x0  }
0x19: {  	s7 =	sld [smem:$0x3F97]  }
0x1a: {  	s8 =	sadd.s32 $0xFFFFE003, lr  }
0x1b: {  	s9 =	sadd.s32 $0xFFFFFEF7, lr;
	s5 =	simm.s32 $0xFFFFFFFF;
	p2 =	slt.u32 s8, $0xFFFFF086  }
0x1c: {  	p1 =	slt.u32 s9, $0xF7A;
	s5 =	simm.s32 @!p2 $0x0  }
0x1d: {  	s5 =	simm.s32 @p1 $0x1;
	p0 =	seq.s32 s7, s2  }
0x1e: {  	s7 =	smul.u32 @!p0 $0xF7A, s2;
	p2 =	seq.s32 @!p0 s5, $0x0  }
0x1f: {  	s9 =	smul.u32 $0xF7A, s1;
	s8 =	simm.s32 @!p0 $0x1BF5;
	p2 =	por !p2, p0  }
0x20: {  	[sflag:s8] =	ssyncset.s32 @!p0 $0xFFFFF086;
	s6 =	sadd.s32 @!p0 s3, s7;
	s7 =	simm.s32 @!p0 $0x108  }
0x21: {  	s3 =	sadd.s32 s3, s9;
	s6 =	sadd.s32 @!p0 $0x88, s6;
	s7 =	simm.s32 @p2 $0x1082  }
0x22: {  	[simem:s7], [sflag:s8] =	dma.local @!p0 [hbm:s6], $0xF7A  }
0x23: {  	s9 =	sor.u32 $0xD0000000, s2;
	s6 =	simm.s32 $0x108;
	_ =	swait.ge @!p0 [sflag:s8], $0x0  }
0x24: {  	s3 =	sadd.s32 $0x88, s3;
	s6 =	simm.s32 @!p1 $0x1082;
	[sflag:s4] =	ssyncset.s32 $0xFFFFF086  }
0x25: {  	[simem:s6], [sflag:s4] =	dma.local [hbm:s3], $0xF7A  }
0x26: {  	[smem:$0x3F97] =	sst s1;
	(tag) =	ssettag s2;
	_ =	strace s9  }
0x27: {  	s1 =	sld [smem:$0x3FA7]  }
0x28: {  	s2 =	sld [smem:$0x3FA8]  }
0x29: {  	s4 =	sld [smem:$0x3FAA]  }
0x2a: {  	p0 =	seq.s32 s5, $0x0;
	s5 =	sld [smem:$0x3FAB]  }
0x2b: {  	s6 =	sld [smem:$0x3FAC]  }
0x2c: {  	s7 =	sld [smem:$0x3FAD]  }
0x2d: {  	s3 =	simm.s32 $0x108;
	s8 =	sld [smem:$0x3FAE]  }
0x2e: {  	s3 =	simm.s32 @!p0 $0x1082;
	s9 =	sld [smem:$0x3FAF]  }
0x2f: {  	lr =	sadd.s32 s0, s3;
	s0 =	sld [smem:$0x3FA6]  }
0x30: {  	s3 =	sld [smem:$0x3FA9]  }
0x31: {  	[smem:$0x3FB2] =	sst s10  }
0x32: {  	s10 =	sld [smem:$0x3FB0];
	_ =	sdelay $0x3  }
0x33: {  	p0 =	seq.s32 s10, $0x1;
	s10 =	sld [smem:$0x3FB2];
	_ =	sdelay $0x3  }
0x34: {  	[smem:$0x3FB2] =	sst s10  }
0x35: {  	s10 =	sld [smem:$0x3FB1];
	_ =	sdelay $0x3  }
0x36: {  	p1 =	seq.s32 s10, $0x1;
	s10 =	sld [smem:$0x3FB2];
	_ =	sdelay $0x3  }
0x37: {  	[smem:$0x3FB2] =	sst s10  }
0x38: {  	s10 =	sld [smem:$0x3FB3]  }
0x39: {  	_ = 	snop;
	(pc) =	sbr.ind lr, $3  }
0x3a: {  	_ = 	snop  }
0x3b: {  	_ = 	snop  }
0x3c: {  	p2 =	seq.s32 s10, $0x1;
	s10 =	sld [smem:$0x3FB2]  }
0x3d: {  	_ =	shalt  }
0x3e: {  	_ =	shalt  }
0x3f: {  	_ =	shalt  }
0x40: {  	_ =	shalt  }
0x41: {  	_ =	shalt  }
0x42: {  	_ =	shalt  }
0x43: {  	_ =	shalt  }
0x44: {  	_ =	shalt  }
0x45: {  	_ =	shalt  }
0x46: {  	_ =	shalt  }
0x47: {  	_ =	shalt  }
0x48: {  	_ =	shalt  }
0x49: {  	_ =	shalt  }
0x4a: {  	_ =	shalt  }
0x4b: {  	_ =	shalt  }
0x4c: {  	_ =	shalt  }
0x4d: {  	_ =	shalt  }
0x4e: {  	_ =	shalt  }
0x4f: {  	_ =	shalt  }
0x50: {  	_ =	shalt  }
0x51: {  	_ =	shalt  }
0x52: {  	_ =	shalt  }
0x53: {  	_ =	shalt  }
0x54: {  	_ =	shalt  }
0x55: {  	_ =	shalt  }
0x56: {  	_ =	shalt  }
0x57: {  	_ =	shalt  }
0x58: {  	_ =	shalt  }
0x59: {  	_ =	shalt  }
0x5a: {  	_ =	shalt  }
0x5b: {  	_ =	shalt  }
0x5c: {  	_ =	shalt  }
0x5d: {  	_ =	shalt  }
0x5e: {  	_ =	shalt  }
0x5f: {  	_ =	shalt  }
0x60: {  	_ =	shalt  }
0x61: {  	_ =	shalt  }
0x62: {  	_ =	shalt  }
0x63: {  	_ =	shalt  }
0x64: {  	_ =	shalt  }
0x65: {  	_ =	shalt  }
0x66: {  	_ =	shalt  }
0x67: {  	_ =	shalt  }
0x68: {  	_ =	shalt  }
0x69: {  	_ =	shalt  }
0x6a: {  	_ =	shalt  }
0x6b: {  	_ =	shalt  }
0x6c: {  	_ =	shalt  }
0x6d: {  	_ =	shalt  }
0x6e: {  	_ =	shalt  }
0x6f: {  	_ =	shalt  }
0x70: {  	_ =	shalt  }
0x71: {  	_ =	shalt  }
0x72: {  	_ =	shalt  }
0x73: {  	_ =	shalt  }
0x74: {  	_ =	shalt  }
0x75: {  	_ =	shalt  }
0x76: {  	_ =	shalt  }
0x77: {  	_ =	shalt  }
0x78: {  	_ =	shalt  }
0x79: {  	_ =	shalt  }
0x7a: {  	_ =	shalt  }
0x7b: {  	_ =	shalt  }
0x7c: {  	_ =	shalt  }
0x7d: {  	_ =	shalt  }
0x7e: {  	_ =	shalt  }
0x7f: {  	_ =	shalt  }
0x80: {  	_ =	shalt  }
0x81: {  	_ =	shalt  }
0x82: {  	_ =	shalt  }
0x83: {  	_ =	shalt  }
0x84: {  	_ =	shalt  }
0x85: {  	_ =	shalt  }
0x86: {  	_ =	shalt  }
0x87: {  	_ =	shalt  }
.Lfunc_end0:
.L_simem_size_0:
called_computation_lowered:
.L_overlay_start_0:
0x88: {  	s2 =	sld [smem:$0x3FD9]  }
0x89: {  	s3 =	sld [smem:$0x3FFE];
	_ =	sdelay $0x1  }
0x8a: {  	s1 =	srdreg.scid  }
0x8b: {  	s0 =	sand.u32 $0x1, s1  }
0x8c: {  	s17 =	sshll.u32 s0, $0xA;
	s2 =	sadd.s32 s3, s2  }
0x8d: {  	s2 =	sadd.s32 s2, s17  }
0x8e: {  	[smem:$0x3FBE] =	sst s2  }
0x8f: {  	_ = 	snop  }
0x90: {  	s2 =	sld [smem:$0x3FD0];
	(tm) =	ssettm $0x1  }
0x91: {  	s18 =	sld [smem:$0x3FFB];
	_ =	sdelay $0x3  }
0x92: {  	_ =	strace s18  }
0x93: {  	s3 =	sld [smem:$0x3FFC];
	_ =	sdelay $0x3  }
0x94: {  	_ =	strace s3  }
0x95: {  	s3 =	sld [smem:$0x3FFD];
	_ =	sdelay $0x3  }
0x96: {  	_ =	strace s3  }
0x97: {  	_ =	strace $0x8FFFFFFF  }
0x98: {  	s19 =	sld [smem:$0x3FDB];
	_ =	sdelay $0x1  }
0x99: {  	s4 =	simm.s32 $_scs_section_size  }
0x9a: {  	s5 =	simm.s32 $_size__tile_overlayer_lowered;
	s6 =	simm.s32 $_tile_overlayer_lowered  }
0x9b: {  	s22 =	simm.s32 $0x1BFF;
	s21 =	sshll.u32 s6, $0x1;
	s3 =	sadd.s32 s4, s19  }
0x9c: {  	s7 =	simm.s32 $0x0;
	s20 =	sshll.u32 s5, $0x1;
	s5 =	sadd.s32 s21, s3  }
0x9d: {  	[timem:s7], [sflag:s22] =	dma.local [hbm:s5], s20  }
0x9e: {  	_ =	swait.ge [sflag:s22], s20  }
0x9f: {  	s4 =	ssub.s32 $0x0, s20;
	[sflag:s22] =	ssyncset.done $0x0  }
0xa0: {  	[sflag:s22] =	ssyncadd.s32 s4;
	_ =	sdelay $0x1  }
0xa1: {  	s23 =	simm.s32 $0x1B8B  }
0xa2: {  	_ =	swait.ge [sflag:s23], $0x1  }
0xa3: {  	[sflag:s23] =	ssyncset.done $0x0  }
0xa4: {  	s25 =	simm.s32 $0x1B8E;
	s24 =	sld [smem:$0x3FFE];
	[sflag:s23] =	ssyncadd.s32 $0xFFFFFFFF  }
0xa5: {  	s26 =	simm.s32 $execute0_lowered;
	[smem:$0x3FD2] =	sst s25  }
0xa6: {  	s5 =	sshll.u32 s26, $0x1;
	_ =	strace $0x80000046;
	[dreg:$0x1] =	wrdreg $0xFFFFFFFF  }
0xa7: {  	s28 =	simm.s32 $_size_execute0_lowered;
	s3 =	sadd.s32 s3, s5;
	[dreg:$0x0] =	wrdreg $0x0  }
0xa8: {  	s5 =	sshll.u32 s28, $0x1;
	[dreg:$0x2] =	wrdreg s3  }
0xa9: {  	[dreg:$0x3] =	wrdreg s5  }
0xaa: {  	[dreg:$0x4] =	wrdreg $0xC0  }
0xab: {  	_ =	task [dreg:s7], $0x5FFFF  }
0xac: {  	[dreg:$0x1] =	wrdreg $0xFFFFFFFF  }
0xad: {  	[dreg:$0x0] =	wrdreg $0x60  }
0xae: {  	[dreg:$0x2] =	wrdreg s24  }
0xaf: {  	[dreg:$0x3] =	wrdreg s2  }
0xb0: {  	[dreg:$0x4] =	wrdreg $0x28800  }
0xb1: {  	[dreg:$0x5] =	wrdreg $0x9  }
0xb2: {  	_ =	task.clear_ibuf [dreg:s7], $0x6FFFF;
	_ =	strace $0x90000046  }
0xb3: {  	s29 =	simm.s32 $0x9;
	_ =	strace $0x80000048  }
0xb4: {  	_ =	swait.ge [sflag:s29], $0x1  }
0xb5: {  	[sflag:s29] =	ssyncadd.s32 $0xFFFFFFFF  }
0xb6: {  	_ =	strace $0x90000048  }
0xb7: {  	_ =	sfence  }
0xb8: {  	s30 =	sld [smem:$0x0];
	_ =	sdelay $0x2  }
0xb9: {  	s31 =	sshll.u32 s1, $0xD;
	s1 =	sshrl.u32 s1, $0x2  }
0xba: {  	s3 =	sand.u32 $0x4000, s31;
	s1 =	sadd.s32 s1, s30  }
0xbb: {  	s0 =	sor.u32 s3, s0;
	s1 =	sshll.u32 s1, $0x11  }
0xbc: {  	s0 =	sor.u32 s1, s0  }
0xbd: {  	s0 =	sadd.s32 $0x8F2B, s0  }
0xbe: {  	[sflag:s0] =	ssyncadd.remote.s32 $0x1  }
0xbf: {  	_ =	sfence.sel $0xFFFF  }
0xc0: {  	[dreg:$0x0] =	wrdreg $0xFFFFFFFF;
	(pc) =	sbr.abs _section_cstart, $3  }
0xc1: {  	[dreg:$0x1] =	wrdreg $0xFFFFFFFF  }
0xc2: {  	_ =	task.clear_ibuf [dreg:s7], $0x2FFFF;
	_ =	strace $0x9FFFFFFF  }
0xc3: {  	(tm) =	ssettm $0x7FFFFFFF  }
tec
execute0_lowered:
.L_overlay_start_1:
0x0: {  	(tag) =	ssettag $0x1  }
0x1: {  	s4 =	rddreg [dreg:$0x0]  }
0x2: {  	s0 =	srdreg.scid;
	s10 =	rddreg [dreg:$0x1]  }
0x3: {  	s2 =	rddreg [dreg:$0x2];
	s1 =	stileid.u32;
	s3 =	simm.s32 $0x0  }
0x4: {  	s13 =	simm.s32 $0x3;
	s14 =	simm.s32 $0x2;
	s15 =	simm.s32 $0x80  }
0x5: {  	s16 =	simm.s32 $0x1;
	s5 =	sand.u32 $0x1, s0;
	s0 =	rddreg [dreg:$0x3]  }
0x6: {  	s19 =	simm.s32 $0x0;
	[smem:$0x7FF] =	sst s3;
	s8 =	smul.u32 $0x280, s1  }
0x7: {  	s17 =	sshll.u32 s1, $0x6;
	s6 =	sshll.u32 s5, $0x4;
	s11 =	smul.u32 $0x2800, s5  }
0x8: {  	_ =	strace $0x80000047;
	s7 =	ssub.s32 $0x2, s5;
	s6 =	sor.u32 s1, s6  }
0x9: {  	s9 =	sshrl.u32 s7, $0x1;
	s6 =	smul.u32 $0x2800, s6;
	s31 =	sadd.s32 s8, s11  }
0xa: {  	s17 =	sor.u32 $0x1C03, s17;
	s12 =	ssub.s32 s7, s9;
	s11 =	sshrl.u32 s31, $0x3  }
0xb: {  	s6 =	sshrl.u32 s6, $0x3;
	s10 =	sadd.s32 s10, s11;
	s11 =	smax.u32 s12, $0x1  }
0xc: {  	s12 =	simm.s32 $0x2800;
	s30 =	sadd.s32 s4, s6;
	s4 =	sadd.s32 s8, s2  }
0xd: {  	s5 =	sadd.s32 $0x21200, s30;
	s6 =	sadd.s32 $0x80, s4;
	s7 =	sadd.s32 $0x100, s4  }
0xe: {  	v0 =	vimm.f32 $0.0e+00;
	v1 =	vimm.f32 $1.000000000e+00;
	s8 =	sadd.s32 $0x180, s4;
	s9 =	sadd.s32 $0x200, s4;
	s18 =	sshrl.u32 s4, $0x3  }
.LBB2_1:
0xf: {  	[tilespmem:s3], [sflag:$0x2] =	stream.linear.gather [hbm4b:s5+s3], $0x2800, $0x38;
	[tilespmem:$0x2B00] =	vst v63  }
0x10: {  	[tilespmem:$0x2800] =	vst v0  }
0x11: {  	[tilespmem:$0x2810] =	vst v0  }
0x12: {  	[tilespmem:$0x2820] =	vst v0  }
0x13: {  	[tilespmem:$0x2830] =	vst v0  }
0x14: {  	[tilespmem:$0x2840] =	vst v0  }
0x15: {  	[tilespmem:$0x2850] =	vst v0  }
0x16: {  	[tilespmem:$0x2860] =	vst v0  }
0x17: {  	[tilespmem:$0x2870] =	vst v0  }
0x18: {  	[spmem:s4] =	stream.linear.scatter [tilespmem:s12], [sflag:$0x3], $0x80, $0x38;
	[tilespmem:$0x2B00] =	vst v63  }
0x19: {  	_ =	swait.ge [sflag:s13], $0x80  }
0x1a: {  	[sflag:s13] =	ssyncset.done $0x0  }
0x1b: {  	[sflag:s13] =	ssyncadd.s32 $0xFFFFFF80  }
0x1c: {  	[spmem:s6] =	stream.linear.scatter [tilespmem:s12], [sflag:$0x3], $0x80, $0x38;
	[tilespmem:$0x2B00] =	vst v63  }
0x1d: {  	_ =	swait.ge [sflag:s13], $0x80  }
0x1e: {  	[sflag:s13] =	ssyncset.done $0x0  }
0x1f: {  	[sflag:s13] =	ssyncadd.s32 $0xFFFFFF80  }
0x20: {  	[spmem:s7] =	stream.linear.scatter [tilespmem:s12], [sflag:$0x3], $0x80, $0x38;
	[tilespmem:$0x2B00] =	vst v63  }
0x21: {  	_ =	swait.ge [sflag:s13], $0x80  }
0x22: {  	[sflag:s13] =	ssyncset.done $0x0  }
0x23: {  	[sflag:s13] =	ssyncadd.s32 $0xFFFFFF80  }
0x24: {  	[spmem:s8] =	stream.linear.scatter [tilespmem:s12], [sflag:$0x3], $0x80, $0x38;
	[tilespmem:$0x2B00] =	vst v63  }
0x25: {  	_ =	swait.ge [sflag:s13], $0x80  }
0x26: {  	[sflag:s13] =	ssyncset.done $0x0  }
0x27: {  	[sflag:s13] =	ssyncadd.s32 $0xFFFFFF80  }
0x28: {  	[spmem:s9] =	stream.linear.scatter [tilespmem:s12], [sflag:$0x3], $0x80, $0x38;
	[tilespmem:$0x2B00] =	vst v63  }
0x29: {  	_ =	swait.ge [sflag:s13], $0x80  }
0x2a: {  	[sflag:s13] =	ssyncset.done $0x0  }
0x2b: {  	[sflag:s13] =	ssyncadd.s32 $0xFFFFFF80  }
0x2c: {  	[tilespmem:$0x2800] =	vst v1  }
0x2d: {  	[tilespmem:$0x2810] =	vst v1  }
0x2e: {  	[tilespmem:$0x2820] =	vst v1  }
0x2f: {  	[tilespmem:$0x2830] =	vst v1  }
0x30: {  	[tilespmem:$0x2840] =	vst v1  }
0x31: {  	[tilespmem:$0x2850] =	vst v1  }
0x32: {  	[tilespmem:$0x2860] =	vst v1  }
0x33: {  	[tilespmem:$0x2870] =	vst v1  }
0x34: {  	[bflag:$0x0] =	sbarrier.arrive $0xFFFF  }
0x35: {  	_ =	swait.ge [sflag:s14], $0x2800  }
0x36: {  	[sflag:s14] =	ssyncset.done $0x0  }
0x37: {  	s20 =	simm.s32 $0x0;
	[sflag:s14] =	ssyncadd.s32 $0xFFFFD800  }
0x38: {  	[spmem:s2] =	stream.indirect.scatter.add.f32 [tilespmem:s12], [sflag:$0x1], $0x1, s20, s15, $0xb8;
	[tilespmem:$0x2B00] =	vst v63  }
0x39: {  	s24 =	simm.s32 $0x80  }
0x3a: {  	[spmem:s2] =	stream.indirect.scatter.add.f32 [tilespmem:s12], [sflag:$0x1], $0x1, s24, s15, $0xb8;
	[tilespmem:$0x2B00] =	vst v63  }
0x3b: {  	s25 =	simm.s32 $0x100  }
0x3c: {  	[spmem:s2] =	stream.indirect.scatter.add.f32 [tilespmem:s12], [sflag:$0x1], $0x1, s25, s15, $0xb8;
	[tilespmem:$0x2B00] =	vst v63  }
0x3d: {  	s26 =	simm.s32 $0x180  }
0x3e: {  	[spmem:s2] =	stream.indirect.scatter.add.f32 [tilespmem:s12], [sflag:$0x1], $0x1, s26, s15, $0xb8;
	[tilespmem:$0x2B00] =	vst v63  }
0x3f: {  	s28 =	simm.s32 $0x200  }
0x40: {  	[spmem:s2] =	stream.indirect.scatter.add.f32 [tilespmem:s12], [sflag:$0x1], $0x1, s28, s15, $0xb8;
	[tilespmem:$0x2B00] =	vst v63  }
0x41: {  	s29 =	simm.s32 $0x280  }
0x42: {  	[spmem:s2] =	stream.indirect.scatter.add.f32 [tilespmem:s12], [sflag:$0x1], $0x1, s29, s15, $0xb8;
	[tilespmem:$0x2B00] =	vst v63  }
0x43: {  	s30 =	simm.s32 $0x300  }
0x44: {  	[spmem:s2] =	stream.indirect.scatter.add.f32 [tilespmem:s12], [sflag:$0x1], $0x1, s30, s15, $0xb8;
	[tilespmem:$0x2B00] =	vst v63  }
0x45: {  	s31 =	simm.s32 $0x380  }
0x46: {  	[spmem:s2] =	stream.indirect.scatter.add.f32 [tilespmem:s12], [sflag:$0x1], $0x1, s31, s15, $0xb8;
	[tilespmem:$0x2B00] =	vst v63  }
0x47: {  	_ =	swait.ge [sflag:s16], $0x80  }
0x48: {  	[sflag:s16] =	ssyncset.done $0x0  }
0x49: {  	[sflag:s16] =	ssyncadd.s32 $0xFFFFFF80  }
0x4a: {  	_ =	swait.ge [sflag:s16], $0x80  }
0x4b: {  	[sflag:s16] =	ssyncset.done $0x0  }
0x4c: {  	[sflag:s16] =	ssyncadd.s32 $0xFFFFFF80  }
0x4d: {  	_ =	swait.ge [sflag:s16], $0x80  }
0x4e: {  	[sflag:s16] =	ssyncset.done $0x0  }
0x4f: {  	[sflag:s16] =	ssyncadd.s32 $0xFFFFFF80  }
0x50: {  	_ =	swait.ge [sflag:s16], $0x80  }
0x51: {  	[sflag:s16] =	ssyncset.done $0x0  }
0x52: {  	[sflag:s16] =	ssyncadd.s32 $0xFFFFFF80  }
0x53: {  	_ =	swait.ge [sflag:s16], $0x80  }
0x54: {  	[sflag:s16] =	ssyncset.done $0x0  }
0x55: {  	[sflag:s16] =	ssyncadd.s32 $0xFFFFFF80  }
0x56: {  	_ =	swait.ge [sflag:s16], $0x80  }
0x57: {  	[sflag:s16] =	ssyncset.done $0x0  }
0x58: {  	[sflag:s16] =	ssyncadd.s32 $0xFFFFFF80  }
0x59: {  	_ =	swait.ge [sflag:s16], $0x80  }
0x5a: {  	[sflag:s16] =	ssyncset.done $0x0  }
0x5b: {  	[sflag:s16] =	ssyncadd.s32 $0xFFFFFF80  }
0x5c: {  	_ =	swait.ge [sflag:s16], $0x80  }
0x5d: {  	s22 =	simm.s32 $0x2000;
	s20 =	simm.s32 $0x1000;
	[sflag:s16] =	ssyncset.done $0x0  }
.LBB2_2:
0x5e: {  	s23 =	sshra.s32 s20, $0x2  }
0x5f: {  	[sflag:s16] =	ssyncadd.s32 $0xFFFFFF80;
	s20 =	smov.u32 s22;
	s21 =	sadd.s32 $0x1000, s22  }
0x60: {  	[spmem:s2] =	stream.indirect.scatter.add.f32 [tilespmem:s12], [sflag:$0x1], $0x1, s23, s15, $0xb8;
	[tilespmem:$0x2B00] =	vst v63  }
0x61: {  	p0 =	sne.s32 s22, $0x9000;
	s22 =	sadd.s32 $0x80, s23  }
0x62: {  	[spmem:s2] =	stream.indirect.scatter.add.f32 [tilespmem:s12], [sflag:$0x1], $0x1, s22, s15, $0xb8;
	[tilespmem:$0x2B00] =	vst v63  }
0x63: {  	s22 =	sadd.s32 $0x100, s23  }
0x64: {  	[spmem:s2] =	stream.indirect.scatter.add.f32 [tilespmem:s12], [sflag:$0x1], $0x1, s22, s15, $0xb8;
	[tilespmem:$0x2B00] =	vst v63  }
0x65: {  	s22 =	sadd.s32 $0x180, s23  }
0x66: {  	[spmem:s2] =	stream.indirect.scatter.add.f32 [tilespmem:s12], [sflag:$0x1], $0x1, s22, s15, $0xb8;
	[tilespmem:$0x2B00] =	vst v63  }
0x67: {  	s22 =	sadd.s32 $0x200, s23  }
0x68: {  	[spmem:s2] =	stream.indirect.scatter.add.f32 [tilespmem:s12], [sflag:$0x1], $0x1, s22, s15, $0xb8;
	[tilespmem:$0x2B00] =	vst v63  }
0x69: {  	s22 =	sadd.s32 $0x280, s23  }
0x6a: {  	[spmem:s2] =	stream.indirect.scatter.add.f32 [tilespmem:s12], [sflag:$0x1], $0x1, s22, s15, $0xb8;
	[tilespmem:$0x2B00] =	vst v63  }
0x6b: {  	s22 =	sadd.s32 $0x300, s23  }
0x6c: {  	[spmem:s2] =	stream.indirect.scatter.add.f32 [tilespmem:s12], [sflag:$0x1], $0x1, s22, s15, $0xb8;
	[tilespmem:$0x2B00] =	vst v63  }
0x6d: {  	s22 =	sadd.s32 $0x380, s23  }
0x6e: {  	[spmem:s2] =	stream.indirect.scatter.add.f32 [tilespmem:s12], [sflag:$0x1], $0x1, s22, s15, $0xb8;
	[tilespmem:$0x2B00] =	vst v63  }
0x6f: {  	_ =	swait.ge [sflag:s16], $0x80  }
0x70: {  	[sflag:s16] =	ssyncset.done $0x0  }
0x71: {  	[sflag:s16] =	ssyncadd.s32 $0xFFFFFF80  }
0x72: {  	_ =	swait.ge [sflag:s16], $0x80  }
0x73: {  	[sflag:s16] =	ssyncset.done $0x0  }
0x74: {  	[sflag:s16] =	ssyncadd.s32 $0xFFFFFF80  }
0x75: {  	_ =	swait.ge [sflag:s16], $0x80  }
0x76: {  	[sflag:s16] =	ssyncset.done $0x0  }
0x77: {  	[sflag:s16] =	ssyncadd.s32 $0xFFFFFF80  }
0x78: {  	_ =	swait.ge [sflag:s16], $0x80  }
0x79: {  	[sflag:s16] =	ssyncset.done $0x0  }
0x7a: {  	[sflag:s16] =	ssyncadd.s32 $0xFFFFFF80  }
0x7b: {  	_ =	swait.ge [sflag:s16], $0x80  }
0x7c: {  	[sflag:s16] =	ssyncset.done $0x0  }
0x7d: {  	[sflag:s16] =	ssyncadd.s32 $0xFFFFFF80  }
0x7e: {  	_ =	swait.ge [sflag:s16], $0x80  }
0x7f: {  	[sflag:s16] =	ssyncset.done $0x0  }
0x80: {  	[sflag:s16] =	ssyncadd.s32 $0xFFFFFF80  }
.Ltmp0:
0x81: {  	_ =	swait.ge [sflag:s16], $0x80;
	(pc) =	sbr.rel @p0 .LBB2_2-.Ltmp0, $4  }
0x82: {  	[sflag:s16] =	ssyncset.done $0x0  }
0x83: {  	[sflag:s16] =	ssyncadd.s32 $0xFFFFFF80  }
0x84: {  	_ =	swait.ge [sflag:s16], $0x80  }
0x85: {  	s22 =	smov.u32 s21;
	[sflag:s16] =	ssyncset.done $0x0  }
0x86: {  	s20 =	sshra.s32 s20, $0x2;
	[sflag:s16] =	ssyncadd.s32 $0xFFFFFF80  }
0x87: {  	[spmem:s2] =	stream.indirect.scatter.add.f32 [tilespmem:s12], [sflag:$0x1], $0x1, s20, s15, $0xb8;
	[tilespmem:$0x2B00] =	vst v63  }
0x88: {  	s21 =	sadd.s32 $0x80, s20  }
0x89: {  	[spmem:s2] =	stream.indirect.scatter.add.f32 [tilespmem:s12], [sflag:$0x1], $0x1, s21, s15, $0xb8;
	[tilespmem:$0x2B00] =	vst v63  }
0x8a: {  	s26 =	sadd.s32 $0x100, s20  }
0x8b: {  	[spmem:s2] =	stream.indirect.scatter.add.f32 [tilespmem:s12], [sflag:$0x1], $0x1, s26, s15, $0xb8;
	[tilespmem:$0x2B00] =	vst v63  }
0x8c: {  	s28 =	sadd.s32 $0x180, s20  }
0x8d: {  	[spmem:s2] =	stream.indirect.scatter.add.f32 [tilespmem:s12], [sflag:$0x1], $0x1, s28, s15, $0xb8;
	[tilespmem:$0x2B00] =	vst v63  }
0x8e: {  	s29 =	sadd.s32 $0x200, s20  }
0x8f: {  	[spmem:s2] =	stream.indirect.scatter.add.f32 [tilespmem:s12], [sflag:$0x1], $0x1, s29, s15, $0xb8;
	[tilespmem:$0x2B00] =	vst v63  }
0x90: {  	s30 =	sadd.s32 $0x280, s20  }
0x91: {  	[spmem:s2] =	stream.indirect.scatter.add.f32 [tilespmem:s12], [sflag:$0x1], $0x1, s30, s15, $0xb8;
	[tilespmem:$0x2B00] =	vst v63  }
0x92: {  	s31 =	sadd.s32 $0x300, s20  }
0x93: {  	[spmem:s2] =	stream.indirect.scatter.add.f32 [tilespmem:s12], [sflag:$0x1], $0x1, s31, s15, $0xb8;
	[tilespmem:$0x2B00] =	vst v63  }
0x94: {  	s20 =	sadd.s32 $0x380, s20  }
0x95: {  	[spmem:s2] =	stream.indirect.scatter.add.f32 [tilespmem:s12], [sflag:$0x1], $0x1, s20, s15, $0xb8;
	[tilespmem:$0x2B00] =	vst v63  }
0x96: {  	_ =	swait.ge [sflag:s16], $0x80  }
0x97: {  	[sflag:s16] =	ssyncset.done $0x0  }
0x98: {  	[sflag:s16] =	ssyncadd.s32 $0xFFFFFF80  }
0x99: {  	_ =	swait.ge [sflag:s16], $0x80  }
0x9a: {  	[sflag:s16] =	ssyncset.done $0x0  }
0x9b: {  	[sflag:s16] =	ssyncadd.s32 $0xFFFFFF80  }
0x9c: {  	_ =	swait.ge [sflag:s16], $0x80  }
0x9d: {  	[sflag:s16] =	ssyncset.done $0x0  }
0x9e: {  	[sflag:s16] =	ssyncadd.s32 $0xFFFFFF80  }
0x9f: {  	_ =	swait.ge [sflag:s16], $0x80  }
0xa0: {  	[sflag:s16] =	ssyncset.done $0x0  }
0xa1: {  	[sflag:s16] =	ssyncadd.s32 $0xFFFFFF80  }
0xa2: {  	_ =	swait.ge [sflag:s16], $0x80  }
0xa3: {  	[sflag:s16] =	ssyncset.done $0x0  }
0xa4: {  	[sflag:s16] =	ssyncadd.s32 $0xFFFFFF80  }
0xa5: {  	_ =	swait.ge [sflag:s16], $0x80  }
0xa6: {  	[sflag:s16] =	ssyncset.done $0x0  }
0xa7: {  	[sflag:s16] =	ssyncadd.s32 $0xFFFFFF80  }
0xa8: {  	_ =	swait.ge [sflag:s16], $0x80  }
0xa9: {  	[sflag:s16] =	ssyncset.done $0x0  }
0xaa: {  	[sflag:s16] =	ssyncadd.s32 $0xFFFFFF80  }
0xab: {  	_ =	swait.ge [sflag:s16], $0x80  }
0xac: {  	s19 =	sadd.s32 $0x1, s19;
	[sflag:s16] =	ssyncset.done $0x0  }
0xad: {  	p0 =	sne.s32 s19, s11;
	[sflag:s16] =	ssyncadd.s32 $0xFFFFFF80  }
.Ltmp1:
0xae: {  	[bflag:$0x0] =	sbarrier.arrive $0xFFFF;
	(pc) =	sbr.rel @p0 .LBB2_1-.Ltmp1, $4  }
0xaf: {  	[hbm:s10], [sflag:s17] =	dma.local [spmem:s18], $0x50  }
0xb0: {  	_ =	swait.ge [sflag:s13], $0x50  }
0xb1: {  	[sflag:s13] =	ssyncset.done $0x0  }
0xb2: {  	[sflag:s13] =	ssyncadd.s32 $0xFFFFFFB0  }
0xb3: {  	_ =	sfence.sel $0x180000  }
0xb4: {  	[bflag:$0x0] =	sbarrier.arrive $0xFFFF  }
0xb5: {  	p0 =	sne.s32 s1, $0x0;
	_ =	strace $0x90000047  }
0xb6: {  	s0 =	sadd.s32 @!p0 $0x100000, s0;
	[bflag:$0x2] =	sbarrier.arrive $0xFFFF  }
0xb7: {  	[sflag:s0] =	ssyncadd.tile.s32 @!p0 $0x1;
	_ =	shalt  }
.Lfunc_end2:
_tile_overlayer_lowered:
.L_overlay_start_2:
0xb8: {  	(tag) =	ssettag $0x2  }
0xb9: {  	s0 =	rddreg [dreg:$0x0];
	s2 =	stileid.u32  }
0xba: {  	s1 =	rddreg [dreg:$0x1];
	p0 =	sne.s32 s2, $0x0  }
0xbb: {  	s3 =	rddreg [dreg:$0x2];
	[bflag:$0x3] =	sbarrier.arrive $0xFFFF;
	s2 =	simm.s32 @!p0 $0x1C03  }
0xbc: {  	[timem:s3], [sflag:s2] =	dma.local @!p0 [hbm:s0], s1  }
0xbd: {  	s0 =	simm.s32 @!p0 $0x3  }
0xbe: {  	_ =	swait.ge @!p0 [sflag:s0], s1  }
0xbf: {  	s1 =	ssub.s32 @!p0 $0x0, s1;
	[sflag:s0] =	ssyncset.done @!p0 $0x0  }
0xc0: {  	[sflag:s0] =	ssyncadd.s32 @!p0 s1  }
0xc1: {  	[bflag:$0x3] =	sbarrier.arrive $0xFFFF  }
0xc2: {  	_ =	shalt  }

// kernel: kernel.15.cloned.1.call-start
scs
__scs_entry_jumppad:
0x0: {  	(pc) =	sbr.rel $0x88, $3  }
0x1: {  	(tag) =	ssettag $0x0;
	lr =	simm.s32 $0x1  }
0x2: {  	[smem:$0x3F97] =	sst lr;
	_ =	strace $0xD0000000  }
0x3: {  	_ = 	snop  }
0x4: {  	_ = 	snop  }
0x5: {  	_ = 	snop  }
0x6: {  	_ = 	snop  }
0x7: {  	_ = 	snop  }
__scs_overlays_trampoline_lowered:
0x8: {  	[smem:$0x3FA6] =	sst s0  }
0x9: {  	[smem:$0x3FA7] =	sst s1  }
0xa: {  	[smem:$0x3FA8] =	sst s2  }
0xb: {  	[smem:$0x3FA9] =	sst s3  }
0xc: {  	[smem:$0x3FAA] =	sst s4  }
0xd: {  	[smem:$0x3FAB] =	sst s5  }
0xe: {  	[smem:$0x3FAC] =	sst s6  }
0xf: {  	[smem:$0x3FAD] =	sst s7  }
0x10: {  	[smem:$0x3FAE] =	sst s8  }
0x11: {  	[smem:$0x3FAF] =	sst s9;
	s0 =	simm.s32 @!p0 $0x0  }
0x12: {  	s1 =	sld [smem:$0x3F95];
	s0 =	simm.s32 @p0 $0x1  }
0x13: {  	[smem:$0x3FB0] =	sst s0;
	s0 =	simm.s32 @!p1 $0x0  }
0x14: {  	s2 =	sld [smem:$0x3F94];
	s0 =	simm.s32 @p1 $0x1  }
0x15: {  	[smem:$0x3FB1] =	sst s0;
	s0 =	simm.s32 @!p2 $0x0  }
0x16: {  	s3 =	sld [smem:$0x3FDB];
	s0 =	simm.s32 @p2 $0x1  }
0x17: {  	s4 =	simm.s32 $0x1BF5;
	[smem:$0x3FB3] =	sst s0  }
0x18: {  	s0 =	sld [smem:$0x3F96];
	_ =	swait.ge [sflag:s4], $0x0  }
0x19: {  	s7 =	sld [smem:$0x3F97]  }
0x1a: {  	s8 =	sadd.s32 $0xFFFFE003, lr  }
0x1b: {  	s9 =	sadd.s32 $0xFFFFFEF7, lr;
	s5 =	simm.s32 $0xFFFFFFFF;
	p2 =	slt.u32 s8, $0xFFFFF086  }
0x1c: {  	p1 =	slt.u32 s9, $0xF7A;
	s5 =	simm.s32 @!p2 $0x0  }
0x1d: {  	s5 =	simm.s32 @p1 $0x1;
	p0 =	seq.s32 s7, s2  }
0x1e: {  	s7 =	smul.u32 @!p0 $0xF7A, s2;
	p2 =	seq.s32 @!p0 s5, $0x0  }
0x1f: {  	s9 =	smul.u32 $0xF7A, s1;
	s8 =	simm.s32 @!p0 $0x1BF5;
	p2 =	por !p2, p0  }
0x20: {  	[sflag:s8] =	ssyncset.s32 @!p0 $0xFFFFF086;
	s6 =	sadd.s32 @!p0 s3, s7;
	s7 =	simm.s32 @!p0 $0x108  }
0x21: {  	s3 =	sadd.s32 s3, s9;
	s6 =	sadd.s32 @!p0 $0x88, s6;
	s7 =	simm.s32 @p2 $0x1082  }
0x22: {  	[simem:s7], [sflag:s8] =	dma.local @!p0 [hbm:s6], $0xF7A  }
0x23: {  	s9 =	sor.u32 $0xD0000000, s2;
	s6 =	simm.s32 $0x108;
	_ =	swait.ge @!p0 [sflag:s8], $0x0  }
0x24: {  	s3 =	sadd.s32 $0x88, s3;
	s6 =	simm.s32 @!p1 $0x1082;
	[sflag:s4] =	ssyncset.s32 $0xFFFFF086  }
0x25: {  	[simem:s6], [sflag:s4] =	dma.local [hbm:s3], $0xF7A  }
0x26: {  	[smem:$0x3F97] =	sst s1;
	(tag) =	ssettag s2;
	_ =	strace s9  }
0x27: {  	s1 =	sld [smem:$0x3FA7]  }
0x28: {  	s2 =	sld [smem:$0x3FA8]  }
0x29: {  	s4 =	sld [smem:$0x3FAA]  }
0x2a: {  	p0 =	seq.s32 s5, $0x0;
	s5 =	sld [smem:$0x3FAB]  }
0x2b: {  	s6 =	sld [smem:$0x3FAC]  }
0x2c: {  	s7 =	sld [smem:$0x3FAD]  }
0x2d: {  	s3 =	simm.s32 $0x108;
	s8 =	sld [smem:$0x3FAE]  }
0x2e: {  	s3 =	simm.s32 @!p0 $0x1082;
	s9 =	sld [smem:$0x3FAF]  }
0x2f: {  	lr =	sadd.s32 s0, s3;
	s0 =	sld [smem:$0x3FA6]  }
0x30: {  	s3 =	sld [smem:$0x3FA9]  }
0x31: {  	[smem:$0x3FB2] =	sst s10  }
0x32: {  	s10 =	sld [smem:$0x3FB0];
	_ =	sdelay $0x3  }
0x33: {  	p0 =	seq.s32 s10, $0x1;
	s10 =	sld [smem:$0x3FB2];
	_ =	sdelay $0x3  }
0x34: {  	[smem:$0x3FB2] =	sst s10  }
0x35: {  	s10 =	sld [smem:$0x3FB1];
	_ =	sdelay $0x3  }
0x36: {  	p1 =	seq.s32 s10, $0x1;
	s10 =	sld [smem:$0x3FB2];
	_ =	sdelay $0x3  }
0x37: {  	[smem:$0x3FB2] =	sst s10  }
0x38: {  	s10 =	sld [smem:$0x3FB3]  }
0x39: {  	_ = 	snop;
	(pc) =	sbr.ind lr, $3  }
0x3a: {  	_ = 	snop  }
0x3b: {  	_ = 	snop  }
0x3c: {  	p2 =	seq.s32 s10, $0x1;
	s10 =	sld [smem:$0x3FB2]  }
0x3d: {  	_ =	shalt  }
0x3e: {  	_ =	shalt  }
0x3f: {  	_ =	shalt  }
0x40: {  	_ =	shalt  }
0x41: {  	_ =	shalt  }
0x42: {  	_ =	shalt  }
0x43: {  	_ =	shalt  }
0x44: {  	_ =	shalt  }
0x45: {  	_ =	shalt  }
0x46: {  	_ =	shalt  }
0x47: {  	_ =	shalt  }
0x48: {  	_ =	shalt  }
0x49: {  	_ =	shalt  }
0x4a: {  	_ =	shalt  }
0x4b: {  	_ =	shalt  }
0x4c: {  	_ =	shalt  }
0x4d: {  	_ =	shalt  }
0x4e: {  	_ =	shalt  }
0x4f: {  	_ =	shalt  }
0x50: {  	_ =	shalt  }
0x51: {  	_ =	shalt  }
0x52: {  	_ =	shalt  }
0x53: {  	_ =	shalt  }
0x54: {  	_ =	shalt  }
0x55: {  	_ =	shalt  }
0x56: {  	_ =	shalt  }
0x57: {  	_ =	shalt  }
0x58: {  	_ =	shalt  }
0x59: {  	_ =	shalt  }
0x5a: {  	_ =	shalt  }
0x5b: {  	_ =	shalt  }
0x5c: {  	_ =	shalt  }
0x5d: {  	_ =	shalt  }
0x5e: {  	_ =	shalt  }
0x5f: {  	_ =	shalt  }
0x60: {  	_ =	shalt  }
0x61: {  	_ =	shalt  }
0x62: {  	_ =	shalt  }
0x63: {  	_ =	shalt  }
0x64: {  	_ =	shalt  }
0x65: {  	_ =	shalt  }
0x66: {  	_ =	shalt  }
0x67: {  	_ =	shalt  }
0x68: {  	_ =	shalt  }
0x69: {  	_ =	shalt  }
0x6a: {  	_ =	shalt  }
0x6b: {  	_ =	shalt  }
0x6c: {  	_ =	shalt  }
0x6d: {  	_ =	shalt  }
0x6e: {  	_ =	shalt  }
0x6f: {  	_ =	shalt  }
0x70: {  	_ =	shalt  }
0x71: {  	_ =	shalt  }
0x72: {  	_ =	shalt  }
0x73: {  	_ =	shalt  }
0x74: {  	_ =	shalt  }
0x75: {  	_ =	shalt  }
0x76: {  	_ =	shalt  }
0x77: {  	_ =	shalt  }
0x78: {  	_ =	shalt  }
0x79: {  	_ =	shalt  }
0x7a: {  	_ =	shalt  }
0x7b: {  	_ =	shalt  }
0x7c: {  	_ =	shalt  }
0x7d: {  	_ =	shalt  }
0x7e: {  	_ =	shalt  }
0x7f: {  	_ =	shalt  }
0x80: {  	_ =	shalt  }
0x81: {  	_ =	shalt  }
0x82: {  	_ =	shalt  }
0x83: {  	_ =	shalt  }
0x84: {  	_ =	shalt  }
0x85: {  	_ =	shalt  }
0x86: {  	_ =	shalt  }
0x87: {  	_ =	shalt  }
.Lfunc_end0:
.L_simem_size_0:
called_computation.1_lowered:
.L_overlay_start_0:
0x88: {  	s2 =	sld [smem:$0x3FD9]  }
0x89: {  	s3 =	sld [smem:$0x3FFE];
	_ =	sdelay $0x1  }
0x8a: {  	s1 =	srdreg.scid  }
0x8b: {  	s0 =	sand.u32 $0x1, s1  }
0x8c: {  	s17 =	sshll.u32 s0, $0xA;
	s2 =	sadd.s32 s3, s2  }
0x8d: {  	s2 =	sadd.s32 s2, s17  }
0x8e: {  	[smem:$0x3FBE] =	sst s2  }
0x8f: {  	_ = 	snop  }
0x90: {  	s2 =	sld [smem:$0x3FD0];
	(tm) =	ssettm $0x1  }
0x91: {  	s18 =	sld [smem:$0x3FFB];
	_ =	sdelay $0x3  }
0x92: {  	_ =	strace s18  }
0x93: {  	s3 =	sld [smem:$0x3FFC];
	_ =	sdelay $0x3  }
0x94: {  	_ =	strace s3  }
0x95: {  	s3 =	sld [smem:$0x3FFD];
	_ =	sdelay $0x3  }
0x96: {  	_ =	strace s3  }
0x97: {  	_ =	strace $0x8FFFFFFF  }
0x98: {  	s19 =	sld [smem:$0x3FDB];
	_ =	sdelay $0x1  }
0x99: {  	s4 =	simm.s32 $_scs_section_size  }
0x9a: {  	s5 =	simm.s32 $_size__tile_overlayer_lowered;
	s6 =	simm.s32 $_tile_overlayer_lowered  }
0x9b: {  	s22 =	simm.s32 $0x1BFF;
	s21 =	sshll.u32 s6, $0x1;
	s3 =	sadd.s32 s4, s19  }
0x9c: {  	s7 =	simm.s32 $0x0;
	s20 =	sshll.u32 s5, $0x1;
	s5 =	sadd.s32 s21, s3  }
0x9d: {  	[timem:s7], [sflag:s22] =	dma.local [hbm:s5], s20  }
0x9e: {  	_ =	swait.ge [sflag:s22], s20  }
0x9f: {  	s4 =	ssub.s32 $0x0, s20;
	[sflag:s22] =	ssyncset.done $0x0  }
0xa0: {  	[sflag:s22] =	ssyncadd.s32 s4;
	_ =	sdelay $0x1  }
0xa1: {  	s23 =	simm.s32 $0x1B8B  }
0xa2: {  	_ =	swait.ge [sflag:s23], $0x1  }
0xa3: {  	[sflag:s23] =	ssyncset.done $0x0  }
0xa4: {  	s25 =	simm.s32 $0x1B8E;
	s24 =	sld [smem:$0x3FFE];
	[sflag:s23] =	ssyncadd.s32 $0xFFFFFFFF  }
0xa5: {  	s26 =	simm.s32 $execute0_lowered;
	[smem:$0x3FD2] =	sst s25  }
0xa6: {  	s5 =	sshll.u32 s26, $0x1;
	_ =	strace $0x80000049;
	[dreg:$0x1] =	wrdreg $0xFFFFFFFF  }
0xa7: {  	s28 =	simm.s32 $_size_execute0_lowered;
	s3 =	sadd.s32 s3, s5;
	[dreg:$0x0] =	wrdreg $0x0  }
0xa8: {  	s5 =	sshll.u32 s28, $0x1;
	[dreg:$0x2] =	wrdreg s3  }
0xa9: {  	[dreg:$0x3] =	wrdreg s5  }
0xaa: {  	[dreg:$0x4] =	wrdreg $0xC0  }
0xab: {  	_ =	task [dreg:s7], $0x5FFFF  }
0xac: {  	[dreg:$0x1] =	wrdreg $0xFFFFFFFF  }
0xad: {  	[dreg:$0x0] =	wrdreg $0x60  }
0xae: {  	[dreg:$0x2] =	wrdreg s2  }
0xaf: {  	[dreg:$0x3] =	wrdreg s24  }
0xb0: {  	[dreg:$0x4] =	wrdreg $0x150000  }
0xb1: {  	[dreg:$0x5] =	wrdreg $0x9  }
0xb2: {  	_ =	task.clear_ibuf [dreg:s7], $0x6FFFF;
	_ =	strace $0x90000049  }
0xb3: {  	s29 =	simm.s32 $0x9;
	_ =	strace $0x8000004B  }
0xb4: {  	_ =	swait.ge [sflag:s29], $0x1  }
0xb5: {  	[sflag:s29] =	ssyncadd.s32 $0xFFFFFFFF  }
0xb6: {  	_ =	strace $0x9000004B  }
0xb7: {  	_ =	sfence  }
0xb8: {  	s30 =	sld [smem:$0x0];
	_ =	sdelay $0x2  }
0xb9: {  	s31 =	sshll.u32 s1, $0xD;
	s1 =	sshrl.u32 s1, $0x2  }
0xba: {  	s3 =	sand.u32 $0x4000, s31;
	s1 =	sadd.s32 s1, s30  }
0xbb: {  	s0 =	sor.u32 s3, s0;
	s1 =	sshll.u32 s1, $0x11  }
0xbc: {  	s0 =	sor.u32 s1, s0  }
0xbd: {  	s0 =	sadd.s32 $0x8F2B, s0  }
0xbe: {  	[sflag:s0] =	ssyncadd.remote.s32 $0x1  }
0xbf: {  	_ =	sfence.sel $0xFFFF  }
0xc0: {  	[dreg:$0x0] =	wrdreg $0xFFFFFFFF;
	(pc) =	sbr.abs _section_cstart, $3  }
0xc1: {  	[dreg:$0x1] =	wrdreg $0xFFFFFFFF  }
0xc2: {  	_ =	task.clear_ibuf [dreg:s7], $0x2FFFF;
	_ =	strace $0x9FFFFFFF  }
0xc3: {  	(tm) =	ssettm $0x7FFFFFFF  }
tec
execute0_lowered:
.L_overlay_start_1:
0x0: {  	(tag) =	ssettag $0x1  }
0x1: {  	s1 =	rddreg [dreg:$0x0]  }
0x2: {  	s0 =	rddreg [dreg:$0x1]  }
0x3: {  	s2 =	srdreg.scid;
	s10 =	stileid.u32  }
0x4: {  	s3 =	rddreg [dreg:$0x2];
	s6 =	simm.s32 $0x0;
	s28 =	simm.s32 $0xD000  }
0x5: {  	s30 =	simm.s32 $0xF000;
	s11 =	simm.s32 $0x7;
	s4 =	smul.u32 $0xA000, s10  }
0x6: {  	s14 =	simm.s32 $0x8;
	s15 =	simm.s32 $0x9;
	s7 =	smul.u32 $0x5000, s10  }
0x7: {  	s29 =	simm.s32 $0x10;
	s2 =	sand.u32 $0x1, s2;
	s10 =	smul.u32 $0x28000, s10  }
0x8: {  	s31 =	simm.s32 $0x0;
	[smem:$0x7FF] =	sst s6;
	s5 =	smul.u32 $0xA0000, s2  }
0x9: {  	s8 =	sadd.s32 $0x3200, s0;
	s16 =	smul.u32 $0x50000, s2;
	s2 =	ssub.s32 $0x2, s2  }
0xa: {  	_ =	strace $0x8000004A;
	s9 =	sshrl.u32 s2, $0x1;
	s18 =	sshrl.u32 s7, $0x3  }
0xb: {  	s19 =	sshrl.u32 s10, $0x2;
	s10 =	simm.s32 $0x6;
	s5 =	sadd.s32 s4, s5  }
0xc: {  	s6 =	sadd.s32 s7, s16;
	s2 =	ssub.s32 s2, s9;
	s7 =	sadd.s32 s19, s3  }
0xd: {  	s4 =	sadd.s32 s4, s3;
	s16 =	simm.s32 $0x13000;
	s9 =	simm.s32 $0x5  }
0xe: {  	s19 =	simm.s32 $0xB;
	s5 =	sshrl.u32 s5, $0x3;
	s17 =	sshrl.u32 s6, $0x3  }
0xf: {  	s6 =	sadd.s32 s8, s18;
	[dreg:$0x6] =	wrdreg s4;
	s21 =	sadd.s32 $0x2000, s7  }
0x10: {  	s22 =	sadd.s32 $0x4000, s7;
	s23 =	sadd.s32 $0x6000, s7;
	s24 =	sadd.s32 $0x8000, s7  }
0x11: {  	s26 =	smax.u32 s2, $0x1;
	s2 =	simm.s32 $0x11000;
	[dreg:$0x7] =	wrdreg s21  }
0x12: {  	s4 =	simm.s32 $0x1;
	s7 =	simm.s32 $0xA;
	[dreg:$0x8] =	wrdreg s22  }
0x13: {  	s18 =	simm.s32 $0xC;
	s0 =	sadd.s32 s5, s0;
	[dreg:$0x9] =	wrdreg s23  }
0x14: {  	s5 =	sadd.s32 s8, s17;
	s8 =	sadd.s32 $0x1E000, s6;
	[dreg:$0xa] =	wrdreg s24  }
0x15: {  	s13 =	sadd.s32 $0x1E500, s6;
	[dreg:$0xd] =	wrdreg s26;
	s17 =	simm.s32 $0x5000  }
0x16: {  	s21 =	simm.s32 $0x7000;
	s23 =	simm.s32 $0x9000;
	s6 =	simm.s32 $0x3  }
.Ltmp0:
0x17: {  	s22 =	simm.s32 $0xD;
	s24 =	simm.s32 $0xE;
	(pc) =	sbr.rel .LBB2_1-.Ltmp0, $4  }
0x18: {  	s26 =	simm.s32 $0xF;
	s20 =	sadd.s32 $0xA000, s5;
	[dreg:$0x5] =	wrdreg s8  }
0x19: {  	s25 =	sadd.s32 $0xA500, s5;
	s0 =	sadd.s32 $0x2B200, s0;
	[dreg:$0x4] =	wrdreg s20  }
0x1a: {  	s5 =	simm.s32 $0x2;
	s8 =	simm.s32 $0x4;
	[dreg:$0xb] =	wrdreg s25  }
0x1b: {  	v0 =	vimm.f32 $0.0e+00;
	[dreg:$0xc] =	wrdreg s0;
	s20 =	simm.s32 $0x80;
	s25 =	simm.s32 $0xB000  }
.LBB2_8:
0x1c: {  	s0 =	stileid.u32;
	[bflag:$0x0] =	sbarrier.arrive $0xFFFF  }
0x1d: {  	s0 =	sshll.u32 s0, $0x6;
	s12 =	rddreg [dreg:$0x6]  }
0x1e: {  	s31 =	rddreg [dreg:$0xc];
	s0 =	sor.u32 $0x1C12, s0;
	s12 =	sshrl.u32 s12, $0x3  }
0x1f: {  	[hbm:s31], [sflag:s0] =	dma.local [spmem:s12], $0x1400  }
0x20: {  	s12 =	simm.s32 $0x12  }
0x21: {  	_ =	swait.ge [sflag:s12], $0x1400  }
0x22: {  	s31 =	rddreg [dreg:$0xe]  }
0x23: {  	s0 =	rddreg [dreg:$0xd];
	s31 =	sadd.s32 $0x1, s31  }
0x24: {  	p0 =	sne.s32 s31, s0  }
.Ltmp1:
0x25: {  	_ = 	snop;
	(pc) =	sbr.rel @!p0 .LBB2_9-.Ltmp1, $3  }
0x26: {  	_ =	sdelay $0x1  }
0x27: {  	[sflag:s12] =	ssyncset.done $0x0  }
0x28: {  	[sflag:s12] =	ssyncadd.s32 $0xFFFFEC00  }
.LBB2_1:
0x29: {  	[dreg:$0xe] =	wrdreg s31  }
0x2a: {  	s0 =	simm.s32 $0x0;
	s12 =	rddreg [dreg:$0x4]  }
0x2b: {  	[tilespmem:s0], [sflag:$0x11] =	stream.linear.gather [hbm4b:s12+s0], $0x2800, $0x38;
	[tilespmem:$0x1F000] =	vst v63  }
0x2c: {  	s31 =	simm.s32 $0x2800;
	s12 =	rddreg [dreg:$0x5]  }
0x2d: {  	[tilespmem:s31], [sflag:$0x11] =	stream.linear.gather [hbm4b:s12+s0], $0x2800, $0x38;
	[tilespmem:$0x1F000] =	vst v63  }
0x2e: {  	s31 =	simm.s32 $0x100;
	s0 =	simm.s32 $0x0  }
.LBB2_2:
0x2f: {  	p0 =	sne.s32 s31, $0x7F00;
	[tilespmem:s0+$0x5030] =	vst v0;
	s12 =	smov.u32 s31;
	s31 =	sadd.s32 $0x100, s31  }
.Ltmp2:
0x30: {  	[tilespmem:s0+$0x5020] =	vst v0;
	(pc) =	sbr.rel @p0 .LBB2_2-.Ltmp2, $3  }
0x31: {  	[tilespmem:s0+$0x5000] =	vst v0  }
0x32: {  	[tilespmem:s0+$0x5010] =	vst v0;
	_ =	sdelay $0x1  }
0x33: {  	s0 =	sshra.s32 s12, $0x2  }
0x34: {  	[tilespmem:s0+$0x5030] =	vst v0  }
0x35: {  	[tilespmem:s0+$0x5020] =	vst v0  }
0x36: {  	[tilespmem:s0+$0x5000] =	vst v0  }
0x37: {  	[tilespmem:s0+$0x5010] =	vst v0;
	s12 =	rddreg [dreg:$0x6]  }
0x38: {  	[spmem:s12] =	stream.linear.scatter [tilespmem:s17], [sflag:$0x12], $0x2000, $0x38;
	[tilespmem:$0x1F000] =	vst v63  }
0x39: {  	s12 =	simm.s32 $0x12  }
0x3a: {  	_ =	swait.ge [sflag:s12], $0x2000  }
0x3b: {  	[sflag:s12] =	ssyncset.done $0x0  }
0x3c: {  	s31 =	rddreg [dreg:$0x7];
	[sflag:s12] =	ssyncadd.s32 $0xFFFFE000  }
0x3d: {  	[spmem:s31] =	stream.linear.scatter [tilespmem:s17], [sflag:$0x12], $0x2000, $0x38;
	[tilespmem:$0x1F000] =	vst v63  }
0x3e: {  	_ =	swait.ge [sflag:s12], $0x2000  }
0x3f: {  	[sflag:s12] =	ssyncset.done $0x0  }
0x40: {  	s31 =	rddreg [dreg:$0x8];
	[sflag:s12] =	ssyncadd.s32 $0xFFFFE000  }
0x41: {  	[spmem:s31] =	stream.linear.scatter [tilespmem:s17], [sflag:$0x12], $0x2000, $0x38;
	[tilespmem:$0x1F000] =	vst v63  }
0x42: {  	_ =	swait.ge [sflag:s12], $0x2000  }
0x43: {  	[sflag:s12] =	ssyncset.done $0x0  }
0x44: {  	s31 =	rddreg [dreg:$0x9];
	[sflag:s12] =	ssyncadd.s32 $0xFFFFE000  }
0x45: {  	[spmem:s31] =	stream.linear.scatter [tilespmem:s17], [sflag:$0x12], $0x2000, $0x38;
	[tilespmem:$0x1F000] =	vst v63  }
0x46: {  	_ =	swait.ge [sflag:s12], $0x2000  }
0x47: {  	[sflag:s12] =	ssyncset.done $0x0  }
0x48: {  	s31 =	rddreg [dreg:$0xa];
	[sflag:s12] =	ssyncadd.s32 $0xFFFFE000  }
0x49: {  	[spmem:s31] =	stream.linear.scatter [tilespmem:s17], [sflag:$0x12], $0x2000, $0x38;
	[tilespmem:$0x1F000] =	vst v63  }
0x4a: {  	_ =	swait.ge [sflag:s12], $0x2000  }
0x4b: {  	[sflag:s12] =	ssyncset.done $0x0  }
0x4c: {  	[sflag:s12] =	ssyncadd.s32 $0xFFFFE000  }
0x4d: {  	s31 =	simm.s32 $0x11;
	[bflag:$0x0] =	sbarrier.arrive $0xFFFF  }
0x4e: {  	_ =	swait.ge [sflag:s31], $0x2800  }
.Ltmp3:
0x4f: {  	[sflag:s31] =	ssyncset.done $0x0;
	(pc) =	sbr.rel .LBB2_4-.Ltmp3, $4  }
0x50: {  	[sflag:s31] =	ssyncadd.s32 $0xFFFFD800  }
0x51: {  	_ =	swait.ge [sflag:s31], $0x2800  }
0x52: {  	[sflag:s31] =	ssyncset.done $0x0  }
0x53: {  	p1 =	por $0x1, $0x1;
	p2 =	por $0x0, $0x0;
	[sflag:s31] =	ssyncadd.s32 $0xFFFFD800  }
.LBB2_7:
0x54: {  	_ =	swait.ge [sflag:s7], $0x2000  }
0x55: {  	[sflag:s7] =	ssyncset.done $0x0  }
0x56: {  	[sflag:s7] =	ssyncadd.s32 $0xFFFFE000  }
0x57: {  	_ =	swait.ge [sflag:s19], $0x2000  }
0x58: {  	[sflag:s19] =	ssyncset.done $0x0  }
0x59: {  	[sflag:s19] =	ssyncadd.s32 $0xFFFFE000  }
0x5a: {  	_ =	swait.ge [sflag:s18], $0x2000  }
0x5b: {  	[sflag:s18] =	ssyncset.done $0x0  }
0x5c: {  	[sflag:s18] =	ssyncadd.s32 $0xFFFFE000  }
0x5d: {  	_ =	swait.ge [sflag:s22], $0x2000  }
0x5e: {  	[sflag:s22] =	ssyncset.done $0x0  }
0x5f: {  	[sflag:s22] =	ssyncadd.s32 $0xFFFFE000  }
0x60: {  	_ =	swait.ge [sflag:s24], $0x2000  }
0x61: {  	[sflag:s24] =	ssyncset.done $0x0  }
0x62: {  	[sflag:s24] =	ssyncadd.s32 $0xFFFFE000  }
0x63: {  	_ =	swait.ge [sflag:s26], $0x2000  }
.Ltmp4:
0x64: {  	[sflag:s26] =	ssyncset.done $0x0;
	(pc) =	sbr.rel @!p0 .LBB2_8-.Ltmp4, $4  }
0x65: {  	[sflag:s26] =	ssyncadd.s32 $0xFFFFE000  }
0x66: {  	_ =	swait.ge [sflag:s29], $0x2000  }
0x67: {  	[sflag:s29] =	ssyncset.done $0x0  }
0x68: {  	p1 =	por $0x0, $0x0;
	p2 =	por $0x1, $0x1;
	[sflag:s29] =	ssyncadd.s32 $0xFFFFE000  }
.LBB2_4:
0x69: {  	s0 =	simm.s32 @p2 $0x0;
	s12 =	rddreg [dreg:$0xb]  }
0x6a: {  	[tilespmem:s0], [sflag:$0x11] =	stream.linear.gather @p2 [hbm4b:s12+s0], $0x2800, $0x38;
	[tilespmem:$0x1F000] =	vst v63  }
0x6b: {  	s12 =	simm.s32 @p2 $0x2800  }
0x6c: {  	[tilespmem:s12], [sflag:$0x11] =	stream.linear.gather @p2 [hbm4b:s13+s0], $0x2800, $0x38;
	[tilespmem:$0x1F000] =	vst v63  }
0x6d: {  	s0 =	simm.s32 @p2 $0x11  }
0x6e: {  	_ =	swait.ge @p2 [sflag:s0], $0x2800  }
0x6f: {  	[sflag:s0] =	ssyncset.done @p2 $0x0  }
0x70: {  	[sflag:s0] =	ssyncadd.s32 @p2 $0xFFFFD800  }
0x71: {  	_ =	swait.ge @p2 [sflag:s0], $0x2800  }
0x72: {  	[sflag:s0] =	ssyncset.done @p2 $0x0  }
0x73: {  	s31 =	simm.s32 $0x0;
	[sflag:s0] =	ssyncadd.s32 @p2 $0xFFFFD800  }
0x74: {  	[tilespmem:s17], [sflag:$0x1] =	stream.indirect.gather [hbm4b:s1+s20], $0x40, s31, s20, $0xb8;
	[tilespmem:$0x1F000] =	vst v63  }
0x75: {  	_ = 	snop  }
0x76: {  	[tilespmem:s21], [sflag:$0x2] =	stream.indirect.gather [hbm4b:s1+s20], $0x40, s20, s20, $0xb8;
	[tilespmem:$0x1F000] =	vst v63  }
0x77: {  	s12 =	simm.s32 $0x100  }
0x78: {  	[tilespmem:s23], [sflag:$0x3] =	stream.indirect.gather [hbm4b:s1+s20], $0x40, s12, s20, $0xb8;
	[tilespmem:$0x1F000] =	vst v63  }
0x79: {  	s12 =	simm.s32 $0x180  }
0x7a: {  	[tilespmem:s25], [sflag:$0x4] =	stream.indirect.gather [hbm4b:s1+s20], $0x40, s12, s20, $0xb8;
	[tilespmem:$0x1F000] =	vst v63  }
0x7b: {  	s12 =	simm.s32 $0x200  }
0x7c: {  	[tilespmem:s28], [sflag:$0x5] =	stream.indirect.gather [hbm4b:s1+s20], $0x40, s12, s20, $0xb8;
	[tilespmem:$0x1F000] =	vst v63  }
0x7d: {  	s12 =	simm.s32 $0x280  }
0x7e: {  	[tilespmem:s30], [sflag:$0x6] =	stream.indirect.gather [hbm4b:s1+s20], $0x40, s12, s20, $0xb8;
	[tilespmem:$0x1F000] =	vst v63  }
0x7f: {  	s12 =	simm.s32 $0x300  }
0x80: {  	[tilespmem:s2], [sflag:$0x7] =	stream.indirect.gather [hbm4b:s1+s20], $0x40, s12, s20, $0xb8;
	[tilespmem:$0x1F000] =	vst v63  }
0x81: {  	p0 =	por p1, p1;
	s12 =	simm.s32 $0x380  }
0x82: {  	[tilespmem:s16], [sflag:$0x8] =	stream.indirect.gather [hbm4b:s1+s20], $0x40, s12, s20, $0xb8;
	[tilespmem:$0x1F000] =	vst v63  }
.LBB2_5:
0x83: {  	_ =	swait.ge [sflag:s4], $0x2000  }
0x84: {  	s0 =	sshra.s32 s31, $0x2;
	[sflag:s4] =	ssyncset.done $0x0  }
0x85: {  	s12 =	sadd.s32 $0x2800, s0;
	[sflag:s4] =	ssyncadd.s32 $0xFFFFE000  }
0x86: {  	[spmem:s3] =	stream.indirect.scatter.add.f32 [tilespmem:s17], [sflag:$0x9], $0x40, s12, s20, $0xb8;
	[tilespmem:$0x1F000] =	vst v63  }
0x87: {  	_ =	swait.ge [sflag:s5], $0x2000  }
0x88: {  	[sflag:s5] =	ssyncset.done $0x0  }
0x89: {  	s12 =	sadd.s32 $0x2880, s0;
	[sflag:s5] =	ssyncadd.s32 $0xFFFFE000  }
0x8a: {  	[spmem:s3] =	stream.indirect.scatter.add.f32 [tilespmem:s21], [sflag:$0xA], $0x40, s12, s20, $0xb8;
	[tilespmem:$0x1F000] =	vst v63  }
0x8b: {  	_ =	swait.ge [sflag:s6], $0x2000  }
0x8c: {  	[sflag:s6] =	ssyncset.done $0x0  }
0x8d: {  	s12 =	sadd.s32 $0x2900, s0;
	[sflag:s6] =	ssyncadd.s32 $0xFFFFE000  }
0x8e: {  	[spmem:s3] =	stream.indirect.scatter.add.f32 [tilespmem:s23], [sflag:$0xB], $0x40, s12, s20, $0xb8;
	[tilespmem:$0x1F000] =	vst v63  }
0x8f: {  	_ =	swait.ge [sflag:s8], $0x2000  }
0x90: {  	[sflag:s8] =	ssyncset.done $0x0  }
0x91: {  	s12 =	sadd.s32 $0x2980, s0;
	[sflag:s8] =	ssyncadd.s32 $0xFFFFE000  }
0x92: {  	[spmem:s3] =	stream.indirect.scatter.add.f32 [tilespmem:s25], [sflag:$0xC], $0x40, s12, s20, $0xb8;
	[tilespmem:$0x1F000] =	vst v63  }
0x93: {  	_ =	swait.ge [sflag:s9], $0x2000  }
0x94: {  	[sflag:s9] =	ssyncset.done $0x0  }
0x95: {  	s12 =	sadd.s32 $0x2A00, s0;
	[sflag:s9] =	ssyncadd.s32 $0xFFFFE000  }
0x96: {  	[spmem:s3] =	stream.indirect.scatter.add.f32 [tilespmem:s28], [sflag:$0xD], $0x40, s12, s20, $0xb8;
	[tilespmem:$0x1F000] =	vst v63  }
0x97: {  	_ =	swait.ge [sflag:s10], $0x2000  }
0x98: {  	[sflag:s10] =	ssyncset.done $0x0  }
0x99: {  	s12 =	sadd.s32 $0x2A80, s0;
	[sflag:s10] =	ssyncadd.s32 $0xFFFFE000  }
0x9a: {  	[spmem:s3] =	stream.indirect.scatter.add.f32 [tilespmem:s30], [sflag:$0xE], $0x40, s12, s20, $0xb8;
	[tilespmem:$0x1F000] =	vst v63  }
0x9b: {  	_ =	swait.ge [sflag:s11], $0x2000  }
0x9c: {  	[sflag:s11] =	ssyncset.done $0x0  }
0x9d: {  	s12 =	sadd.s32 $0x2B00, s0;
	[sflag:s11] =	ssyncadd.s32 $0xFFFFE000  }
0x9e: {  	[spmem:s3] =	stream.indirect.scatter.add.f32 [tilespmem:s2], [sflag:$0xF], $0x40, s12, s20, $0xb8;
	[tilespmem:$0x1F000] =	vst v63  }
0x9f: {  	_ =	swait.ge [sflag:s14], $0x2000  }
0xa0: {  	p1 =	seq.s32 s31, $0x9000;
	[sflag:s14] =	ssyncset.done $0x0  }
.Ltmp5:
0xa1: {  	s12 =	sadd.s32 $0x2B80, s0;
	[sflag:s14] =	ssyncadd.s32 $0xFFFFE000;
	(pc) =	sbr.rel @p1 .LBB2_7-.Ltmp5, $4  }
0xa2: {  	[spmem:s3] =	stream.indirect.scatter.add.f32 [tilespmem:s16], [sflag:$0x10], $0x40, s12, s20, $0xb8;
	[tilespmem:$0x1F000] =	vst v63  }
0xa3: {  	_ =	swait.ge [sflag:s15], $0x2000  }
0xa4: {  	[sflag:s15] =	ssyncset.done $0x0  }
0xa5: {  	[sflag:s15] =	ssyncadd.s32 $0xFFFFE000  }
0xa6: {  	s12 =	sadd.s32 $0x400, s0  }
0xa7: {  	[tilespmem:s17], [sflag:$0x1] =	stream.indirect.gather [hbm4b:s1+s20], $0x40, s12, s20, $0xb8;
	[tilespmem:$0x1F000] =	vst v63  }
0xa8: {  	_ =	swait.ge [sflag:s7], $0x2000  }
0xa9: {  	[sflag:s7] =	ssyncset.done $0x0  }
0xaa: {  	s12 =	sadd.s32 $0x480, s0;
	[sflag:s7] =	ssyncadd.s32 $0xFFFFE000  }
0xab: {  	[tilespmem:s21], [sflag:$0x2] =	stream.indirect.gather [hbm4b:s1+s20], $0x40, s12, s20, $0xb8;
	[tilespmem:$0x1F000] =	vst v63  }
0xac: {  	_ =	swait.ge [sflag:s19], $0x2000  }
0xad: {  	[sflag:s19] =	ssyncset.done $0x0  }
0xae: {  	s12 =	sadd.s32 $0x500, s0;
	[sflag:s19] =	ssyncadd.s32 $0xFFFFE000  }
0xaf: {  	[tilespmem:s23], [sflag:$0x3] =	stream.indirect.gather [hbm4b:s1+s20], $0x40, s12, s20, $0xb8;
	[tilespmem:$0x1F000] =	vst v63  }
0xb0: {  	_ =	swait.ge [sflag:s18], $0x2000  }
0xb1: {  	[sflag:s18] =	ssyncset.done $0x0  }
0xb2: {  	s12 =	sadd.s32 $0x580, s0;
	[sflag:s18] =	ssyncadd.s32 $0xFFFFE000  }
0xb3: {  	[tilespmem:s25], [sflag:$0x4] =	stream.indirect.gather [hbm4b:s1+s20], $0x40, s12, s20, $0xb8;
	[tilespmem:$0x1F000] =	vst v63  }
0xb4: {  	_ =	swait.ge [sflag:s22], $0x2000  }
0xb5: {  	[sflag:s22] =	ssyncset.done $0x0  }
0xb6: {  	s12 =	sadd.s32 $0x600, s0;
	[sflag:s22] =	ssyncadd.s32 $0xFFFFE000  }
0xb7: {  	[tilespmem:s28], [sflag:$0x5] =	stream.indirect.gather [hbm4b:s1+s20], $0x40, s12, s20, $0xb8;
	[tilespmem:$0x1F000] =	vst v63  }
0xb8: {  	_ =	swait.ge [sflag:s24], $0x2000  }
0xb9: {  	[sflag:s24] =	ssyncset.done $0x0  }
0xba: {  	s12 =	sadd.s32 $0x680, s0;
	[sflag:s24] =	ssyncadd.s32 $0xFFFFE000  }
0xbb: {  	[tilespmem:s30], [sflag:$0x6] =	stream.indirect.gather [hbm4b:s1+s20], $0x40, s12, s20, $0xb8;
	[tilespmem:$0x1F000] =	vst v63  }
0xbc: {  	_ =	swait.ge [sflag:s26], $0x2000  }
0xbd: {  	[sflag:s26] =	ssyncset.done $0x0  }
0xbe: {  	s12 =	sadd.s32 $0x700, s0;
	[sflag:s26] =	ssyncadd.s32 $0xFFFFE000  }
0xbf: {  	[tilespmem:s2], [sflag:$0x7] =	stream.indirect.gather [hbm4b:s1+s20], $0x40, s12, s20, $0xb8;
	[tilespmem:$0x1F000] =	vst v63  }
.Ltmp6:
0xc0: {  	_ = 	snop;
	(pc) =	sbr.rel .LBB2_5-.Ltmp6, $4  }
0xc1: {  	_ =	swait.ge [sflag:s29], $0x2000  }
0xc2: {  	[sflag:s29] =	ssyncset.done $0x0  }
0xc3: {  	s31 =	sadd.s32 $0x1000, s31;
	s12 =	sadd.s32 $0x780, s0;
	[sflag:s29] =	ssyncadd.s32 $0xFFFFE000  }
0xc4: {  	[tilespmem:s16], [sflag:$0x8] =	stream.indirect.gather [hbm4b:s1+s20], $0x40, s12, s20, $0xb8;
	[tilespmem:$0x1F000] =	vst v63  }
.LBB2_9:
0xc5: {  	_ =	sfence.sel $0x180000  }
0xc6: {  	[bflag:$0x0] =	sbarrier.arrive $0xFFFF  }
0xc7: {  	_ =	strace $0x9000004A  }
0xc8: {  	s0 =	stileid.u32;
	[bflag:$0x2] =	sbarrier.arrive $0xFFFF  }
0xc9: {  	p0 =	sne.s32 s0, $0x0;
	s0 =	rddreg [dreg:$0x3]  }
0xca: {  	s0 =	sadd.s32 @!p0 $0x100000, s0  }
0xcb: {  	[sflag:s0] =	ssyncadd.tile.s32 @!p0 $0x1;
	_ =	shalt  }
.Lfunc_end2:
_tile_overlayer_lowered:
.L_overlay_start_2:
0xcc: {  	(tag) =	ssettag $0x2  }
0xcd: {  	s0 =	rddreg [dreg:$0x0];
	s2 =	stileid.u32  }
0xce: {  	s1 =	rddreg [dreg:$0x1];
	p0 =	sne.s32 s2, $0x0  }
0xcf: {  	s3 =	rddreg [dreg:$0x2];
	[bflag:$0x3] =	sbarrier.arrive $0xFFFF;
	s2 =	simm.s32 @!p0 $0x1C12  }
0xd0: {  	[timem:s3], [sflag:s2] =	dma.local @!p0 [hbm:s0], s1  }
0xd1: {  	s0 =	simm.s32 @!p0 $0x12  }
0xd2: {  	_ =	swait.ge @!p0 [sflag:s0], s1  }
0xd3: {  	s1 =	ssub.s32 @!p0 $0x0, s1;
	[sflag:s0] =	ssyncset.done @!p0 $0x0  }
0xd4: {  	[sflag:s0] =	ssyncadd.s32 @!p0 s1  }
0xd5: {  	[bflag:$0x3] =	sbarrier.arrive $0xFFFF  }
0xd6: {  	_ =	shalt  }

// kernel: kernel.18.cloned.1.call-start
scs
__scs_entry_jumppad:
0x0: {  	(pc) =	sbr.rel $0x88, $3  }
0x1: {  	(tag) =	ssettag $0x0;
	lr =	simm.s32 $0x1  }
0x2: {  	[smem:$0x3F97] =	sst lr;
	_ =	strace $0xD0000000  }
0x3: {  	_ = 	snop  }
0x4: {  	_ = 	snop  }
0x5: {  	_ = 	snop  }
0x6: {  	_ = 	snop  }
0x7: {  	_ = 	snop  }
__scs_overlays_trampoline_lowered:
0x8: {  	[smem:$0x3FA6] =	sst s0  }
0x9: {  	[smem:$0x3FA7] =	sst s1  }
0xa: {  	[smem:$0x3FA8] =	sst s2  }
0xb: {  	[smem:$0x3FA9] =	sst s3  }
0xc: {  	[smem:$0x3FAA] =	sst s4  }
0xd: {  	[smem:$0x3FAB] =	sst s5  }
0xe: {  	[smem:$0x3FAC] =	sst s6  }
0xf: {  	[smem:$0x3FAD] =	sst s7  }
0x10: {  	[smem:$0x3FAE] =	sst s8  }
0x11: {  	[smem:$0x3FAF] =	sst s9;
	s0 =	simm.s32 @!p0 $0x0  }
0x12: {  	s1 =	sld [smem:$0x3F95];
	s0 =	simm.s32 @p0 $0x1  }
0x13: {  	[smem:$0x3FB0] =	sst s0;
	s0 =	simm.s32 @!p1 $0x0  }
0x14: {  	s2 =	sld [smem:$0x3F94];
	s0 =	simm.s32 @p1 $0x1  }
0x15: {  	[smem:$0x3FB1] =	sst s0;
	s0 =	simm.s32 @!p2 $0x0  }
0x16: {  	s3 =	sld [smem:$0x3FDB];
	s0 =	simm.s32 @p2 $0x1  }
0x17: {  	s4 =	simm.s32 $0x1BF5;
	[smem:$0x3FB3] =	sst s0  }
0x18: {  	s0 =	sld [smem:$0x3F96];
	_ =	swait.ge [sflag:s4], $0x0  }
0x19: {  	s7 =	sld [smem:$0x3F97]  }
0x1a: {  	s8 =	sadd.s32 $0xFFFFE003, lr  }
0x1b: {  	s9 =	sadd.s32 $0xFFFFFEF7, lr;
	s5 =	simm.s32 $0xFFFFFFFF;
	p2 =	slt.u32 s8, $0xFFFFF086  }
0x1c: {  	p1 =	slt.u32 s9, $0xF7A;
	s5 =	simm.s32 @!p2 $0x0  }
0x1d: {  	s5 =	simm.s32 @p1 $0x1;
	p0 =	seq.s32 s7, s2  }
0x1e: {  	s7 =	smul.u32 @!p0 $0xF7A, s2;
	p2 =	seq.s32 @!p0 s5, $0x0  }
0x1f: {  	s9 =	smul.u32 $0xF7A, s1;
	s8 =	simm.s32 @!p0 $0x1BF5;
	p2 =	por !p2, p0  }
0x20: {  	[sflag:s8] =	ssyncset.s32 @!p0 $0xFFFFF086;
	s6 =	sadd.s32 @!p0 s3, s7;
	s7 =	simm.s32 @!p0 $0x108  }
0x21: {  	s3 =	sadd.s32 s3, s9;
	s6 =	sadd.s32 @!p0 $0x88, s6;
	s7 =	simm.s32 @p2 $0x1082  }
0x22: {  	[simem:s7], [sflag:s8] =	dma.local @!p0 [hbm:s6], $0xF7A  }
0x23: {  	s9 =	sor.u32 $0xD0000000, s2;
	s6 =	simm.s32 $0x108;
	_ =	swait.ge @!p0 [sflag:s8], $0x0  }
0x24: {  	s3 =	sadd.s32 $0x88, s3;
	s6 =	simm.s32 @!p1 $0x1082;
	[sflag:s4] =	ssyncset.s32 $0xFFFFF086  }
0x25: {  	[simem:s6], [sflag:s4] =	dma.local [hbm:s3], $0xF7A  }
0x26: {  	[smem:$0x3F97] =	sst s1;
	(tag) =	ssettag s2;
	_ =	strace s9  }
0x27: {  	s1 =	sld [smem:$0x3FA7]  }
0x28: {  	s2 =	sld [smem:$0x3FA8]  }
0x29: {  	s4 =	sld [smem:$0x3FAA]  }
0x2a: {  	p0 =	seq.s32 s5, $0x0;
	s5 =	sld [smem:$0x3FAB]  }
0x2b: {  	s6 =	sld [smem:$0x3FAC]  }
0x2c: {  	s7 =	sld [smem:$0x3FAD]  }
0x2d: {  	s3 =	simm.s32 $0x108;
	s8 =	sld [smem:$0x3FAE]  }
0x2e: {  	s3 =	simm.s32 @!p0 $0x1082;
	s9 =	sld [smem:$0x3FAF]  }
0x2f: {  	lr =	sadd.s32 s0, s3;
	s0 =	sld [smem:$0x3FA6]  }
0x30: {  	s3 =	sld [smem:$0x3FA9]  }
0x31: {  	[smem:$0x3FB2] =	sst s10  }
0x32: {  	s10 =	sld [smem:$0x3FB0];
	_ =	sdelay $0x3  }
0x33: {  	p0 =	seq.s32 s10, $0x1;
	s10 =	sld [smem:$0x3FB2];
	_ =	sdelay $0x3  }
0x34: {  	[smem:$0x3FB2] =	sst s10  }
0x35: {  	s10 =	sld [smem:$0x3FB1];
	_ =	sdelay $0x3  }
0x36: {  	p1 =	seq.s32 s10, $0x1;
	s10 =	sld [smem:$0x3FB2];
	_ =	sdelay $0x3  }
0x37: {  	[smem:$0x3FB2] =	sst s10  }
0x38: {  	s10 =	sld [smem:$0x3FB3]  }
0x39: {  	_ = 	snop;
	(pc) =	sbr.ind lr, $3  }
0x3a: {  	_ = 	snop  }
0x3b: {  	_ = 	snop  }
0x3c: {  	p2 =	seq.s32 s10, $0x1;
	s10 =	sld [smem:$0x3FB2]  }
0x3d: {  	_ =	shalt  }
0x3e: {  	_ =	shalt  }
0x3f: {  	_ =	shalt  }
0x40: {  	_ =	shalt  }
0x41: {  	_ =	shalt  }
0x42: {  	_ =	shalt  }
0x43: {  	_ =	shalt  }
0x44: {  	_ =	shalt  }
0x45: {  	_ =	shalt  }
0x46: {  	_ =	shalt  }
0x47: {  	_ =	shalt  }
0x48: {  	_ =	shalt  }
0x49: {  	_ =	shalt  }
0x4a: {  	_ =	shalt  }
0x4b: {  	_ =	shalt  }
0x4c: {  	_ =	shalt  }
0x4d: {  	_ =	shalt  }
0x4e: {  	_ =	shalt  }
0x4f: {  	_ =	shalt  }
0x50: {  	_ =	shalt  }
0x51: {  	_ =	shalt  }
0x52: {  	_ =	shalt  }
0x53: {  	_ =	shalt  }
0x54: {  	_ =	shalt  }
0x55: {  	_ =	shalt  }
0x56: {  	_ =	shalt  }
0x57: {  	_ =	shalt  }
0x58: {  	_ =	shalt  }
0x59: {  	_ =	shalt  }
0x5a: {  	_ =	shalt  }
0x5b: {  	_ =	shalt  }
0x5c: {  	_ =	shalt  }
0x5d: {  	_ =	shalt  }
0x5e: {  	_ =	shalt  }
0x5f: {  	_ =	shalt  }
0x60: {  	_ =	shalt  }
0x61: {  	_ =	shalt  }
0x62: {  	_ =	shalt  }
0x63: {  	_ =	shalt  }
0x64: {  	_ =	shalt  }
0x65: {  	_ =	shalt  }
0x66: {  	_ =	shalt  }
0x67: {  	_ =	shalt  }
0x68: {  	_ =	shalt  }
0x69: {  	_ =	shalt  }
0x6a: {  	_ =	shalt  }
0x6b: {  	_ =	shalt  }
0x6c: {  	_ =	shalt  }
0x6d: {  	_ =	shalt  }
0x6e: {  	_ =	shalt  }
0x6f: {  	_ =	shalt  }
0x70: {  	_ =	shalt  }
0x71: {  	_ =	shalt  }
0x72: {  	_ =	shalt  }
0x73: {  	_ =	shalt  }
0x74: {  	_ =	shalt  }
0x75: {  	_ =	shalt  }
0x76: {  	_ =	shalt  }
0x77: {  	_ =	shalt  }
0x78: {  	_ =	shalt  }
0x79: {  	_ =	shalt  }
0x7a: {  	_ =	shalt  }
0x7b: {  	_ =	shalt  }
0x7c: {  	_ =	shalt  }
0x7d: {  	_ =	shalt  }
0x7e: {  	_ =	shalt  }
0x7f: {  	_ =	shalt  }
0x80: {  	_ =	shalt  }
0x81: {  	_ =	shalt  }
0x82: {  	_ =	shalt  }
0x83: {  	_ =	shalt  }
0x84: {  	_ =	shalt  }
0x85: {  	_ =	shalt  }
0x86: {  	_ =	shalt  }
0x87: {  	_ =	shalt  }
.Lfunc_end0:
.L_simem_size_0:
called_computation.2_lowered:
.L_overlay_start_0:
0x88: {  	s2 =	sld [smem:$0x3FD9]  }
0x89: {  	s3 =	sld [smem:$0x3FFE];
	_ =	sdelay $0x1  }
0x8a: {  	s1 =	srdreg.scid  }
0x8b: {  	s0 =	sand.u32 $0x1, s1  }
0x8c: {  	s17 =	sshll.u32 s0, $0xA;
	s2 =	sadd.s32 s3, s2  }
0x8d: {  	s2 =	sadd.s32 s2, s17  }
0x8e: {  	[smem:$0x3FBE] =	sst s2  }
0x8f: {  	_ = 	snop  }
0x90: {  	s2 =	sld [smem:$0x3FD0];
	(tm) =	ssettm $0x1  }
0x91: {  	s18 =	sld [smem:$0x3FFB];
	_ =	sdelay $0x3  }
0x92: {  	_ =	strace s18  }
0x93: {  	s3 =	sld [smem:$0x3FFC];
	_ =	sdelay $0x3  }
0x94: {  	_ =	strace s3  }
0x95: {  	s3 =	sld [smem:$0x3FFD];
	_ =	sdelay $0x3  }
0x96: {  	_ =	strace s3  }
0x97: {  	_ =	strace $0x8FFFFFFF  }
0x98: {  	s19 =	sld [smem:$0x3FDB];
	_ =	sdelay $0x1  }
0x99: {  	s4 =	simm.s32 $_scs_section_size  }
0x9a: {  	s5 =	simm.s32 $_size__tile_overlayer_lowered;
	s6 =	simm.s32 $_tile_overlayer_lowered  }
0x9b: {  	s22 =	simm.s32 $0x1BFF;
	s21 =	sshll.u32 s6, $0x1;
	s3 =	sadd.s32 s4, s19  }
0x9c: {  	s7 =	simm.s32 $0x0;
	s20 =	sshll.u32 s5, $0x1;
	s5 =	sadd.s32 s21, s3  }
0x9d: {  	[timem:s7], [sflag:s22] =	dma.local [hbm:s5], s20  }
0x9e: {  	_ =	swait.ge [sflag:s22], s20  }
0x9f: {  	s4 =	ssub.s32 $0x0, s20;
	[sflag:s22] =	ssyncset.done $0x0  }
0xa0: {  	[sflag:s22] =	ssyncadd.s32 s4;
	_ =	sdelay $0x1  }
0xa1: {  	s23 =	simm.s32 $0x1B8B  }
0xa2: {  	_ =	swait.ge [sflag:s23], $0x1  }
0xa3: {  	[sflag:s23] =	ssyncset.done $0x0  }
0xa4: {  	s25 =	simm.s32 $0x1B8E;
	s24 =	sld [smem:$0x3FFE];
	[sflag:s23] =	ssyncadd.s32 $0xFFFFFFFF  }
0xa5: {  	s26 =	simm.s32 $execute0_lowered;
	[smem:$0x3FD2] =	sst s25  }
0xa6: {  	s5 =	sshll.u32 s26, $0x1;
	_ =	strace $0x8000004C;
	[dreg:$0x1] =	wrdreg $0xFFFFFFFF  }
0xa7: {  	s28 =	simm.s32 $_size_execute0_lowered;
	s3 =	sadd.s32 s3, s5;
	[dreg:$0x0] =	wrdreg $0x0  }
0xa8: {  	s5 =	sshll.u32 s28, $0x1;
	[dreg:$0x2] =	wrdreg s3  }
0xa9: {  	[dreg:$0x3] =	wrdreg s5  }
0xaa: {  	[dreg:$0x4] =	wrdreg $0xC0  }
0xab: {  	_ =	task [dreg:s7], $0x5FFFF  }
0xac: {  	[dreg:$0x1] =	wrdreg $0xFFFFFFFF  }
0xad: {  	[dreg:$0x0] =	wrdreg $0x60  }
0xae: {  	[dreg:$0x2] =	wrdreg s2  }
0xaf: {  	[dreg:$0x3] =	wrdreg s24  }
0xb0: {  	[dreg:$0x4] =	wrdreg $0x150000  }
0xb1: {  	[dreg:$0x5] =	wrdreg $0x9  }
0xb2: {  	_ =	task.clear_ibuf [dreg:s7], $0x6FFFF;
	_ =	strace $0x9000004C  }
0xb3: {  	s29 =	simm.s32 $0x9;
	_ =	strace $0x8000004E  }
0xb4: {  	_ =	swait.ge [sflag:s29], $0x1  }
0xb5: {  	[sflag:s29] =	ssyncadd.s32 $0xFFFFFFFF  }
0xb6: {  	_ =	strace $0x9000004E  }
0xb7: {  	_ =	sfence  }
0xb8: {  	s30 =	sld [smem:$0x0];
	_ =	sdelay $0x2  }
0xb9: {  	s31 =	sshll.u32 s1, $0xD;
	s1 =	sshrl.u32 s1, $0x2  }
0xba: {  	s3 =	sand.u32 $0x4000, s31;
	s1 =	sadd.s32 s1, s30  }
0xbb: {  	s0 =	sor.u32 s3, s0;
	s1 =	sshll.u32 s1, $0x11  }
0xbc: {  	s0 =	sor.u32 s1, s0  }
0xbd: {  	s0 =	sadd.s32 $0x8F2B, s0  }
0xbe: {  	[sflag:s0] =	ssyncadd.remote.s32 $0x1  }
0xbf: {  	_ =	sfence.sel $0xFFFF  }
0xc0: {  	[dreg:$0x0] =	wrdreg $0xFFFFFFFF;
	(pc) =	sbr.abs _section_cstart, $3  }
0xc1: {  	[dreg:$0x1] =	wrdreg $0xFFFFFFFF  }
0xc2: {  	_ =	task.clear_ibuf [dreg:s7], $0x2FFFF;
	_ =	strace $0x9FFFFFFF  }
0xc3: {  	(tm) =	ssettm $0x7FFFFFFF  }
tec
execute0_lowered:
.L_overlay_start_1:
0x0: {  	(tag) =	ssettag $0x1  }
0x1: {  	s0 =	srdreg.scid;
	s1 =	rddreg [dreg:$0x0]  }
0x2: {  	s4 =	stileid.u32;
	s5 =	rddreg [dreg:$0x1]  }
0x3: {  	s3 =	rddreg [dreg:$0x2];
	s13 =	simm.s32 $0x0;
	s14 =	simm.s32 $0x5000  }
0x4: {  	s15 =	simm.s32 $0x11;
	s17 =	simm.s32 $0x80;
	s18 =	simm.s32 $0x7000  }
0x5: {  	s29 =	simm.s32 $0x11000;
	s31 =	simm.s32 $0x13000;
	s16 =	simm.s32 $0x3  }
0x6: {  	s28 =	simm.s32 $0x8;
	s30 =	simm.s32 $0x9;
	s10 =	simm.s32 $0xE  }
0x7: {  	s11 =	simm.s32 $0xF;
	s12 =	simm.s32 $0x10;
	s6 =	smul.u32 $0xA000, s4  }
0x8: {  	s0 =	sand.u32 $0x1, s0;
	[smem:$0x7FF] =	sst s13;
	s8 =	smul.u32 $0x28000, s4  }
0x9: {  	s2 =	sshll.u32 s0, $0x4;
	s7 =	smul.u32 $0xA0000, s0;
	s0 =	ssub.s32 $0x2, s0  }
0xa: {  	_ =	strace $0x8000004D;
	s2 =	sor.u32 s4, s2;
	s9 =	sshrl.u32 s0, $0x1  }
0xb: {  	s8 =	sshrl.u32 s8, $0x2;
	s20 =	sadd.s32 s6, s3;
	s2 =	smul.u32 $0x2800, s2  }
0xc: {  	s7 =	sadd.s32 s6, s7;
	s0 =	ssub.s32 s0, s9;
	s19 =	sadd.s32 s8, s3  }
0xd: {  	[dreg:$0x5] =	wrdreg s20;
	s20 =	simm.s32 $0x9000;
	s21 =	sadd.s32 $0x2000, s19  }
0xe: {  	s6 =	simm.s32 $0xA;
	s22 =	sadd.s32 $0x4000, s19;
	[dreg:$0x6] =	wrdreg s21  }
0xf: {  	s8 =	simm.s32 $0xC;
	s23 =	sadd.s32 $0x6000, s19;
	[dreg:$0x7] =	wrdreg s22  }
0x10: {  	s9 =	simm.s32 $0xD;
	s24 =	sadd.s32 $0x8000, s19;
	[dreg:$0x8] =	wrdreg s23  }
0x11: {  	s7 =	sshrl.u32 s7, $0x3;
	s0 =	smax.u32 s0, $0x1;
	[dreg:$0x9] =	wrdreg s24  }
0x12: {  	s19 =	simm.s32 $0x4;
	s2 =	sshrl.u32 s2, $0x3;
	[dreg:$0xd] =	wrdreg s0  }
0x13: {  	s22 =	simm.s32 $0xB000;
	s24 =	simm.s32 $0xD000;
	s2 =	sadd.s32 s2, s5  }
.Ltmp0:
0x14: {  	s0 =	simm.s32 $0x2;
	s25 =	sadd.s32 $0x3200, s2;
	(pc) =	sbr.rel .LBB2_1-.Ltmp0, $4  }
0x15: {  	s5 =	sadd.s32 s7, s5;
	s2 =	sadd.s32 $0x21200, s2;
	[dreg:$0xa] =	wrdreg s25  }
0x16: {  	s21 =	simm.s32 $0x5;
	s26 =	sadd.s32 $0x2B200, s5;
	[dreg:$0xb] =	wrdreg s2  }
0x17: {  	s23 =	simm.s32 $0x6;
	s7 =	simm.s32 $0xB;
	[dreg:$0xc] =	wrdreg s26  }
0x18: {  	v0 =	vimm.f32 $0.0e+00;
	s26 =	simm.s32 $0xF000;
	s2 =	simm.s32 $0x1;
	s25 =	simm.s32 $0x7  }
.LBB2_6:
0x19: {  	_ =	swait.ge [sflag:s6], $0x2000  }
0x1a: {  	[sflag:s6] =	ssyncset.done $0x0  }
0x1b: {  	[sflag:s6] =	ssyncadd.s32 $0xFFFFE000  }
0x1c: {  	_ =	swait.ge [sflag:s7], $0x2000  }
0x1d: {  	[sflag:s7] =	ssyncset.done $0x0  }
0x1e: {  	[sflag:s7] =	ssyncadd.s32 $0xFFFFE000  }
0x1f: {  	_ =	swait.ge [sflag:s8], $0x2000  }
0x20: {  	[sflag:s8] =	ssyncset.done $0x0  }
0x21: {  	[sflag:s8] =	ssyncadd.s32 $0xFFFFE000  }
0x22: {  	_ =	swait.ge [sflag:s9], $0x2000  }
0x23: {  	[sflag:s9] =	ssyncset.done $0x0  }
0x24: {  	[sflag:s9] =	ssyncadd.s32 $0xFFFFE000  }
0x25: {  	_ =	swait.ge [sflag:s10], $0x2000  }
0x26: {  	[sflag:s10] =	ssyncset.done $0x0  }
0x27: {  	[sflag:s10] =	ssyncadd.s32 $0xFFFFE000  }
0x28: {  	_ =	swait.ge [sflag:s11], $0x2000  }
0x29: {  	[sflag:s11] =	ssyncset.done $0x0  }
0x2a: {  	[sflag:s11] =	ssyncadd.s32 $0xFFFFE000  }
0x2b: {  	_ =	swait.ge [sflag:s12], $0x2000  }
0x2c: {  	[sflag:s12] =	ssyncset.done $0x0  }
0x2d: {  	[sflag:s12] =	ssyncadd.s32 $0xFFFFE000  }
0x2e: {  	s4 =	stileid.u32;
	[bflag:$0x0] =	sbarrier.arrive $0xFFFF  }
0x2f: {  	s4 =	sshll.u32 s4, $0x6;
	s5 =	rddreg [dreg:$0x5]  }
0x30: {  	s4 =	sor.u32 $0x1C11, s4;
	s13 =	rddreg [dreg:$0xc];
	s5 =	sshrl.u32 s5, $0x3  }
0x31: {  	[hbm:s13], [sflag:s4] =	dma.local [spmem:s5], $0x1400  }
0x32: {  	_ =	swait.ge [sflag:s15], $0x1400  }
0x33: {  	s4 =	rddreg [dreg:$0x4]  }
0x34: {  	s5 =	rddreg [dreg:$0xd];
	s13 =	sadd.s32 $0x1, s4  }
0x35: {  	p0 =	sne.s32 s13, s5  }
.Ltmp1:
0x36: {  	_ = 	snop;
	(pc) =	sbr.rel @!p0 .LBB2_7-.Ltmp1, $3  }
0x37: {  	_ =	sdelay $0x1  }
0x38: {  	[sflag:s15] =	ssyncset.done $0x0  }
0x39: {  	[sflag:s15] =	ssyncadd.s32 $0xFFFFEC00  }
.LBB2_1:
0x3a: {  	[dreg:$0x4] =	wrdreg s13;
	s13 =	simm.s32 $0x100;
	s5 =	simm.s32 $0x0  }
.LBB2_2:
0x3b: {  	p0 =	sne.s32 s13, $0x7F00;
	[tilespmem:s5+$0x5030] =	vst v0;
	s4 =	smov.u32 s13;
	s13 =	sadd.s32 $0x100, s13  }
.Ltmp2:
0x3c: {  	[tilespmem:s5+$0x5020] =	vst v0;
	(pc) =	sbr.rel @p0 .LBB2_2-.Ltmp2, $3  }
0x3d: {  	[tilespmem:s5+$0x5000] =	vst v0  }
0x3e: {  	[tilespmem:s5+$0x5010] =	vst v0;
	_ =	sdelay $0x1  }
0x3f: {  	s5 =	sshra.s32 s4, $0x2  }
0x40: {  	[tilespmem:s5+$0x5030] =	vst v0  }
0x41: {  	[tilespmem:s5+$0x5020] =	vst v0  }
0x42: {  	[tilespmem:s5+$0x5000] =	vst v0  }
0x43: {  	[tilespmem:s5+$0x5010] =	vst v0;
	s4 =	rddreg [dreg:$0x5]  }
0x44: {  	[spmem:s4] =	stream.linear.scatter [tilespmem:s14], [sflag:$0x11], $0x2000, $0x38;
	[tilespmem:$0x1F000] =	vst v63  }
0x45: {  	_ =	swait.ge [sflag:s15], $0x2000  }
0x46: {  	[sflag:s15] =	ssyncset.done $0x0  }
0x47: {  	s5 =	rddreg [dreg:$0x6];
	[sflag:s15] =	ssyncadd.s32 $0xFFFFE000  }
0x48: {  	[spmem:s5] =	stream.linear.scatter [tilespmem:s14], [sflag:$0x11], $0x2000, $0x38;
	[tilespmem:$0x1F000] =	vst v63  }
0x49: {  	_ =	swait.ge [sflag:s15], $0x2000  }
0x4a: {  	[sflag:s15] =	ssyncset.done $0x0  }
0x4b: {  	s13 =	rddreg [dreg:$0x7];
	[sflag:s15] =	ssyncadd.s32 $0xFFFFE000  }
0x4c: {  	[spmem:s13] =	stream.linear.scatter [tilespmem:s14], [sflag:$0x11], $0x2000, $0x38;
	[tilespmem:$0x1F000] =	vst v63  }
0x4d: {  	_ =	swait.ge [sflag:s15], $0x2000  }
0x4e: {  	[sflag:s15] =	ssyncset.done $0x0  }
0x4f: {  	s5 =	rddreg [dreg:$0x8];
	[sflag:s15] =	ssyncadd.s32 $0xFFFFE000  }
0x50: {  	[spmem:s5] =	stream.linear.scatter [tilespmem:s14], [sflag:$0x11], $0x2000, $0x38;
	[tilespmem:$0x1F000] =	vst v63  }
0x51: {  	_ =	swait.ge [sflag:s15], $0x2000  }
0x52: {  	[sflag:s15] =	ssyncset.done $0x0  }
0x53: {  	s13 =	rddreg [dreg:$0x9];
	[sflag:s15] =	ssyncadd.s32 $0xFFFFE000  }
0x54: {  	[spmem:s13] =	stream.linear.scatter [tilespmem:s14], [sflag:$0x11], $0x2000, $0x38;
	[tilespmem:$0x1F000] =	vst v63  }
0x55: {  	_ =	swait.ge [sflag:s15], $0x2000  }
0x56: {  	[sflag:s15] =	ssyncset.done $0x0  }
0x57: {  	[sflag:s15] =	ssyncadd.s32 $0xFFFFE000  }
0x58: {  	[bflag:$0x0] =	sbarrier.arrive $0xFFFF  }
0x59: {  	s13 =	simm.s32 $0x0;
	s5 =	rddreg [dreg:$0xa]  }
0x5a: {  	[tilespmem:s13], [sflag:$0x11] =	stream.linear.gather [hbm4b:s5+s13], $0x2800, $0x38;
	[tilespmem:$0x1F000] =	vst v63  }
0x5b: {  	_ =	swait.ge [sflag:s15], $0x2800  }
0x5c: {  	[sflag:s15] =	ssyncset.done $0x0  }
0x5d: {  	s5 =	simm.s32 $0x2800;
	s4 =	rddreg [dreg:$0xb];
	[sflag:s15] =	ssyncadd.s32 $0xFFFFD800  }
0x5e: {  	[tilespmem:s5], [sflag:$0x11] =	stream.linear.gather [hbm4b:s4+s13], $0x2800, $0x38;
	[tilespmem:$0x1F000] =	vst v63  }
0x5f: {  	_ =	swait.ge [sflag:s15], $0x2800  }
0x60: {  	[sflag:s15] =	ssyncset.done $0x0  }
0x61: {  	[sflag:s15] =	ssyncadd.s32 $0xFFFFD800  }
0x62: {  	[tilespmem:s14], [sflag:$0x1] =	stream.indirect.gather [hbm4b:s1+s17], $0x40, s13, s17, $0xb8;
	[tilespmem:$0x1F000] =	vst v63  }
0x63: {  	_ = 	snop  }
0x64: {  	[tilespmem:s18], [sflag:$0x2] =	stream.indirect.gather [hbm4b:s1+s17], $0x40, s17, s17, $0xb8;
	[tilespmem:$0x1F000] =	vst v63  }
0x65: {  	s5 =	simm.s32 $0x100  }
0x66: {  	[tilespmem:s20], [sflag:$0x3] =	stream.indirect.gather [hbm4b:s1+s17], $0x40, s5, s17, $0xb8;
	[tilespmem:$0x1F000] =	vst v63  }
0x67: {  	s5 =	simm.s32 $0x180  }
0x68: {  	[tilespmem:s22], [sflag:$0x4] =	stream.indirect.gather [hbm4b:s1+s17], $0x40, s5, s17, $0xb8;
	[tilespmem:$0x1F000] =	vst v63  }
0x69: {  	s5 =	simm.s32 $0x200  }
0x6a: {  	[tilespmem:s24], [sflag:$0x5] =	stream.indirect.gather [hbm4b:s1+s17], $0x40, s5, s17, $0xb8;
	[tilespmem:$0x1F000] =	vst v63  }
0x6b: {  	s5 =	simm.s32 $0x280  }
0x6c: {  	[tilespmem:s26], [sflag:$0x6] =	stream.indirect.gather [hbm4b:s1+s17], $0x40, s5, s17, $0xb8;
	[tilespmem:$0x1F000] =	vst v63  }
0x6d: {  	s5 =	simm.s32 $0x300  }
0x6e: {  	[tilespmem:s29], [sflag:$0x7] =	stream.indirect.gather [hbm4b:s1+s17], $0x40, s5, s17, $0xb8;
	[tilespmem:$0x1F000] =	vst v63  }
0x6f: {  	s5 =	simm.s32 $0x380  }
0x70: {  	[tilespmem:s31], [sflag:$0x8] =	stream.indirect.gather [hbm4b:s1+s17], $0x40, s5, s17, $0xb8;
	[tilespmem:$0x1F000] =	vst v63  }
.LBB2_4:
0x71: {  	_ =	swait.ge [sflag:s2], $0x2000  }
0x72: {  	s5 =	sshra.s32 s13, $0x2;
	[sflag:s2] =	ssyncset.done $0x0  }
0x73: {  	s4 =	sadd.s32 $0x2800, s5;
	[sflag:s2] =	ssyncadd.s32 $0xFFFFE000  }
0x74: {  	[spmem:s3] =	stream.indirect.scatter.add.f32 [tilespmem:s14], [sflag:$0x9], $0x40, s4, s17, $0xb8;
	[tilespmem:$0x1F000] =	vst v63  }
0x75: {  	_ =	swait.ge [sflag:s0], $0x2000  }
0x76: {  	[sflag:s0] =	ssyncset.done $0x0  }
0x77: {  	s4 =	sadd.s32 $0x2880, s5;
	[sflag:s0] =	ssyncadd.s32 $0xFFFFE000  }
0x78: {  	[spmem:s3] =	stream.indirect.scatter.add.f32 [tilespmem:s18], [sflag:$0xA], $0x40, s4, s17, $0xb8;
	[tilespmem:$0x1F000] =	vst v63  }
0x79: {  	_ =	swait.ge [sflag:s16], $0x2000  }
0x7a: {  	[sflag:s16] =	ssyncset.done $0x0  }
0x7b: {  	s4 =	sadd.s32 $0x2900, s5;
	[sflag:s16] =	ssyncadd.s32 $0xFFFFE000  }
0x7c: {  	[spmem:s3] =	stream.indirect.scatter.add.f32 [tilespmem:s20], [sflag:$0xB], $0x40, s4, s17, $0xb8;
	[tilespmem:$0x1F000] =	vst v63  }
0x7d: {  	_ =	swait.ge [sflag:s19], $0x2000  }
0x7e: {  	[sflag:s19] =	ssyncset.done $0x0  }
0x7f: {  	s4 =	sadd.s32 $0x2980, s5;
	[sflag:s19] =	ssyncadd.s32 $0xFFFFE000  }
0x80: {  	[spmem:s3] =	stream.indirect.scatter.add.f32 [tilespmem:s22], [sflag:$0xC], $0x40, s4, s17, $0xb8;
	[tilespmem:$0x1F000] =	vst v63  }
0x81: {  	_ =	swait.ge [sflag:s21], $0x2000  }
0x82: {  	[sflag:s21] =	ssyncset.done $0x0  }
0x83: {  	s4 =	sadd.s32 $0x2A00, s5;
	[sflag:s21] =	ssyncadd.s32 $0xFFFFE000  }
0x84: {  	[spmem:s3] =	stream.indirect.scatter.add.f32 [tilespmem:s24], [sflag:$0xD], $0x40, s4, s17, $0xb8;
	[tilespmem:$0x1F000] =	vst v63  }
0x85: {  	_ =	swait.ge [sflag:s23], $0x2000  }
0x86: {  	[sflag:s23] =	ssyncset.done $0x0  }
0x87: {  	s4 =	sadd.s32 $0x2A80, s5;
	[sflag:s23] =	ssyncadd.s32 $0xFFFFE000  }
0x88: {  	[spmem:s3] =	stream.indirect.scatter.add.f32 [tilespmem:s26], [sflag:$0xE], $0x40, s4, s17, $0xb8;
	[tilespmem:$0x1F000] =	vst v63  }
0x89: {  	_ =	swait.ge [sflag:s25], $0x2000  }
0x8a: {  	[sflag:s25] =	ssyncset.done $0x0  }
0x8b: {  	s4 =	sadd.s32 $0x2B00, s5;
	[sflag:s25] =	ssyncadd.s32 $0xFFFFE000  }
0x8c: {  	[spmem:s3] =	stream.indirect.scatter.add.f32 [tilespmem:s29], [sflag:$0xF], $0x40, s4, s17, $0xb8;
	[tilespmem:$0x1F000] =	vst v63  }
0x8d: {  	_ =	swait.ge [sflag:s28], $0x2000  }
0x8e: {  	p0 =	seq.s32 s13, $0x9000;
	[sflag:s28] =	ssyncset.done $0x0  }
.Ltmp3:
0x8f: {  	s4 =	sadd.s32 $0x2B80, s5;
	[sflag:s28] =	ssyncadd.s32 $0xFFFFE000;
	(pc) =	sbr.rel @p0 .LBB2_6-.Ltmp3, $4  }
0x90: {  	[spmem:s3] =	stream.indirect.scatter.add.f32 [tilespmem:s31], [sflag:$0x10], $0x40, s4, s17, $0xb8;
	[tilespmem:$0x1F000] =	vst v63  }
0x91: {  	_ =	swait.ge [sflag:s30], $0x2000  }
0x92: {  	[sflag:s30] =	ssyncset.done $0x0  }
0x93: {  	[sflag:s30] =	ssyncadd.s32 $0xFFFFE000  }
0x94: {  	s4 =	sadd.s32 $0x400, s5  }
0x95: {  	[tilespmem:s14], [sflag:$0x1] =	stream.indirect.gather [hbm4b:s1+s17], $0x40, s4, s17, $0xb8;
	[tilespmem:$0x1F000] =	vst v63  }
0x96: {  	_ =	swait.ge [sflag:s6], $0x2000  }
0x97: {  	[sflag:s6] =	ssyncset.done $0x0  }
0x98: {  	s4 =	sadd.s32 $0x480, s5;
	[sflag:s6] =	ssyncadd.s32 $0xFFFFE000  }
0x99: {  	[tilespmem:s18], [sflag:$0x2] =	stream.indirect.gather [hbm4b:s1+s17], $0x40, s4, s17, $0xb8;
	[tilespmem:$0x1F000] =	vst v63  }
0x9a: {  	_ =	swait.ge [sflag:s7], $0x2000  }
0x9b: {  	[sflag:s7] =	ssyncset.done $0x0  }
0x9c: {  	s4 =	sadd.s32 $0x500, s5;
	[sflag:s7] =	ssyncadd.s32 $0xFFFFE000  }
0x9d: {  	[tilespmem:s20], [sflag:$0x3] =	stream.indirect.gather [hbm4b:s1+s17], $0x40, s4, s17, $0xb8;
	[tilespmem:$0x1F000] =	vst v63  }
0x9e: {  	_ =	swait.ge [sflag:s8], $0x2000  }
0x9f: {  	[sflag:s8] =	ssyncset.done $0x0  }
0xa0: {  	s4 =	sadd.s32 $0x580, s5;
	[sflag:s8] =	ssyncadd.s32 $0xFFFFE000  }
0xa1: {  	[tilespmem:s22], [sflag:$0x4] =	stream.indirect.gather [hbm4b:s1+s17], $0x40, s4, s17, $0xb8;
	[tilespmem:$0x1F000] =	vst v63  }
0xa2: {  	_ =	swait.ge [sflag:s9], $0x2000  }
0xa3: {  	[sflag:s9] =	ssyncset.done $0x0  }
0xa4: {  	s4 =	sadd.s32 $0x600, s5;
	[sflag:s9] =	ssyncadd.s32 $0xFFFFE000  }
0xa5: {  	[tilespmem:s24], [sflag:$0x5] =	stream.indirect.gather [hbm4b:s1+s17], $0x40, s4, s17, $0xb8;
	[tilespmem:$0x1F000] =	vst v63  }
0xa6: {  	_ =	swait.ge [sflag:s10], $0x2000  }
0xa7: {  	[sflag:s10] =	ssyncset.done $0x0  }
0xa8: {  	s4 =	sadd.s32 $0x680, s5;
	[sflag:s10] =	ssyncadd.s32 $0xFFFFE000  }
0xa9: {  	[tilespmem:s26], [sflag:$0x6] =	stream.indirect.gather [hbm4b:s1+s17], $0x40, s4, s17, $0xb8;
	[tilespmem:$0x1F000] =	vst v63  }
0xaa: {  	_ =	swait.ge [sflag:s11], $0x2000  }
0xab: {  	[sflag:s11] =	ssyncset.done $0x0  }
0xac: {  	s4 =	sadd.s32 $0x700, s5;
	[sflag:s11] =	ssyncadd.s32 $0xFFFFE000  }
0xad: {  	[tilespmem:s29], [sflag:$0x7] =	stream.indirect.gather [hbm4b:s1+s17], $0x40, s4, s17, $0xb8;
	[tilespmem:$0x1F000] =	vst v63  }
.Ltmp4:
0xae: {  	_ = 	snop;
	(pc) =	sbr.rel .LBB2_4-.Ltmp4, $4  }
0xaf: {  	_ =	swait.ge [sflag:s12], $0x2000  }
0xb0: {  	[sflag:s12] =	ssyncset.done $0x0  }
0xb1: {  	s13 =	sadd.s32 $0x1000, s13;
	s5 =	sadd.s32 $0x780, s5;
	[sflag:s12] =	ssyncadd.s32 $0xFFFFE000  }
0xb2: {  	[tilespmem:s31], [sflag:$0x8] =	stream.indirect.gather [hbm4b:s1+s17], $0x40, s5, s17, $0xb8;
	[tilespmem:$0x1F000] =	vst v63  }
.LBB2_7:
0xb3: {  	_ =	sfence.sel $0x180000  }
0xb4: {  	[bflag:$0x0] =	sbarrier.arrive $0xFFFF  }
0xb5: {  	_ =	strace $0x9000004D  }
0xb6: {  	s0 =	stileid.u32;
	[bflag:$0x2] =	sbarrier.arrive $0xFFFF  }
0xb7: {  	p0 =	sne.s32 s0, $0x0;
	s0 =	rddreg [dreg:$0x3]  }
0xb8: {  	s0 =	sadd.s32 @!p0 $0x100000, s0  }
0xb9: {  	[sflag:s0] =	ssyncadd.tile.s32 @!p0 $0x1;
	_ =	shalt  }
.Lfunc_end2:
_tile_overlayer_lowered:
.L_overlay_start_2:
0xba: {  	(tag) =	ssettag $0x2  }
0xbb: {  	s0 =	rddreg [dreg:$0x0];
	s2 =	stileid.u32  }
0xbc: {  	s1 =	rddreg [dreg:$0x1];
	p0 =	sne.s32 s2, $0x0  }
0xbd: {  	s3 =	rddreg [dreg:$0x2];
	[bflag:$0x3] =	sbarrier.arrive $0xFFFF;
	s2 =	simm.s32 @!p0 $0x1C11  }
0xbe: {  	[timem:s3], [sflag:s2] =	dma.local @!p0 [hbm:s0], s1  }
0xbf: {  	s0 =	simm.s32 @!p0 $0x11  }
0xc0: {  	_ =	swait.ge @!p0 [sflag:s0], s1  }
0xc1: {  	s1 =	ssub.s32 @!p0 $0x0, s1;
	[sflag:s0] =	ssyncset.done @!p0 $0x0  }
0xc2: {  	[sflag:s0] =	ssyncadd.s32 @!p0 s1  }
0xc3: {  	[bflag:$0x3] =	sbarrier.arrive $0xFFFF  }
0xc4: {  	_ =	shalt  }

// kernel: kernel.21.cloned.1.call-start
scs
__scs_entry_jumppad:
0x0: {  	(pc) =	sbr.rel $0x88, $3  }
0x1: {  	(tag) =	ssettag $0x0;
	lr =	simm.s32 $0x1  }
0x2: {  	[smem:$0x3F97] =	sst lr;
	_ =	strace $0xD0000000  }
0x3: {  	_ = 	snop  }
0x4: {  	_ = 	snop  }
0x5: {  	_ = 	snop  }
0x6: {  	_ = 	snop  }
0x7: {  	_ = 	snop  }
__scs_overlays_trampoline_lowered:
0x8: {  	[smem:$0x3FA6] =	sst s0  }
0x9: {  	[smem:$0x3FA7] =	sst s1  }
0xa: {  	[smem:$0x3FA8] =	sst s2  }
0xb: {  	[smem:$0x3FA9] =	sst s3  }
0xc: {  	[smem:$0x3FAA] =	sst s4  }
0xd: {  	[smem:$0x3FAB] =	sst s5  }
0xe: {  	[smem:$0x3FAC] =	sst s6  }
0xf: {  	[smem:$0x3FAD] =	sst s7  }
0x10: {  	[smem:$0x3FAE] =	sst s8  }
0x11: {  	[smem:$0x3FAF] =	sst s9;
	s0 =	simm.s32 @!p0 $0x0  }
0x12: {  	s1 =	sld [smem:$0x3F95];
	s0 =	simm.s32 @p0 $0x1  }
0x13: {  	[smem:$0x3FB0] =	sst s0;
	s0 =	simm.s32 @!p1 $0x0  }
0x14: {  	s2 =	sld [smem:$0x3F94];
	s0 =	simm.s32 @p1 $0x1  }
0x15: {  	[smem:$0x3FB1] =	sst s0;
	s0 =	simm.s32 @!p2 $0x0  }
0x16: {  	s3 =	sld [smem:$0x3FDB];
	s0 =	simm.s32 @p2 $0x1  }
0x17: {  	s4 =	simm.s32 $0x1BF5;
	[smem:$0x3FB3] =	sst s0  }
0x18: {  	s0 =	sld [smem:$0x3F96];
	_ =	swait.ge [sflag:s4], $0x0  }
0x19: {  	s7 =	sld [smem:$0x3F97]  }
0x1a: {  	s8 =	sadd.s32 $0xFFFFE003, lr  }
0x1b: {  	s9 =	sadd.s32 $0xFFFFFEF7, lr;
	s5 =	simm.s32 $0xFFFFFFFF;
	p2 =	slt.u32 s8, $0xFFFFF086  }
0x1c: {  	p1 =	slt.u32 s9, $0xF7A;
	s5 =	simm.s32 @!p2 $0x0  }
0x1d: {  	s5 =	simm.s32 @p1 $0x1;
	p0 =	seq.s32 s7, s2  }
0x1e: {  	s7 =	smul.u32 @!p0 $0xF7A, s2;
	p2 =	seq.s32 @!p0 s5, $0x0  }
0x1f: {  	s9 =	smul.u32 $0xF7A, s1;
	s8 =	simm.s32 @!p0 $0x1BF5;
	p2 =	por !p2, p0  }
0x20: {  	[sflag:s8] =	ssyncset.s32 @!p0 $0xFFFFF086;
	s6 =	sadd.s32 @!p0 s3, s7;
	s7 =	simm.s32 @!p0 $0x108  }
0x21: {  	s3 =	sadd.s32 s3, s9;
	s6 =	sadd.s32 @!p0 $0x88, s6;
	s7 =	simm.s32 @p2 $0x1082  }
0x22: {  	[simem:s7], [sflag:s8] =	dma.local @!p0 [hbm:s6], $0xF7A  }
0x23: {  	s9 =	sor.u32 $0xD0000000, s2;
	s6 =	simm.s32 $0x108;
	_ =	swait.ge @!p0 [sflag:s8], $0x0  }
0x24: {  	s3 =	sadd.s32 $0x88, s3;
	s6 =	simm.s32 @!p1 $0x1082;
	[sflag:s4] =	ssyncset.s32 $0xFFFFF086  }
0x25: {  	[simem:s6], [sflag:s4] =	dma.local [hbm:s3], $0xF7A  }
0x26: {  	[smem:$0x3F97] =	sst s1;
	(tag) =	ssettag s2;
	_ =	strace s9  }
0x27: {  	s1 =	sld [smem:$0x3FA7]  }
0x28: {  	s2 =	sld [smem:$0x3FA8]  }
0x29: {  	s4 =	sld [smem:$0x3FAA]  }
0x2a: {  	p0 =	seq.s32 s5, $0x0;
	s5 =	sld [smem:$0x3FAB]  }
0x2b: {  	s6 =	sld [smem:$0x3FAC]  }
0x2c: {  	s7 =	sld [smem:$0x3FAD]  }
0x2d: {  	s3 =	simm.s32 $0x108;
	s8 =	sld [smem:$0x3FAE]  }
0x2e: {  	s3 =	simm.s32 @!p0 $0x1082;
	s9 =	sld [smem:$0x3FAF]  }
0x2f: {  	lr =	sadd.s32 s0, s3;
	s0 =	sld [smem:$0x3FA6]  }
0x30: {  	s3 =	sld [smem:$0x3FA9]  }
0x31: {  	[smem:$0x3FB2] =	sst s10  }
0x32: {  	s10 =	sld [smem:$0x3FB0];
	_ =	sdelay $0x3  }
0x33: {  	p0 =	seq.s32 s10, $0x1;
	s10 =	sld [smem:$0x3FB2];
	_ =	sdelay $0x3  }
0x34: {  	[smem:$0x3FB2] =	sst s10  }
0x35: {  	s10 =	sld [smem:$0x3FB1];
	_ =	sdelay $0x3  }
0x36: {  	p1 =	seq.s32 s10, $0x1;
	s10 =	sld [smem:$0x3FB2];
	_ =	sdelay $0x3  }
0x37: {  	[smem:$0x3FB2] =	sst s10  }
0x38: {  	s10 =	sld [smem:$0x3FB3]  }
0x39: {  	_ = 	snop;
	(pc) =	sbr.ind lr, $3  }
0x3a: {  	_ = 	snop  }
0x3b: {  	_ = 	snop  }
0x3c: {  	p2 =	seq.s32 s10, $0x1;
	s10 =	sld [smem:$0x3FB2]  }
0x3d: {  	_ =	shalt  }
0x3e: {  	_ =	shalt  }
0x3f: {  	_ =	shalt  }
0x40: {  	_ =	shalt  }
0x41: {  	_ =	shalt  }
0x42: {  	_ =	shalt  }
0x43: {  	_ =	shalt  }
0x44: {  	_ =	shalt  }
0x45: {  	_ =	shalt  }
0x46: {  	_ =	shalt  }
0x47: {  	_ =	shalt  }
0x48: {  	_ =	shalt  }
0x49: {  	_ =	shalt  }
0x4a: {  	_ =	shalt  }
0x4b: {  	_ =	shalt  }
0x4c: {  	_ =	shalt  }
0x4d: {  	_ =	shalt  }
0x4e: {  	_ =	shalt  }
0x4f: {  	_ =	shalt  }
0x50: {  	_ =	shalt  }
0x51: {  	_ =	shalt  }
0x52: {  	_ =	shalt  }
0x53: {  	_ =	shalt  }
0x54: {  	_ =	shalt  }
0x55: {  	_ =	shalt  }
0x56: {  	_ =	shalt  }
0x57: {  	_ =	shalt  }
0x58: {  	_ =	shalt  }
0x59: {  	_ =	shalt  }
0x5a: {  	_ =	shalt  }
0x5b: {  	_ =	shalt  }
0x5c: {  	_ =	shalt  }
0x5d: {  	_ =	shalt  }
0x5e: {  	_ =	shalt  }
0x5f: {  	_ =	shalt  }
0x60: {  	_ =	shalt  }
0x61: {  	_ =	shalt  }
0x62: {  	_ =	shalt  }
0x63: {  	_ =	shalt  }
0x64: {  	_ =	shalt  }
0x65: {  	_ =	shalt  }
0x66: {  	_ =	shalt  }
0x67: {  	_ =	shalt  }
0x68: {  	_ =	shalt  }
0x69: {  	_ =	shalt  }
0x6a: {  	_ =	shalt  }
0x6b: {  	_ =	shalt  }
0x6c: {  	_ =	shalt  }
0x6d: {  	_ =	shalt  }
0x6e: {  	_ =	shalt  }
0x6f: {  	_ =	shalt  }
0x70: {  	_ =	shalt  }
0x71: {  	_ =	shalt  }
0x72: {  	_ =	shalt  }
0x73: {  	_ =	shalt  }
0x74: {  	_ =	shalt  }
0x75: {  	_ =	shalt  }
0x76: {  	_ =	shalt  }
0x77: {  	_ =	shalt  }
0x78: {  	_ =	shalt  }
0x79: {  	_ =	shalt  }
0x7a: {  	_ =	shalt  }
0x7b: {  	_ =	shalt  }
0x7c: {  	_ =	shalt  }
0x7d: {  	_ =	shalt  }
0x7e: {  	_ =	shalt  }
0x7f: {  	_ =	shalt  }
0x80: {  	_ =	shalt  }
0x81: {  	_ =	shalt  }
0x82: {  	_ =	shalt  }
0x83: {  	_ =	shalt  }
0x84: {  	_ =	shalt  }
0x85: {  	_ =	shalt  }
0x86: {  	_ =	shalt  }
0x87: {  	_ =	shalt  }
.Lfunc_end0:
.L_simem_size_0:
called_computation.3_lowered:
.L_overlay_start_0:
0x88: {  	s2 =	sld [smem:$0x3FD9]  }
0x89: {  	s3 =	sld [smem:$0x3FFE];
	_ =	sdelay $0x1  }
0x8a: {  	s1 =	srdreg.scid  }
0x8b: {  	s0 =	sand.u32 $0x1, s1  }
0x8c: {  	s17 =	sshll.u32 s0, $0xA;
	s2 =	sadd.s32 s3, s2  }
0x8d: {  	s2 =	sadd.s32 s2, s17  }
0x8e: {  	[smem:$0x3FBE] =	sst s2  }
0x8f: {  	_ = 	snop  }
0x90: {  	s2 =	sld [smem:$0x3FD0];
	(tm) =	ssettm $0x1  }
0x91: {  	s18 =	sld [smem:$0x3FFB];
	_ =	sdelay $0x3  }
0x92: {  	_ =	strace s18  }
0x93: {  	s3 =	sld [smem:$0x3FFC];
	_ =	sdelay $0x3  }
0x94: {  	_ =	strace s3  }
0x95: {  	s3 =	sld [smem:$0x3FFD];
	_ =	sdelay $0x3  }
0x96: {  	_ =	strace s3  }
0x97: {  	_ =	strace $0x8FFFFFFF  }
0x98: {  	s19 =	sld [smem:$0x3FDB];
	_ =	sdelay $0x1  }
0x99: {  	s4 =	simm.s32 $_scs_section_size  }
0x9a: {  	s5 =	simm.s32 $_size__tile_overlayer_lowered;
	s6 =	simm.s32 $_tile_overlayer_lowered  }
0x9b: {  	s22 =	simm.s32 $0x1BFF;
	s21 =	sshll.u32 s6, $0x1;
	s3 =	sadd.s32 s4, s19  }
0x9c: {  	s7 =	simm.s32 $0x0;
	s20 =	sshll.u32 s5, $0x1;
	s5 =	sadd.s32 s21, s3  }
0x9d: {  	[timem:s7], [sflag:s22] =	dma.local [hbm:s5], s20  }
0x9e: {  	_ =	swait.ge [sflag:s22], s20  }
0x9f: {  	s4 =	ssub.s32 $0x0, s20;
	[sflag:s22] =	ssyncset.done $0x0  }
0xa0: {  	[sflag:s22] =	ssyncadd.s32 s4;
	_ =	sdelay $0x1  }
0xa1: {  	s23 =	simm.s32 $0x1B8B  }
0xa2: {  	_ =	swait.ge [sflag:s23], $0x1  }
0xa3: {  	[sflag:s23] =	ssyncset.done $0x0  }
0xa4: {  	s25 =	simm.s32 $0x1B8E;
	s24 =	sld [smem:$0x3FFE];
	[sflag:s23] =	ssyncadd.s32 $0xFFFFFFFF  }
0xa5: {  	s26 =	simm.s32 $execute0_lowered;
	[smem:$0x3FD2] =	sst s25  }
0xa6: {  	s5 =	sshll.u32 s26, $0x1;
	_ =	strace $0x8000004F;
	[dreg:$0x1] =	wrdreg $0xFFFFFFFF  }
0xa7: {  	s28 =	simm.s32 $_size_execute0_lowered;
	s3 =	sadd.s32 s3, s5;
	[dreg:$0x0] =	wrdreg $0x0  }
0xa8: {  	s5 =	sshll.u32 s28, $0x1;
	[dreg:$0x2] =	wrdreg s3  }
0xa9: {  	[dreg:$0x3] =	wrdreg s5  }
0xaa: {  	[dreg:$0x4] =	wrdreg $0xC0  }
0xab: {  	_ =	task [dreg:s7], $0x5FFFF  }
0xac: {  	[dreg:$0x1] =	wrdreg $0xFFFFFFFF  }
0xad: {  	[dreg:$0x0] =	wrdreg $0x60  }
0xae: {  	[dreg:$0x2] =	wrdreg s2  }
0xaf: {  	[dreg:$0x3] =	wrdreg s24  }
0xb0: {  	[dreg:$0x4] =	wrdreg $0x150000  }
0xb1: {  	[dreg:$0x5] =	wrdreg $0x9  }
0xb2: {  	_ =	task.clear_ibuf [dreg:s7], $0x6FFFF;
	_ =	strace $0x9000004F  }
0xb3: {  	s29 =	simm.s32 $0x9;
	_ =	strace $0x80000051  }
0xb4: {  	_ =	swait.ge [sflag:s29], $0x1  }
0xb5: {  	[sflag:s29] =	ssyncadd.s32 $0xFFFFFFFF  }
0xb6: {  	_ =	strace $0x90000051  }
0xb7: {  	_ =	sfence  }
0xb8: {  	s30 =	sld [smem:$0x0];
	_ =	sdelay $0x2  }
0xb9: {  	s31 =	sshll.u32 s1, $0xD;
	s1 =	sshrl.u32 s1, $0x2  }
0xba: {  	s3 =	sand.u32 $0x4000, s31;
	s1 =	sadd.s32 s1, s30  }
0xbb: {  	s0 =	sor.u32 s3, s0;
	s1 =	sshll.u32 s1, $0x11  }
0xbc: {  	s0 =	sor.u32 s1, s0  }
0xbd: {  	s0 =	sadd.s32 $0x8F2B, s0  }
0xbe: {  	[sflag:s0] =	ssyncadd.remote.s32 $0x1  }
0xbf: {  	_ =	sfence.sel $0xFFFF  }
0xc0: {  	[dreg:$0x0] =	wrdreg $0xFFFFFFFF;
	(pc) =	sbr.abs _section_cstart, $3  }
0xc1: {  	[dreg:$0x1] =	wrdreg $0xFFFFFFFF  }
0xc2: {  	_ =	task.clear_ibuf [dreg:s7], $0x2FFFF;
	_ =	strace $0x9FFFFFFF  }
0xc3: {  	(tm) =	ssettm $0x7FFFFFFF  }
tec
execute0_lowered:
.L_overlay_start_1:
0x0: {  	(tag) =	ssettag $0x1  }
0x1: {  	s0 =	srdreg.scid;
	s1 =	rddreg [dreg:$0x0]  }
0x2: {  	s4 =	stileid.u32;
	s5 =	rddreg [dreg:$0x1]  }
0x3: {  	s3 =	rddreg [dreg:$0x2];
	s13 =	simm.s32 $0x0;
	s14 =	simm.s32 $0x5000  }
0x4: {  	s15 =	simm.s32 $0x11;
	s17 =	simm.s32 $0x80;
	s18 =	simm.s32 $0x7000  }
0x5: {  	s29 =	simm.s32 $0x11000;
	s31 =	simm.s32 $0x13000;
	s16 =	simm.s32 $0x3  }
0x6: {  	s28 =	simm.s32 $0x8;
	s30 =	simm.s32 $0x9;
	s10 =	simm.s32 $0xE  }
0x7: {  	s11 =	simm.s32 $0xF;
	s12 =	simm.s32 $0x10;
	s6 =	smul.u32 $0xA000, s4  }
0x8: {  	s0 =	sand.u32 $0x1, s0;
	[smem:$0x7FF] =	sst s13;
	s8 =	smul.u32 $0x28000, s4  }
0x9: {  	s2 =	sshll.u32 s0, $0x4;
	s7 =	smul.u32 $0xA0000, s0;
	s0 =	ssub.s32 $0x2, s0  }
0xa: {  	_ =	strace $0x80000050;
	s2 =	sor.u32 s4, s2;
	s9 =	sshrl.u32 s0, $0x1  }
0xb: {  	s8 =	sshrl.u32 s8, $0x2;
	s20 =	sadd.s32 s6, s3;
	s2 =	smul.u32 $0x2800, s2  }
0xc: {  	s7 =	sadd.s32 s6, s7;
	s0 =	ssub.s32 s0, s9;
	s19 =	sadd.s32 s8, s3  }
0xd: {  	[dreg:$0x5] =	wrdreg s20;
	s20 =	simm.s32 $0x9000;
	s21 =	sadd.s32 $0x2000, s19  }
0xe: {  	s6 =	simm.s32 $0xA;
	s22 =	sadd.s32 $0x4000, s19;
	[dreg:$0x6] =	wrdreg s21  }
0xf: {  	s8 =	simm.s32 $0xC;
	s23 =	sadd.s32 $0x6000, s19;
	[dreg:$0x7] =	wrdreg s22  }
0x10: {  	s9 =	simm.s32 $0xD;
	s24 =	sadd.s32 $0x8000, s19;
	[dreg:$0x8] =	wrdreg s23  }
0x11: {  	s7 =	sshrl.u32 s7, $0x3;
	s0 =	smax.u32 s0, $0x1;
	[dreg:$0x9] =	wrdreg s24  }
0x12: {  	s19 =	simm.s32 $0x4;
	s2 =	sshrl.u32 s2, $0x3;
	[dreg:$0xd] =	wrdreg s0  }
0x13: {  	s22 =	simm.s32 $0xB000;
	s24 =	simm.s32 $0xD000;
	s2 =	sadd.s32 s2, s5  }
.Ltmp0:
0x14: {  	s0 =	simm.s32 $0x2;
	s25 =	sadd.s32 $0x3200, s2;
	(pc) =	sbr.rel .LBB2_1-.Ltmp0, $4  }
0x15: {  	s5 =	sadd.s32 s7, s5;
	s2 =	sadd.s32 $0x21200, s2;
	[dreg:$0xa] =	wrdreg s25  }
0x16: {  	s21 =	simm.s32 $0x5;
	s26 =	sadd.s32 $0x2B200, s5;
	[dreg:$0xb] =	wrdreg s2  }
0x17: {  	s23 =	simm.s32 $0x6;
	s7 =	simm.s32 $0xB;
	[dreg:$0xc] =	wrdreg s26  }
0x18: {  	v0 =	vimm.f32 $0.0e+00;
	s26 =	simm.s32 $0xF000;
	s2 =	simm.s32 $0x1;
	s25 =	simm.s32 $0x7  }
.LBB2_6:
0x19: {  	_ =	swait.ge [sflag:s6], $0x2000  }
0x1a: {  	[sflag:s6] =	ssyncset.done $0x0  }
0x1b: {  	[sflag:s6] =	ssyncadd.s32 $0xFFFFE000  }
0x1c: {  	_ =	swait.ge [sflag:s7], $0x2000  }
0x1d: {  	[sflag:s7] =	ssyncset.done $0x0  }
0x1e: {  	[sflag:s7] =	ssyncadd.s32 $0xFFFFE000  }
0x1f: {  	_ =	swait.ge [sflag:s8], $0x2000  }
0x20: {  	[sflag:s8] =	ssyncset.done $0x0  }
0x21: {  	[sflag:s8] =	ssyncadd.s32 $0xFFFFE000  }
0x22: {  	_ =	swait.ge [sflag:s9], $0x2000  }
0x23: {  	[sflag:s9] =	ssyncset.done $0x0  }
0x24: {  	[sflag:s9] =	ssyncadd.s32 $0xFFFFE000  }
0x25: {  	_ =	swait.ge [sflag:s10], $0x2000  }
0x26: {  	[sflag:s10] =	ssyncset.done $0x0  }
0x27: {  	[sflag:s10] =	ssyncadd.s32 $0xFFFFE000  }
0x28: {  	_ =	swait.ge [sflag:s11], $0x2000  }
0x29: {  	[sflag:s11] =	ssyncset.done $0x0  }
0x2a: {  	[sflag:s11] =	ssyncadd.s32 $0xFFFFE000  }
0x2b: {  	_ =	swait.ge [sflag:s12], $0x2000  }
0x2c: {  	[sflag:s12] =	ssyncset.done $0x0  }
0x2d: {  	[sflag:s12] =	ssyncadd.s32 $0xFFFFE000  }
0x2e: {  	s4 =	stileid.u32;
	[bflag:$0x0] =	sbarrier.arrive $0xFFFF  }
0x2f: {  	s4 =	sshll.u32 s4, $0x6;
	s5 =	rddreg [dreg:$0x5]  }
0x30: {  	s4 =	sor.u32 $0x1C11, s4;
	s13 =	rddreg [dreg:$0xc];
	s5 =	sshrl.u32 s5, $0x3  }
0x31: {  	[hbm:s13], [sflag:s4] =	dma.local [spmem:s5], $0x1400  }
0x32: {  	_ =	swait.ge [sflag:s15], $0x1400  }
0x33: {  	s4 =	rddreg [dreg:$0x4]  }
0x34: {  	s5 =	rddreg [dreg:$0xd];
	s13 =	sadd.s32 $0x1, s4  }
0x35: {  	p0 =	sne.s32 s13, s5  }
.Ltmp1:
0x36: {  	_ = 	snop;
	(pc) =	sbr.rel @!p0 .LBB2_7-.Ltmp1, $3  }
0x37: {  	_ =	sdelay $0x1  }
0x38: {  	[sflag:s15] =	ssyncset.done $0x0  }
0x39: {  	[sflag:s15] =	ssyncadd.s32 $0xFFFFEC00  }
.LBB2_1:
0x3a: {  	[dreg:$0x4] =	wrdreg s13;
	s13 =	simm.s32 $0x100;
	s5 =	simm.s32 $0x0  }
.LBB2_2:
0x3b: {  	p0 =	sne.s32 s13, $0x7F00;
	[tilespmem:s5+$0x5030] =	vst v0;
	s4 =	smov.u32 s13;
	s13 =	sadd.s32 $0x100, s13  }
.Ltmp2:
0x3c: {  	[tilespmem:s5+$0x5020] =	vst v0;
	(pc) =	sbr.rel @p0 .LBB2_2-.Ltmp2, $3  }
0x3d: {  	[tilespmem:s5+$0x5000] =	vst v0  }
0x3e: {  	[tilespmem:s5+$0x5010] =	vst v0;
	_ =	sdelay $0x1  }
0x3f: {  	s5 =	sshra.s32 s4, $0x2  }
0x40: {  	[tilespmem:s5+$0x5030] =	vst v0  }
0x41: {  	[tilespmem:s5+$0x5020] =	vst v0  }
0x42: {  	[tilespmem:s5+$0x5000] =	vst v0  }
0x43: {  	[tilespmem:s5+$0x5010] =	vst v0;
	s4 =	rddreg [dreg:$0x5]  }
0x44: {  	[spmem:s4] =	stream.linear.scatter [tilespmem:s14], [sflag:$0x11], $0x2000, $0x38;
	[tilespmem:$0x1F000] =	vst v63  }
0x45: {  	_ =	swait.ge [sflag:s15], $0x2000  }
0x46: {  	[sflag:s15] =	ssyncset.done $0x0  }
0x47: {  	s5 =	rddreg [dreg:$0x6];
	[sflag:s15] =	ssyncadd.s32 $0xFFFFE000  }
0x48: {  	[spmem:s5] =	stream.linear.scatter [tilespmem:s14], [sflag:$0x11], $0x2000, $0x38;
	[tilespmem:$0x1F000] =	vst v63  }
0x49: {  	_ =	swait.ge [sflag:s15], $0x2000  }
0x4a: {  	[sflag:s15] =	ssyncset.done $0x0  }
0x4b: {  	s13 =	rddreg [dreg:$0x7];
	[sflag:s15] =	ssyncadd.s32 $0xFFFFE000  }
0x4c: {  	[spmem:s13] =	stream.linear.scatter [tilespmem:s14], [sflag:$0x11], $0x2000, $0x38;
	[tilespmem:$0x1F000] =	vst v63  }
0x4d: {  	_ =	swait.ge [sflag:s15], $0x2000  }
0x4e: {  	[sflag:s15] =	ssyncset.done $0x0  }
0x4f: {  	s5 =	rddreg [dreg:$0x8];
	[sflag:s15] =	ssyncadd.s32 $0xFFFFE000  }
0x50: {  	[spmem:s5] =	stream.linear.scatter [tilespmem:s14], [sflag:$0x11], $0x2000, $0x38;
	[tilespmem:$0x1F000] =	vst v63  }
0x51: {  	_ =	swait.ge [sflag:s15], $0x2000  }
0x52: {  	[sflag:s15] =	ssyncset.done $0x0  }
0x53: {  	s13 =	rddreg [dreg:$0x9];
	[sflag:s15] =	ssyncadd.s32 $0xFFFFE000  }
0x54: {  	[spmem:s13] =	stream.linear.scatter [tilespmem:s14], [sflag:$0x11], $0x2000, $0x38;
	[tilespmem:$0x1F000] =	vst v63  }
0x55: {  	_ =	swait.ge [sflag:s15], $0x2000  }
0x56: {  	[sflag:s15] =	ssyncset.done $0x0  }
0x57: {  	[sflag:s15] =	ssyncadd.s32 $0xFFFFE000  }
0x58: {  	[bflag:$0x0] =	sbarrier.arrive $0xFFFF  }
0x59: {  	s13 =	simm.s32 $0x0;
	s5 =	rddreg [dreg:$0xa]  }
0x5a: {  	[tilespmem:s13], [sflag:$0x11] =	stream.linear.gather [hbm4b:s5+s13], $0x2800, $0x38;
	[tilespmem:$0x1F000] =	vst v63  }
0x5b: {  	_ =	swait.ge [sflag:s15], $0x2800  }
0x5c: {  	[sflag:s15] =	ssyncset.done $0x0  }
0x5d: {  	s5 =	simm.s32 $0x2800;
	s4 =	rddreg [dreg:$0xb];
	[sflag:s15] =	ssyncadd.s32 $0xFFFFD800  }
0x5e: {  	[tilespmem:s5], [sflag:$0x11] =	stream.linear.gather [hbm4b:s4+s13], $0x2800, $0x38;
	[tilespmem:$0x1F000] =	vst v63  }
0x5f: {  	_ =	swait.ge [sflag:s15], $0x2800  }
0x60: {  	[sflag:s15] =	ssyncset.done $0x0  }
0x61: {  	[sflag:s15] =	ssyncadd.s32 $0xFFFFD800  }
0x62: {  	[tilespmem:s14], [sflag:$0x1] =	stream.indirect.gather [hbm4b:s1+s17], $0x40, s13, s17, $0xb8;
	[tilespmem:$0x1F000] =	vst v63  }
0x63: {  	_ = 	snop  }
0x64: {  	[tilespmem:s18], [sflag:$0x2] =	stream.indirect.gather [hbm4b:s1+s17], $0x40, s17, s17, $0xb8;
	[tilespmem:$0x1F000] =	vst v63  }
0x65: {  	s5 =	simm.s32 $0x100  }
0x66: {  	[tilespmem:s20], [sflag:$0x3] =	stream.indirect.gather [hbm4b:s1+s17], $0x40, s5, s17, $0xb8;
	[tilespmem:$0x1F000] =	vst v63  }
0x67: {  	s5 =	simm.s32 $0x180  }
0x68: {  	[tilespmem:s22], [sflag:$0x4] =	stream.indirect.gather [hbm4b:s1+s17], $0x40, s5, s17, $0xb8;
	[tilespmem:$0x1F000] =	vst v63  }
0x69: {  	s5 =	simm.s32 $0x200  }
0x6a: {  	[tilespmem:s24], [sflag:$0x5] =	stream.indirect.gather [hbm4b:s1+s17], $0x40, s5, s17, $0xb8;
	[tilespmem:$0x1F000] =	vst v63  }
0x6b: {  	s5 =	simm.s32 $0x280  }
0x6c: {  	[tilespmem:s26], [sflag:$0x6] =	stream.indirect.gather [hbm4b:s1+s17], $0x40, s5, s17, $0xb8;
	[tilespmem:$0x1F000] =	vst v63  }
0x6d: {  	s5 =	simm.s32 $0x300  }
0x6e: {  	[tilespmem:s29], [sflag:$0x7] =	stream.indirect.gather [hbm4b:s1+s17], $0x40, s5, s17, $0xb8;
	[tilespmem:$0x1F000] =	vst v63  }
0x6f: {  	s5 =	simm.s32 $0x380  }
0x70: {  	[tilespmem:s31], [sflag:$0x8] =	stream.indirect.gather [hbm4b:s1+s17], $0x40, s5, s17, $0xb8;
	[tilespmem:$0x1F000] =	vst v63  }
.LBB2_4:
0x71: {  	_ =	swait.ge [sflag:s2], $0x2000  }
0x72: {  	s5 =	sshra.s32 s13, $0x2;
	[sflag:s2] =	ssyncset.done $0x0  }
0x73: {  	s4 =	sadd.s32 $0x2800, s5;
	[sflag:s2] =	ssyncadd.s32 $0xFFFFE000  }
0x74: {  	[spmem:s3] =	stream.indirect.scatter.add.f32 [tilespmem:s14], [sflag:$0x9], $0x40, s4, s17, $0xb8;
	[tilespmem:$0x1F000] =	vst v63  }
0x75: {  	_ =	swait.ge [sflag:s0], $0x2000  }
0x76: {  	[sflag:s0] =	ssyncset.done $0x0  }
0x77: {  	s4 =	sadd.s32 $0x2880, s5;
	[sflag:s0] =	ssyncadd.s32 $0xFFFFE000  }
0x78: {  	[spmem:s3] =	stream.indirect.scatter.add.f32 [tilespmem:s18], [sflag:$0xA], $0x40, s4, s17, $0xb8;
	[tilespmem:$0x1F000] =	vst v63  }
0x79: {  	_ =	swait.ge [sflag:s16], $0x2000  }
0x7a: {  	[sflag:s16] =	ssyncset.done $0x0  }
0x7b: {  	s4 =	sadd.s32 $0x2900, s5;
	[sflag:s16] =	ssyncadd.s32 $0xFFFFE000  }
0x7c: {  	[spmem:s3] =	stream.indirect.scatter.add.f32 [tilespmem:s20], [sflag:$0xB], $0x40, s4, s17, $0xb8;
	[tilespmem:$0x1F000] =	vst v63  }
0x7d: {  	_ =	swait.ge [sflag:s19], $0x2000  }
0x7e: {  	[sflag:s19] =	ssyncset.done $0x0  }
0x7f: {  	s4 =	sadd.s32 $0x2980, s5;
	[sflag:s19] =	ssyncadd.s32 $0xFFFFE000  }
0x80: {  	[spmem:s3] =	stream.indirect.scatter.add.f32 [tilespmem:s22], [sflag:$0xC], $0x40, s4, s17, $0xb8;
	[tilespmem:$0x1F000] =	vst v63  }
0x81: {  	_ =	swait.ge [sflag:s21], $0x2000  }
0x82: {  	[sflag:s21] =	ssyncset.done $0x0  }
0x83: {  	s4 =	sadd.s32 $0x2A00, s5;
	[sflag:s21] =	ssyncadd.s32 $0xFFFFE000  }
0x84: {  	[spmem:s3] =	stream.indirect.scatter.add.f32 [tilespmem:s24], [sflag:$0xD], $0x40, s4, s17, $0xb8;
	[tilespmem:$0x1F000] =	vst v63  }
0x85: {  	_ =	swait.ge [sflag:s23], $0x2000  }
0x86: {  	[sflag:s23] =	ssyncset.done $0x0  }
0x87: {  	s4 =	sadd.s32 $0x2A80, s5;
	[sflag:s23] =	ssyncadd.s32 $0xFFFFE000  }
0x88: {  	[spmem:s3] =	stream.indirect.scatter.add.f32 [tilespmem:s26], [sflag:$0xE], $0x40, s4, s17, $0xb8;
	[tilespmem:$0x1F000] =	vst v63  }
0x89: {  	_ =	swait.ge [sflag:s25], $0x2000  }
0x8a: {  	[sflag:s25] =	ssyncset.done $0x0  }
0x8b: {  	s4 =	sadd.s32 $0x2B00, s5;
	[sflag:s25] =	ssyncadd.s32 $0xFFFFE000  }
0x8c: {  	[spmem:s3] =	stream.indirect.scatter.add.f32 [tilespmem:s29], [sflag:$0xF], $0x40, s4, s17, $0xb8;
	[tilespmem:$0x1F000] =	vst v63  }
0x8d: {  	_ =	swait.ge [sflag:s28], $0x2000  }
0x8e: {  	p0 =	seq.s32 s13, $0x9000;
	[sflag:s28] =	ssyncset.done $0x0  }
.Ltmp3:
0x8f: {  	s4 =	sadd.s32 $0x2B80, s5;
	[sflag:s28] =	ssyncadd.s32 $0xFFFFE000;
	(pc) =	sbr.rel @p0 .LBB2_6-.Ltmp3, $4  }
0x90: {  	[spmem:s3] =	stream.indirect.scatter.add.f32 [tilespmem:s31], [sflag:$0x10], $0x40, s4, s17, $0xb8;
	[tilespmem:$0x1F000] =	vst v63  }
0x91: {  	_ =	swait.ge [sflag:s30], $0x2000  }
0x92: {  	[sflag:s30] =	ssyncset.done $0x0  }
0x93: {  	[sflag:s30] =	ssyncadd.s32 $0xFFFFE000  }
0x94: {  	s4 =	sadd.s32 $0x400, s5  }
0x95: {  	[tilespmem:s14], [sflag:$0x1] =	stream.indirect.gather [hbm4b:s1+s17], $0x40, s4, s17, $0xb8;
	[tilespmem:$0x1F000] =	vst v63  }
0x96: {  	_ =	swait.ge [sflag:s6], $0x2000  }
0x97: {  	[sflag:s6] =	ssyncset.done $0x0  }
0x98: {  	s4 =	sadd.s32 $0x480, s5;
	[sflag:s6] =	ssyncadd.s32 $0xFFFFE000  }
0x99: {  	[tilespmem:s18], [sflag:$0x2] =	stream.indirect.gather [hbm4b:s1+s17], $0x40, s4, s17, $0xb8;
	[tilespmem:$0x1F000] =	vst v63  }
0x9a: {  	_ =	swait.ge [sflag:s7], $0x2000  }
0x9b: {  	[sflag:s7] =	ssyncset.done $0x0  }
0x9c: {  	s4 =	sadd.s32 $0x500, s5;
	[sflag:s7] =	ssyncadd.s32 $0xFFFFE000  }
0x9d: {  	[tilespmem:s20], [sflag:$0x3] =	stream.indirect.gather [hbm4b:s1+s17], $0x40, s4, s17, $0xb8;
	[tilespmem:$0x1F000] =	vst v63  }
0x9e: {  	_ =	swait.ge [sflag:s8], $0x2000  }
0x9f: {  	[sflag:s8] =	ssyncset.done $0x0  }
0xa0: {  	s4 =	sadd.s32 $0x580, s5;
	[sflag:s8] =	ssyncadd.s32 $0xFFFFE000  }
0xa1: {  	[tilespmem:s22], [sflag:$0x4] =	stream.indirect.gather [hbm4b:s1+s17], $0x40, s4, s17, $0xb8;
	[tilespmem:$0x1F000] =	vst v63  }
0xa2: {  	_ =	swait.ge [sflag:s9], $0x2000  }
0xa3: {  	[sflag:s9] =	ssyncset.done $0x0  }
0xa4: {  	s4 =	sadd.s32 $0x600, s5;
	[sflag:s9] =	ssyncadd.s32 $0xFFFFE000  }
0xa5: {  	[tilespmem:s24], [sflag:$0x5] =	stream.indirect.gather [hbm4b:s1+s17], $0x40, s4, s17, $0xb8;
	[tilespmem:$0x1F000] =	vst v63  }
0xa6: {  	_ =	swait.ge [sflag:s10], $0x2000  }
0xa7: {  	[sflag:s10] =	ssyncset.done $0x0  }
0xa8: {  	s4 =	sadd.s32 $0x680, s5;
	[sflag:s10] =	ssyncadd.s32 $0xFFFFE000  }
0xa9: {  	[tilespmem:s26], [sflag:$0x6] =	stream.indirect.gather [hbm4b:s1+s17], $0x40, s4, s17, $0xb8;
	[tilespmem:$0x1F000] =	vst v63  }
0xaa: {  	_ =	swait.ge [sflag:s11], $0x2000  }
0xab: {  	[sflag:s11] =	ssyncset.done $0x0  }
0xac: {  	s4 =	sadd.s32 $0x700, s5;
	[sflag:s11] =	ssyncadd.s32 $0xFFFFE000  }
0xad: {  	[tilespmem:s29], [sflag:$0x7] =	stream.indirect.gather [hbm4b:s1+s17], $0x40, s4, s17, $0xb8;
	[tilespmem:$0x1F000] =	vst v63  }
.Ltmp4:
0xae: {  	_ = 	snop;
	(pc) =	sbr.rel .LBB2_4-.Ltmp4, $4  }
0xaf: {  	_ =	swait.ge [sflag:s12], $0x2000  }
0xb0: {  	[sflag:s12] =	ssyncset.done $0x0  }
0xb1: {  	s13 =	sadd.s32 $0x1000, s13;
	s5 =	sadd.s32 $0x780, s5;
	[sflag:s12] =	ssyncadd.s32 $0xFFFFE000  }
0xb2: {  	[tilespmem:s31], [sflag:$0x8] =	stream.indirect.gather [hbm4b:s1+s17], $0x40, s5, s17, $0xb8;
	[tilespmem:$0x1F000] =	vst v63  }
.LBB2_7:
0xb3: {  	_ =	sfence.sel $0x180000  }
0xb4: {  	[bflag:$0x0] =	sbarrier.arrive $0xFFFF  }
0xb5: {  	_ =	strace $0x90000050  }
0xb6: {  	s0 =	stileid.u32;
	[bflag:$0x2] =	sbarrier.arrive $0xFFFF  }
0xb7: {  	p0 =	sne.s32 s0, $0x0;
	s0 =	rddreg [dreg:$0x3]  }
0xb8: {  	s0 =	sadd.s32 @!p0 $0x100000, s0  }
0xb9: {  	[sflag:s0] =	ssyncadd.tile.s32 @!p0 $0x1;
	_ =	shalt  }
.Lfunc_end2:
_tile_overlayer_lowered:
.L_overlay_start_2:
0xba: {  	(tag) =	ssettag $0x2  }
0xbb: {  	s0 =	rddreg [dreg:$0x0];
	s2 =	stileid.u32  }
0xbc: {  	s1 =	rddreg [dreg:$0x1];
	p0 =	sne.s32 s2, $0x0  }
0xbd: {  	s3 =	rddreg [dreg:$0x2];
	[bflag:$0x3] =	sbarrier.arrive $0xFFFF;
	s2 =	simm.s32 @!p0 $0x1C11  }
0xbe: {  	[timem:s3], [sflag:s2] =	dma.local @!p0 [hbm:s0], s1  }
0xbf: {  	s0 =	simm.s32 @!p0 $0x11  }
0xc0: {  	_ =	swait.ge @!p0 [sflag:s0], s1  }
0xc1: {  	s1 =	ssub.s32 @!p0 $0x0, s1;
	[sflag:s0] =	ssyncset.done @!p0 $0x0  }
0xc2: {  	[sflag:s0] =	ssyncadd.s32 @!p0 s1  }
0xc3: {  	[bflag:$0x3] =	sbarrier.arrive $0xFFFF  }
0xc4: {  	_ =	shalt  }

// kernel: kernel.24.cloned.1.call-start
scs
__scs_entry_jumppad:
0x0: {  	(pc) =	sbr.rel $0x88, $3  }
0x1: {  	(tag) =	ssettag $0x0;
	lr =	simm.s32 $0x1  }
0x2: {  	[smem:$0x3F97] =	sst lr;
	_ =	strace $0xD0000000  }
0x3: {  	_ = 	snop  }
0x4: {  	_ = 	snop  }
0x5: {  	_ = 	snop  }
0x6: {  	_ = 	snop  }
0x7: {  	_ = 	snop  }
__scs_overlays_trampoline_lowered:
0x8: {  	[smem:$0x3FA6] =	sst s0  }
0x9: {  	[smem:$0x3FA7] =	sst s1  }
0xa: {  	[smem:$0x3FA8] =	sst s2  }
0xb: {  	[smem:$0x3FA9] =	sst s3  }
0xc: {  	[smem:$0x3FAA] =	sst s4  }
0xd: {  	[smem:$0x3FAB] =	sst s5  }
0xe: {  	[smem:$0x3FAC] =	sst s6  }
0xf: {  	[smem:$0x3FAD] =	sst s7  }
0x10: {  	[smem:$0x3FAE] =	sst s8  }
0x11: {  	[smem:$0x3FAF] =	sst s9;
	s0 =	simm.s32 @!p0 $0x0  }
0x12: {  	s1 =	sld [smem:$0x3F95];
	s0 =	simm.s32 @p0 $0x1  }
0x13: {  	[smem:$0x3FB0] =	sst s0;
	s0 =	simm.s32 @!p1 $0x0  }
0x14: {  	s2 =	sld [smem:$0x3F94];
	s0 =	simm.s32 @p1 $0x1  }
0x15: {  	[smem:$0x3FB1] =	sst s0;
	s0 =	simm.s32 @!p2 $0x0  }
0x16: {  	s3 =	sld [smem:$0x3FDB];
	s0 =	simm.s32 @p2 $0x1  }
0x17: {  	s4 =	simm.s32 $0x1BF5;
	[smem:$0x3FB3] =	sst s0  }
0x18: {  	s0 =	sld [smem:$0x3F96];
	_ =	swait.ge [sflag:s4], $0x0  }
0x19: {  	s7 =	sld [smem:$0x3F97]  }
0x1a: {  	s8 =	sadd.s32 $0xFFFFE003, lr  }
0x1b: {  	s9 =	sadd.s32 $0xFFFFFEF7, lr;
	s5 =	simm.s32 $0xFFFFFFFF;
	p2 =	slt.u32 s8, $0xFFFFF086  }
0x1c: {  	p1 =	slt.u32 s9, $0xF7A;
	s5 =	simm.s32 @!p2 $0x0  }
0x1d: {  	s5 =	simm.s32 @p1 $0x1;
	p0 =	seq.s32 s7, s2  }
0x1e: {  	s7 =	smul.u32 @!p0 $0xF7A, s2;
	p2 =	seq.s32 @!p0 s5, $0x0  }
0x1f: {  	s9 =	smul.u32 $0xF7A, s1;
	s8 =	simm.s32 @!p0 $0x1BF5;
	p2 =	por !p2, p0  }
0x20: {  	[sflag:s8] =	ssyncset.s32 @!p0 $0xFFFFF086;
	s6 =	sadd.s32 @!p0 s3, s7;
	s7 =	simm.s32 @!p0 $0x108  }
0x21: {  	s3 =	sadd.s32 s3, s9;
	s6 =	sadd.s32 @!p0 $0x88, s6;
	s7 =	simm.s32 @p2 $0x1082  }
0x22: {  	[simem:s7], [sflag:s8] =	dma.local @!p0 [hbm:s6], $0xF7A  }
0x23: {  	s9 =	sor.u32 $0xD0000000, s2;
	s6 =	simm.s32 $0x108;
	_ =	swait.ge @!p0 [sflag:s8], $0x0  }
0x24: {  	s3 =	sadd.s32 $0x88, s3;
	s6 =	simm.s32 @!p1 $0x1082;
	[sflag:s4] =	ssyncset.s32 $0xFFFFF086  }
0x25: {  	[simem:s6], [sflag:s4] =	dma.local [hbm:s3], $0xF7A  }
0x26: {  	[smem:$0x3F97] =	sst s1;
	(tag) =	ssettag s2;
	_ =	strace s9  }
0x27: {  	s1 =	sld [smem:$0x3FA7]  }
0x28: {  	s2 =	sld [smem:$0x3FA8]  }
0x29: {  	s4 =	sld [smem:$0x3FAA]  }
0x2a: {  	p0 =	seq.s32 s5, $0x0;
	s5 =	sld [smem:$0x3FAB]  }
0x2b: {  	s6 =	sld [smem:$0x3FAC]  }
0x2c: {  	s7 =	sld [smem:$0x3FAD]  }
0x2d: {  	s3 =	simm.s32 $0x108;
	s8 =	sld [smem:$0x3FAE]  }
0x2e: {  	s3 =	simm.s32 @!p0 $0x1082;
	s9 =	sld [smem:$0x3FAF]  }
0x2f: {  	lr =	sadd.s32 s0, s3;
	s0 =	sld [smem:$0x3FA6]  }
0x30: {  	s3 =	sld [smem:$0x3FA9]  }
0x31: {  	[smem:$0x3FB2] =	sst s10  }
0x32: {  	s10 =	sld [smem:$0x3FB0];
	_ =	sdelay $0x3  }
0x33: {  	p0 =	seq.s32 s10, $0x1;
	s10 =	sld [smem:$0x3FB2];
	_ =	sdelay $0x3  }
0x34: {  	[smem:$0x3FB2] =	sst s10  }
0x35: {  	s10 =	sld [smem:$0x3FB1];
	_ =	sdelay $0x3  }
0x36: {  	p1 =	seq.s32 s10, $0x1;
	s10 =	sld [smem:$0x3FB2];
	_ =	sdelay $0x3  }
0x37: {  	[smem:$0x3FB2] =	sst s10  }
0x38: {  	s10 =	sld [smem:$0x3FB3]  }
0x39: {  	_ = 	snop;
	(pc) =	sbr.ind lr, $3  }
0x3a: {  	_ = 	snop  }
0x3b: {  	_ = 	snop  }
0x3c: {  	p2 =	seq.s32 s10, $0x1;
	s10 =	sld [smem:$0x3FB2]  }
0x3d: {  	_ =	shalt  }
0x3e: {  	_ =	shalt  }
0x3f: {  	_ =	shalt  }
0x40: {  	_ =	shalt  }
0x41: {  	_ =	shalt  }
0x42: {  	_ =	shalt  }
0x43: {  	_ =	shalt  }
0x44: {  	_ =	shalt  }
0x45: {  	_ =	shalt  }
0x46: {  	_ =	shalt  }
0x47: {  	_ =	shalt  }
0x48: {  	_ =	shalt  }
0x49: {  	_ =	shalt  }
0x4a: {  	_ =	shalt  }
0x4b: {  	_ =	shalt  }
0x4c: {  	_ =	shalt  }
0x4d: {  	_ =	shalt  }
0x4e: {  	_ =	shalt  }
0x4f: {  	_ =	shalt  }
0x50: {  	_ =	shalt  }
0x51: {  	_ =	shalt  }
0x52: {  	_ =	shalt  }
0x53: {  	_ =	shalt  }
0x54: {  	_ =	shalt  }
0x55: {  	_ =	shalt  }
0x56: {  	_ =	shalt  }
0x57: {  	_ =	shalt  }
0x58: {  	_ =	shalt  }
0x59: {  	_ =	shalt  }
0x5a: {  	_ =	shalt  }
0x5b: {  	_ =	shalt  }
0x5c: {  	_ =	shalt  }
0x5d: {  	_ =	shalt  }
0x5e: {  	_ =	shalt  }
0x5f: {  	_ =	shalt  }
0x60: {  	_ =	shalt  }
0x61: {  	_ =	shalt  }
0x62: {  	_ =	shalt  }
0x63: {  	_ =	shalt  }
0x64: {  	_ =	shalt  }
0x65: {  	_ =	shalt  }
0x66: {  	_ =	shalt  }
0x67: {  	_ =	shalt  }
0x68: {  	_ =	shalt  }
0x69: {  	_ =	shalt  }
0x6a: {  	_ =	shalt  }
0x6b: {  	_ =	shalt  }
0x6c: {  	_ =	shalt  }
0x6d: {  	_ =	shalt  }
0x6e: {  	_ =	shalt  }
0x6f: {  	_ =	shalt  }
0x70: {  	_ =	shalt  }
0x71: {  	_ =	shalt  }
0x72: {  	_ =	shalt  }
0x73: {  	_ =	shalt  }
0x74: {  	_ =	shalt  }
0x75: {  	_ =	shalt  }
0x76: {  	_ =	shalt  }
0x77: {  	_ =	shalt  }
0x78: {  	_ =	shalt  }
0x79: {  	_ =	shalt  }
0x7a: {  	_ =	shalt  }
0x7b: {  	_ =	shalt  }
0x7c: {  	_ =	shalt  }
0x7d: {  	_ =	shalt  }
0x7e: {  	_ =	shalt  }
0x7f: {  	_ =	shalt  }
0x80: {  	_ =	shalt  }
0x81: {  	_ =	shalt  }
0x82: {  	_ =	shalt  }
0x83: {  	_ =	shalt  }
0x84: {  	_ =	shalt  }
0x85: {  	_ =	shalt  }
0x86: {  	_ =	shalt  }
0x87: {  	_ =	shalt  }
.Lfunc_end0:
.L_simem_size_0:
called_computation.4_lowered:
.L_overlay_start_0:
0x88: {  	s2 =	sld [smem:$0x3FD9]  }
0x89: {  	s3 =	sld [smem:$0x3FFE];
	_ =	sdelay $0x1  }
0x8a: {  	s1 =	srdreg.scid  }
0x8b: {  	s0 =	sand.u32 $0x1, s1  }
0x8c: {  	s17 =	sshll.u32 s0, $0xA;
	s2 =	sadd.s32 s3, s2  }
0x8d: {  	s2 =	sadd.s32 s2, s17  }
0x8e: {  	[smem:$0x3FBE] =	sst s2  }
0x8f: {  	_ = 	snop  }
0x90: {  	s2 =	sld [smem:$0x3FD0];
	(tm) =	ssettm $0x1  }
0x91: {  	s18 =	sld [smem:$0x3FFB];
	_ =	sdelay $0x3  }
0x92: {  	_ =	strace s18  }
0x93: {  	s3 =	sld [smem:$0x3FFC];
	_ =	sdelay $0x3  }
0x94: {  	_ =	strace s3  }
0x95: {  	s3 =	sld [smem:$0x3FFD];
	_ =	sdelay $0x3  }
0x96: {  	_ =	strace s3  }
0x97: {  	_ =	strace $0x8FFFFFFF  }
0x98: {  	s19 =	sld [smem:$0x3FDB];
	_ =	sdelay $0x1  }
0x99: {  	s4 =	simm.s32 $_scs_section_size  }
0x9a: {  	s5 =	simm.s32 $_size__tile_overlayer_lowered;
	s6 =	simm.s32 $_tile_overlayer_lowered  }
0x9b: {  	s22 =	simm.s32 $0x1BFF;
	s21 =	sshll.u32 s6, $0x1;
	s3 =	sadd.s32 s4, s19  }
0x9c: {  	s7 =	simm.s32 $0x0;
	s20 =	sshll.u32 s5, $0x1;
	s5 =	sadd.s32 s21, s3  }
0x9d: {  	[timem:s7], [sflag:s22] =	dma.local [hbm:s5], s20  }
0x9e: {  	_ =	swait.ge [sflag:s22], s20  }
0x9f: {  	s4 =	ssub.s32 $0x0, s20;
	[sflag:s22] =	ssyncset.done $0x0  }
0xa0: {  	[sflag:s22] =	ssyncadd.s32 s4;
	_ =	sdelay $0x1  }
0xa1: {  	s23 =	simm.s32 $0x1B8B  }
0xa2: {  	_ =	swait.ge [sflag:s23], $0x1  }
0xa3: {  	[sflag:s23] =	ssyncset.done $0x0  }
0xa4: {  	s25 =	simm.s32 $0x1B8E;
	s24 =	sld [smem:$0x3FFE];
	[sflag:s23] =	ssyncadd.s32 $0xFFFFFFFF  }
0xa5: {  	s26 =	simm.s32 $execute0_lowered;
	[smem:$0x3FD2] =	sst s25  }
0xa6: {  	s5 =	sshll.u32 s26, $0x1;
	_ =	strace $0x80000052;
	[dreg:$0x1] =	wrdreg $0xFFFFFFFF  }
0xa7: {  	s28 =	simm.s32 $_size_execute0_lowered;
	s3 =	sadd.s32 s3, s5;
	[dreg:$0x0] =	wrdreg $0x0  }
0xa8: {  	s5 =	sshll.u32 s28, $0x1;
	[dreg:$0x2] =	wrdreg s3  }
0xa9: {  	[dreg:$0x3] =	wrdreg s5  }
0xaa: {  	[dreg:$0x4] =	wrdreg $0xC0  }
0xab: {  	_ =	task [dreg:s7], $0x5FFFF  }
0xac: {  	[dreg:$0x1] =	wrdreg $0xFFFFFFFF  }
0xad: {  	[dreg:$0x0] =	wrdreg $0x60  }
0xae: {  	[dreg:$0x2] =	wrdreg s2  }
0xaf: {  	[dreg:$0x3] =	wrdreg s24  }
0xb0: {  	[dreg:$0x4] =	wrdreg $0x150000  }
0xb1: {  	[dreg:$0x5] =	wrdreg $0x9  }
0xb2: {  	_ =	task.clear_ibuf [dreg:s7], $0x6FFFF;
	_ =	strace $0x90000052  }
0xb3: {  	s29 =	simm.s32 $0x9;
	_ =	strace $0x80000054  }
0xb4: {  	_ =	swait.ge [sflag:s29], $0x1  }
0xb5: {  	[sflag:s29] =	ssyncadd.s32 $0xFFFFFFFF  }
0xb6: {  	_ =	strace $0x90000054  }
0xb7: {  	_ =	sfence  }
0xb8: {  	s30 =	sld [smem:$0x0];
	_ =	sdelay $0x2  }
0xb9: {  	s31 =	sshll.u32 s1, $0xD;
	s1 =	sshrl.u32 s1, $0x2  }
0xba: {  	s3 =	sand.u32 $0x4000, s31;
	s1 =	sadd.s32 s1, s30  }
0xbb: {  	s0 =	sor.u32 s3, s0;
	s1 =	sshll.u32 s1, $0x11  }
0xbc: {  	s0 =	sor.u32 s1, s0  }
0xbd: {  	s0 =	sadd.s32 $0x8F2B, s0  }
0xbe: {  	[sflag:s0] =	ssyncadd.remote.s32 $0x1  }
0xbf: {  	_ =	sfence.sel $0xFFFF  }
0xc0: {  	[dreg:$0x0] =	wrdreg $0xFFFFFFFF;
	(pc) =	sbr.abs _section_cstart, $3  }
0xc1: {  	[dreg:$0x1] =	wrdreg $0xFFFFFFFF  }
0xc2: {  	_ =	task.clear_ibuf [dreg:s7], $0x2FFFF;
	_ =	strace $0x9FFFFFFF  }
0xc3: {  	(tm) =	ssettm $0x7FFFFFFF  }
tec
execute0_lowered:
.L_overlay_start_1:
0x0: {  	(tag) =	ssettag $0x1  }
0x1: {  	s1 =	rddreg [dreg:$0x0]  }
0x2: {  	s0 =	rddreg [dreg:$0x1]  }
0x3: {  	s2 =	srdreg.scid;
	s10 =	stileid.u32  }
0x4: {  	s3 =	rddreg [dreg:$0x2];
	s6 =	simm.s32 $0x0;
	s28 =	simm.s32 $0xD000  }
0x5: {  	s30 =	simm.s32 $0xF000;
	s11 =	simm.s32 $0x7;
	s4 =	smul.u32 $0xA000, s10  }
0x6: {  	s14 =	simm.s32 $0x8;
	s15 =	simm.s32 $0x9;
	s7 =	smul.u32 $0x5000, s10  }
0x7: {  	s29 =	simm.s32 $0x10;
	s2 =	sand.u32 $0x1, s2;
	s10 =	smul.u32 $0x28000, s10  }
0x8: {  	s31 =	simm.s32 $0x0;
	[smem:$0x7FF] =	sst s6;
	s5 =	smul.u32 $0xA0000, s2  }
0x9: {  	s8 =	sadd.s32 $0x3200, s0;
	s16 =	smul.u32 $0x50000, s2;
	s2 =	ssub.s32 $0x2, s2  }
0xa: {  	_ =	strace $0x80000053;
	s9 =	sshrl.u32 s2, $0x1;
	s18 =	sshrl.u32 s7, $0x3  }
0xb: {  	s19 =	sshrl.u32 s10, $0x2;
	s10 =	simm.s32 $0x6;
	s5 =	sadd.s32 s4, s5  }
0xc: {  	s6 =	sadd.s32 s7, s16;
	s2 =	ssub.s32 s2, s9;
	s7 =	sadd.s32 s19, s3  }
0xd: {  	s4 =	sadd.s32 s4, s3;
	s16 =	simm.s32 $0x13000;
	s9 =	simm.s32 $0x5  }
0xe: {  	s19 =	simm.s32 $0xB;
	s5 =	sshrl.u32 s5, $0x3;
	s17 =	sshrl.u32 s6, $0x3  }
0xf: {  	s6 =	sadd.s32 s8, s18;
	[dreg:$0x6] =	wrdreg s4;
	s21 =	sadd.s32 $0x2000, s7  }
0x10: {  	s22 =	sadd.s32 $0x4000, s7;
	s23 =	sadd.s32 $0x6000, s7;
	s24 =	sadd.s32 $0x8000, s7  }
0x11: {  	s26 =	smax.u32 s2, $0x1;
	s2 =	simm.s32 $0x11000;
	[dreg:$0x7] =	wrdreg s21  }
0x12: {  	s4 =	simm.s32 $0x1;
	s7 =	simm.s32 $0xA;
	[dreg:$0x8] =	wrdreg s22  }
0x13: {  	s18 =	simm.s32 $0xC;
	s0 =	sadd.s32 s5, s0;
	[dreg:$0x9] =	wrdreg s23  }
0x14: {  	s5 =	sadd.s32 s8, s17;
	s8 =	sadd.s32 $0x1E000, s6;
	[dreg:$0xa] =	wrdreg s24  }
0x15: {  	s13 =	sadd.s32 $0x1E500, s6;
	[dreg:$0xd] =	wrdreg s26;
	s17 =	simm.s32 $0x5000  }
0x16: {  	s21 =	simm.s32 $0x7000;
	s23 =	simm.s32 $0x9000;
	s6 =	simm.s32 $0x3  }
.Ltmp0:
0x17: {  	s22 =	simm.s32 $0xD;
	s24 =	simm.s32 $0xE;
	(pc) =	sbr.rel .LBB2_1-.Ltmp0, $4  }
0x18: {  	s26 =	simm.s32 $0xF;
	s20 =	sadd.s32 $0xA000, s5;
	[dreg:$0x5] =	wrdreg s8  }
0x19: {  	s25 =	sadd.s32 $0xA500, s5;
	s0 =	sadd.s32 $0x2B200, s0;
	[dreg:$0x4] =	wrdreg s20  }
0x1a: {  	s5 =	simm.s32 $0x2;
	s8 =	simm.s32 $0x4;
	[dreg:$0xb] =	wrdreg s25  }
0x1b: {  	v0 =	vimm.f32 $0.0e+00;
	[dreg:$0xc] =	wrdreg s0;
	s20 =	simm.s32 $0x80;
	s25 =	simm.s32 $0xB000  }
.LBB2_8:
0x1c: {  	s0 =	stileid.u32;
	[bflag:$0x0] =	sbarrier.arrive $0xFFFF  }
0x1d: {  	s0 =	sshll.u32 s0, $0x6;
	s12 =	rddreg [dreg:$0x6]  }
0x1e: {  	s31 =	rddreg [dreg:$0xc];
	s0 =	sor.u32 $0x1C12, s0;
	s12 =	sshrl.u32 s12, $0x3  }
0x1f: {  	[hbm:s31], [sflag:s0] =	dma.local [spmem:s12], $0x1400  }
0x20: {  	s12 =	simm.s32 $0x12  }
0x21: {  	_ =	swait.ge [sflag:s12], $0x1400  }
0x22: {  	s31 =	rddreg [dreg:$0xe]  }
0x23: {  	s0 =	rddreg [dreg:$0xd];
	s31 =	sadd.s32 $0x1, s31  }
0x24: {  	p0 =	sne.s32 s31, s0  }
.Ltmp1:
0x25: {  	_ = 	snop;
	(pc) =	sbr.rel @!p0 .LBB2_9-.Ltmp1, $3  }
0x26: {  	_ =	sdelay $0x1  }
0x27: {  	[sflag:s12] =	ssyncset.done $0x0  }
0x28: {  	[sflag:s12] =	ssyncadd.s32 $0xFFFFEC00  }
.LBB2_1:
0x29: {  	[dreg:$0xe] =	wrdreg s31  }
0x2a: {  	s0 =	simm.s32 $0x0;
	s12 =	rddreg [dreg:$0x4]  }
0x2b: {  	[tilespmem:s0], [sflag:$0x11] =	stream.linear.gather [hbm4b:s12+s0], $0x2800, $0x38;
	[tilespmem:$0x1F000] =	vst v63  }
0x2c: {  	s31 =	simm.s32 $0x2800;
	s12 =	rddreg [dreg:$0x5]  }
0x2d: {  	[tilespmem:s31], [sflag:$0x11] =	stream.linear.gather [hbm4b:s12+s0], $0x2800, $0x38;
	[tilespmem:$0x1F000] =	vst v63  }
0x2e: {  	s31 =	simm.s32 $0x100;
	s0 =	simm.s32 $0x0  }
.LBB2_2:
0x2f: {  	p0 =	sne.s32 s31, $0x7F00;
	[tilespmem:s0+$0x5030] =	vst v0;
	s12 =	smov.u32 s31;
	s31 =	sadd.s32 $0x100, s31  }
.Ltmp2:
0x30: {  	[tilespmem:s0+$0x5020] =	vst v0;
	(pc) =	sbr.rel @p0 .LBB2_2-.Ltmp2, $3  }
0x31: {  	[tilespmem:s0+$0x5000] =	vst v0  }
0x32: {  	[tilespmem:s0+$0x5010] =	vst v0;
	_ =	sdelay $0x1  }
0x33: {  	s0 =	sshra.s32 s12, $0x2  }
0x34: {  	[tilespmem:s0+$0x5030] =	vst v0  }
0x35: {  	[tilespmem:s0+$0x5020] =	vst v0  }
0x36: {  	[tilespmem:s0+$0x5000] =	vst v0  }
0x37: {  	[tilespmem:s0+$0x5010] =	vst v0;
	s12 =	rddreg [dreg:$0x6]  }
0x38: {  	[spmem:s12] =	stream.linear.scatter [tilespmem:s17], [sflag:$0x12], $0x2000, $0x38;
	[tilespmem:$0x1F000] =	vst v63  }
0x39: {  	s12 =	simm.s32 $0x12  }
0x3a: {  	_ =	swait.ge [sflag:s12], $0x2000  }
0x3b: {  	[sflag:s12] =	ssyncset.done $0x0  }
0x3c: {  	s31 =	rddreg [dreg:$0x7];
	[sflag:s12] =	ssyncadd.s32 $0xFFFFE000  }
0x3d: {  	[spmem:s31] =	stream.linear.scatter [tilespmem:s17], [sflag:$0x12], $0x2000, $0x38;
	[tilespmem:$0x1F000] =	vst v63  }
0x3e: {  	_ =	swait.ge [sflag:s12], $0x2000  }
0x3f: {  	[sflag:s12] =	ssyncset.done $0x0  }
0x40: {  	s31 =	rddreg [dreg:$0x8];
	[sflag:s12] =	ssyncadd.s32 $0xFFFFE000  }
0x41: {  	[spmem:s31] =	stream.linear.scatter [tilespmem:s17], [sflag:$0x12], $0x2000, $0x38;
	[tilespmem:$0x1F000] =	vst v63  }
0x42: {  	_ =	swait.ge [sflag:s12], $0x2000  }
0x43: {  	[sflag:s12] =	ssyncset.done $0x0  }
0x44: {  	s31 =	rddreg [dreg:$0x9];
	[sflag:s12] =	ssyncadd.s32 $0xFFFFE000  }
0x45: {  	[spmem:s31] =	stream.linear.scatter [tilespmem:s17], [sflag:$0x12], $0x2000, $0x38;
	[tilespmem:$0x1F000] =	vst v63  }
0x46: {  	_ =	swait.ge [sflag:s12], $0x2000  }
0x47: {  	[sflag:s12] =	ssyncset.done $0x0  }
0x48: {  	s31 =	rddreg [dreg:$0xa];
	[sflag:s12] =	ssyncadd.s32 $0xFFFFE000  }
0x49: {  	[spmem:s31] =	stream.linear.scatter [tilespmem:s17], [sflag:$0x12], $0x2000, $0x38;
	[tilespmem:$0x1F000] =	vst v63  }
0x4a: {  	_ =	swait.ge [sflag:s12], $0x2000  }
0x4b: {  	[sflag:s12] =	ssyncset.done $0x0  }
0x4c: {  	[sflag:s12] =	ssyncadd.s32 $0xFFFFE000  }
0x4d: {  	s31 =	simm.s32 $0x11;
	[bflag:$0x0] =	sbarrier.arrive $0xFFFF  }
0x4e: {  	_ =	swait.ge [sflag:s31], $0x2800  }
.Ltmp3:
0x4f: {  	[sflag:s31] =	ssyncset.done $0x0;
	(pc) =	sbr.rel .LBB2_4-.Ltmp3, $4  }
0x50: {  	[sflag:s31] =	ssyncadd.s32 $0xFFFFD800  }
0x51: {  	_ =	swait.ge [sflag:s31], $0x2800  }
0x52: {  	[sflag:s31] =	ssyncset.done $0x0  }
0x53: {  	p1 =	por $0x1, $0x1;
	p2 =	por $0x0, $0x0;
	[sflag:s31] =	ssyncadd.s32 $0xFFFFD800  }
.LBB2_7:
0x54: {  	_ =	swait.ge [sflag:s7], $0x2000  }
0x55: {  	[sflag:s7] =	ssyncset.done $0x0  }
0x56: {  	[sflag:s7] =	ssyncadd.s32 $0xFFFFE000  }
0x57: {  	_ =	swait.ge [sflag:s19], $0x2000  }
0x58: {  	[sflag:s19] =	ssyncset.done $0x0  }
0x59: {  	[sflag:s19] =	ssyncadd.s32 $0xFFFFE000  }
0x5a: {  	_ =	swait.ge [sflag:s18], $0x2000  }
0x5b: {  	[sflag:s18] =	ssyncset.done $0x0  }
0x5c: {  	[sflag:s18] =	ssyncadd.s32 $0xFFFFE000  }
0x5d: {  	_ =	swait.ge [sflag:s22], $0x2000  }
0x5e: {  	[sflag:s22] =	ssyncset.done $0x0  }
0x5f: {  	[sflag:s22] =	ssyncadd.s32 $0xFFFFE000  }
0x60: {  	_ =	swait.ge [sflag:s24], $0x2000  }
0x61: {  	[sflag:s24] =	ssyncset.done $0x0  }
0x62: {  	[sflag:s24] =	ssyncadd.s32 $0xFFFFE000  }
0x63: {  	_ =	swait.ge [sflag:s26], $0x2000  }
.Ltmp4:
0x64: {  	[sflag:s26] =	ssyncset.done $0x0;
	(pc) =	sbr.rel @!p0 .LBB2_8-.Ltmp4, $4  }
0x65: {  	[sflag:s26] =	ssyncadd.s32 $0xFFFFE000  }
0x66: {  	_ =	swait.ge [sflag:s29], $0x2000  }
0x67: {  	[sflag:s29] =	ssyncset.done $0x0  }
0x68: {  	p1 =	por $0x0, $0x0;
	p2 =	por $0x1, $0x1;
	[sflag:s29] =	ssyncadd.s32 $0xFFFFE000  }
.LBB2_4:
0x69: {  	s0 =	simm.s32 @p2 $0x0;
	s12 =	rddreg [dreg:$0xb]  }
0x6a: {  	[tilespmem:s0], [sflag:$0x11] =	stream.linear.gather @p2 [hbm4b:s12+s0], $0x2800, $0x38;
	[tilespmem:$0x1F000] =	vst v63  }
0x6b: {  	s12 =	simm.s32 @p2 $0x2800  }
0x6c: {  	[tilespmem:s12], [sflag:$0x11] =	stream.linear.gather @p2 [hbm4b:s13+s0], $0x2800, $0x38;
	[tilespmem:$0x1F000] =	vst v63  }
0x6d: {  	s0 =	simm.s32 @p2 $0x11  }
0x6e: {  	_ =	swait.ge @p2 [sflag:s0], $0x2800  }
0x6f: {  	[sflag:s0] =	ssyncset.done @p2 $0x0  }
0x70: {  	[sflag:s0] =	ssyncadd.s32 @p2 $0xFFFFD800  }
0x71: {  	_ =	swait.ge @p2 [sflag:s0], $0x2800  }
0x72: {  	[sflag:s0] =	ssyncset.done @p2 $0x0  }
0x73: {  	s31 =	simm.s32 $0x0;
	[sflag:s0] =	ssyncadd.s32 @p2 $0xFFFFD800  }
0x74: {  	[tilespmem:s17], [sflag:$0x1] =	stream.indirect.gather [hbm4b:s1+s20], $0x40, s31, s20, $0xb8;
	[tilespmem:$0x1F000] =	vst v63  }
0x75: {  	_ = 	snop  }
0x76: {  	[tilespmem:s21], [sflag:$0x2] =	stream.indirect.gather [hbm4b:s1+s20], $0x40, s20, s20, $0xb8;
	[tilespmem:$0x1F000] =	vst v63  }
0x77: {  	s12 =	simm.s32 $0x100  }
0x78: {  	[tilespmem:s23], [sflag:$0x3] =	stream.indirect.gather [hbm4b:s1+s20], $0x40, s12, s20, $0xb8;
	[tilespmem:$0x1F000] =	vst v63  }
0x79: {  	s12 =	simm.s32 $0x180  }
0x7a: {  	[tilespmem:s25], [sflag:$0x4] =	stream.indirect.gather [hbm4b:s1+s20], $0x40, s12, s20, $0xb8;
	[tilespmem:$0x1F000] =	vst v63  }
0x7b: {  	s12 =	simm.s32 $0x200  }
0x7c: {  	[tilespmem:s28], [sflag:$0x5] =	stream.indirect.gather [hbm4b:s1+s20], $0x40, s12, s20, $0xb8;
	[tilespmem:$0x1F000] =	vst v63  }
0x7d: {  	s12 =	simm.s32 $0x280  }
0x7e: {  	[tilespmem:s30], [sflag:$0x6] =	stream.indirect.gather [hbm4b:s1+s20], $0x40, s12, s20, $0xb8;
	[tilespmem:$0x1F000] =	vst v63  }
0x7f: {  	s12 =	simm.s32 $0x300  }
0x80: {  	[tilespmem:s2], [sflag:$0x7] =	stream.indirect.gather [hbm4b:s1+s20], $0x40, s12, s20, $0xb8;
	[tilespmem:$0x1F000] =	vst v63  }
0x81: {  	p0 =	por p1, p1;
	s12 =	simm.s32 $0x380  }
0x82: {  	[tilespmem:s16], [sflag:$0x8] =	stream.indirect.gather [hbm4b:s1+s20], $0x40, s12, s20, $0xb8;
	[tilespmem:$0x1F000] =	vst v63  }
.LBB2_5:
0x83: {  	_ =	swait.ge [sflag:s4], $0x2000  }
0x84: {  	s0 =	sshra.s32 s31, $0x2;
	[sflag:s4] =	ssyncset.done $0x0  }
0x85: {  	s12 =	sadd.s32 $0x2800, s0;
	[sflag:s4] =	ssyncadd.s32 $0xFFFFE000  }
0x86: {  	[spmem:s3] =	stream.indirect.scatter.add.f32 [tilespmem:s17], [sflag:$0x9], $0x40, s12, s20, $0xb8;
	[tilespmem:$0x1F000] =	vst v63  }
0x87: {  	_ =	swait.ge [sflag:s5], $0x2000  }
0x88: {  	[sflag:s5] =	ssyncset.done $0x0  }
0x89: {  	s12 =	sadd.s32 $0x2880, s0;
	[sflag:s5] =	ssyncadd.s32 $0xFFFFE000  }
0x8a: {  	[spmem:s3] =	stream.indirect.scatter.add.f32 [tilespmem:s21], [sflag:$0xA], $0x40, s12, s20, $0xb8;
	[tilespmem:$0x1F000] =	vst v63  }
0x8b: {  	_ =	swait.ge [sflag:s6], $0x2000  }
0x8c: {  	[sflag:s6] =	ssyncset.done $0x0  }
0x8d: {  	s12 =	sadd.s32 $0x2900, s0;
	[sflag:s6] =	ssyncadd.s32 $0xFFFFE000  }
0x8e: {  	[spmem:s3] =	stream.indirect.scatter.add.f32 [tilespmem:s23], [sflag:$0xB], $0x40, s12, s20, $0xb8;
	[tilespmem:$0x1F000] =	vst v63  }
0x8f: {  	_ =	swait.ge [sflag:s8], $0x2000  }
0x90: {  	[sflag:s8] =	ssyncset.done $0x0  }
0x91: {  	s12 =	sadd.s32 $0x2980, s0;
	[sflag:s8] =	ssyncadd.s32 $0xFFFFE000  }
0x92: {  	[spmem:s3] =	stream.indirect.scatter.add.f32 [tilespmem:s25], [sflag:$0xC], $0x40, s12, s20, $0xb8;
	[tilespmem:$0x1F000] =	vst v63  }
0x93: {  	_ =	swait.ge [sflag:s9], $0x2000  }
0x94: {  	[sflag:s9] =	ssyncset.done $0x0  }
0x95: {  	s12 =	sadd.s32 $0x2A00, s0;
	[sflag:s9] =	ssyncadd.s32 $0xFFFFE000  }
0x96: {  	[spmem:s3] =	stream.indirect.scatter.add.f32 [tilespmem:s28], [sflag:$0xD], $0x40, s12, s20, $0xb8;
	[tilespmem:$0x1F000] =	vst v63  }
0x97: {  	_ =	swait.ge [sflag:s10], $0x2000  }
0x98: {  	[sflag:s10] =	ssyncset.done $0x0  }
0x99: {  	s12 =	sadd.s32 $0x2A80, s0;
	[sflag:s10] =	ssyncadd.s32 $0xFFFFE000  }
0x9a: {  	[spmem:s3] =	stream.indirect.scatter.add.f32 [tilespmem:s30], [sflag:$0xE], $0x40, s12, s20, $0xb8;
	[tilespmem:$0x1F000] =	vst v63  }
0x9b: {  	_ =	swait.ge [sflag:s11], $0x2000  }
0x9c: {  	[sflag:s11] =	ssyncset.done $0x0  }
0x9d: {  	s12 =	sadd.s32 $0x2B00, s0;
	[sflag:s11] =	ssyncadd.s32 $0xFFFFE000  }
0x9e: {  	[spmem:s3] =	stream.indirect.scatter.add.f32 [tilespmem:s2], [sflag:$0xF], $0x40, s12, s20, $0xb8;
	[tilespmem:$0x1F000] =	vst v63  }
0x9f: {  	_ =	swait.ge [sflag:s14], $0x2000  }
0xa0: {  	p1 =	seq.s32 s31, $0x9000;
	[sflag:s14] =	ssyncset.done $0x0  }
.Ltmp5:
0xa1: {  	s12 =	sadd.s32 $0x2B80, s0;
	[sflag:s14] =	ssyncadd.s32 $0xFFFFE000;
	(pc) =	sbr.rel @p1 .LBB2_7-.Ltmp5, $4  }
0xa2: {  	[spmem:s3] =	stream.indirect.scatter.add.f32 [tilespmem:s16], [sflag:$0x10], $0x40, s12, s20, $0xb8;
	[tilespmem:$0x1F000] =	vst v63  }
0xa3: {  	_ =	swait.ge [sflag:s15], $0x2000  }
0xa4: {  	[sflag:s15] =	ssyncset.done $0x0  }
0xa5: {  	[sflag:s15] =	ssyncadd.s32 $0xFFFFE000  }
0xa6: {  	s12 =	sadd.s32 $0x400, s0  }
0xa7: {  	[tilespmem:s17], [sflag:$0x1] =	stream.indirect.gather [hbm4b:s1+s20], $0x40, s12, s20, $0xb8;
	[tilespmem:$0x1F000] =	vst v63  }
0xa8: {  	_ =	swait.ge [sflag:s7], $0x2000  }
0xa9: {  	[sflag:s7] =	ssyncset.done $0x0  }
0xaa: {  	s12 =	sadd.s32 $0x480, s0;
	[sflag:s7] =	ssyncadd.s32 $0xFFFFE000  }
0xab: {  	[tilespmem:s21], [sflag:$0x2] =	stream.indirect.gather [hbm4b:s1+s20], $0x40, s12, s20, $0xb8;
	[tilespmem:$0x1F000] =	vst v63  }
0xac: {  	_ =	swait.ge [sflag:s19], $0x2000  }
0xad: {  	[sflag:s19] =	ssyncset.done $0x0  }
0xae: {  	s12 =	sadd.s32 $0x500, s0;
	[sflag:s19] =	ssyncadd.s32 $0xFFFFE000  }
0xaf: {  	[tilespmem:s23], [sflag:$0x3] =	stream.indirect.gather [hbm4b:s1+s20], $0x40, s12, s20, $0xb8;
	[tilespmem:$0x1F000] =	vst v63  }
0xb0: {  	_ =	swait.ge [sflag:s18], $0x2000  }
0xb1: {  	[sflag:s18] =	ssyncset.done $0x0  }
0xb2: {  	s12 =	sadd.s32 $0x580, s0;
	[sflag:s18] =	ssyncadd.s32 $0xFFFFE000  }
0xb3: {  	[tilespmem:s25], [sflag:$0x4] =	stream.indirect.gather [hbm4b:s1+s20], $0x40, s12, s20, $0xb8;
	[tilespmem:$0x1F000] =	vst v63  }
0xb4: {  	_ =	swait.ge [sflag:s22], $0x2000  }
0xb5: {  	[sflag:s22] =	ssyncset.done $0x0  }
0xb6: {  	s12 =	sadd.s32 $0x600, s0;
	[sflag:s22] =	ssyncadd.s32 $0xFFFFE000  }
0xb7: {  	[tilespmem:s28], [sflag:$0x5] =	stream.indirect.gather [hbm4b:s1+s20], $0x40, s12, s20, $0xb8;
	[tilespmem:$0x1F000] =	vst v63  }
0xb8: {  	_ =	swait.ge [sflag:s24], $0x2000  }
0xb9: {  	[sflag:s24] =	ssyncset.done $0x0  }
0xba: {  	s12 =	sadd.s32 $0x680, s0;
	[sflag:s24] =	ssyncadd.s32 $0xFFFFE000  }
0xbb: {  	[tilespmem:s30], [sflag:$0x6] =	stream.indirect.gather [hbm4b:s1+s20], $0x40, s12, s20, $0xb8;
	[tilespmem:$0x1F000] =	vst v63  }
0xbc: {  	_ =	swait.ge [sflag:s26], $0x2000  }
0xbd: {  	[sflag:s26] =	ssyncset.done $0x0  }
0xbe: {  	s12 =	sadd.s32 $0x700, s0;
	[sflag:s26] =	ssyncadd.s32 $0xFFFFE000  }
0xbf: {  	[tilespmem:s2], [sflag:$0x7] =	stream.indirect.gather [hbm4b:s1+s20], $0x40, s12, s20, $0xb8;
	[tilespmem:$0x1F000] =	vst v63  }
.Ltmp6:
0xc0: {  	_ = 	snop;
	(pc) =	sbr.rel .LBB2_5-.Ltmp6, $4  }
0xc1: {  	_ =	swait.ge [sflag:s29], $0x2000  }
0xc2: {  	[sflag:s29] =	ssyncset.done $0x0  }
0xc3: {  	s31 =	sadd.s32 $0x1000, s31;
	s12 =	sadd.s32 $0x780, s0;
	[sflag:s29] =	ssyncadd.s32 $0xFFFFE000  }
0xc4: {  	[tilespmem:s16], [sflag:$0x8] =	stream.indirect.gather [hbm4b:s1+s20], $0x40, s12, s20, $0xb8;
	[tilespmem:$0x1F000] =	vst v63  }
.LBB2_9:
0xc5: {  	_ =	sfence.sel $0x180000  }
0xc6: {  	[bflag:$0x0] =	sbarrier.arrive $0xFFFF  }
0xc7: {  	_ =	strace $0x90000053  }
0xc8: {  	s0 =	stileid.u32;
	[bflag:$0x2] =	sbarrier.arrive $0xFFFF  }
0xc9: {  	p0 =	sne.s32 s0, $0x0;
	s0 =	rddreg [dreg:$0x3]  }
0xca: {  	s0 =	sadd.s32 @!p0 $0x100000, s0  }
0xcb: {  	[sflag:s0] =	ssyncadd.tile.s32 @!p0 $0x1;
	_ =	shalt  }
.Lfunc_end2:
_tile_overlayer_lowered:
.L_overlay_start_2:
0xcc: {  	(tag) =	ssettag $0x2  }
0xcd: {  	s0 =	rddreg [dreg:$0x0];
	s2 =	stileid.u32  }
0xce: {  	s1 =	rddreg [dreg:$0x1];
	p0 =	sne.s32 s2, $0x0  }
0xcf: {  	s3 =	rddreg [dreg:$0x2];
	[bflag:$0x3] =	sbarrier.arrive $0xFFFF;
	s2 =	simm.s32 @!p0 $0x1C12  }
0xd0: {  	[timem:s3], [sflag:s2] =	dma.local @!p0 [hbm:s0], s1  }
0xd1: {  	s0 =	simm.s32 @!p0 $0x12  }
0xd2: {  	_ =	swait.ge @!p0 [sflag:s0], s1  }
0xd3: {  	s1 =	ssub.s32 @!p0 $0x0, s1;
	[sflag:s0] =	ssyncset.done @!p0 $0x0  }
0xd4: {  	[sflag:s0] =	ssyncadd.s32 @!p0 s1  }
0xd5: {  	[bflag:$0x3] =	sbarrier.arrive $0xFFFF  }
0xd6: {  	_ =	shalt  }

</sc_bundles>
